<compile_context>
chip_gen: v7x
topology: tpu7x:2x2x1
jax: 0.10.2.dev20260603
libtpu: 0.0.44.dev20260713+nightly
codegen_flags: <defaults>
</compile_context>

<pallas_src>
import functools

import jax
import jax.numpy as jnp
import numpy as np
from jax import lax
from jax.experimental import pallas as pl
from jax.experimental.pallas import tpu as pltpu
from jax.experimental.pallas import tpu_sc as plsc

N = 50000
E = 800000
DIM = 64
HALF = DIM // 2
CUTOFF = 5.0
WIDTH = 0.1
N_CONV = 3
N_CENTERS = 50
_CENTERS = np.linspace(0.0, CUTOFF, N_CENTERS).astype(np.float32)
GAP = float(_CENTERS[1] - _CENTERS[0])

NCORES = 2
NSUB = 16
CH = 128
EPAD = 819200
EPT = EPAD // NSUB
NCHUNK = EPT // CH
NIR = EPAD // CH
NACC = 50048
ROWS_PT = NACC // NSUB

NB = 2000
NBLKN = N // NB
EB = 4096
NEB = -(-E // EB)


def _sp05(x):
    return jnp.where(0.5 * x > 14.0, x,
                     2.0 * jnp.log1p(jnp.exp(jnp.minimum(0.5 * x, 14.0))))


def _ssp(x):
    sp = jnp.where(x > 20.0, x, jnp.log1p(jnp.exp(jnp.minimum(x, 20.0))))
    return sp - np.log(2.0)


def _emb_body(nt_ref, emb_ref, w1h_ref, node_ref, nn_ref):
    nt = nt_ref[0, 0, :]
    oh = (nt[:, None] == lax.broadcasted_iota(jnp.int32, (NB, 128), 1)
          ).astype(jnp.float32)
    node = jax.lax.dot_general(oh, emb_ref[...], (((1,), (0,)), ((), ())),
                               preferred_element_type=jnp.float32)
    node_ref[...] = node
    nn_ref[...] = jnp.dot(node, w1h_ref[0],
                          preferred_element_type=jnp.float32)


def _emb_call(nt3, emb128, w1s):
    return pl.pallas_call(
        _emb_body,
        grid=(NBLKN, NCORES),
        in_specs=[
            pl.BlockSpec((1, 1, NB), lambda i, j: (i, 0, 0)),
            pl.BlockSpec((128, DIM), lambda i, j: (0, 0)),
            pl.BlockSpec((1, DIM, HALF), lambda i, j: (j, 0, 0)),
        ],
        out_specs=[
            pl.BlockSpec((NB, DIM), lambda i, j: (i, 0)),
            pl.BlockSpec((NB, HALF), lambda i, j: (j * NBLKN + i, 0)),
        ],
        out_shape=[
            jax.ShapeDtypeStruct((N, DIM), jnp.float32),
            jax.ShapeDtypeStruct((NCORES * N, HALF), jnp.float32),
        ],
    )(nt3, emb128, w1s)


def _sp05_fast(x):
    return 2.0 * jnp.log1p(jnp.exp(0.5 * x))


EB2 = EB // 2


def _h_body(d2_ref, sel_ref, cent2_ref, cw1d, cb1d, cw2d, cb2d, h_ref):
    dw = jnp.dot(d2_ref[...], sel_ref[...],
                 preferred_element_type=jnp.float32)
    radial = dw - cent2_ref[...]
    rbf = jnp.exp((-1.0 / GAP) * radial * radial)
    t = _sp05_fast(jnp.dot(rbf, cw1d[...], preferred_element_type=jnp.float32)
                   + cb1d[...])
    t = _sp05_fast(jnp.dot(t, cw2d[...], preferred_element_type=jnp.float32)
                   + cb2d[...])
    h_ref[...] = t


def _h_call(dist2, sel, cent2, cw1d, cb1d, cw2d, cb2d):
    return pl.pallas_call(
        _h_body,
        grid=(NEB,),
        in_specs=[
            pl.BlockSpec((EB2, 2), lambda i: (i, 0)),
            pl.BlockSpec((2, 2 * N_CENTERS), lambda i: (0, 0)),
            pl.BlockSpec((1, 2 * N_CENTERS), lambda i: (0, 0)),
            pl.BlockSpec((2 * N_CENTERS, 2 * DIM), lambda i: (0, 0)),
            pl.BlockSpec((1, 2 * DIM), lambda i: (0, 0)),
            pl.BlockSpec((2 * DIM, 2 * DIM), lambda i: (0, 0)),
            pl.BlockSpec((1, 2 * DIM), lambda i: (0, 0)),
        ],
        out_specs=pl.BlockSpec((EB2, 2 * DIM), lambda i: (i, 0)),
        out_shape=jax.ShapeDtypeStruct((EPAD // 2, 2 * DIM), jnp.float32),
    )(dist2, sel, cent2, cw1d, cb1d, cw2d, cb2d)


NCH2 = NCHUNK // 2


def _sc_body(nn_ref, h_ref, idx_ref, agg_ref,
             sdA, sdB, rA, rB, hA, hB, acc,
             gsA, gsB, hsA, hsB, ssA, ssB):
    c = lax.axis_index("c")
    s = lax.axis_index("s")

    ibase = 2 * (c * NIR + s * NCHUNK)
    ebase2 = s * (EPT // 2)
    CH2 = CH // 2

    def hsrc(k):
        return h_ref.at[pl.ds(ebase2 + k * CH2, CH2)]

    def stage(k, sd):
        pltpu.sync_copy(idx_ref.at[pl.ds(ibase + 2 * k, 2)], sd)

    def fire(k, sd, rb, hb, gs, hs_):
        pltpu.async_copy(hsrc(k), hb, hs_)
        pltpu.async_copy(nn_ref.at[sd.at[0]], rb, gs)

    def wait_gh(k, sd, rb, hb, gs, hs_):
        pltpu.make_async_copy(hsrc(k), hb, hs_).wait()
        pltpu.make_async_copy(nn_ref.at[sd.at[0]], rb, gs).wait()

    def mul(rb, hb):
        def mk(co):
            def mbody(i, _):
                r = 2 * i
                rb[r, pl.ds(0, 16)] = (rb[r, pl.ds(0, 16)]
                                       * hb[i, pl.ds(co, 16)])
                rb[r, pl.ds(16, 16)] = (rb[r, pl.ds(16, 16)]
                                        * hb[i, pl.ds(co + 16, 16)])
                rb[r + 1, pl.ds(0, 16)] = (rb[r + 1, pl.ds(0, 16)]
                                           * hb[i, pl.ds(co + 64, 16)])
                rb[r + 1, pl.ds(16, 16)] = (rb[r + 1, pl.ds(16, 16)]
                                            * hb[i, pl.ds(co + 80, 16)])
                return 0
            return mbody

        @pl.when(c == 0)
        def _():
            lax.fori_loop(0, CH2, mk(0), 0)

        @pl.when(c == 1)
        def _():
            lax.fori_loop(0, CH2, mk(HALF), 0)

    def fire_sc(sd, rb, ss):
        pltpu.async_copy(rb, acc.at[sd.at[1]], ss, add=True)

    def wait_sc(sd, rb, ss):
        pltpu.make_async_copy(rb, acc.at[sd.at[1]], ss).wait()

    stage(0, sdA)
    fire(0, sdA, rA, hA, gsA, hsA)

    def zbody(i, _):
        rB[i, pl.ds(0, 16)] = jnp.zeros((16,), jnp.float32)
        rB[i, pl.ds(16, 16)] = jnp.zeros((16,), jnp.float32)
        return 0
    lax.fori_loop(0, CH, zbody, 0)
    r0 = s * ROWS_PT
    for m in range(ROWS_PT // CH):
        pltpu.sync_copy(rB, acc.at[pl.ds(r0 + m * CH, CH)])
    rem = ROWS_PT % CH
    if rem:
        pltpu.sync_copy(rB.at[pl.ds(0, rem)],
                        acc.at[pl.ds(r0 + (ROWS_PT // CH) * CH, rem)])
    plsc.subcore_barrier()

    def body(kk, _):
        k0 = 2 * kk
        @pl.when(kk > 0)
        def _():
            wait_sc(sdB, rB, ssB)
        stage(k0 + 1, sdB)
        fire(k0 + 1, sdB, rB, hB, gsB, hsB)
        wait_gh(k0, sdA, rA, hA, gsA, hsA)
        mul(rA, hA)
        fire_sc(sdA, rA, ssA)
        wait_sc(sdA, rA, ssA)
        @pl.when(kk + 1 < NCH2)
        def _():
            stage(k0 + 2, sdA)
            fire(k0 + 2, sdA, rA, hA, gsA, hsA)
        wait_gh(k0 + 1, sdB, rB, hB, gsB, hsB)
        mul(rB, hB)
        fire_sc(sdB, rB, ssB)
        return 0

    lax.fori_loop(0, NCH2, body, 0)
    wait_sc(sdB, rB, ssB)
    plsc.subcore_barrier()

    pltpu.sync_copy(acc.at[pl.ds(r0, ROWS_PT)],
                    agg_ref.at[c, pl.ds(r0, ROWS_PT)])


def _sc_call(nn2, h2, idx2d):
    mesh = plsc.VectorSubcoreMesh(core_axis_name="c", subcore_axis_name="s",
                                  num_cores=NCORES, num_subcores=NSUB)
    return pl.kernel(
        _sc_body,
        out_type=jax.ShapeDtypeStruct((NCORES, NACC, HALF), jnp.float32),
        mesh=mesh,
        compiler_params=pltpu.CompilerParams(use_tc_tiling_on_sc=False),
        scratch_types=[
            pltpu.VMEM((2, CH), jnp.int32),
            pltpu.VMEM((2, CH), jnp.int32),
            pltpu.VMEM((CH, HALF), jnp.float32),
            pltpu.VMEM((CH, HALF), jnp.float32),
            pltpu.VMEM((CH // 2, 2 * DIM), jnp.float32),
            pltpu.VMEM((CH // 2, 2 * DIM), jnp.float32),
            pltpu.VMEM_SHARED((NACC, HALF), jnp.float32),
            pltpu.SemaphoreType.DMA,
            pltpu.SemaphoreType.DMA,
            pltpu.SemaphoreType.DMA,
            pltpu.SemaphoreType.DMA,
            pltpu.SemaphoreType.DMA,
            pltpu.SemaphoreType.DMA,
        ],
    )(nn2, h2, idx2d)


def _upd_body(node_ref, agglo_ref, agghi_ref, w2_ref, b2_ref, w3_ref, b3_ref,
              w1h_ref, node_out_ref, nn_ref):
    w2 = w2_ref[...]
    pre = (jnp.dot(agglo_ref[0], w2[:HALF, :],
                   preferred_element_type=jnp.float32)
           + jnp.dot(agghi_ref[0], w2[HALF:, :],
                     preferred_element_type=jnp.float32)
           + b2_ref[...])
    a = _sp05(pre)
    node = (node_ref[...]
            + jnp.dot(a, w3_ref[...], preferred_element_type=jnp.float32)
            + b3_ref[...])
    node_out_ref[...] = node
    nn_ref[...] = jnp.dot(node, w1h_ref[0],
                          preferred_element_type=jnp.float32)


def _upd_call(node, agg, params, w1s, l):
    return pl.pallas_call(
        _upd_body,
        grid=(NBLKN, NCORES),
        in_specs=[
            pl.BlockSpec((NB, DIM), lambda i, j: (i, 0)),
            pl.BlockSpec((1, NB, HALF), lambda i, j: (0, i, 0)),
            pl.BlockSpec((1, NB, HALF), lambda i, j: (1, i, 0)),
            pl.BlockSpec((DIM, DIM), lambda i, j: (0, 0)),
            pl.BlockSpec((1, DIM), lambda i, j: (0, 0)),
            pl.BlockSpec((DIM, DIM), lambda i, j: (0, 0)),
            pl.BlockSpec((1, DIM), lambda i, j: (0, 0)),
            pl.BlockSpec((1, DIM, HALF), lambda i, j: (j, 0, 0)),
        ],
        out_specs=[
            pl.BlockSpec((NB, DIM), lambda i, j: (i, 0)),
            pl.BlockSpec((NB, HALF), lambda i, j: (j * NBLKN + i, 0)),
        ],
        out_shape=[
            jax.ShapeDtypeStruct((N, DIM), jnp.float32),
            jax.ShapeDtypeStruct((NCORES * N, HALF), jnp.float32),
        ],
    )(node, agg, agg, params['w2_%d' % l], params['b2_%d' % l].reshape(1, DIM),
      params['w3_%d' % l], params['b3_%d' % l].reshape(1, DIM), w1s)


def _fin_body(node_ref, agglo_ref, agghi_ref, w2_ref, b2_ref, w3_ref, b3_ref,
              ad1w_ref, ad1b_ref, ad2w_ref, ad2b_ref, out_ref):
    i = pl.program_id(0)
    w2 = w2_ref[...]
    pre = (jnp.dot(agglo_ref[0], w2[:HALF, :],
                   preferred_element_type=jnp.float32)
           + jnp.dot(agghi_ref[0], w2[HALF:, :],
                     preferred_element_type=jnp.float32)
           + b2_ref[...])
    a = _sp05(pre)
    node = (node_ref[...]
            + jnp.dot(a, w3_ref[...], preferred_element_type=jnp.float32)
            + b3_ref[...])
    atom = _ssp(jnp.dot(node, ad1w_ref[...],
                        preferred_element_type=jnp.float32) + ad1b_ref[...])
    res = jnp.dot(atom, ad2w_ref[...], preferred_element_type=jnp.float32)
    part = (jnp.sum(res) + NB * ad2b_ref[0, 0]) * (1.0 / N)

    @pl.when(i == 0)
    def _():
        out_ref[...] = jnp.zeros((1, 1), jnp.float32)
    out_ref[...] = out_ref[...] + part


def _fin_call(node, agg, params):
    return pl.pallas_call(
        _fin_body,
        grid=(NBLKN,),
        in_specs=[
            pl.BlockSpec((NB, DIM), lambda i: (i, 0)),
            pl.BlockSpec((1, NB, HALF), lambda i: (0, i, 0)),
            pl.BlockSpec((1, NB, HALF), lambda i: (1, i, 0)),
            pl.BlockSpec((DIM, DIM), lambda i: (0, 0)),
            pl.BlockSpec((1, DIM), lambda i: (0, 0)),
            pl.BlockSpec((DIM, DIM), lambda i: (0, 0)),
            pl.BlockSpec((1, DIM), lambda i: (0, 0)),
            pl.BlockSpec((DIM, DIM), lambda i: (0, 0)),
            pl.BlockSpec((1, DIM), lambda i: (0, 0)),
            pl.BlockSpec((DIM, 1), lambda i: (0, 0)),
            pl.BlockSpec((1, 1), lambda i: (0, 0)),
        ],
        out_specs=pl.BlockSpec((1, 1), lambda i: (0, 0)),
        out_shape=jax.ShapeDtypeStruct((1, 1), jnp.float32),
    )(node, agg, agg, params['w2_2'], params['b2_2'].reshape(1, DIM),
      params['w3_2'], params['b3_2'].reshape(1, DIM),
      params['ad1_w'], params['ad1_b'].reshape(1, DIM),
      params['ad2_w'], params['ad2_b'].reshape(1, 1))


def kernel(node_type, edge_index, dist, emb, params):
    nt3 = node_type.astype(jnp.int32).reshape(NBLKN, 1, NB)
    emb128 = jnp.pad(emb, ((0, 128 - emb.shape[0]), (0, 0)))
    src = edge_index[0].astype(jnp.int32)
    dst = edge_index[1].astype(jnp.int32)
    src_pad = jnp.pad(src, (0, EPAD - E))
    dst_pad = jnp.pad(dst, (0, EPAD - E), constant_values=N)
    s2 = jnp.stack([src_pad, src_pad + N]).reshape(NCORES, NIR, CH)
    d2 = jnp.broadcast_to(dst_pad.reshape(1, NIR, CH), (NCORES, NIR, CH))
    idx2d = jnp.stack([s2, d2], axis=2).reshape(-1, CH)
    dist2 = dist.reshape(-1, 2)
    sel = jnp.kron(jnp.eye(2, dtype=jnp.float32),
                   jnp.ones((1, N_CENTERS), jnp.float32))
    cent2 = jnp.tile(jnp.asarray(_CENTERS), 2).reshape(1, 2 * N_CENTERS)
    z = jnp.zeros
    hargs = []
    for l in range(N_CONV):
        cw1 = params['cw1_%d' % l]
        cw2 = params['cw2_%d' % l]
        cw1d = jnp.concatenate([
            jnp.concatenate([cw1, z(cw1.shape, jnp.float32)], axis=1),
            jnp.concatenate([z(cw1.shape, jnp.float32), cw1], axis=1)],
            axis=0)
        cw2d = jnp.concatenate([
            jnp.concatenate([cw2, z(cw2.shape, jnp.float32)], axis=1),
            jnp.concatenate([z(cw2.shape, jnp.float32), cw2], axis=1)],
            axis=0)
        cb1d = jnp.tile(params['cb1_%d' % l], 2).reshape(1, 2 * DIM)
        cb2d = jnp.tile(params['cb2_%d' % l], 2).reshape(1, 2 * DIM)
        hargs.append((cw1d, cb1d, cw2d, cb2d))

    w1s = [jnp.stack([params['w1_%d' % l][:, :HALF],
                      params['w1_%d' % l][:, HALF:]]) for l in range(N_CONV)]

    node, nn2 = _emb_call(nt3, emb128, w1s[0])
    agg = None
    for l in range(N_CONV):
        h = _h_call(dist2, sel, cent2, *hargs[l])
        agg = _sc_call(nn2, h, idx2d)
        if l < N_CONV - 1:
            node, nn2 = _upd_call(node, agg, params, w1s[l + 1], l)
    return _fin_call(node, agg, params)

# --- scband reference (transcript-rebuilt; emitter-appended) ---
"""Pipeline reference for scband-sch-net-model-34093450396358 (READ-ONLY COPY).

The authoritative reference and input builder live on the scoring server;
editing this copy changes nothing except your own understanding.
"""

import jax, jax.numpy as jnp
import numpy as np

N = 50000
E = 800000
DIM = 64
CUTOFF = 5.0
WIDTH = 0.1
N_CONV = 3
TYPE_NUM = 100
N_CENTERS = int(np.ceil((CUTOFF - 0.0) / WIDTH))  # 50, matches DGL alchemy RBFLayer
CENTERS = np.linspace(0.0, CUTOFF, N_CENTERS).astype(np.float32)
GAP = float(CENTERS[1] - CENTERS[0])


def softplus_b05(x):
    # nn.Softplus(beta=0.5, threshold=14)
    return jnp.where(0.5 * x > 14.0, x, 2.0 * jnp.log1p(jnp.exp(jnp.minimum(0.5 * x, 14.0))))


def shift_softplus(x):
    # ShiftSoftplus: softplus(beta=1, threshold=20)(x) - log(2)
    sp = jnp.where(x > 20.0, x, jnp.log1p(jnp.exp(jnp.minimum(x, 20.0))))
    return sp - np.log(2.0)


def setup_inputs(seed: int = 0):
    key = jax.random.key(seed)
    ks = jax.random.split(key, 40)
    node_type = jax.random.randint(ks[0], (N,), 0, TYPE_NUM)
    edge_index = jax.random.randint(ks[1], (2, E), 0, N)
    dist = jax.random.uniform(ks[2], (E, 1), dtype=jnp.float32) * CUTOFF
    emb = jax.random.normal(ks[3], (TYPE_NUM, DIM), dtype=jnp.float32) * 0.1
    emb = emb.at[0].set(0.0)  # padding_idx=0
    params = {}
    i = 4
    for l in range(N_CONV):
        params['w1_%d' % l] = jax.random.normal(ks[i], (DIM, DIM), dtype=jnp.float32) * 0.1; i += 1
        params['cw1_%d' % l] = jax.random.normal(ks[i], (N_CENTERS, DIM), dtype=jnp.float32) * 0.1; i += 1
        params['cb1_%d' % l] = jnp.zeros((DIM,), dtype=jnp.float32)
        params['cw2_%d' % l] = jax.random.normal(ks[i], (DIM, DIM), dtype=jnp.float32) * 0.1; i += 1
        params['cb2_%d' % l] = jnp.zeros((DIM,), dtype=jnp.float32)
        params['w2_%d' % l] = jax.random.normal(ks[i], (DIM, DIM), dtype=jnp.float32) * 0.1; i += 1
        params['b2_%d' % l] = jnp.zeros((DIM,), dtype=jnp.float32)
        params['w3_%d' % l] = jax.random.normal(ks[i], (DIM, DIM), dtype=jnp.float32) * 0.1; i += 1
        params['b3_%d' % l] = jnp.zeros((DIM,), dtype=jnp.float32)
    params['ad1_w'] = jax.random.normal(ks[i], (DIM, 64), dtype=jnp.float32) * 0.1; i += 1
    params['ad1_b'] = jnp.zeros((64,), dtype=jnp.float32)
    params['ad2_w'] = jax.random.normal(ks[i], (64, 1), dtype=jnp.float32) * 0.1; i += 1
    params['ad2_b'] = jnp.zeros((1,), dtype=jnp.float32)
    return {'node_type': node_type, 'edge_index': edge_index, 'dist': dist, 'emb': emb, 'params': params}


def _forward(emb, dist, params, node_type, edge_index):
    src = edge_index[0]
    dst = edge_index[1]
    # AtomEmbedding: gather of atom-type embeddings
    node = jnp.take(emb, node_type, axis=0)
    # RBFLayer
    radial = dist - jnp.asarray(CENTERS)[None, :]
    rbf = jnp.exp((-1.0 / GAP) * radial * radial)
    for l in range(N_CONV):
        # Interaction: node_layer1 (no bias)
        new_node = node @ params['w1_%d' % l]
        # CFConv edge filter network
        h = softplus_b05(rbf @ params['cw1_%d' % l] + params['cb1_%d' % l])
        h = softplus_b05(h @ params['cw2_%d' % l] + params['cb2_%d' % l])
        # u_mul_e + sum reduce: gather src features, multiply by edge filter, scatter-add to dst
        msg = jnp.take(new_node, src, axis=0) * h
        agg = jax.ops.segment_sum(msg, dst, num_segments=N)
        a = softplus_b05(agg @ params['w2_%d' % l] + params['b2_%d' % l])
        node = node + (a @ params['w3_%d' % l] + params['b3_%d' % l])
    # readout (single graph -> mean over all nodes)
    atom = shift_softplus(node @ params['ad1_w'] + params['ad1_b'])
    res = atom @ params['ad2_w'] + params['ad2_b']
    return jnp.mean(res, axis=0, keepdims=True)


def reference(node_type, edge_index, dist, emb, params):
    return _forward(emb, dist, params, node_type, edge_index)

if __name__ == "__main__":
    import jax
    _d = setup_inputs()
    print(jax.jit(kernel)(*tuple(_d.values())))

</pallas_src>

<mosaic_0001>
#map = affine_map<(d0, d1) -> (0, 0)>
#map1 = affine_map<(d0, d1) -> (0, 0, 0)>
module attributes {stable_mosaic.version = 14 : i64} {
  func.func @_sc_body(%arg0: i32, %arg1: i32, %arg2: memref<100000x32xf32, #tpu.memory_space<hbm>>, %arg3: memref<409600x128xf32, #tpu.memory_space<hbm>>, %arg4: memref<25600x128xi32, #tpu.memory_space<hbm>>, %arg5: memref<2x50048x32xf32, #tpu.memory_space<hbm>>, %arg6: memref<2x128xi32, #tpu.memory_space<vmem>>, %arg7: memref<2x128xi32, #tpu.memory_space<vmem>>, %arg8: memref<128x32xf32, #tpu.memory_space<vmem>>, %arg9: memref<128x32xf32, #tpu.memory_space<vmem>>, %arg10: memref<64x128xf32, #tpu.memory_space<vmem>>, %arg11: memref<64x128xf32, #tpu.memory_space<vmem>>, %arg12: memref<50048x32xf32, #tpu.memory_space<vmem_shared>>, %arg13: memref<!tpu.dma_semaphore, #tpu.memory_space<semaphore_mem>>, %arg14: memref<!tpu.dma_semaphore, #tpu.memory_space<semaphore_mem>>, %arg15: memref<!tpu.dma_semaphore, #tpu.memory_space<semaphore_mem>>, %arg16: memref<!tpu.dma_semaphore, #tpu.memory_space<semaphore_mem>>, %arg17: memref<!tpu.dma_semaphore, #tpu.memory_space<semaphore_mem>>, %arg18: memref<!tpu.dma_semaphore, #tpu.memory_space<semaphore_mem>>) attributes {dimension_semantics = [#tpu.dimension_semantics<core_parallel>, #tpu.dimension_semantics<subcore_parallel>], iteration_bounds = array<i64: 2, 16>, scalar_prefetch = 0 : i64, scratch_operands = 13 : i64, tpu.core_type = #tpu.core_type<sc_vector_subcore>, window_params = [{transform_indices = #map}, {transform_indices = #map}, {transform_indices = #map}, {transform_indices = #map1}]} {
    %mul3A = arith.constant 6400 : i32
    %mul3A_0 = arith.muli %arg0, %mul3A : i32
    %mul3A_1 = arith.constant 400 : i32
    %mul3A_2 = arith.muli %arg1, %mul3A_1 : i32
    %add3A = arith.addi %mul3A_0, %mul3A_2 : i32
    %mul3A_3 = arith.constant 2 : i32
    %mul3A_4 = arith.muli %mul3A_3, %add3A : i32
    %mul3A_5 = arith.constant 25600 : i32
    %mul3A_6 = arith.muli %arg1, %mul3A_5 : i32
    %add3A_7 = arith.constant 0 : i32
    %add3A_8 = arith.addi %mul3A_4, %add3A_7 : i32
    "tpu.region"() ({
      %run_scoped3A = tpu.sem_alloc : memref<!tpu.dma_semaphore, #tpu.memory_space<semaphore_mem>>
      %dma_start3A_93 = arith.constant 0 : i32
      %dma_start3A_94 = tpu.memref_slice %arg4[%add3A_8, %dma_start3A_93] : memref<25600x128xi32, #tpu.memory_space<hbm>> -> memref<2x128xi32, #tpu.memory_space<hbm>>
      %dma_start3A_95 = arith.constant 0 : i32
      %dma_start3A_96 = tpu.memref_slice %arg4[%add3A_8, %dma_start3A_95] : memref<25600x128xi32, #tpu.memory_space<hbm>> -> memref<2x128xi32, #tpu.memory_space<hbm>>
      tpu.enqueue_dma source(%dma_start3A_96 : memref<2x128xi32, #tpu.memory_space<hbm>>) target(%arg6 : memref<2x128xi32, #tpu.memory_space<vmem>>) target_semaphore(%run_scoped3A : memref<!tpu.dma_semaphore, #tpu.memory_space<semaphore_mem>>)
      %dma_wait3A_97 = arith.constant 0 : i32
      %dma_wait3A_98 = tpu.memref_slice %arg4[%add3A_8, %dma_wait3A_97] : memref<25600x128xi32, #tpu.memory_space<hbm>> -> memref<2x128xi32, #tpu.memory_space<hbm>>
      %dma_wait3A_99 = arith.constant 0 : i32
      %dma_wait3A_100 = tpu.memref_slice %arg4[%add3A_8, %dma_wait3A_99] : memref<25600x128xi32, #tpu.memory_space<hbm>> -> memref<2x128xi32, #tpu.memory_space<hbm>>
      tpu.wait_dma2 semaphore(%run_scoped3A : memref<!tpu.dma_semaphore, #tpu.memory_space<semaphore_mem>>) src(%dma_wait3A_100 : memref<2x128xi32, #tpu.memory_space<hbm>>) dst(%arg6 : memref<2x128xi32, #tpu.memory_space<vmem>>)
      tpu.yield
    }) : () -> ()
    %add3A_9 = arith.constant 0 : i32
    %add3A_10 = arith.addi %mul3A_6, %add3A_9 : i32
    %dma_start3A = arith.constant 0 : i32
    %dma_start3A_11 = tpu.memref_slice %arg3[%add3A_10, %dma_start3A] : memref<409600x128xf32, #tpu.memory_space<hbm>> -> memref<64x128xf32, #tpu.memory_space<hbm>>
    %dma_start3A_12 = arith.constant 0 : i32
    %dma_start3A_13 = tpu.memref_slice %arg3[%add3A_10, %dma_start3A_12] : memref<409600x128xf32, #tpu.memory_space<hbm>> -> memref<64x128xf32, #tpu.memory_space<hbm>>
    tpu.enqueue_dma source(%dma_start3A_13 : memref<64x128xf32, #tpu.memory_space<hbm>>) target(%arg10 : memref<64x128xf32, #tpu.memory_space<vmem>>) target_semaphore(%arg15 : memref<!tpu.dma_semaphore, #tpu.memory_space<semaphore_mem>>)
    %dma_start3A_14 = arith.constant 0 : i32
    %dma_start3A_15 = arith.constant 0 : i32
    %dma_start3A_16 = tpu.memref_slice %arg6[%dma_start3A_14, %dma_start3A_15] : memref<2x128xi32, #tpu.memory_space<vmem>> -> memref<1x128xi32, #tpu.memory_space<vmem>>
    %dma_start3A_17 = tpu.memref_squeeze %dma_start3A_16 : memref<1x128xi32, #tpu.memory_space<vmem>> -> memref<128xi32, #tpu.memory_space<vmem>>
    %dma_start3A_18 = arith.constant 0 : i32
    %dma_start3A_19 = arith.constant 0 : i32
    %dma_start3A_20 = tpu.memref_slice %arg2[%dma_start3A_18, %dma_start3A_19] : memref<100000x32xf32, #tpu.memory_space<hbm>> -> memref<100000x32xf32, #tpu.memory_space<hbm>>
    tpu.enqueue_indirect_dma source(%dma_start3A_20 : memref<100000x32xf32, #tpu.memory_space<hbm>>) target(%arg8 : memref<128x32xf32, #tpu.memory_space<vmem>>) offsets(%dma_start3A_17 : memref<128xi32, #tpu.memory_space<vmem>>) semaphore(%arg13 : memref<!tpu.dma_semaphore, #tpu.memory_space<semaphore_mem>>)
    %scan3A = arith.constant 0 : i32
    %scan3A_21 = arith.constant 0 : i32
    %scan3A_22 = arith.constant 128 : i32
    %scan3A_23 = arith.addi %scan3A_21, %scan3A_22 : i32
    %scan3A_24 = arith.constant 1 : i32
    %scan3A_25 = scf.for %scan3A_93 = %scan3A_21 to %scan3A_23 step %scan3A_24 iter_args(%scan3A_94 = %scan3A) -> (i32)  : i32 {
      %broadcast_in_dim3A = arith.constant 0.000000e+00 : f32
      %broadcast_in_dim3A_95 = vector.broadcast %broadcast_in_dim3A : f32 to vector<16xf32>
      %swap3A = arith.index_cast %scan3A_93 : i32 to index
      %swap3A_96 = arith.constant 0 : index
      %swap3A_97 = tpu.vector_load %arg9[%swap3A, %swap3A_96] {strides = array<i32>} : memref<128x32xf32, #tpu.memory_space<vmem>>, vector<1x16xf32>,
      %swap3A_98 = vector.shape_cast %swap3A_97 : vector<1x16xf32> to vector<16xf32>
      %swap3A_99 = vector.shape_cast %broadcast_in_dim3A_95 : vector<16xf32> to vector<1x16xf32>
      tpu.vector_store %arg9[%swap3A, %swap3A_96], %swap3A_99 {strides = array<i32>} : memref<128x32xf32, #tpu.memory_space<vmem>>, vector<1x16xf32>,
      %broadcast_in_dim3A_100 = arith.constant 0.000000e+00 : f32
      %broadcast_in_dim3A_101 = vector.broadcast %broadcast_in_dim3A_100 : f32 to vector<16xf32>
      %swap3A_102 = arith.index_cast %scan3A_93 : i32 to index
      %swap3A_103 = arith.constant 16 : index
      %swap3A_104 = tpu.vector_load %arg9[%swap3A_102, %swap3A_103] {strides = array<i32>} : memref<128x32xf32, #tpu.memory_space<vmem>>, vector<1x16xf32>,
      %swap3A_105 = vector.shape_cast %swap3A_104 : vector<1x16xf32> to vector<16xf32>
      %swap3A_106 = vector.shape_cast %broadcast_in_dim3A_101 : vector<16xf32> to vector<1x16xf32>
      tpu.vector_store %arg9[%swap3A_102, %swap3A_103], %swap3A_106 {strides = array<i32>} : memref<128x32xf32, #tpu.memory_space<vmem>>, vector<1x16xf32>,
      %scan3A_107 = arith.constant 0 : i32
      scf.yield %scan3A_107 : i32
    }
    %scan3A_26 = arith.constant 128 : i32
    %mul3A_27 = arith.constant 3128 : i32
    %mul3A_28 = arith.muli %arg1, %mul3A_27 : i32
    %add3A_29 = arith.constant 0 : i32
    %add3A_30 = arith.addi %mul3A_28, %add3A_29 : i32
    "tpu.region"() ({
      %run_scoped3A = tpu.sem_alloc : memref<!tpu.dma_semaphore, #tpu.memory_space<semaphore_mem>>
      %dma_start3A_93 = arith.constant 0 : i32
      %dma_start3A_94 = tpu.memref_slice %arg12[%add3A_30, %dma_start3A_93] : memref<50048x32xf32, #tpu.memory_space<vmem_shared>> -> memref<128x32xf32, #tpu.memory_space<vmem_shared>>
      %dma_start3A_95 = arith.constant 0 : i32
      %dma_start3A_96 = tpu.memref_slice %arg12[%add3A_30, %dma_start3A_95] : memref<50048x32xf32, #tpu.memory_space<vmem_shared>> -> memref<128x32xf32, #tpu.memory_space<vmem_shared>>
      tpu.enqueue_dma source(%arg9 : memref<128x32xf32, #tpu.memory_space<vmem>>) target(%dma_start3A_96 : memref<128x32xf32, #tpu.memory_space<vmem_shared>>) target_semaphore(%run_scoped3A : memref<!tpu.dma_semaphore, #tpu.memory_space<semaphore_mem>>)
      %dma_wait3A_97 = arith.constant 0 : i32
      %dma_wait3A_98 = tpu.memref_slice %arg12[%add3A_30, %dma_wait3A_97] : memref<50048x32xf32, #tpu.memory_space<vmem_shared>> -> memref<128x32xf32, #tpu.memory_space<vmem_shared>>
      %dma_wait3A_99 = arith.constant 0 : i32
      %dma_wait3A_100 = tpu.memref_slice %arg12[%add3A_30, %dma_wait3A_99] : memref<50048x32xf32, #tpu.memory_space<vmem_shared>> -> memref<128x32xf32, #tpu.memory_space<vmem_shared>>
      tpu.wait_dma2 semaphore(%run_scoped3A : memref<!tpu.dma_semaphore, #tpu.memory_space<semaphore_mem>>) src(%arg9 : memref<128x32xf32, #tpu.memory_space<vmem>>) dst(%dma_wait3A_100 : memref<128x32xf32, #tpu.memory_space<vmem_shared>>)
      tpu.yield
    }) : () -> ()
    %add3A_31 = arith.constant 128 : i32
    %add3A_32 = arith.addi %mul3A_28, %add3A_31 : i32
    "tpu.region"() ({
      %run_scoped3A = tpu.sem_alloc : memref<!tpu.dma_semaphore, #tpu.memory_space<semaphore_mem>>
      %dma_start3A_93 = arith.constant 0 : i32
      %dma_start3A_94 = tpu.memref_slice %arg12[%add3A_32, %dma_start3A_93] : memref<50048x32xf32, #tpu.memory_space<vmem_shared>> -> memref<128x32xf32, #tpu.memory_space<vmem_shared>>
      %dma_start3A_95 = arith.constant 0 : i32
      %dma_start3A_96 = tpu.memref_slice %arg12[%add3A_32, %dma_start3A_95] : memref<50048x32xf32, #tpu.memory_space<vmem_shared>> -> memref<128x32xf32, #tpu.memory_space<vmem_shared>>
      tpu.enqueue_dma source(%arg9 : memref<128x32xf32, #tpu.memory_space<vmem>>) target(%dma_start3A_96 : memref<128x32xf32, #tpu.memory_space<vmem_shared>>) target_semaphore(%run_scoped3A : memref<!tpu.dma_semaphore, #tpu.memory_space<semaphore_mem>>)
      %dma_wait3A_97 = arith.constant 0 : i32
      %dma_wait3A_98 = tpu.memref_slice %arg12[%add3A_32, %dma_wait3A_97] : memref<50048x32xf32, #tpu.memory_space<vmem_shared>> -> memref<128x32xf32, #tpu.memory_space<vmem_shared>>
      %dma_wait3A_99 = arith.constant 0 : i32
      %dma_wait3A_100 = tpu.memref_slice %arg12[%add3A_32, %dma_wait3A_99] : memref<50048x32xf32, #tpu.memory_space<vmem_shared>> -> memref<128x32xf32, #tpu.memory_space<vmem_shared>>
      tpu.wait_dma2 semaphore(%run_scoped3A : memref<!tpu.dma_semaphore, #tpu.memory_space<semaphore_mem>>) src(%arg9 : memref<128x32xf32, #tpu.memory_space<vmem>>) dst(%dma_wait3A_100 : memref<128x32xf32, #tpu.memory_space<vmem_shared>>)
      tpu.yield
    }) : () -> ()
    %add3A_33 = arith.constant 256 : i32
    %add3A_34 = arith.addi %mul3A_28, %add3A_33 : i32
    "tpu.region"() ({
      %run_scoped3A = tpu.sem_alloc : memref<!tpu.dma_semaphore, #tpu.memory_space<semaphore_mem>>
      %dma_start3A_93 = arith.constant 0 : i32
      %dma_start3A_94 = tpu.memref_slice %arg12[%add3A_34, %dma_start3A_93] : memref<50048x32xf32, #tpu.memory_space<vmem_shared>> -> memref<128x32xf32, #tpu.memory_space<vmem_shared>>
      %dma_start3A_95 = arith.constant 0 : i32
      %dma_start3A_96 = tpu.memref_slice %arg12[%add3A_34, %dma_start3A_95] : memref<50048x32xf32, #tpu.memory_space<vmem_shared>> -> memref<128x32xf32, #tpu.memory_space<vmem_shared>>
      tpu.enqueue_dma source(%arg9 : memref<128x32xf32, #tpu.memory_space<vmem>>) target(%dma_start3A_96 : memref<128x32xf32, #tpu.memory_space<vmem_shared>>) target_semaphore(%run_scoped3A : memref<!tpu.dma_semaphore, #tpu.memory_space<semaphore_mem>>)
      %dma_wait3A_97 = arith.constant 0 : i32
      %dma_wait3A_98 = tpu.memref_slice %arg12[%add3A_34, %dma_wait3A_97] : memref<50048x32xf32, #tpu.memory_space<vmem_shared>> -> memref<128x32xf32, #tpu.memory_space<vmem_shared>>
      %dma_wait3A_99 = arith.constant 0 : i32
      %dma_wait3A_100 = tpu.memref_slice %arg12[%add3A_34, %dma_wait3A_99] : memref<50048x32xf32, #tpu.memory_space<vmem_shared>> -> memref<128x32xf32, #tpu.memory_space<vmem_shared>>
      tpu.wait_dma2 semaphore(%run_scoped3A : memref<!tpu.dma_semaphore, #tpu.memory_space<semaphore_mem>>) src(%arg9 : memref<128x32xf32, #tpu.memory_space<vmem>>) dst(%dma_wait3A_100 : memref<128x32xf32, #tpu.memory_space<vmem_shared>>)
      tpu.yield
    }) : () -> ()
    %add3A_35 = arith.constant 384 : i32
    %add3A_36 = arith.addi %mul3A_28, %add3A_35 : i32
    "tpu.region"() ({
      %run_scoped3A = tpu.sem_alloc : memref<!tpu.dma_semaphore, #tpu.memory_space<semaphore_mem>>
      %dma_start3A_93 = arith.constant 0 : i32
      %dma_start3A_94 = tpu.memref_slice %arg12[%add3A_36, %dma_start3A_93] : memref<50048x32xf32, #tpu.memory_space<vmem_shared>> -> memref<128x32xf32, #tpu.memory_space<vmem_shared>>
      %dma_start3A_95 = arith.constant 0 : i32
      %dma_start3A_96 = tpu.memref_slice %arg12[%add3A_36, %dma_start3A_95] : memref<50048x32xf32, #tpu.memory_space<vmem_shared>> -> memref<128x32xf32, #tpu.memory_space<vmem_shared>>
      tpu.enqueue_dma source(%arg9 : memref<128x32xf32, #tpu.memory_space<vmem>>) target(%dma_start3A_96 : memref<128x32xf32, #tpu.memory_space<vmem_shared>>) target_semaphore(%run_scoped3A : memref<!tpu.dma_semaphore, #tpu.memory_space<semaphore_mem>>)
      %dma_wait3A_97 = arith.constant 0 : i32
      %dma_wait3A_98 = tpu.memref_slice %arg12[%add3A_36, %dma_wait3A_97] : memref<50048x32xf32, #tpu.memory_space<vmem_shared>> -> memref<128x32xf32, #tpu.memory_space<vmem_shared>>
      %dma_wait3A_99 = arith.constant 0 : i32
      %dma_wait3A_100 = tpu.memref_slice %arg12[%add3A_36, %dma_wait3A_99] : memref<50048x32xf32, #tpu.memory_space<vmem_shared>> -> memref<128x32xf32, #tpu.memory_space<vmem_shared>>
      tpu.wait_dma2 semaphore(%run_scoped3A : memref<!tpu.dma_semaphore, #tpu.memory_space<semaphore_mem>>) src(%arg9 : memref<128x32xf32, #tpu.memory_space<vmem>>) dst(%dma_wait3A_100 : memref<128x32xf32, #tpu.memory_space<vmem_shared>>)
      tpu.yield
    }) : () -> ()
    %add3A_37 = arith.constant 512 : i32
    %add3A_38 = arith.addi %mul3A_28, %add3A_37 : i32
    "tpu.region"() ({
      %run_scoped3A = tpu.sem_alloc : memref<!tpu.dma_semaphore, #tpu.memory_space<semaphore_mem>>
      %dma_start3A_93 = arith.constant 0 : i32
      %dma_start3A_94 = tpu.memref_slice %arg12[%add3A_38, %dma_start3A_93] : memref<50048x32xf32, #tpu.memory_space<vmem_shared>> -> memref<128x32xf32, #tpu.memory_space<vmem_shared>>
      %dma_start3A_95 = arith.constant 0 : i32
      %dma_start3A_96 = tpu.memref_slice %arg12[%add3A_38, %dma_start3A_95] : memref<50048x32xf32, #tpu.memory_space<vmem_shared>> -> memref<128x32xf32, #tpu.memory_space<vmem_shared>>
      tpu.enqueue_dma source(%arg9 : memref<128x32xf32, #tpu.memory_space<vmem>>) target(%dma_start3A_96 : memref<128x32xf32, #tpu.memory_space<vmem_shared>>) target_semaphore(%run_scoped3A : memref<!tpu.dma_semaphore, #tpu.memory_space<semaphore_mem>>)
      %dma_wait3A_97 = arith.constant 0 : i32
      %dma_wait3A_98 = tpu.memref_slice %arg12[%add3A_38, %dma_wait3A_97] : memref<50048x32xf32, #tpu.memory_space<vmem_shared>> -> memref<128x32xf32, #tpu.memory_space<vmem_shared>>
      %dma_wait3A_99 = arith.constant 0 : i32
      %dma_wait3A_100 = tpu.memref_slice %arg12[%add3A_38, %dma_wait3A_99] : memref<50048x32xf32, #tpu.memory_space<vmem_shared>> -> memref<128x32xf32, #tpu.memory_space<vmem_shared>>
      tpu.wait_dma2 semaphore(%run_scoped3A : memref<!tpu.dma_semaphore, #tpu.memory_space<semaphore_mem>>) src(%arg9 : memref<128x32xf32, #tpu.memory_space<vmem>>) dst(%dma_wait3A_100 : memref<128x32xf32, #tpu.memory_space<vmem_shared>>)
      tpu.yield
    }) : () -> ()
    %add3A_39 = arith.constant 640 : i32
    %add3A_40 = arith.addi %mul3A_28, %add3A_39 : i32
    "tpu.region"() ({
      %run_scoped3A = tpu.sem_alloc : memref<!tpu.dma_semaphore, #tpu.memory_space<semaphore_mem>>
      %dma_start3A_93 = arith.constant 0 : i32
      %dma_start3A_94 = tpu.memref_slice %arg12[%add3A_40, %dma_start3A_93] : memref<50048x32xf32, #tpu.memory_space<vmem_shared>> -> memref<128x32xf32, #tpu.memory_space<vmem_shared>>
      %dma_start3A_95 = arith.constant 0 : i32
      %dma_start3A_96 = tpu.memref_slice %arg12[%add3A_40, %dma_start3A_95] : memref<50048x32xf32, #tpu.memory_space<vmem_shared>> -> memref<128x32xf32, #tpu.memory_space<vmem_shared>>
      tpu.enqueue_dma source(%arg9 : memref<128x32xf32, #tpu.memory_space<vmem>>) target(%dma_start3A_96 : memref<128x32xf32, #tpu.memory_space<vmem_shared>>) target_semaphore(%run_scoped3A : memref<!tpu.dma_semaphore, #tpu.memory_space<semaphore_mem>>)
      %dma_wait3A_97 = arith.constant 0 : i32
      %dma_wait3A_98 = tpu.memref_slice %arg12[%add3A_40, %dma_wait3A_97] : memref<50048x32xf32, #tpu.memory_space<vmem_shared>> -> memref<128x32xf32, #tpu.memory_space<vmem_shared>>
      %dma_wait3A_99 = arith.constant 0 : i32
      %dma_wait3A_100 = tpu.memref_slice %arg12[%add3A_40, %dma_wait3A_99] : memref<50048x32xf32, #tpu.memory_space<vmem_shared>> -> memref<128x32xf32, #tpu.memory_space<vmem_shared>>
      tpu.wait_dma2 semaphore(%run_scoped3A : memref<!tpu.dma_semaphore, #tpu.memory_space<semaphore_mem>>) src(%arg9 : memref<128x32xf32, #tpu.memory_space<vmem>>) dst(%dma_wait3A_100 : memref<128x32xf32, #tpu.memory_space<vmem_shared>>)
      tpu.yield
    }) : () -> ()
    %add3A_41 = arith.constant 768 : i32
    %add3A_42 = arith.addi %mul3A_28, %add3A_41 : i32
    "tpu.region"() ({
      %run_scoped3A = tpu.sem_alloc : memref<!tpu.dma_semaphore, #tpu.memory_space<semaphore_mem>>
      %dma_start3A_93 = arith.constant 0 : i32
      %dma_start3A_94 = tpu.memref_slice %arg12[%add3A_42, %dma_start3A_93] : memref<50048x32xf32, #tpu.memory_space<vmem_shared>> -> memref<128x32xf32, #tpu.memory_space<vmem_shared>>
      %dma_start3A_95 = arith.constant 0 : i32
      %dma_start3A_96 = tpu.memref_slice %arg12[%add3A_42, %dma_start3A_95] : memref<50048x32xf32, #tpu.memory_space<vmem_shared>> -> memref<128x32xf32, #tpu.memory_space<vmem_shared>>
      tpu.enqueue_dma source(%arg9 : memref<128x32xf32, #tpu.memory_space<vmem>>) target(%dma_start3A_96 : memref<128x32xf32, #tpu.memory_space<vmem_shared>>) target_semaphore(%run_scoped3A : memref<!tpu.dma_semaphore, #tpu.memory_space<semaphore_mem>>)
      %dma_wait3A_97 = arith.constant 0 : i32
      %dma_wait3A_98 = tpu.memref_slice %arg12[%add3A_42, %dma_wait3A_97] : memref<50048x32xf32, #tpu.memory_space<vmem_shared>> -> memref<128x32xf32, #tpu.memory_space<vmem_shared>>
      %dma_wait3A_99 = arith.constant 0 : i32
      %dma_wait3A_100 = tpu.memref_slice %arg12[%add3A_42, %dma_wait3A_99] : memref<50048x32xf32, #tpu.memory_space<vmem_shared>> -> memref<128x32xf32, #tpu.memory_space<vmem_shared>>
      tpu.wait_dma2 semaphore(%run_scoped3A : memref<!tpu.dma_semaphore, #tpu.memory_space<semaphore_mem>>) src(%arg9 : memref<128x32xf32, #tpu.memory_space<vmem>>) dst(%dma_wait3A_100 : memref<128x32xf32, #tpu.memory_space<vmem_shared>>)
      tpu.yield
    }) : () -> ()
    %add3A_43 = arith.constant 896 : i32
    %add3A_44 = arith.addi %mul3A_28, %add3A_43 : i32
    "tpu.region"() ({
      %run_scoped3A = tpu.sem_alloc : memref<!tpu.dma_semaphore, #tpu.memory_space<semaphore_mem>>
      %dma_start3A_93 = arith.constant 0 : i32
      %dma_start3A_94 = tpu.memref_slice %arg12[%add3A_44, %dma_start3A_93] : memref<50048x32xf32, #tpu.memory_space<vmem_shared>> -> memref<128x32xf32, #tpu.memory_space<vmem_shared>>
      %dma_start3A_95 = arith.constant 0 : i32
      %dma_start3A_96 = tpu.memref_slice %arg12[%add3A_44, %dma_start3A_95] : memref<50048x32xf32, #tpu.memory_space<vmem_shared>> -> memref<128x32xf32, #tpu.memory_space<vmem_shared>>
      tpu.enqueue_dma source(%arg9 : memref<128x32xf32, #tpu.memory_space<vmem>>) target(%dma_start3A_96 : memref<128x32xf32, #tpu.memory_space<vmem_shared>>) target_semaphore(%run_scoped3A : memref<!tpu.dma_semaphore, #tpu.memory_space<semaphore_mem>>)
      %dma_wait3A_97 = arith.constant 0 : i32
      %dma_wait3A_98 = tpu.memref_slice %arg12[%add3A_44, %dma_wait3A_97] : memref<50048x32xf32, #tpu.memory_space<vmem_shared>> -> memref<128x32xf32, #tpu.memory_space<vmem_shared>>
      %dma_wait3A_99 = arith.constant 0 : i32
      %dma_wait3A_100 = tpu.memref_slice %arg12[%add3A_44, %dma_wait3A_99] : memref<50048x32xf32, #tpu.memory_space<vmem_shared>> -> memref<128x32xf32, #tpu.memory_space<vmem_shared>>
      tpu.wait_dma2 semaphore(%run_scoped3A : memref<!tpu.dma_semaphore, #tpu.memory_space<semaphore_mem>>) src(%arg9 : memref<128x32xf32, #tpu.memory_space<vmem>>) dst(%dma_wait3A_100 : memref<128x32xf32, #tpu.memory_space<vmem_shared>>)
      tpu.yield
    }) : () -> ()
    %add3A_45 = arith.constant 1024 : i32
    %add3A_46 = arith.addi %mul3A_28, %add3A_45 : i32
    "tpu.region"() ({
      %run_scoped3A = tpu.sem_alloc : memref<!tpu.dma_semaphore, #tpu.memory_space<semaphore_mem>>
      %dma_start3A_93 = arith.constant 0 : i32
      %dma_start3A_94 = tpu.memref_slice %arg12[%add3A_46, %dma_start3A_93] : memref<50048x32xf32, #tpu.memory_space<vmem_shared>> -> memref<128x32xf32, #tpu.memory_space<vmem_shared>>
      %dma_start3A_95 = arith.constant 0 : i32
      %dma_start3A_96 = tpu.memref_slice %arg12[%add3A_46, %dma_start3A_95] : memref<50048x32xf32, #tpu.memory_space<vmem_shared>> -> memref<128x32xf32, #tpu.memory_space<vmem_shared>>
      tpu.enqueue_dma source(%arg9 : memref<128x32xf32, #tpu.memory_space<vmem>>) target(%dma_start3A_96 : memref<128x32xf32, #tpu.memory_space<vmem_shared>>) target_semaphore(%run_scoped3A : memref<!tpu.dma_semaphore, #tpu.memory_space<semaphore_mem>>)
      %dma_wait3A_97 = arith.constant 0 : i32
      %dma_wait3A_98 = tpu.memref_slice %arg12[%add3A_46, %dma_wait3A_97] : memref<50048x32xf32, #tpu.memory_space<vmem_shared>> -> memref<128x32xf32, #tpu.memory_space<vmem_shared>>
      %dma_wait3A_99 = arith.constant 0 : i32
      %dma_wait3A_100 = tpu.memref_slice %arg12[%add3A_46, %dma_wait3A_99] : memref<50048x32xf32, #tpu.memory_space<vmem_shared>> -> memref<128x32xf32, #tpu.memory_space<vmem_shared>>
      tpu.wait_dma2 semaphore(%run_scoped3A : memref<!tpu.dma_semaphore, #tpu.memory_space<semaphore_mem>>) src(%arg9 : memref<128x32xf32, #tpu.memory_space<vmem>>) dst(%dma_wait3A_100 : memref<128x32xf32, #tpu.memory_space<vmem_shared>>)
      tpu.yield
    }) : () -> ()
    %add3A_47 = arith.constant 1152 : i32
    %add3A_48 = arith.addi %mul3A_28, %add3A_47 : i32
    "tpu.region"() ({
      %run_scoped3A = tpu.sem_alloc : memref<!tpu.dma_semaphore, #tpu.memory_space<semaphore_mem>>
      %dma_start3A_93 = arith.constant 0 : i32
      %dma_start3A_94 = tpu.memref_slice %arg12[%add3A_48, %dma_start3A_93] : memref<50048x32xf32, #tpu.memory_space<vmem_shared>> -> memref<128x32xf32, #tpu.memory_space<vmem_shared>>
      %dma_start3A_95 = arith.constant 0 : i32
      %dma_start3A_96 = tpu.memref_slice %arg12[%add3A_48, %dma_start3A_95] : memref<50048x32xf32, #tpu.memory_space<vmem_shared>> -> memref<128x32xf32, #tpu.memory_space<vmem_shared>>
      tpu.enqueue_dma source(%arg9 : memref<128x32xf32, #tpu.memory_space<vmem>>) target(%dma_start3A_96 : memref<128x32xf32, #tpu.memory_space<vmem_shared>>) target_semaphore(%run_scoped3A : memref<!tpu.dma_semaphore, #tpu.memory_space<semaphore_mem>>)
      %dma_wait3A_97 = arith.constant 0 : i32
      %dma_wait3A_98 = tpu.memref_slice %arg12[%add3A_48, %dma_wait3A_97] : memref<50048x32xf32, #tpu.memory_space<vmem_shared>> -> memref<128x32xf32, #tpu.memory_space<vmem_shared>>
      %dma_wait3A_99 = arith.constant 0 : i32
      %dma_wait3A_100 = tpu.memref_slice %arg12[%add3A_48, %dma_wait3A_99] : memref<50048x32xf32, #tpu.memory_space<vmem_shared>> -> memref<128x32xf32, #tpu.memory_space<vmem_shared>>
      tpu.wait_dma2 semaphore(%run_scoped3A : memref<!tpu.dma_semaphore, #tpu.memory_space<semaphore_mem>>) src(%arg9 : memref<128x32xf32, #tpu.memory_space<vmem>>) dst(%dma_wait3A_100 : memref<128x32xf32, #tpu.memory_space<vmem_shared>>)
      tpu.yield
    }) : () -> ()
    %add3A_49 = arith.constant 1280 : i32
    %add3A_50 = arith.addi %mul3A_28, %add3A_49 : i32
    "tpu.region"() ({
      %run_scoped3A = tpu.sem_alloc : memref<!tpu.dma_semaphore, #tpu.memory_space<semaphore_mem>>
      %dma_start3A_93 = arith.constant 0 : i32
      %dma_start3A_94 = tpu.memref_slice %arg12[%add3A_50, %dma_start3A_93] : memref<50048x32xf32, #tpu.memory_space<vmem_shared>> -> memref<128x32xf32, #tpu.memory_space<vmem_shared>>
      %dma_start3A_95 = arith.constant 0 : i32
      %dma_start3A_96 = tpu.memref_slice %arg12[%add3A_50, %dma_start3A_95] : memref<50048x32xf32, #tpu.memory_space<vmem_shared>> -> memref<128x32xf32, #tpu.memory_space<vmem_shared>>
      tpu.enqueue_dma source(%arg9 : memref<128x32xf32, #tpu.memory_space<vmem>>) target(%dma_start3A_96 : memref<128x32xf32, #tpu.memory_space<vmem_shared>>) target_semaphore(%run_scoped3A : memref<!tpu.dma_semaphore, #tpu.memory_space<semaphore_mem>>)
      %dma_wait3A_97 = arith.constant 0 : i32
      %dma_wait3A_98 = tpu.memref_slice %arg12[%add3A_50, %dma_wait3A_97] : memref<50048x32xf32, #tpu.memory_space<vmem_shared>> -> memref<128x32xf32, #tpu.memory_space<vmem_shared>>
      %dma_wait3A_99 = arith.constant 0 : i32
      %dma_wait3A_100 = tpu.memref_slice %arg12[%add3A_50, %dma_wait3A_99] : memref<50048x32xf32, #tpu.memory_space<vmem_shared>> -> memref<128x32xf32, #tpu.memory_space<vmem_shared>>
      tpu.wait_dma2 semaphore(%run_scoped3A : memref<!tpu.dma_semaphore, #tpu.memory_space<semaphore_mem>>) src(%arg9 : memref<128x32xf32, #tpu.memory_space<vmem>>) dst(%dma_wait3A_100 : memref<128x32xf32, #tpu.memory_space<vmem_shared>>)
      tpu.yield
    }) : () -> ()
    %add3A_51 = arith.constant 1408 : i32
    %add3A_52 = arith.addi %mul3A_28, %add3A_51 : i32
    "tpu.region"() ({
      %run_scoped3A = tpu.sem_alloc : memref<!tpu.dma_semaphore, #tpu.memory_space<semaphore_mem>>
      %dma_start3A_93 = arith.constant 0 : i32
      %dma_start3A_94 = tpu.memref_slice %arg12[%add3A_52, %dma_start3A_93] : memref<50048x32xf32, #tpu.memory_space<vmem_shared>> -> memref<128x32xf32, #tpu.memory_space<vmem_shared>>
      %dma_start3A_95 = arith.constant 0 : i32
      %dma_start3A_96 = tpu.memref_slice %arg12[%add3A_52, %dma_start3A_95] : memref<50048x32xf32, #tpu.memory_space<vmem_shared>> -> memref<128x32xf32, #tpu.memory_space<vmem_shared>>
      tpu.enqueue_dma source(%arg9 : memref<128x32xf32, #tpu.memory_space<vmem>>) target(%dma_start3A_96 : memref<128x32xf32, #tpu.memory_space<vmem_shared>>) target_semaphore(%run_scoped3A : memref<!tpu.dma_semaphore, #tpu.memory_space<semaphore_mem>>)
      %dma_wait3A_97 = arith.constant 0 : i32
      %dma_wait3A_98 = tpu.memref_slice %arg12[%add3A_52, %dma_wait3A_97] : memref<50048x32xf32, #tpu.memory_space<vmem_shared>> -> memref<128x32xf32, #tpu.memory_space<vmem_shared>>
      %dma_wait3A_99 = arith.constant 0 : i32
      %dma_wait3A_100 = tpu.memref_slice %arg12[%add3A_52, %dma_wait3A_99] : memref<50048x32xf32, #tpu.memory_space<vmem_shared>> -> memref<128x32xf32, #tpu.memory_space<vmem_shared>>
      tpu.wait_dma2 semaphore(%run_scoped3A : memref<!tpu.dma_semaphore, #tpu.memory_space<semaphore_mem>>) src(%arg9 : memref<128x32xf32, #tpu.memory_space<vmem>>) dst(%dma_wait3A_100 : memref<128x32xf32, #tpu.memory_space<vmem_shared>>)
      tpu.yield
    }) : () -> ()
    %add3A_53 = arith.constant 1536 : i32
    %add3A_54 = arith.addi %mul3A_28, %add3A_53 : i32
    "tpu.region"() ({
      %run_scoped3A = tpu.sem_alloc : memref<!tpu.dma_semaphore, #tpu.memory_space<semaphore_mem>>
      %dma_start3A_93 = arith.constant 0 : i32
      %dma_start3A_94 = tpu.memref_slice %arg12[%add3A_54, %dma_start3A_93] : memref<50048x32xf32, #tpu.memory_space<vmem_shared>> -> memref<128x32xf32, #tpu.memory_space<vmem_shared>>
      %dma_start3A_95 = arith.constant 0 : i32
      %dma_start3A_96 = tpu.memref_slice %arg12[%add3A_54, %dma_start3A_95] : memref<50048x32xf32, #tpu.memory_space<vmem_shared>> -> memref<128x32xf32, #tpu.memory_space<vmem_shared>>
      tpu.enqueue_dma source(%arg9 : memref<128x32xf32, #tpu.memory_space<vmem>>) target(%dma_start3A_96 : memref<128x32xf32, #tpu.memory_space<vmem_shared>>) target_semaphore(%run_scoped3A : memref<!tpu.dma_semaphore, #tpu.memory_space<semaphore_mem>>)
      %dma_wait3A_97 = arith.constant 0 : i32
      %dma_wait3A_98 = tpu.memref_slice %arg12[%add3A_54, %dma_wait3A_97] : memref<50048x32xf32, #tpu.memory_space<vmem_shared>> -> memref<128x32xf32, #tpu.memory_space<vmem_shared>>
      %dma_wait3A_99 = arith.constant 0 : i32
      %dma_wait3A_100 = tpu.memref_slice %arg12[%add3A_54, %dma_wait3A_99] : memref<50048x32xf32, #tpu.memory_space<vmem_shared>> -> memref<128x32xf32, #tpu.memory_space<vmem_shared>>
      tpu.wait_dma2 semaphore(%run_scoped3A : memref<!tpu.dma_semaphore, #tpu.memory_space<semaphore_mem>>) src(%arg9 : memref<128x32xf32, #tpu.memory_space<vmem>>) dst(%dma_wait3A_100 : memref<128x32xf32, #tpu.memory_space<vmem_shared>>)
      tpu.yield
    }) : () -> ()
    %add3A_55 = arith.constant 1664 : i32
    %add3A_56 = arith.addi %mul3A_28, %add3A_55 : i32
    "tpu.region"() ({
      %run_scoped3A = tpu.sem_alloc : memref<!tpu.dma_semaphore, #tpu.memory_space<semaphore_mem>>
      %dma_start3A_93 = arith.constant 0 : i32
      %dma_start3A_94 = tpu.memref_slice %arg12[%add3A_56, %dma_start3A_93] : memref<50048x32xf32, #tpu.memory_space<vmem_shared>> -> memref<128x32xf32, #tpu.memory_space<vmem_shared>>
      %dma_start3A_95 = arith.constant 0 : i32
      %dma_start3A_96 = tpu.memref_slice %arg12[%add3A_56, %dma_start3A_95] : memref<50048x32xf32, #tpu.memory_space<vmem_shared>> -> memref<128x32xf32, #tpu.memory_space<vmem_shared>>
      tpu.enqueue_dma source(%arg9 : memref<128x32xf32, #tpu.memory_space<vmem>>) target(%dma_start3A_96 : memref<128x32xf32, #tpu.memory_space<vmem_shared>>) target_semaphore(%run_scoped3A : memref<!tpu.dma_semaphore, #tpu.memory_space<semaphore_mem>>)
      %dma_wait3A_97 = arith.constant 0 : i32
      %dma_wait3A_98 = tpu.memref_slice %arg12[%add3A_56, %dma_wait3A_97] : memref<50048x32xf32, #tpu.memory_space<vmem_shared>> -> memref<128x32xf32, #tpu.memory_space<vmem_shared>>
      %dma_wait3A_99 = arith.constant 0 : i32
      %dma_wait3A_100 = tpu.memref_slice %arg12[%add3A_56, %dma_wait3A_99] : memref<50048x32xf32, #tpu.memory_space<vmem_shared>> -> memref<128x32xf32, #tpu.memory_space<vmem_shared>>
      tpu.wait_dma2 semaphore(%run_scoped3A : memref<!tpu.dma_semaphore, #tpu.memory_space<semaphore_mem>>) src(%arg9 : memref<128x32xf32, #tpu.memory_space<vmem>>) dst(%dma_wait3A_100 : memref<128x32xf32, #tpu.memory_space<vmem_shared>>)
      tpu.yield
    }) : () -> ()
    %add3A_57 = arith.constant 1792 : i32
    %add3A_58 = arith.addi %mul3A_28, %add3A_57 : i32
    "tpu.region"() ({
      %run_scoped3A = tpu.sem_alloc : memref<!tpu.dma_semaphore, #tpu.memory_space<semaphore_mem>>
      %dma_start3A_93 = arith.constant 0 : i32
      %dma_start3A_94 = tpu.memref_slice %arg12[%add3A_58, %dma_start3A_93] : memref<50048x32xf32, #tpu.memory_space<vmem_shared>> -> memref<128x32xf32, #tpu.memory_space<vmem_shared>>
      %dma_start3A_95 = arith.constant 0 : i32
      %dma_start3A_96 = tpu.memref_slice %arg12[%add3A_58, %dma_start3A_95] : memref<50048x32xf32, #tpu.memory_space<vmem_shared>> -> memref<128x32xf32, #tpu.memory_space<vmem_shared>>
      tpu.enqueue_dma source(%arg9 : memref<128x32xf32, #tpu.memory_space<vmem>>) target(%dma_start3A_96 : memref<128x32xf32, #tpu.memory_space<vmem_shared>>) target_semaphore(%run_scoped3A : memref<!tpu.dma_semaphore, #tpu.memory_space<semaphore_mem>>)
      %dma_wait3A_97 = arith.constant 0 : i32
      %dma_wait3A_98 = tpu.memref_slice %arg12[%add3A_58, %dma_wait3A_97] : memref<50048x32xf32, #tpu.memory_space<vmem_shared>> -> memref<128x32xf32, #tpu.memory_space<vmem_shared>>
      %dma_wait3A_99 = arith.constant 0 : i32
      %dma_wait3A_100 = tpu.memref_slice %arg12[%add3A_58, %dma_wait3A_99] : memref<50048x32xf32, #tpu.memory_space<vmem_shared>> -> memref<128x32xf32, #tpu.memory_space<vmem_shared>>
      tpu.wait_dma2 semaphore(%run_scoped3A : memref<!tpu.dma_semaphore, #tpu.memory_space<semaphore_mem>>) src(%arg9 : memref<128x32xf32, #tpu.memory_space<vmem>>) dst(%dma_wait3A_100 : memref<128x32xf32, #tpu.memory_space<vmem_shared>>)
      tpu.yield
    }) : () -> ()
    %add3A_59 = arith.constant 1920 : i32
    %add3A_60 = arith.addi %mul3A_28, %add3A_59 : i32
    "tpu.region"() ({
      %run_scoped3A = tpu.sem_alloc : memref<!tpu.dma_semaphore, #tpu.memory_space<semaphore_mem>>
      %dma_start3A_93 = arith.constant 0 : i32
      %dma_start3A_94 = tpu.memref_slice %arg12[%add3A_60, %dma_start3A_93] : memref<50048x32xf32, #tpu.memory_space<vmem_shared>> -> memref<128x32xf32, #tpu.memory_space<vmem_shared>>
      %dma_start3A_95 = arith.constant 0 : i32
      %dma_start3A_96 = tpu.memref_slice %arg12[%add3A_60, %dma_start3A_95] : memref<50048x32xf32, #tpu.memory_space<vmem_shared>> -> memref<128x32xf32, #tpu.memory_space<vmem_shared>>
      tpu.enqueue_dma source(%arg9 : memref<128x32xf32, #tpu.memory_space<vmem>>) target(%dma_start3A_96 : memref<128x32xf32, #tpu.memory_space<vmem_shared>>) target_semaphore(%run_scoped3A : memref<!tpu.dma_semaphore, #tpu.memory_space<semaphore_mem>>)
      %dma_wait3A_97 = arith.constant 0 : i32
      %dma_wait3A_98 = tpu.memref_slice %arg12[%add3A_60, %dma_wait3A_97] : memref<50048x32xf32, #tpu.memory_space<vmem_shared>> -> memref<128x32xf32, #tpu.memory_space<vmem_shared>>
      %dma_wait3A_99 = arith.constant 0 : i32
      %dma_wait3A_100 = tpu.memref_slice %arg12[%add3A_60, %dma_wait3A_99] : memref<50048x32xf32, #tpu.memory_space<vmem_shared>> -> memref<128x32xf32, #tpu.memory_space<vmem_shared>>
      tpu.wait_dma2 semaphore(%run_scoped3A : memref<!tpu.dma_semaphore, #tpu.memory_space<semaphore_mem>>) src(%arg9 : memref<128x32xf32, #tpu.memory_space<vmem>>) dst(%dma_wait3A_100 : memref<128x32xf32, #tpu.memory_space<vmem_shared>>)
      tpu.yield
    }) : () -> ()
    %add3A_61 = arith.constant 2048 : i32
    %add3A_62 = arith.addi %mul3A_28, %add3A_61 : i32
    "tpu.region"() ({
      %run_scoped3A = tpu.sem_alloc : memref<!tpu.dma_semaphore, #tpu.memory_space<semaphore_mem>>
      %dma_start3A_93 = arith.constant 0 : i32
      %dma_start3A_94 = tpu.memref_slice %arg12[%add3A_62, %dma_start3A_93] : memref<50048x32xf32, #tpu.memory_space<vmem_shared>> -> memref<128x32xf32, #tpu.memory_space<vmem_shared>>
      %dma_start3A_95 = arith.constant 0 : i32
      %dma_start3A_96 = tpu.memref_slice %arg12[%add3A_62, %dma_start3A_95] : memref<50048x32xf32, #tpu.memory_space<vmem_shared>> -> memref<128x32xf32, #tpu.memory_space<vmem_shared>>
      tpu.enqueue_dma source(%arg9 : memref<128x32xf32, #tpu.memory_space<vmem>>) target(%dma_start3A_96 : memref<128x32xf32, #tpu.memory_space<vmem_shared>>) target_semaphore(%run_scoped3A : memref<!tpu.dma_semaphore, #tpu.memory_space<semaphore_mem>>)
      %dma_wait3A_97 = arith.constant 0 : i32
      %dma_wait3A_98 = tpu.memref_slice %arg12[%add3A_62, %dma_wait3A_97] : memref<50048x32xf32, #tpu.memory_space<vmem_shared>> -> memref<128x32xf32, #tpu.memory_space<vmem_shared>>
      %dma_wait3A_99 = arith.constant 0 : i32
      %dma_wait3A_100 = tpu.memref_slice %arg12[%add3A_62, %dma_wait3A_99] : memref<50048x32xf32, #tpu.memory_space<vmem_shared>> -> memref<128x32xf32, #tpu.memory_space<vmem_shared>>
      tpu.wait_dma2 semaphore(%run_scoped3A : memref<!tpu.dma_semaphore, #tpu.memory_space<semaphore_mem>>) src(%arg9 : memref<128x32xf32, #tpu.memory_space<vmem>>) dst(%dma_wait3A_100 : memref<128x32xf32, #tpu.memory_space<vmem_shared>>)
      tpu.yield
    }) : () -> ()
    %add3A_63 = arith.constant 2176 : i32
    %add3A_64 = arith.addi %mul3A_28, %add3A_63 : i32
    "tpu.region"() ({
      %run_scoped3A = tpu.sem_alloc : memref<!tpu.dma_semaphore, #tpu.memory_space<semaphore_mem>>
      %dma_start3A_93 = arith.constant 0 : i32
      %dma_start3A_94 = tpu.memref_slice %arg12[%add3A_64, %dma_start3A_93] : memref<50048x32xf32, #tpu.memory_space<vmem_shared>> -> memref<128x32xf32, #tpu.memory_space<vmem_shared>>
      %dma_start3A_95 = arith.constant 0 : i32
      %dma_start3A_96 = tpu.memref_slice %arg12[%add3A_64, %dma_start3A_95] : memref<50048x32xf32, #tpu.memory_space<vmem_shared>> -> memref<128x32xf32, #tpu.memory_space<vmem_shared>>
      tpu.enqueue_dma source(%arg9 : memref<128x32xf32, #tpu.memory_space<vmem>>) target(%dma_start3A_96 : memref<128x32xf32, #tpu.memory_space<vmem_shared>>) target_semaphore(%run_scoped3A : memref<!tpu.dma_semaphore, #tpu.memory_space<semaphore_mem>>)
      %dma_wait3A_97 = arith.constant 0 : i32
      %dma_wait3A_98 = tpu.memref_slice %arg12[%add3A_64, %dma_wait3A_97] : memref<50048x32xf32, #tpu.memory_space<vmem_shared>> -> memref<128x32xf32, #tpu.memory_space<vmem_shared>>
      %dma_wait3A_99 = arith.constant 0 : i32
      %dma_wait3A_100 = tpu.memref_slice %arg12[%add3A_64, %dma_wait3A_99] : memref<50048x32xf32, #tpu.memory_space<vmem_shared>> -> memref<128x32xf32, #tpu.memory_space<vmem_shared>>
      tpu.wait_dma2 semaphore(%run_scoped3A : memref<!tpu.dma_semaphore, #tpu.memory_space<semaphore_mem>>) src(%arg9 : memref<128x32xf32, #tpu.memory_space<vmem>>) dst(%dma_wait3A_100 : memref<128x32xf32, #tpu.memory_space<vmem_shared>>)
      tpu.yield
    }) : () -> ()
    %add3A_65 = arith.constant 2304 : i32
    %add3A_66 = arith.addi %mul3A_28, %add3A_65 : i32
    "tpu.region"() ({
      %run_scoped3A = tpu.sem_alloc : memref<!tpu.dma_semaphore, #tpu.memory_space<semaphore_mem>>
      %dma_start3A_93 = arith.constant 0 : i32
      %dma_start3A_94 = tpu.memref_slice %arg12[%add3A_66, %dma_start3A_93] : memref<50048x32xf32, #tpu.memory_space<vmem_shared>> -> memref<128x32xf32, #tpu.memory_space<vmem_shared>>
      %dma_start3A_95 = arith.constant 0 : i32
      %dma_start3A_96 = tpu.memref_slice %arg12[%add3A_66, %dma_start3A_95] : memref<50048x32xf32, #tpu.memory_space<vmem_shared>> -> memref<128x32xf32, #tpu.memory_space<vmem_shared>>
      tpu.enqueue_dma source(%arg9 : memref<128x32xf32, #tpu.memory_space<vmem>>) target(%dma_start3A_96 : memref<128x32xf32, #tpu.memory_space<vmem_shared>>) target_semaphore(%run_scoped3A : memref<!tpu.dma_semaphore, #tpu.memory_space<semaphore_mem>>)
      %dma_wait3A_97 = arith.constant 0 : i32
      %dma_wait3A_98 = tpu.memref_slice %arg12[%add3A_66, %dma_wait3A_97] : memref<50048x32xf32, #tpu.memory_space<vmem_shared>> -> memref<128x32xf32, #tpu.memory_space<vmem_shared>>
      %dma_wait3A_99 = arith.constant 0 : i32
      %dma_wait3A_100 = tpu.memref_slice %arg12[%add3A_66, %dma_wait3A_99] : memref<50048x32xf32, #tpu.memory_space<vmem_shared>> -> memref<128x32xf32, #tpu.memory_space<vmem_shared>>
      tpu.wait_dma2 semaphore(%run_scoped3A : memref<!tpu.dma_semaphore, #tpu.memory_space<semaphore_mem>>) src(%arg9 : memref<128x32xf32, #tpu.memory_space<vmem>>) dst(%dma_wait3A_100 : memref<128x32xf32, #tpu.memory_space<vmem_shared>>)
      tpu.yield
    }) : () -> ()
    %add3A_67 = arith.constant 2432 : i32
    %add3A_68 = arith.addi %mul3A_28, %add3A_67 : i32
    "tpu.region"() ({
      %run_scoped3A = tpu.sem_alloc : memref<!tpu.dma_semaphore, #tpu.memory_space<semaphore_mem>>
      %dma_start3A_93 = arith.constant 0 : i32
      %dma_start3A_94 = tpu.memref_slice %arg12[%add3A_68, %dma_start3A_93] : memref<50048x32xf32, #tpu.memory_space<vmem_shared>> -> memref<128x32xf32, #tpu.memory_space<vmem_shared>>
      %dma_start3A_95 = arith.constant 0 : i32
      %dma_start3A_96 = tpu.memref_slice %arg12[%add3A_68, %dma_start3A_95] : memref<50048x32xf32, #tpu.memory_space<vmem_shared>> -> memref<128x32xf32, #tpu.memory_space<vmem_shared>>
      tpu.enqueue_dma source(%arg9 : memref<128x32xf32, #tpu.memory_space<vmem>>) target(%dma_start3A_96 : memref<128x32xf32, #tpu.memory_space<vmem_shared>>) target_semaphore(%run_scoped3A : memref<!tpu.dma_semaphore, #tpu.memory_space<semaphore_mem>>)
      %dma_wait3A_97 = arith.constant 0 : i32
      %dma_wait3A_98 = tpu.memref_slice %arg12[%add3A_68, %dma_wait3A_97] : memref<50048x32xf32, #tpu.memory_space<vmem_shared>> -> memref<128x32xf32, #tpu.memory_space<vmem_shared>>
      %dma_wait3A_99 = arith.constant 0 : i32
      %dma_wait3A_100 = tpu.memref_slice %arg12[%add3A_68, %dma_wait3A_99] : memref<50048x32xf32, #tpu.memory_space<vmem_shared>> -> memref<128x32xf32, #tpu.memory_space<vmem_shared>>
      tpu.wait_dma2 semaphore(%run_scoped3A : memref<!tpu.dma_semaphore, #tpu.memory_space<semaphore_mem>>) src(%arg9 : memref<128x32xf32, #tpu.memory_space<vmem>>) dst(%dma_wait3A_100 : memref<128x32xf32, #tpu.memory_space<vmem_shared>>)
      tpu.yield
    }) : () -> ()
    %add3A_69 = arith.constant 2560 : i32
    %add3A_70 = arith.addi %mul3A_28, %add3A_69 : i32
    "tpu.region"() ({
      %run_scoped3A = tpu.sem_alloc : memref<!tpu.dma_semaphore, #tpu.memory_space<semaphore_mem>>
      %dma_start3A_93 = arith.constant 0 : i32
      %dma_start3A_94 = tpu.memref_slice %arg12[%add3A_70, %dma_start3A_93] : memref<50048x32xf32, #tpu.memory_space<vmem_shared>> -> memref<128x32xf32, #tpu.memory_space<vmem_shared>>
      %dma_start3A_95 = arith.constant 0 : i32
      %dma_start3A_96 = tpu.memref_slice %arg12[%add3A_70, %dma_start3A_95] : memref<50048x32xf32, #tpu.memory_space<vmem_shared>> -> memref<128x32xf32, #tpu.memory_space<vmem_shared>>
      tpu.enqueue_dma source(%arg9 : memref<128x32xf32, #tpu.memory_space<vmem>>) target(%dma_start3A_96 : memref<128x32xf32, #tpu.memory_space<vmem_shared>>) target_semaphore(%run_scoped3A : memref<!tpu.dma_semaphore, #tpu.memory_space<semaphore_mem>>)
      %dma_wait3A_97 = arith.constant 0 : i32
      %dma_wait3A_98 = tpu.memref_slice %arg12[%add3A_70, %dma_wait3A_97] : memref<50048x32xf32, #tpu.memory_space<vmem_shared>> -> memref<128x32xf32, #tpu.memory_space<vmem_shared>>
      %dma_wait3A_99 = arith.constant 0 : i32
      %dma_wait3A_100 = tpu.memref_slice %arg12[%add3A_70, %dma_wait3A_99] : memref<50048x32xf32, #tpu.memory_space<vmem_shared>> -> memref<128x32xf32, #tpu.memory_space<vmem_shared>>
      tpu.wait_dma2 semaphore(%run_scoped3A : memref<!tpu.dma_semaphore, #tpu.memory_space<semaphore_mem>>) src(%arg9 : memref<128x32xf32, #tpu.memory_space<vmem>>) dst(%dma_wait3A_100 : memref<128x32xf32, #tpu.memory_space<vmem_shared>>)
      tpu.yield
    }) : () -> ()
    %add3A_71 = arith.constant 2688 : i32
    %add3A_72 = arith.addi %mul3A_28, %add3A_71 : i32
    "tpu.region"() ({
      %run_scoped3A = tpu.sem_alloc : memref<!tpu.dma_semaphore, #tpu.memory_space<semaphore_mem>>
      %dma_start3A_93 = arith.constant 0 : i32
      %dma_start3A_94 = tpu.memref_slice %arg12[%add3A_72, %dma_start3A_93] : memref<50048x32xf32, #tpu.memory_space<vmem_shared>> -> memref<128x32xf32, #tpu.memory_space<vmem_shared>>
      %dma_start3A_95 = arith.constant 0 : i32
      %dma_start3A_96 = tpu.memref_slice %arg12[%add3A_72, %dma_start3A_95] : memref<50048x32xf32, #tpu.memory_space<vmem_shared>> -> memref<128x32xf32, #tpu.memory_space<vmem_shared>>
      tpu.enqueue_dma source(%arg9 : memref<128x32xf32, #tpu.memory_space<vmem>>) target(%dma_start3A_96 : memref<128x32xf32, #tpu.memory_space<vmem_shared>>) target_semaphore(%run_scoped3A : memref<!tpu.dma_semaphore, #tpu.memory_space<semaphore_mem>>)
      %dma_wait3A_97 = arith.constant 0 : i32
      %dma_wait3A_98 = tpu.memref_slice %arg12[%add3A_72, %dma_wait3A_97] : memref<50048x32xf32, #tpu.memory_space<vmem_shared>> -> memref<128x32xf32, #tpu.memory_space<vmem_shared>>
      %dma_wait3A_99 = arith.constant 0 : i32
      %dma_wait3A_100 = tpu.memref_slice %arg12[%add3A_72, %dma_wait3A_99] : memref<50048x32xf32, #tpu.memory_space<vmem_shared>> -> memref<128x32xf32, #tpu.memory_space<vmem_shared>>
      tpu.wait_dma2 semaphore(%run_scoped3A : memref<!tpu.dma_semaphore, #tpu.memory_space<semaphore_mem>>) src(%arg9 : memref<128x32xf32, #tpu.memory_space<vmem>>) dst(%dma_wait3A_100 : memref<128x32xf32, #tpu.memory_space<vmem_shared>>)
      tpu.yield
    }) : () -> ()
    %add3A_73 = arith.constant 2816 : i32
    %add3A_74 = arith.addi %mul3A_28, %add3A_73 : i32
    "tpu.region"() ({
      %run_scoped3A = tpu.sem_alloc : memref<!tpu.dma_semaphore, #tpu.memory_space<semaphore_mem>>
      %dma_start3A_93 = arith.constant 0 : i32
      %dma_start3A_94 = tpu.memref_slice %arg12[%add3A_74, %dma_start3A_93] : memref<50048x32xf32, #tpu.memory_space<vmem_shared>> -> memref<128x32xf32, #tpu.memory_space<vmem_shared>>
      %dma_start3A_95 = arith.constant 0 : i32
      %dma_start3A_96 = tpu.memref_slice %arg12[%add3A_74, %dma_start3A_95] : memref<50048x32xf32, #tpu.memory_space<vmem_shared>> -> memref<128x32xf32, #tpu.memory_space<vmem_shared>>
      tpu.enqueue_dma source(%arg9 : memref<128x32xf32, #tpu.memory_space<vmem>>) target(%dma_start3A_96 : memref<128x32xf32, #tpu.memory_space<vmem_shared>>) target_semaphore(%run_scoped3A : memref<!tpu.dma_semaphore, #tpu.memory_space<semaphore_mem>>)
      %dma_wait3A_97 = arith.constant 0 : i32
      %dma_wait3A_98 = tpu.memref_slice %arg12[%add3A_74, %dma_wait3A_97] : memref<50048x32xf32, #tpu.memory_space<vmem_shared>> -> memref<128x32xf32, #tpu.memory_space<vmem_shared>>
      %dma_wait3A_99 = arith.constant 0 : i32
      %dma_wait3A_100 = tpu.memref_slice %arg12[%add3A_74, %dma_wait3A_99] : memref<50048x32xf32, #tpu.memory_space<vmem_shared>> -> memref<128x32xf32, #tpu.memory_space<vmem_shared>>
      tpu.wait_dma2 semaphore(%run_scoped3A : memref<!tpu.dma_semaphore, #tpu.memory_space<semaphore_mem>>) src(%arg9 : memref<128x32xf32, #tpu.memory_space<vmem>>) dst(%dma_wait3A_100 : memref<128x32xf32, #tpu.memory_space<vmem_shared>>)
      tpu.yield
    }) : () -> ()
    %add3A_75 = arith.constant 2944 : i32
    %add3A_76 = arith.addi %mul3A_28, %add3A_75 : i32
    "tpu.region"() ({
      %run_scoped3A = tpu.sem_alloc : memref<!tpu.dma_semaphore, #tpu.memory_space<semaphore_mem>>
      %dma_start3A_93 = arith.constant 0 : i32
      %dma_start3A_94 = tpu.memref_slice %arg12[%add3A_76, %dma_start3A_93] : memref<50048x32xf32, #tpu.memory_space<vmem_shared>> -> memref<128x32xf32, #tpu.memory_space<vmem_shared>>
      %dma_start3A_95 = arith.constant 0 : i32
      %dma_start3A_96 = tpu.memref_slice %arg12[%add3A_76, %dma_start3A_95] : memref<50048x32xf32, #tpu.memory_space<vmem_shared>> -> memref<128x32xf32, #tpu.memory_space<vmem_shared>>
      tpu.enqueue_dma source(%arg9 : memref<128x32xf32, #tpu.memory_space<vmem>>) target(%dma_start3A_96 : memref<128x32xf32, #tpu.memory_space<vmem_shared>>) target_semaphore(%run_scoped3A : memref<!tpu.dma_semaphore, #tpu.memory_space<semaphore_mem>>)
      %dma_wait3A_97 = arith.constant 0 : i32
      %dma_wait3A_98 = tpu.memref_slice %arg12[%add3A_76, %dma_wait3A_97] : memref<50048x32xf32, #tpu.memory_space<vmem_shared>> -> memref<128x32xf32, #tpu.memory_space<vmem_shared>>
      %dma_wait3A_99 = arith.constant 0 : i32
      %dma_wait3A_100 = tpu.memref_slice %arg12[%add3A_76, %dma_wait3A_99] : memref<50048x32xf32, #tpu.memory_space<vmem_shared>> -> memref<128x32xf32, #tpu.memory_space<vmem_shared>>
      tpu.wait_dma2 semaphore(%run_scoped3A : memref<!tpu.dma_semaphore, #tpu.memory_space<semaphore_mem>>) src(%arg9 : memref<128x32xf32, #tpu.memory_space<vmem>>) dst(%dma_wait3A_100 : memref<128x32xf32, #tpu.memory_space<vmem_shared>>)
      tpu.yield
    }) : () -> ()
    %add3A_77 = arith.constant 3072 : i32
    %add3A_78 = arith.addi %mul3A_28, %add3A_77 : i32
    "tpu.region"() ({
      %run_scoped3A = tpu.sem_alloc : memref<!tpu.dma_semaphore, #tpu.memory_space<semaphore_mem>>
      %dma_start3A_93 = arith.constant 0 : i32
      %dma_start3A_94 = arith.constant 0 : i32
      %dma_start3A_95 = tpu.memref_slice %arg9[%dma_start3A_93, %dma_start3A_94] : memref<128x32xf32, #tpu.memory_space<vmem>> -> memref<56x32xf32, #tpu.memory_space<vmem>>
      %dma_start3A_96 = arith.constant 0 : i32
      %dma_start3A_97 = tpu.memref_slice %arg12[%add3A_78, %dma_start3A_96] : memref<50048x32xf32, #tpu.memory_space<vmem_shared>> -> memref<56x32xf32, #tpu.memory_space<vmem_shared>>
      %dma_start3A_98 = arith.constant 0 : i32
      %dma_start3A_99 = tpu.memref_slice %arg12[%add3A_78, %dma_start3A_98] : memref<50048x32xf32, #tpu.memory_space<vmem_shared>> -> memref<56x32xf32, #tpu.memory_space<vmem_shared>>
      %dma_start3A_100 = arith.constant 0 : i32
      %dma_start3A_101 = arith.constant 0 : i32
      %dma_start3A_102 = tpu.memref_slice %arg9[%dma_start3A_100, %dma_start3A_101] : memref<128x32xf32, #tpu.memory_space<vmem>> -> memref<56x32xf32, #tpu.memory_space<vmem>>
      tpu.enqueue_dma source(%dma_start3A_102 : memref<56x32xf32, #tpu.memory_space<vmem>>) target(%dma_start3A_99 : memref<56x32xf32, #tpu.memory_space<vmem_shared>>) target_semaphore(%run_scoped3A : memref<!tpu.dma_semaphore, #tpu.memory_space<semaphore_mem>>)
      %dma_wait3A_103 = arith.constant 0 : i32
      %dma_wait3A_104 = arith.constant 0 : i32
      %dma_wait3A_105 = tpu.memref_slice %arg9[%dma_wait3A_103, %dma_wait3A_104] : memref<128x32xf32, #tpu.memory_space<vmem>> -> memref<56x32xf32, #tpu.memory_space<vmem>>
      %dma_wait3A_106 = arith.constant 0 : i32
      %dma_wait3A_107 = tpu.memref_slice %arg12[%add3A_78, %dma_wait3A_106] : memref<50048x32xf32, #tpu.memory_space<vmem_shared>> -> memref<56x32xf32, #tpu.memory_space<vmem_shared>>
      %dma_wait3A_108 = arith.constant 0 : i32
      %dma_wait3A_109 = tpu.memref_slice %arg12[%add3A_78, %dma_wait3A_108] : memref<50048x32xf32, #tpu.memory_space<vmem_shared>> -> memref<56x32xf32, #tpu.memory_space<vmem_shared>>
      %dma_wait3A_110 = arith.constant 0 : i32
      %dma_wait3A_111 = arith.constant 0 : i32
      %dma_wait3A_112 = tpu.memref_slice %arg9[%dma_wait3A_110, %dma_wait3A_111] : memref<128x32xf32, #tpu.memory_space<vmem>> -> memref<56x32xf32, #tpu.memory_space<vmem>>
      tpu.wait_dma2 semaphore(%run_scoped3A : memref<!tpu.dma_semaphore, #tpu.memory_space<semaphore_mem>>) src(%dma_wait3A_112 : memref<56x32xf32, #tpu.memory_space<vmem>>) dst(%dma_wait3A_109 : memref<56x32xf32, #tpu.memory_space<vmem_shared>>)
      tpu.yield
    }) : () -> ()
    %barrier3A = arith.constant 0 : index
    tpu.barrier barrier_id(%barrier3A)
    %scan3A_79 = arith.constant 0 : i32
    %scan3A_80 = arith.constant 0 : i32
    %scan3A_81 = arith.constant 200 : i32
    %scan3A_82 = arith.addi %scan3A_80, %scan3A_81 : i32
    %scan3A_83 = arith.constant 1 : i32
    %scan3A_84 = scf.for %scan3A_93 = %scan3A_80 to %scan3A_82 step %scan3A_83 iter_args(%scan3A_94 = %scan3A_79) -> (i32)  : i32 {
      %mul3A_95 = arith.constant 2 : i32
      %mul3A_96 = arith.muli %mul3A_95, %scan3A_93 : i32
      %gt3A = arith.constant 0 : i32
      %gt3A_97 = arith.cmpi sgt, %scan3A_93, %gt3A : i32
      %convert_element_type3A = arith.extui %gt3A_97 : i1 to i32
      %cond3A = arith.constant 0 : i32
      %cond3A_98 = arith.cmpi ne, %convert_element_type3A, %cond3A : i32
      scf.if %cond3A_98 {
        %dma_wait3A_197 = arith.constant 1 : i32
        %dma_wait3A_198 = arith.constant 0 : i32
        %dma_wait3A_199 = tpu.memref_slice %arg7[%dma_wait3A_197, %dma_wait3A_198] : memref<2x128xi32, #tpu.memory_space<vmem>> -> memref<1x128xi32, #tpu.memory_space<vmem>>
        %dma_wait3A_200 = tpu.memref_squeeze %dma_wait3A_199 : memref<1x128xi32, #tpu.memory_space<vmem>> -> memref<128xi32, #tpu.memory_space<vmem>>
        %dma_wait3A_201 = arith.constant 0 : i32
        %dma_wait3A_202 = arith.constant 0 : i32
        %dma_wait3A_203 = tpu.memref_slice %arg12[%dma_wait3A_201, %dma_wait3A_202] : memref<50048x32xf32, #tpu.memory_space<vmem_shared>> -> memref<50048x32xf32, #tpu.memory_space<vmem_shared>>
        tpu.wait_indirect_dma semaphore(%arg18 : memref<!tpu.dma_semaphore, #tpu.memory_space<semaphore_mem>>) src(%arg9 : memref<128x32xf32, #tpu.memory_space<vmem>>) dst(%dma_wait3A_203 : memref<50048x32xf32, #tpu.memory_space<vmem_shared>>)
      } else {
      }
      %add3A_99 = arith.constant 1 : i32
      %add3A_100 = arith.addi %mul3A_96, %add3A_99 : i32
      %mul3A_101 = arith.constant 2 : i32
      %mul3A_102 = arith.muli %mul3A_101, %add3A_100 : i32
      %add3A_103 = arith.addi %mul3A_4, %mul3A_102 : i32
      "tpu.region"() ({
        %run_scoped3A = tpu.sem_alloc : memref<!tpu.dma_semaphore, #tpu.memory_space<semaphore_mem>>
        %dma_start3A_197 = arith.constant 0 : i32
        %dma_start3A_198 = tpu.memref_slice %arg4[%add3A_103, %dma_start3A_197] : memref<25600x128xi32, #tpu.memory_space<hbm>> -> memref<2x128xi32, #tpu.memory_space<hbm>>
        %dma_start3A_199 = arith.constant 0 : i32
        %dma_start3A_200 = tpu.memref_slice %arg4[%add3A_103, %dma_start3A_199] : memref<25600x128xi32, #tpu.memory_space<hbm>> -> memref<2x128xi32, #tpu.memory_space<hbm>>
        tpu.enqueue_dma source(%dma_start3A_200 : memref<2x128xi32, #tpu.memory_space<hbm>>) target(%arg7 : memref<2x128xi32, #tpu.memory_space<vmem>>) target_semaphore(%run_scoped3A : memref<!tpu.dma_semaphore, #tpu.memory_space<semaphore_mem>>)
        %dma_wait3A_201 = arith.constant 0 : i32
        %dma_wait3A_202 = tpu.memref_slice %arg4[%add3A_103, %dma_wait3A_201] : memref<25600x128xi32, #tpu.memory_space<hbm>> -> memref<2x128xi32, #tpu.memory_space<hbm>>
        %dma_wait3A_203 = arith.constant 0 : i32
        %dma_wait3A_204 = tpu.memref_slice %arg4[%add3A_103, %dma_wait3A_203] : memref<25600x128xi32, #tpu.memory_space<hbm>> -> memref<2x128xi32, #tpu.memory_space<hbm>>
        tpu.wait_dma2 semaphore(%run_scoped3A : memref<!tpu.dma_semaphore, #tpu.memory_space<semaphore_mem>>) src(%dma_wait3A_204 : memref<2x128xi32, #tpu.memory_space<hbm>>) dst(%arg7 : memref<2x128xi32, #tpu.memory_space<vmem>>)
        tpu.yield
      }) : () -> ()
      %add3A_104 = arith.constant 1 : i32
      %add3A_105 = arith.addi %mul3A_96, %add3A_104 : i32
      %mul3A_106 = arith.constant 64 : i32
      %mul3A_107 = arith.muli %add3A_105, %mul3A_106 : i32
      %add3A_108 = arith.addi %mul3A_6, %mul3A_107 : i32
      %dma_start3A_109 = arith.constant 0 : i32
      %dma_start3A_110 = tpu.memref_slice %arg3[%add3A_108, %dma_start3A_109] : memref<409600x128xf32, #tpu.memory_space<hbm>> -> memref<64x128xf32, #tpu.memory_space<hbm>>
      %dma_start3A_111 = arith.constant 0 : i32
      %dma_start3A_112 = tpu.memref_slice %arg3[%add3A_108, %dma_start3A_111] : memref<409600x128xf32, #tpu.memory_space<hbm>> -> memref<64x128xf32, #tpu.memory_space<hbm>>
      tpu.enqueue_dma source(%dma_start3A_112 : memref<64x128xf32, #tpu.memory_space<hbm>>) target(%arg11 : memref<64x128xf32, #tpu.memory_space<vmem>>) target_semaphore(%arg16 : memref<!tpu.dma_semaphore, #tpu.memory_space<semaphore_mem>>)
      %dma_start3A_113 = arith.constant 0 : i32
      %dma_start3A_114 = arith.constant 0 : i32
      %dma_start3A_115 = tpu.memref_slice %arg7[%dma_start3A_113, %dma_start3A_114] : memref<2x128xi32, #tpu.memory_space<vmem>> -> memref<1x128xi32, #tpu.memory_space<vmem>>
      %dma_start3A_116 = tpu.memref_squeeze %dma_start3A_115 : memref<1x128xi32, #tpu.memory_space<vmem>> -> memref<128xi32, #tpu.memory_space<vmem>>
      %dma_start3A_117 = arith.constant 0 : i32
      %dma_start3A_118 = arith.constant 0 : i32
      %dma_start3A_119 = tpu.memref_slice %arg2[%dma_start3A_117, %dma_start3A_118] : memref<100000x32xf32, #tpu.memory_space<hbm>> -> memref<100000x32xf32, #tpu.memory_space<hbm>>
      tpu.enqueue_indirect_dma source(%dma_start3A_119 : memref<100000x32xf32, #tpu.memory_space<hbm>>) target(%arg9 : memref<128x32xf32, #tpu.memory_space<vmem>>) offsets(%dma_start3A_116 : memref<128xi32, #tpu.memory_space<vmem>>) semaphore(%arg14 : memref<!tpu.dma_semaphore, #tpu.memory_space<semaphore_mem>>)
      %mul3A_120 = arith.constant 64 : i32
      %mul3A_121 = arith.muli %mul3A_96, %mul3A_120 : i32
      %add3A_122 = arith.addi %mul3A_6, %mul3A_121 : i32
      %dma_wait3A_123 = arith.constant 0 : i32
      %dma_wait3A_124 = tpu.memref_slice %arg3[%add3A_122, %dma_wait3A_123] : memref<409600x128xf32, #tpu.memory_space<hbm>> -> memref<64x128xf32, #tpu.memory_space<hbm>>
      %dma_wait3A_125 = arith.constant 0 : i32
      %dma_wait3A_126 = tpu.memref_slice %arg3[%add3A_122, %dma_wait3A_125] : memref<409600x128xf32, #tpu.memory_space<hbm>> -> memref<64x128xf32, #tpu.memory_space<hbm>>
      tpu.wait_dma2 semaphore(%arg15 : memref<!tpu.dma_semaphore, #tpu.memory_space<semaphore_mem>>) src(%dma_wait3A_126 : memref<64x128xf32, #tpu.memory_space<hbm>>) dst(%arg10 : memref<64x128xf32, #tpu.memory_space<vmem>>)
      %dma_wait3A_127 = arith.constant 0 : i32
      %dma_wait3A_128 = arith.constant 0 : i32
      %dma_wait3A_129 = tpu.memref_slice %arg6[%dma_wait3A_127, %dma_wait3A_128] : memref<2x128xi32, #tpu.memory_space<vmem>> -> memref<1x128xi32, #tpu.memory_space<vmem>>
      %dma_wait3A_130 = tpu.memref_squeeze %dma_wait3A_129 : memref<1x128xi32, #tpu.memory_space<vmem>> -> memref<128xi32, #tpu.memory_space<vmem>>
      %dma_wait3A_131 = arith.constant 0 : i32
      %dma_wait3A_132 = arith.constant 0 : i32
      %dma_wait3A_133 = tpu.memref_slice %arg2[%dma_wait3A_131, %dma_wait3A_132] : memref<100000x32xf32, #tpu.memory_space<hbm>> -> memref<100000x32xf32, #tpu.memory_space<hbm>>
      tpu.wait_indirect_dma semaphore(%arg13 : memref<!tpu.dma_semaphore, #tpu.memory_space<semaphore_mem>>) src(%dma_wait3A_133 : memref<100000x32xf32, #tpu.memory_space<hbm>>) dst(%arg8 : memref<128x32xf32, #tpu.memory_space<vmem>>)
      %eq3A = arith.constant 0 : i32
      %eq3A_134 = arith.cmpi eq, %arg0, %eq3A : i32
      %convert_element_type3A_135 = arith.extui %eq3A_134 : i1 to i32
      %cond3A_136 = arith.constant 0 : i32
      %cond3A_137 = arith.cmpi ne, %convert_element_type3A_135, %cond3A_136 : i32
      scf.if %cond3A_137 {
        %scan3A_197 = arith.constant 0 : i32
        %scan3A_198 = arith.constant 0 : i32
        %scan3A_199 = arith.constant 64 : i32
        %scan3A_200 = arith.addi %scan3A_198, %scan3A_199 : i32
        %scan3A_201 = arith.constant 1 : i32
        %scan3A_202 = scf.for %scan3A_204 = %scan3A_198 to %scan3A_200 step %scan3A_201 iter_args(%scan3A_205 = %scan3A_197) -> (i32)  : i32 {
          %mul3A_206 = arith.constant 2 : i32
          %mul3A_207 = arith.muli %mul3A_206, %scan3A_204 : i32
          %get3A = arith.index_cast %mul3A_207 : i32 to index
          %get3A_208 = arith.constant 0 : index
          %get3A_209 = tpu.vector_load %arg8[%get3A, %get3A_208] {strides = array<i32>} : memref<128x32xf32, #tpu.memory_space<vmem>>, vector<1x16xf32>,
          %get3A_210 = vector.shape_cast %get3A_209 : vector<1x16xf32> to vector<16xf32>
          %get3A_211 = arith.index_cast %scan3A_204 : i32 to index
          %get3A_212 = arith.constant 0 : index
          %get3A_213 = tpu.vector_load %arg10[%get3A_211, %get3A_212] {strides = array<i32>} : memref<64x128xf32, #tpu.memory_space<vmem>>, vector<1x16xf32>,
          %get3A_214 = vector.shape_cast %get3A_213 : vector<1x16xf32> to vector<16xf32>
          %mul3A_215 = arith.mulf %get3A_210, %get3A_214 : vector<16xf32>
          %swap3A = arith.index_cast %mul3A_207 : i32 to index
          %swap3A_216 = arith.constant 0 : index
          %swap3A_217 = tpu.vector_load %arg8[%swap3A, %swap3A_216] {strides = array<i32>} : memref<128x32xf32, #tpu.memory_space<vmem>>, vector<1x16xf32>,
          %swap3A_218 = vector.shape_cast %swap3A_217 : vector<1x16xf32> to vector<16xf32>
          %swap3A_219 = vector.shape_cast %mul3A_215 : vector<16xf32> to vector<1x16xf32>
          tpu.vector_store %arg8[%swap3A, %swap3A_216], %swap3A_219 {strides = array<i32>} : memref<128x32xf32, #tpu.memory_space<vmem>>, vector<1x16xf32>,
          %get3A_220 = arith.index_cast %mul3A_207 : i32 to index
          %get3A_221 = arith.constant 16 : index
          %get3A_222 = tpu.vector_load %arg8[%get3A_220, %get3A_221] {strides = array<i32>} : memref<128x32xf32, #tpu.memory_space<vmem>>, vector<1x16xf32>,
          %get3A_223 = vector.shape_cast %get3A_222 : vector<1x16xf32> to vector<16xf32>
          %get3A_224 = arith.index_cast %scan3A_204 : i32 to index
          %get3A_225 = arith.constant 16 : index
          %get3A_226 = tpu.vector_load %arg10[%get3A_224, %get3A_225] {strides = array<i32>} : memref<64x128xf32, #tpu.memory_space<vmem>>, vector<1x16xf32>,
          %get3A_227 = vector.shape_cast %get3A_226 : vector<1x16xf32> to vector<16xf32>
          %mul3A_228 = arith.mulf %get3A_223, %get3A_227 : vector<16xf32>
          %swap3A_229 = arith.index_cast %mul3A_207 : i32 to index
          %swap3A_230 = arith.constant 16 : index
          %swap3A_231 = tpu.vector_load %arg8[%swap3A_229, %swap3A_230] {strides = array<i32>} : memref<128x32xf32, #tpu.memory_space<vmem>>, vector<1x16xf32>,
          %swap3A_232 = vector.shape_cast %swap3A_231 : vector<1x16xf32> to vector<16xf32>
          %swap3A_233 = vector.shape_cast %mul3A_228 : vector<16xf32> to vector<1x16xf32>
          tpu.vector_store %arg8[%swap3A_229, %swap3A_230], %swap3A_233 {strides = array<i32>} : memref<128x32xf32, #tpu.memory_space<vmem>>, vector<1x16xf32>,
          %add3A_234 = arith.constant 1 : i32
          %add3A_235 = arith.addi %mul3A_207, %add3A_234 : i32
          %get3A_236 = arith.index_cast %add3A_235 : i32 to index
          %get3A_237 = arith.constant 0 : index
          %get3A_238 = tpu.vector_load %arg8[%get3A_236, %get3A_237] {strides = array<i32>} : memref<128x32xf32, #tpu.memory_space<vmem>>, vector<1x16xf32>,
          %get3A_239 = vector.shape_cast %get3A_238 : vector<1x16xf32> to vector<16xf32>
          %get3A_240 = arith.index_cast %scan3A_204 : i32 to index
          %get3A_241 = arith.constant 64 : index
          %get3A_242 = tpu.vector_load %arg10[%get3A_240, %get3A_241] {strides = array<i32>} : memref<64x128xf32, #tpu.memory_space<vmem>>, vector<1x16xf32>,
          %get3A_243 = vector.shape_cast %get3A_242 : vector<1x16xf32> to vector<16xf32>
          %mul3A_244 = arith.mulf %get3A_239, %get3A_243 : vector<16xf32>
          %add3A_245 = arith.constant 1 : i32
          %add3A_246 = arith.addi %mul3A_207, %add3A_245 : i32
          %swap3A_247 = arith.index_cast %add3A_246 : i32 to index
          %swap3A_248 = arith.constant 0 : index
          %swap3A_249 = tpu.vector_load %arg8[%swap3A_247, %swap3A_248] {strides = array<i32>} : memref<128x32xf32, #tpu.memory_space<vmem>>, vector<1x16xf32>,
          %swap3A_250 = vector.shape_cast %swap3A_249 : vector<1x16xf32> to vector<16xf32>
          %swap3A_251 = vector.shape_cast %mul3A_244 : vector<16xf32> to vector<1x16xf32>
          tpu.vector_store %arg8[%swap3A_247, %swap3A_248], %swap3A_251 {strides = array<i32>} : memref<128x32xf32, #tpu.memory_space<vmem>>, vector<1x16xf32>,
          %add3A_252 = arith.constant 1 : i32
          %add3A_253 = arith.addi %mul3A_207, %add3A_252 : i32
          %get3A_254 = arith.index_cast %add3A_253 : i32 to index
          %get3A_255 = arith.constant 16 : index
          %get3A_256 = tpu.vector_load %arg8[%get3A_254, %get3A_255] {strides = array<i32>} : memref<128x32xf32, #tpu.memory_space<vmem>>, vector<1x16xf32>,
          %get3A_257 = vector.shape_cast %get3A_256 : vector<1x16xf32> to vector<16xf32>
          %get3A_258 = arith.index_cast %scan3A_204 : i32 to index
          %get3A_259 = arith.constant 80 : index
          %get3A_260 = tpu.vector_load %arg10[%get3A_258, %get3A_259] {strides = array<i32>} : memref<64x128xf32, #tpu.memory_space<vmem>>, vector<1x16xf32>,
          %get3A_261 = vector.shape_cast %get3A_260 : vector<1x16xf32> to vector<16xf32>
          %mul3A_262 = arith.mulf %get3A_257, %get3A_261 : vector<16xf32>
          %add3A_263 = arith.constant 1 : i32
          %add3A_264 = arith.addi %mul3A_207, %add3A_263 : i32
          %swap3A_265 = arith.index_cast %add3A_264 : i32 to index
          %swap3A_266 = arith.constant 16 : index
          %swap3A_267 = tpu.vector_load %arg8[%swap3A_265, %swap3A_266] {strides = array<i32>} : memref<128x32xf32, #tpu.memory_space<vmem>>, vector<1x16xf32>,
          %swap3A_268 = vector.shape_cast %swap3A_267 : vector<1x16xf32> to vector<16xf32>
          %swap3A_269 = vector.shape_cast %mul3A_262 : vector<16xf32> to vector<1x16xf32>
          tpu.vector_store %arg8[%swap3A_265, %swap3A_266], %swap3A_269 {strides = array<i32>} : memref<128x32xf32, #tpu.memory_space<vmem>>, vector<1x16xf32>,
          %scan3A_270 = arith.constant 0 : i32
          scf.yield %scan3A_270 : i32
        }
        %scan3A_203 = arith.constant 64 : i32
      } else {
      }
      %eq3A_138 = arith.constant 1 : i32
      %eq3A_139 = arith.cmpi eq, %arg0, %eq3A_138 : i32
      %convert_element_type3A_140 = arith.extui %eq3A_139 : i1 to i32
      %cond3A_141 = arith.constant 0 : i32
      %cond3A_142 = arith.cmpi ne, %convert_element_type3A_140, %cond3A_141 : i32
      scf.if %cond3A_142 {
        %scan3A_197 = arith.constant 0 : i32
        %scan3A_198 = arith.constant 0 : i32
        %scan3A_199 = arith.constant 64 : i32
        %scan3A_200 = arith.addi %scan3A_198, %scan3A_199 : i32
        %scan3A_201 = arith.constant 1 : i32
        %scan3A_202 = scf.for %scan3A_204 = %scan3A_198 to %scan3A_200 step %scan3A_201 iter_args(%scan3A_205 = %scan3A_197) -> (i32)  : i32 {
          %mul3A_206 = arith.constant 2 : i32
          %mul3A_207 = arith.muli %mul3A_206, %scan3A_204 : i32
          %get3A = arith.index_cast %mul3A_207 : i32 to index
          %get3A_208 = arith.constant 0 : index
          %get3A_209 = tpu.vector_load %arg8[%get3A, %get3A_208] {strides = array<i32>} : memref<128x32xf32, #tpu.memory_space<vmem>>, vector<1x16xf32>,
          %get3A_210 = vector.shape_cast %get3A_209 : vector<1x16xf32> to vector<16xf32>
          %get3A_211 = arith.index_cast %scan3A_204 : i32 to index
          %get3A_212 = arith.constant 32 : index
          %get3A_213 = tpu.vector_load %arg10[%get3A_211, %get3A_212] {strides = array<i32>} : memref<64x128xf32, #tpu.memory_space<vmem>>, vector<1x16xf32>,
          %get3A_214 = vector.shape_cast %get3A_213 : vector<1x16xf32> to vector<16xf32>
          %mul3A_215 = arith.mulf %get3A_210, %get3A_214 : vector<16xf32>
          %swap3A = arith.index_cast %mul3A_207 : i32 to index
          %swap3A_216 = arith.constant 0 : index
          %swap3A_217 = tpu.vector_load %arg8[%swap3A, %swap3A_216] {strides = array<i32>} : memref<128x32xf32, #tpu.memory_space<vmem>>, vector<1x16xf32>,
          %swap3A_218 = vector.shape_cast %swap3A_217 : vector<1x16xf32> to vector<16xf32>
          %swap3A_219 = vector.shape_cast %mul3A_215 : vector<16xf32> to vector<1x16xf32>
          tpu.vector_store %arg8[%swap3A, %swap3A_216], %swap3A_219 {strides = array<i32>} : memref<128x32xf32, #tpu.memory_space<vmem>>, vector<1x16xf32>,
          %get3A_220 = arith.index_cast %mul3A_207 : i32 to index
          %get3A_221 = arith.constant 16 : index
          %get3A_222 = tpu.vector_load %arg8[%get3A_220, %get3A_221] {strides = array<i32>} : memref<128x32xf32, #tpu.memory_space<vmem>>, vector<1x16xf32>,
          %get3A_223 = vector.shape_cast %get3A_222 : vector<1x16xf32> to vector<16xf32>
          %get3A_224 = arith.index_cast %scan3A_204 : i32 to index
          %get3A_225 = arith.constant 48 : index
          %get3A_226 = tpu.vector_load %arg10[%get3A_224, %get3A_225] {strides = array<i32>} : memref<64x128xf32, #tpu.memory_space<vmem>>, vector<1x16xf32>,
          %get3A_227 = vector.shape_cast %get3A_226 : vector<1x16xf32> to vector<16xf32>
          %mul3A_228 = arith.mulf %get3A_223, %get3A_227 : vector<16xf32>
          %swap3A_229 = arith.index_cast %mul3A_207 : i32 to index
          %swap3A_230 = arith.constant 16 : index
          %swap3A_231 = tpu.vector_load %arg8[%swap3A_229, %swap3A_230] {strides = array<i32>} : memref<128x32xf32, #tpu.memory_space<vmem>>, vector<1x16xf32>,
          %swap3A_232 = vector.shape_cast %swap3A_231 : vector<1x16xf32> to vector<16xf32>
          %swap3A_233 = vector.shape_cast %mul3A_228 : vector<16xf32> to vector<1x16xf32>
          tpu.vector_store %arg8[%swap3A_229, %swap3A_230], %swap3A_233 {strides = array<i32>} : memref<128x32xf32, #tpu.memory_space<vmem>>, vector<1x16xf32>,
          %add3A_234 = arith.constant 1 : i32
          %add3A_235 = arith.addi %mul3A_207, %add3A_234 : i32
          %get3A_236 = arith.index_cast %add3A_235 : i32 to index
          %get3A_237 = arith.constant 0 : index
          %get3A_238 = tpu.vector_load %arg8[%get3A_236, %get3A_237] {strides = array<i32>} : memref<128x32xf32, #tpu.memory_space<vmem>>, vector<1x16xf32>,
          %get3A_239 = vector.shape_cast %get3A_238 : vector<1x16xf32> to vector<16xf32>
          %get3A_240 = arith.index_cast %scan3A_204 : i32 to index
          %get3A_241 = arith.constant 96 : index
          %get3A_242 = tpu.vector_load %arg10[%get3A_240, %get3A_241] {strides = array<i32>} : memref<64x128xf32, #tpu.memory_space<vmem>>, vector<1x16xf32>,
          %get3A_243 = vector.shape_cast %get3A_242 : vector<1x16xf32> to vector<16xf32>
          %mul3A_244 = arith.mulf %get3A_239, %get3A_243 : vector<16xf32>
          %add3A_245 = arith.constant 1 : i32
          %add3A_246 = arith.addi %mul3A_207, %add3A_245 : i32
          %swap3A_247 = arith.index_cast %add3A_246 : i32 to index
          %swap3A_248 = arith.constant 0 : index
          %swap3A_249 = tpu.vector_load %arg8[%swap3A_247, %swap3A_248] {strides = array<i32>} : memref<128x32xf32, #tpu.memory_space<vmem>>, vector<1x16xf32>,
          %swap3A_250 = vector.shape_cast %swap3A_249 : vector<1x16xf32> to vector<16xf32>
          %swap3A_251 = vector.shape_cast %mul3A_244 : vector<16xf32> to vector<1x16xf32>
          tpu.vector_store %arg8[%swap3A_247, %swap3A_248], %swap3A_251 {strides = array<i32>} : memref<128x32xf32, #tpu.memory_space<vmem>>, vector<1x16xf32>,
          %add3A_252 = arith.constant 1 : i32
          %add3A_253 = arith.addi %mul3A_207, %add3A_252 : i32
          %get3A_254 = arith.index_cast %add3A_253 : i32 to index
          %get3A_255 = arith.constant 16 : index
          %get3A_256 = tpu.vector_load %arg8[%get3A_254, %get3A_255] {strides = array<i32>} : memref<128x32xf32, #tpu.memory_space<vmem>>, vector<1x16xf32>,
          %get3A_257 = vector.shape_cast %get3A_256 : vector<1x16xf32> to vector<16xf32>
          %get3A_258 = arith.index_cast %scan3A_204 : i32 to index
          %get3A_259 = arith.constant 112 : index
          %get3A_260 = tpu.vector_load %arg10[%get3A_258, %get3A_259] {strides = array<i32>} : memref<64x128xf32, #tpu.memory_space<vmem>>, vector<1x16xf32>,
          %get3A_261 = vector.shape_cast %get3A_260 : vector<1x16xf32> to vector<16xf32>
          %mul3A_262 = arith.mulf %get3A_257, %get3A_261 : vector<16xf32>
          %add3A_263 = arith.constant 1 : i32
          %add3A_264 = arith.addi %mul3A_207, %add3A_263 : i32
          %swap3A_265 = arith.index_cast %add3A_264 : i32 to index
          %swap3A_266 = arith.constant 16 : index
          %swap3A_267 = tpu.vector_load %arg8[%swap3A_265, %swap3A_266] {strides = array<i32>} : memref<128x32xf32, #tpu.memory_space<vmem>>, vector<1x16xf32>,
          %swap3A_268 = vector.shape_cast %swap3A_267 : vector<1x16xf32> to vector<16xf32>
          %swap3A_269 = vector.shape_cast %mul3A_262 : vector<16xf32> to vector<1x16xf32>
          tpu.vector_store %arg8[%swap3A_265, %swap3A_266], %swap3A_269 {strides = array<i32>} : memref<128x32xf32, #tpu.memory_space<vmem>>, vector<1x16xf32>,
          %scan3A_270 = arith.constant 0 : i32
          scf.yield %scan3A_270 : i32
        }
        %scan3A_203 = arith.constant 64 : i32
      } else {
      }
      %dma_start3A_143 = arith.constant 1 : i32
      %dma_start3A_144 = arith.constant 0 : i32
      %dma_start3A_145 = tpu.memref_slice %arg6[%dma_start3A_143, %dma_start3A_144] : memref<2x128xi32, #tpu.memory_space<vmem>> -> memref<1x128xi32, #tpu.memory_space<vmem>>
      %dma_start3A_146 = tpu.memref_squeeze %dma_start3A_145 : memref<1x128xi32, #tpu.memory_space<vmem>> -> memref<128xi32, #tpu.memory_space<vmem>>
      %dma_start3A_147 = arith.constant 0 : i32
      %dma_start3A_148 = arith.constant 0 : i32
      %dma_start3A_149 = tpu.memref_slice %arg12[%dma_start3A_147, %dma_start3A_148] : memref<50048x32xf32, #tpu.memory_space<vmem_shared>> -> memref<50048x32xf32, #tpu.memory_space<vmem_shared>>
      tpu.enqueue_indirect_dma source(%arg8 : memref<128x32xf32, #tpu.memory_space<vmem>>) target(%dma_start3A_149 : memref<50048x32xf32, #tpu.memory_space<vmem_shared>>) offsets(%dma_start3A_146 : memref<128xi32, #tpu.memory_space<vmem>>) semaphore(%arg17 : memref<!tpu.dma_semaphore, #tpu.memory_space<semaphore_mem>>) {add = true}
      %dma_wait3A_150 = arith.constant 1 : i32
      %dma_wait3A_151 = arith.constant 0 : i32
      %dma_wait3A_152 = tpu.memref_slice %arg6[%dma_wait3A_150, %dma_wait3A_151] : memref<2x128xi32, #tpu.memory_space<vmem>> -> memref<1x128xi32, #tpu.memory_space<vmem>>
      %dma_wait3A_153 = tpu.memref_squeeze %dma_wait3A_152 : memref<1x128xi32, #tpu.memory_space<vmem>> -> memref<128xi32, #tpu.memory_space<vmem>>
      %dma_wait3A_154 = arith.constant 0 : i32
      %dma_wait3A_155 = arith.constant 0 : i32
      %dma_wait3A_156 = tpu.memref_slice %arg12[%dma_wait3A_154, %dma_wait3A_155] : memref<50048x32xf32, #tpu.memory_space<vmem_shared>> -> memref<50048x32xf32, #tpu.memory_space<vmem_shared>>
      tpu.wait_indirect_dma semaphore(%arg17 : memref<!tpu.dma_semaphore, #tpu.memory_space<semaphore_mem>>) src(%arg8 : memref<128x32xf32, #tpu.memory_space<vmem>>) dst(%dma_wait3A_156 : memref<50048x32xf32, #tpu.memory_space<vmem_shared>>)
      %add3A_157 = arith.constant 1 : i32
      %add3A_158 = arith.addi %scan3A_93, %add3A_157 : i32
      %lt3A = arith.constant 200 : i32
      %lt3A_159 = arith.cmpi slt, %add3A_158, %lt3A : i32
      %convert_element_type3A_160 = arith.extui %lt3A_159 : i1 to i32
      %cond3A_161 = arith.constant 0 : i32
      %cond3A_162 = arith.cmpi ne, %convert_element_type3A_160, %cond3A_161 : i32
      scf.if %cond3A_162 {
        %add3A_197 = arith.constant 2 : i32
        %add3A_198 = arith.addi %mul3A_96, %add3A_197 : i32
        %mul3A_199 = arith.constant 2 : i32
        %mul3A_200 = arith.muli %mul3A_199, %add3A_198 : i32
        %add3A_201 = arith.addi %mul3A_4, %mul3A_200 : i32
        "tpu.region"() ({
          %run_scoped3A = tpu.sem_alloc : memref<!tpu.dma_semaphore, #tpu.memory_space<semaphore_mem>>
          %dma_start3A_218 = arith.constant 0 : i32
          %dma_start3A_219 = tpu.memref_slice %arg4[%add3A_201, %dma_start3A_218] : memref<25600x128xi32, #tpu.memory_space<hbm>> -> memref<2x128xi32, #tpu.memory_space<hbm>>
          %dma_start3A_220 = arith.constant 0 : i32
          %dma_start3A_221 = tpu.memref_slice %arg4[%add3A_201, %dma_start3A_220] : memref<25600x128xi32, #tpu.memory_space<hbm>> -> memref<2x128xi32, #tpu.memory_space<hbm>>
          tpu.enqueue_dma source(%dma_start3A_221 : memref<2x128xi32, #tpu.memory_space<hbm>>) target(%arg6 : memref<2x128xi32, #tpu.memory_space<vmem>>) target_semaphore(%run_scoped3A : memref<!tpu.dma_semaphore, #tpu.memory_space<semaphore_mem>>)
          %dma_wait3A_222 = arith.constant 0 : i32
          %dma_wait3A_223 = tpu.memref_slice %arg4[%add3A_201, %dma_wait3A_222] : memref<25600x128xi32, #tpu.memory_space<hbm>> -> memref<2x128xi32, #tpu.memory_space<hbm>>
          %dma_wait3A_224 = arith.constant 0 : i32
          %dma_wait3A_225 = tpu.memref_slice %arg4[%add3A_201, %dma_wait3A_224] : memref<25600x128xi32, #tpu.memory_space<hbm>> -> memref<2x128xi32, #tpu.memory_space<hbm>>
          tpu.wait_dma2 semaphore(%run_scoped3A : memref<!tpu.dma_semaphore, #tpu.memory_space<semaphore_mem>>) src(%dma_wait3A_225 : memref<2x128xi32, #tpu.memory_space<hbm>>) dst(%arg6 : memref<2x128xi32, #tpu.memory_space<vmem>>)
          tpu.yield
        }) : () -> ()
        %add3A_202 = arith.constant 2 : i32
        %add3A_203 = arith.addi %mul3A_96, %add3A_202 : i32
        %mul3A_204 = arith.constant 64 : i32
        %mul3A_205 = arith.muli %add3A_203, %mul3A_204 : i32
        %add3A_206 = arith.addi %mul3A_6, %mul3A_205 : i32
        %dma_start3A_207 = arith.constant 0 : i32
        %dma_start3A_208 = tpu.memref_slice %arg3[%add3A_206, %dma_start3A_207] : memref<409600x128xf32, #tpu.memory_space<hbm>> -> memref<64x128xf32, #tpu.memory_space<hbm>>
        %dma_start3A_209 = arith.constant 0 : i32
        %dma_start3A_210 = tpu.memref_slice %arg3[%add3A_206, %dma_start3A_209] : memref<409600x128xf32, #tpu.memory_space<hbm>> -> memref<64x128xf32, #tpu.memory_space<hbm>>
        tpu.enqueue_dma source(%dma_start3A_210 : memref<64x128xf32, #tpu.memory_space<hbm>>) target(%arg10 : memref<64x128xf32, #tpu.memory_space<vmem>>) target_semaphore(%arg15 : memref<!tpu.dma_semaphore, #tpu.memory_space<semaphore_mem>>)
        %dma_start3A_211 = arith.constant 0 : i32
        %dma_start3A_212 = arith.constant 0 : i32
        %dma_start3A_213 = tpu.memref_slice %arg6[%dma_start3A_211, %dma_start3A_212] : memref<2x128xi32, #tpu.memory_space<vmem>> -> memref<1x128xi32, #tpu.memory_space<vmem>>
        %dma_start3A_214 = tpu.memref_squeeze %dma_start3A_213 : memref<1x128xi32, #tpu.memory_space<vmem>> -> memref<128xi32, #tpu.memory_space<vmem>>
        %dma_start3A_215 = arith.constant 0 : i32
        %dma_start3A_216 = arith.constant 0 : i32
        %dma_start3A_217 = tpu.memref_slice %arg2[%dma_start3A_215, %dma_start3A_216] : memref<100000x32xf32, #tpu.memory_space<hbm>> -> memref<100000x32xf32, #tpu.memory_space<hbm>>
        tpu.enqueue_indirect_dma source(%dma_start3A_217 : memref<100000x32xf32, #tpu.memory_space<hbm>>) target(%arg8 : memref<128x32xf32, #tpu.memory_space<vmem>>) offsets(%dma_start3A_214 : memref<128xi32, #tpu.memory_space<vmem>>) semaphore(%arg13 : memref<!tpu.dma_semaphore, #tpu.memory_space<semaphore_mem>>)
      } else {
      }
      %add3A_163 = arith.constant 1 : i32
      %add3A_164 = arith.addi %mul3A_96, %add3A_163 : i32
      %mul3A_165 = arith.constant 64 : i32
      %mul3A_166 = arith.muli %add3A_164, %mul3A_165 : i32
      %add3A_167 = arith.addi %mul3A_6, %mul3A_166 : i32
      %dma_wait3A_168 = arith.constant 0 : i32
      %dma_wait3A_169 = tpu.memref_slice %arg3[%add3A_167, %dma_wait3A_168] : memref<409600x128xf32, #tpu.memory_space<hbm>> -> memref<64x128xf32, #tpu.memory_space<hbm>>
      %dma_wait3A_170 = arith.constant 0 : i32
      %dma_wait3A_171 = tpu.memref_slice %arg3[%add3A_167, %dma_wait3A_170] : memref<409600x128xf32, #tpu.memory_space<hbm>> -> memref<64x128xf32, #tpu.memory_space<hbm>>
      tpu.wait_dma2 semaphore(%arg16 : memref<!tpu.dma_semaphore, #tpu.memory_space<semaphore_mem>>) src(%dma_wait3A_171 : memref<64x128xf32, #tpu.memory_space<hbm>>) dst(%arg11 : memref<64x128xf32, #tpu.memory_space<vmem>>)
      %dma_wait3A_172 = arith.constant 0 : i32
      %dma_wait3A_173 = arith.constant 0 : i32
      %dma_wait3A_174 = tpu.memref_slice %arg7[%dma_wait3A_172, %dma_wait3A_173] : memref<2x128xi32, #tpu.memory_space<vmem>> -> memref<1x128xi32, #tpu.memory_space<vmem>>
      %dma_wait3A_175 = tpu.memref_squeeze %dma_wait3A_174 : memref<1x128xi32, #tpu.memory_space<vmem>> -> memref<128xi32, #tpu.memory_space<vmem>>
      %dma_wait3A_176 = arith.constant 0 : i32
      %dma_wait3A_177 = arith.constant 0 : i32
      %dma_wait3A_178 = tpu.memref_slice %arg2[%dma_wait3A_176, %dma_wait3A_177] : memref<100000x32xf32, #tpu.memory_space<hbm>> -> memref<100000x32xf32, #tpu.memory_space<hbm>>
      tpu.wait_indirect_dma semaphore(%arg14 : memref<!tpu.dma_semaphore, #tpu.memory_space<semaphore_mem>>) src(%dma_wait3A_178 : memref<100000x32xf32, #tpu.memory_space<hbm>>) dst(%arg9 : memref<128x32xf32, #tpu.memory_space<vmem>>)
      %eq3A_179 = arith.constant 0 : i32
      %eq3A_180 = arith.cmpi eq, %arg0, %eq3A_179 : i32
      %convert_element_type3A_181 = arith.extui %eq3A_180 : i1 to i32
      %cond3A_182 = arith.constant 0 : i32
      %cond3A_183 = arith.cmpi ne, %convert_element_type3A_181, %cond3A_182 : i32
      scf.if %cond3A_183 {
        %scan3A_197 = arith.constant 0 : i32
        %scan3A_198 = arith.constant 0 : i32
        %scan3A_199 = arith.constant 64 : i32
        %scan3A_200 = arith.addi %scan3A_198, %scan3A_199 : i32
        %scan3A_201 = arith.constant 1 : i32
        %scan3A_202 = scf.for %scan3A_204 = %scan3A_198 to %scan3A_200 step %scan3A_201 iter_args(%scan3A_205 = %scan3A_197) -> (i32)  : i32 {
          %mul3A_206 = arith.constant 2 : i32
          %mul3A_207 = arith.muli %mul3A_206, %scan3A_204 : i32
          %get3A = arith.index_cast %mul3A_207 : i32 to index
          %get3A_208 = arith.constant 0 : index
          %get3A_209 = tpu.vector_load %arg9[%get3A, %get3A_208] {strides = array<i32>} : memref<128x32xf32, #tpu.memory_space<vmem>>, vector<1x16xf32>,
          %get3A_210 = vector.shape_cast %get3A_209 : vector<1x16xf32> to vector<16xf32>
          %get3A_211 = arith.index_cast %scan3A_204 : i32 to index
          %get3A_212 = arith.constant 0 : index
          %get3A_213 = tpu.vector_load %arg11[%get3A_211, %get3A_212] {strides = array<i32>} : memref<64x128xf32, #tpu.memory_space<vmem>>, vector<1x16xf32>,
          %get3A_214 = vector.shape_cast %get3A_213 : vector<1x16xf32> to vector<16xf32>
          %mul3A_215 = arith.mulf %get3A_210, %get3A_214 : vector<16xf32>
          %swap3A = arith.index_cast %mul3A_207 : i32 to index
          %swap3A_216 = arith.constant 0 : index
          %swap3A_217 = tpu.vector_load %arg9[%swap3A, %swap3A_216] {strides = array<i32>} : memref<128x32xf32, #tpu.memory_space<vmem>>, vector<1x16xf32>,
          %swap3A_218 = vector.shape_cast %swap3A_217 : vector<1x16xf32> to vector<16xf32>
          %swap3A_219 = vector.shape_cast %mul3A_215 : vector<16xf32> to vector<1x16xf32>
          tpu.vector_store %arg9[%swap3A, %swap3A_216], %swap3A_219 {strides = array<i32>} : memref<128x32xf32, #tpu.memory_space<vmem>>, vector<1x16xf32>,
          %get3A_220 = arith.index_cast %mul3A_207 : i32 to index
          %get3A_221 = arith.constant 16 : index
          %get3A_222 = tpu.vector_load %arg9[%get3A_220, %get3A_221] {strides = array<i32>} : memref<128x32xf32, #tpu.memory_space<vmem>>, vector<1x16xf32>,
          %get3A_223 = vector.shape_cast %get3A_222 : vector<1x16xf32> to vector<16xf32>
          %get3A_224 = arith.index_cast %scan3A_204 : i32 to index
          %get3A_225 = arith.constant 16 : index
          %get3A_226 = tpu.vector_load %arg11[%get3A_224, %get3A_225] {strides = array<i32>} : memref<64x128xf32, #tpu.memory_space<vmem>>, vector<1x16xf32>,
          %get3A_227 = vector.shape_cast %get3A_226 : vector<1x16xf32> to vector<16xf32>
          %mul3A_228 = arith.mulf %get3A_223, %get3A_227 : vector<16xf32>
          %swap3A_229 = arith.index_cast %mul3A_207 : i32 to index
          %swap3A_230 = arith.constant 16 : index
          %swap3A_231 = tpu.vector_load %arg9[%swap3A_229, %swap3A_230] {strides = array<i32>} : memref<128x32xf32, #tpu.memory_space<vmem>>, vector<1x16xf32>,
          %swap3A_232 = vector.shape_cast %swap3A_231 : vector<1x16xf32> to vector<16xf32>
          %swap3A_233 = vector.shape_cast %mul3A_228 : vector<16xf32> to vector<1x16xf32>
          tpu.vector_store %arg9[%swap3A_229, %swap3A_230], %swap3A_233 {strides = array<i32>} : memref<128x32xf32, #tpu.memory_space<vmem>>, vector<1x16xf32>,
          %add3A_234 = arith.constant 1 : i32
          %add3A_235 = arith.addi %mul3A_207, %add3A_234 : i32
          %get3A_236 = arith.index_cast %add3A_235 : i32 to index
          %get3A_237 = arith.constant 0 : index
          %get3A_238 = tpu.vector_load %arg9[%get3A_236, %get3A_237] {strides = array<i32>} : memref<128x32xf32, #tpu.memory_space<vmem>>, vector<1x16xf32>,
          %get3A_239 = vector.shape_cast %get3A_238 : vector<1x16xf32> to vector<16xf32>
          %get3A_240 = arith.index_cast %scan3A_204 : i32 to index
          %get3A_241 = arith.constant 64 : index
          %get3A_242 = tpu.vector_load %arg11[%get3A_240, %get3A_241] {strides = array<i32>} : memref<64x128xf32, #tpu.memory_space<vmem>>, vector<1x16xf32>,
          %get3A_243 = vector.shape_cast %get3A_242 : vector<1x16xf32> to vector<16xf32>
          %mul3A_244 = arith.mulf %get3A_239, %get3A_243 : vector<16xf32>
          %add3A_245 = arith.constant 1 : i32
          %add3A_246 = arith.addi %mul3A_207, %add3A_245 : i32
          %swap3A_247 = arith.index_cast %add3A_246 : i32 to index
          %swap3A_248 = arith.constant 0 : index
          %swap3A_249 = tpu.vector_load %arg9[%swap3A_247, %swap3A_248] {strides = array<i32>} : memref<128x32xf32, #tpu.memory_space<vmem>>, vector<1x16xf32>,
          %swap3A_250 = vector.shape_cast %swap3A_249 : vector<1x16xf32> to vector<16xf32>
          %swap3A_251 = vector.shape_cast %mul3A_244 : vector<16xf32> to vector<1x16xf32>
          tpu.vector_store %arg9[%swap3A_247, %swap3A_248], %swap3A_251 {strides = array<i32>} : memref<128x32xf32, #tpu.memory_space<vmem>>, vector<1x16xf32>,
          %add3A_252 = arith.constant 1 : i32
          %add3A_253 = arith.addi %mul3A_207, %add3A_252 : i32
          %get3A_254 = arith.index_cast %add3A_253 : i32 to index
          %get3A_255 = arith.constant 16 : index
          %get3A_256 = tpu.vector_load %arg9[%get3A_254, %get3A_255] {strides = array<i32>} : memref<128x32xf32, #tpu.memory_space<vmem>>, vector<1x16xf32>,
          %get3A_257 = vector.shape_cast %get3A_256 : vector<1x16xf32> to vector<16xf32>
          %get3A_258 = arith.index_cast %scan3A_204 : i32 to index
          %get3A_259 = arith.constant 80 : index
          %get3A_260 = tpu.vector_load %arg11[%get3A_258, %get3A_259] {strides = array<i32>} : memref<64x128xf32, #tpu.memory_space<vmem>>, vector<1x16xf32>,
          %get3A_261 = vector.shape_cast %get3A_260 : vector<1x16xf32> to vector<16xf32>
          %mul3A_262 = arith.mulf %get3A_257, %get3A_261 : vector<16xf32>
          %add3A_263 = arith.constant 1 : i32
          %add3A_264 = arith.addi %mul3A_207, %add3A_263 : i32
          %swap3A_265 = arith.index_cast %add3A_264 : i32 to index
          %swap3A_266 = arith.constant 16 : index
          %swap3A_267 = tpu.vector_load %arg9[%swap3A_265, %swap3A_266] {strides = array<i32>} : memref<128x32xf32, #tpu.memory_space<vmem>>, vector<1x16xf32>,
          %swap3A_268 = vector.shape_cast %swap3A_267 : vector<1x16xf32> to vector<16xf32>
          %swap3A_269 = vector.shape_cast %mul3A_262 : vector<16xf32> to vector<1x16xf32>
          tpu.vector_store %arg9[%swap3A_265, %swap3A_266], %swap3A_269 {strides = array<i32>} : memref<128x32xf32, #tpu.memory_space<vmem>>, vector<1x16xf32>,
          %scan3A_270 = arith.constant 0 : i32
          scf.yield %scan3A_270 : i32
        }
        %scan3A_203 = arith.constant 64 : i32
      } else {
      }
      %eq3A_184 = arith.constant 1 : i32
      %eq3A_185 = arith.cmpi eq, %arg0, %eq3A_184 : i32
      %convert_element_type3A_186 = arith.extui %eq3A_185 : i1 to i32
      %cond3A_187 = arith.constant 0 : i32
      %cond3A_188 = arith.cmpi ne, %convert_element_type3A_186, %cond3A_187 : i32
      scf.if %cond3A_188 {
        %scan3A_197 = arith.constant 0 : i32
        %scan3A_198 = arith.constant 0 : i32
        %scan3A_199 = arith.constant 64 : i32
        %scan3A_200 = arith.addi %scan3A_198, %scan3A_199 : i32
        %scan3A_201 = arith.constant 1 : i32
        %scan3A_202 = scf.for %scan3A_204 = %scan3A_198 to %scan3A_200 step %scan3A_201 iter_args(%scan3A_205 = %scan3A_197) -> (i32)  : i32 {
          %mul3A_206 = arith.constant 2 : i32
          %mul3A_207 = arith.muli %mul3A_206, %scan3A_204 : i32
          %get3A = arith.index_cast %mul3A_207 : i32 to index
          %get3A_208 = arith.constant 0 : index
          %get3A_209 = tpu.vector_load %arg9[%get3A, %get3A_208] {strides = array<i32>} : memref<128x32xf32, #tpu.memory_space<vmem>>, vector<1x16xf32>,
          %get3A_210 = vector.shape_cast %get3A_209 : vector<1x16xf32> to vector<16xf32>
          %get3A_211 = arith.index_cast %scan3A_204 : i32 to index
          %get3A_212 = arith.constant 32 : index
          %get3A_213 = tpu.vector_load %arg11[%get3A_211, %get3A_212] {strides = array<i32>} : memref<64x128xf32, #tpu.memory_space<vmem>>, vector<1x16xf32>,
          %get3A_214 = vector.shape_cast %get3A_213 : vector<1x16xf32> to vector<16xf32>
          %mul3A_215 = arith.mulf %get3A_210, %get3A_214 : vector<16xf32>
          %swap3A = arith.index_cast %mul3A_207 : i32 to index
          %swap3A_216 = arith.constant 0 : index
          %swap3A_217 = tpu.vector_load %arg9[%swap3A, %swap3A_216] {strides = array<i32>} : memref<128x32xf32, #tpu.memory_space<vmem>>, vector<1x16xf32>,
          %swap3A_218 = vector.shape_cast %swap3A_217 : vector<1x16xf32> to vector<16xf32>
          %swap3A_219 = vector.shape_cast %mul3A_215 : vector<16xf32> to vector<1x16xf32>
          tpu.vector_store %arg9[%swap3A, %swap3A_216], %swap3A_219 {strides = array<i32>} : memref<128x32xf32, #tpu.memory_space<vmem>>, vector<1x16xf32>,
          %get3A_220 = arith.index_cast %mul3A_207 : i32 to index
          %get3A_221 = arith.constant 16 : index
          %get3A_222 = tpu.vector_load %arg9[%get3A_220, %get3A_221] {strides = array<i32>} : memref<128x32xf32, #tpu.memory_space<vmem>>, vector<1x16xf32>,
          %get3A_223 = vector.shape_cast %get3A_222 : vector<1x16xf32> to vector<16xf32>
          %get3A_224 = arith.index_cast %scan3A_204 : i32 to index
          %get3A_225 = arith.constant 48 : index
          %get3A_226 = tpu.vector_load %arg11[%get3A_224, %get3A_225] {strides = array<i32>} : memref<64x128xf32, #tpu.memory_space<vmem>>, vector<1x16xf32>,
          %get3A_227 = vector.shape_cast %get3A_226 : vector<1x16xf32> to vector<16xf32>
          %mul3A_228 = arith.mulf %get3A_223, %get3A_227 : vector<16xf32>
          %swap3A_229 = arith.index_cast %mul3A_207 : i32 to index
          %swap3A_230 = arith.constant 16 : index
          %swap3A_231 = tpu.vector_load %arg9[%swap3A_229, %swap3A_230] {strides = array<i32>} : memref<128x32xf32, #tpu.memory_space<vmem>>, vector<1x16xf32>,
          %swap3A_232 = vector.shape_cast %swap3A_231 : vector<1x16xf32> to vector<16xf32>
          %swap3A_233 = vector.shape_cast %mul3A_228 : vector<16xf32> to vector<1x16xf32>
          tpu.vector_store %arg9[%swap3A_229, %swap3A_230], %swap3A_233 {strides = array<i32>} : memref<128x32xf32, #tpu.memory_space<vmem>>, vector<1x16xf32>,
          %add3A_234 = arith.constant 1 : i32
          %add3A_235 = arith.addi %mul3A_207, %add3A_234 : i32
          %get3A_236 = arith.index_cast %add3A_235 : i32 to index
          %get3A_237 = arith.constant 0 : index
          %get3A_238 = tpu.vector_load %arg9[%get3A_236, %get3A_237] {strides = array<i32>} : memref<128x32xf32, #tpu.memory_space<vmem>>, vector<1x16xf32>,
          %get3A_239 = vector.shape_cast %get3A_238 : vector<1x16xf32> to vector<16xf32>
          %get3A_240 = arith.index_cast %scan3A_204 : i32 to index
          %get3A_241 = arith.constant 96 : index
          %get3A_242 = tpu.vector_load %arg11[%get3A_240, %get3A_241] {strides = array<i32>} : memref<64x128xf32, #tpu.memory_space<vmem>>, vector<1x16xf32>,
          %get3A_243 = vector.shape_cast %get3A_242 : vector<1x16xf32> to vector<16xf32>
          %mul3A_244 = arith.mulf %get3A_239, %get3A_243 : vector<16xf32>
          %add3A_245 = arith.constant 1 : i32
          %add3A_246 = arith.addi %mul3A_207, %add3A_245 : i32
          %swap3A_247 = arith.index_cast %add3A_246 : i32 to index
          %swap3A_248 = arith.constant 0 : index
          %swap3A_249 = tpu.vector_load %arg9[%swap3A_247, %swap3A_248] {strides = array<i32>} : memref<128x32xf32, #tpu.memory_space<vmem>>, vector<1x16xf32>,
          %swap3A_250 = vector.shape_cast %swap3A_249 : vector<1x16xf32> to vector<16xf32>
          %swap3A_251 = vector.shape_cast %mul3A_244 : vector<16xf32> to vector<1x16xf32>
          tpu.vector_store %arg9[%swap3A_247, %swap3A_248], %swap3A_251 {strides = array<i32>} : memref<128x32xf32, #tpu.memory_space<vmem>>, vector<1x16xf32>,
          %add3A_252 = arith.constant 1 : i32
          %add3A_253 = arith.addi %mul3A_207, %add3A_252 : i32
          %get3A_254 = arith.index_cast %add3A_253 : i32 to index
          %get3A_255 = arith.constant 16 : index
          %get3A_256 = tpu.vector_load %arg9[%get3A_254, %get3A_255] {strides = array<i32>} : memref<128x32xf32, #tpu.memory_space<vmem>>, vector<1x16xf32>,
          %get3A_257 = vector.shape_cast %get3A_256 : vector<1x16xf32> to vector<16xf32>
          %get3A_258 = arith.index_cast %scan3A_204 : i32 to index
          %get3A_259 = arith.constant 112 : index
          %get3A_260 = tpu.vector_load %arg11[%get3A_258, %get3A_259] {strides = array<i32>} : memref<64x128xf32, #tpu.memory_space<vmem>>, vector<1x16xf32>,
          %get3A_261 = vector.shape_cast %get3A_260 : vector<1x16xf32> to vector<16xf32>
          %mul3A_262 = arith.mulf %get3A_257, %get3A_261 : vector<16xf32>
          %add3A_263 = arith.constant 1 : i32
          %add3A_264 = arith.addi %mul3A_207, %add3A_263 : i32
          %swap3A_265 = arith.index_cast %add3A_264 : i32 to index
          %swap3A_266 = arith.constant 16 : index
          %swap3A_267 = tpu.vector_load %arg9[%swap3A_265, %swap3A_266] {strides = array<i32>} : memref<128x32xf32, #tpu.memory_space<vmem>>, vector<1x16xf32>,
          %swap3A_268 = vector.shape_cast %swap3A_267 : vector<1x16xf32> to vector<16xf32>
          %swap3A_269 = vector.shape_cast %mul3A_262 : vector<16xf32> to vector<1x16xf32>
          tpu.vector_store %arg9[%swap3A_265, %swap3A_266], %swap3A_269 {strides = array<i32>} : memref<128x32xf32, #tpu.memory_space<vmem>>, vector<1x16xf32>,
          %scan3A_270 = arith.constant 0 : i32
          scf.yield %scan3A_270 : i32
        }
        %scan3A_203 = arith.constant 64 : i32
      } else {
      }
      %dma_start3A_189 = arith.constant 1 : i32
      %dma_start3A_190 = arith.constant 0 : i32
      %dma_start3A_191 = tpu.memref_slice %arg7[%dma_start3A_189, %dma_start3A_190] : memref<2x128xi32, #tpu.memory_space<vmem>> -> memref<1x128xi32, #tpu.memory_space<vmem>>
      %dma_start3A_192 = tpu.memref_squeeze %dma_start3A_191 : memref<1x128xi32, #tpu.memory_space<vmem>> -> memref<128xi32, #tpu.memory_space<vmem>>
      %dma_start3A_193 = arith.constant 0 : i32
      %dma_start3A_194 = arith.constant 0 : i32
      %dma_start3A_195 = tpu.memref_slice %arg12[%dma_start3A_193, %dma_start3A_194] : memref<50048x32xf32, #tpu.memory_space<vmem_shared>> -> memref<50048x32xf32, #tpu.memory_space<vmem_shared>>
      tpu.enqueue_indirect_dma source(%arg9 : memref<128x32xf32, #tpu.memory_space<vmem>>) target(%dma_start3A_195 : memref<50048x32xf32, #tpu.memory_space<vmem_shared>>) offsets(%dma_start3A_192 : memref<128xi32, #tpu.memory_space<vmem>>) semaphore(%arg18 : memref<!tpu.dma_semaphore, #tpu.memory_space<semaphore_mem>>) {add = true}
      %scan3A_196 = arith.constant 0 : i32
      scf.yield %scan3A_196 : i32
    }
    %scan3A_85 = arith.constant 200 : i32
    %dma_wait3A = arith.constant 1 : i32
    %dma_wait3A_86 = arith.constant 0 : i32
    %dma_wait3A_87 = tpu.memref_slice %arg7[%dma_wait3A, %dma_wait3A_86] : memref<2x128xi32, #tpu.memory_space<vmem>> -> memref<1x128xi32, #tpu.memory_space<vmem>>
    %dma_wait3A_88 = tpu.memref_squeeze %dma_wait3A_87 : memref<1x128xi32, #tpu.memory_space<vmem>> -> memref<128xi32, #tpu.memory_space<vmem>>
    %dma_wait3A_89 = arith.constant 0 : i32
    %dma_wait3A_90 = arith.constant 0 : i32
    %dma_wait3A_91 = tpu.memref_slice %arg12[%dma_wait3A_89, %dma_wait3A_90] : memref<50048x32xf32, #tpu.memory_space<vmem_shared>> -> memref<50048x32xf32, #tpu.memory_space<vmem_shared>>
    tpu.wait_indirect_dma semaphore(%arg18 : memref<!tpu.dma_semaphore, #tpu.memory_space<semaphore_mem>>) src(%arg9 : memref<128x32xf32, #tpu.memory_space<vmem>>) dst(%dma_wait3A_91 : memref<50048x32xf32, #tpu.memory_space<vmem_shared>>)
    %barrier3A_92 = arith.constant 0 : index
    tpu.barrier barrier_id(%barrier3A_92)
    "tpu.region"() ({
      %run_scoped3A = tpu.sem_alloc : memref<!tpu.dma_semaphore, #tpu.memory_space<semaphore_mem>>
      %dma_start3A_93 = arith.constant 0 : i32
      %dma_start3A_94 = tpu.memref_slice %arg5[%arg0, %mul3A_28, %dma_start3A_93] : memref<2x50048x32xf32, #tpu.memory_space<hbm>> -> memref<1x3128x32xf32, #tpu.memory_space<hbm>>
      %dma_start3A_95 = tpu.memref_squeeze %dma_start3A_94 : memref<1x3128x32xf32, #tpu.memory_space<hbm>> -> memref<3128x32xf32, #tpu.memory_space<hbm>>
      %dma_start3A_96 = arith.constant 0 : i32
      %dma_start3A_97 = tpu.memref_slice %arg12[%mul3A_28, %dma_start3A_96] : memref<50048x32xf32, #tpu.memory_space<vmem_shared>> -> memref<3128x32xf32, #tpu.memory_space<vmem_shared>>
      tpu.enqueue_dma source(%dma_start3A_97 : memref<3128x32xf32, #tpu.memory_space<vmem_shared>>) target(%dma_start3A_95 : memref<3128x32xf32, #tpu.memory_space<hbm>>) target_semaphore(%run_scoped3A : memref<!tpu.dma_semaphore, #tpu.memory_space<semaphore_mem>>)
      %dma_wait3A_98 = arith.constant 0 : i32
      %dma_wait3A_99 = tpu.memref_slice %arg5[%arg0, %mul3A_28, %dma_wait3A_98] : memref<2x50048x32xf32, #tpu.memory_space<hbm>> -> memref<1x3128x32xf32, #tpu.memory_space<hbm>>
      %dma_wait3A_100 = tpu.memref_squeeze %dma_wait3A_99 : memref<1x3128x32xf32, #tpu.memory_space<hbm>> -> memref<3128x32xf32, #tpu.memory_space<hbm>>
      %dma_wait3A_101 = arith.constant 0 : i32
      %dma_wait3A_102 = tpu.memref_slice %arg12[%mul3A_28, %dma_wait3A_101] : memref<50048x32xf32, #tpu.memory_space<vmem_shared>> -> memref<3128x32xf32, #tpu.memory_space<vmem_shared>>
      tpu.wait_dma2 semaphore(%run_scoped3A : memref<!tpu.dma_semaphore, #tpu.memory_space<semaphore_mem>>) src(%dma_wait3A_102 : memref<3128x32xf32, #tpu.memory_space<vmem_shared>>) dst(%dma_wait3A_100 : memref<3128x32xf32, #tpu.memory_space<hbm>>)
      tpu.yield
    }) : () -> ()
    return
  }
}

#map = affine_map<(d0, d1) -> (0, 0)>
#map1 = affine_map<(d0, d1) -> (0, 0, 0)>
module attributes {stable_mosaic.version = 14 : i64} {
  func.func @_sc_body(%arg0: i32, %arg1: i32, %arg2: memref<100000x32xf32, #tpu.memory_space<hbm>>, %arg3: memref<409600x128xf32, #tpu.memory_space<hbm>>, %arg4: memref<25600x128xi32, #tpu.memory_space<hbm>>, %arg5: memref<2x50048x32xf32, #tpu.memory_space<hbm>>, %arg6: memref<2x128xi32, #tpu.memory_space<vmem>>, %arg7: memref<2x128xi32, #tpu.memory_space<vmem>>, %arg8: memref<128x32xf32, #tpu.memory_space<vmem>>, %arg9: memref<128x32xf32, #tpu.memory_space<vmem>>, %arg10: memref<64x128xf32, #tpu.memory_space<vmem>>, %arg11: memref<64x128xf32, #tpu.memory_space<vmem>>, %arg12: memref<50048x32xf32, #tpu.memory_space<vmem_shared>>, %arg13: memref<!tpu.dma_semaphore, #tpu.memory_space<semaphore_mem>>, %arg14: memref<!tpu.dma_semaphore, #tpu.memory_space<semaphore_mem>>, %arg15: memref<!tpu.dma_semaphore, #tpu.memory_space<semaphore_mem>>, %arg16: memref<!tpu.dma_semaphore, #tpu.memory_space<semaphore_mem>>, %arg17: memref<!tpu.dma_semaphore, #tpu.memory_space<semaphore_mem>>, %arg18: memref<!tpu.dma_semaphore, #tpu.memory_space<semaphore_mem>>) attributes {dimension_semantics = [#tpu.dimension_semantics<core_parallel>, #tpu.dimension_semantics<subcore_parallel>], iteration_bounds = array<i64: 2, 16>, scalar_prefetch = 0 : i64, scratch_operands = 13 : i64, tpu.core_type = #tpu.core_type<sc_vector_subcore>, window_params = [{transform_indices = #map}, {transform_indices = #map}, {transform_indices = #map}, {transform_indices = #map1}]} {
    %mul3A = arith.constant 6400 : i32
    %mul3A_0 = arith.muli %arg0, %mul3A : i32
    %mul3A_1 = arith.constant 400 : i32
    %mul3A_2 = arith.muli %arg1, %mul3A_1 : i32
    %add3A = arith.addi %mul3A_0, %mul3A_2 : i32
    %mul3A_3 = arith.constant 2 : i32
    %mul3A_4 = arith.muli %mul3A_3, %add3A : i32
    %mul3A_5 = arith.constant 25600 : i32
    %mul3A_6 = arith.muli %arg1, %mul3A_5 : i32
    %add3A_7 = arith.constant 0 : i32
    %add3A_8 = arith.addi %mul3A_4, %add3A_7 : i32
    "tpu.region"() ({
      %run_scoped3A = tpu.sem_alloc : memref<!tpu.dma_semaphore, #tpu.memory_space<semaphore_mem>>
      %dma_start3A_93 = arith.constant 0 : i32
      %dma_start3A_94 = tpu.memref_slice %arg4[%add3A_8, %dma_start3A_93] : memref<25600x128xi32, #tpu.memory_space<hbm>> -> memref<2x128xi32, #tpu.memory_space<hbm>>
      %dma_start3A_95 = arith.constant 0 : i32
      %dma_start3A_96 = tpu.memref_slice %arg4[%add3A_8, %dma_start3A_95] : memref<25600x128xi32, #tpu.memory_space<hbm>> -> memref<2x128xi32, #tpu.memory_space<hbm>>
      tpu.enqueue_dma source(%dma_start3A_96 : memref<2x128xi32, #tpu.memory_space<hbm>>) target(%arg6 : memref<2x128xi32, #tpu.memory_space<vmem>>) target_semaphore(%run_scoped3A : memref<!tpu.dma_semaphore, #tpu.memory_space<semaphore_mem>>)
      %dma_wait3A_97 = arith.constant 0 : i32
      %dma_wait3A_98 = tpu.memref_slice %arg4[%add3A_8, %dma_wait3A_97] : memref<25600x128xi32, #tpu.memory_space<hbm>> -> memref<2x128xi32, #tpu.memory_space<hbm>>
      %dma_wait3A_99 = arith.constant 0 : i32
      %dma_wait3A_100 = tpu.memref_slice %arg4[%add3A_8, %dma_wait3A_99] : memref<25600x128xi32, #tpu.memory_space<hbm>> -> memref<2x128xi32, #tpu.memory_space<hbm>>
      tpu.wait_dma2 semaphore(%run_scoped3A : memref<!tpu.dma_semaphore, #tpu.memory_space<semaphore_mem>>) src(%dma_wait3A_100 : memref<2x128xi32, #tpu.memory_space<hbm>>) dst(%arg6 : memref<2x128xi32, #tpu.memory_space<vmem>>)
      tpu.yield
    }) : () -> ()
    %add3A_9 = arith.constant 0 : i32
    %add3A_10 = arith.addi %mul3A_6, %add3A_9 : i32
    %dma_start3A = arith.constant 0 : i32
    %dma_start3A_11 = tpu.memref_slice %arg3[%add3A_10, %dma_start3A] : memref<409600x128xf32, #tpu.memory_space<hbm>> -> memref<64x128xf32, #tpu.memory_space<hbm>>
    %dma_start3A_12 = arith.constant 0 : i32
    %dma_start3A_13 = tpu.memref_slice %arg3[%add3A_10, %dma_start3A_12] : memref<409600x128xf32, #tpu.memory_space<hbm>> -> memref<64x128xf32, #tpu.memory_space<hbm>>
    tpu.enqueue_dma source(%dma_start3A_13 : memref<64x128xf32, #tpu.memory_space<hbm>>) target(%arg10 : memref<64x128xf32, #tpu.memory_space<vmem>>) target_semaphore(%arg15 : memref<!tpu.dma_semaphore, #tpu.memory_space<semaphore_mem>>)
    %dma_start3A_14 = arith.constant 0 : i32
    %dma_start3A_15 = arith.constant 0 : i32
    %dma_start3A_16 = tpu.memref_slice %arg6[%dma_start3A_14, %dma_start3A_15] : memref<2x128xi32, #tpu.memory_space<vmem>> -> memref<1x128xi32, #tpu.memory_space<vmem>>
    %dma_start3A_17 = tpu.memref_squeeze %dma_start3A_16 : memref<1x128xi32, #tpu.memory_space<vmem>> -> memref<128xi32, #tpu.memory_space<vmem>>
    %dma_start3A_18 = arith.constant 0 : i32
    %dma_start3A_19 = arith.constant 0 : i32
    %dma_start3A_20 = tpu.memref_slice %arg2[%dma_start3A_18, %dma_start3A_19] : memref<100000x32xf32, #tpu.memory_space<hbm>> -> memref<100000x32xf32, #tpu.memory_space<hbm>>
    tpu.enqueue_indirect_dma source(%dma_start3A_20 : memref<100000x32xf32, #tpu.memory_space<hbm>>) target(%arg8 : memref<128x32xf32, #tpu.memory_space<vmem>>) offsets(%dma_start3A_17 : memref<128xi32, #tpu.memory_space<vmem>>) semaphore(%arg13 : memref<!tpu.dma_semaphore, #tpu.memory_space<semaphore_mem>>)
    %scan3A = arith.constant 0 : i32
    %scan3A_21 = arith.constant 0 : i32
    %scan3A_22 = arith.constant 128 : i32
    %scan3A_23 = arith.addi %scan3A_21, %scan3A_22 : i32
    %scan3A_24 = arith.constant 1 : i32
    %scan3A_25 = scf.for %scan3A_93 = %scan3A_21 to %scan3A_23 step %scan3A_24 iter_args(%scan3A_94 = %scan3A) -> (i32)  : i32 {
      %broadcast_in_dim3A = arith.constant 0.000000e+00 : f32
      %broadcast_in_dim3A_95 = vector.broadcast %broadcast_in_dim3A : f32 to vector<16xf32>
      %swap3A = arith.index_cast %scan3A_93 : i32 to index
      %swap3A_96 = arith.constant 0 : index
      %swap3A_97 = tpu.vector_load %arg9[%swap3A, %swap3A_96] {strides = array<i32>} : memref<128x32xf32, #tpu.memory_space<vmem>>, vector<1x16xf32>,
      %swap3A_98 = vector.shape_cast %swap3A_97 : vector<1x16xf32> to vector<16xf32>
      %swap3A_99 = vector.shape_cast %broadcast_in_dim3A_95 : vector<16xf32> to vector<1x16xf32>
      tpu.vector_store %arg9[%swap3A, %swap3A_96], %swap3A_99 {strides = array<i32>} : memref<128x32xf32, #tpu.memory_space<vmem>>, vector<1x16xf32>,
      %broadcast_in_dim3A_100 = arith.constant 0.000000e+00 : f32
      %broadcast_in_dim3A_101 = vector.broadcast %broadcast_in_dim3A_100 : f32 to vector<16xf32>
      %swap3A_102 = arith.index_cast %scan3A_93 : i32 to index
      %swap3A_103 = arith.constant 16 : index
      %swap3A_104 = tpu.vector_load %arg9[%swap3A_102, %swap3A_103] {strides = array<i32>} : memref<128x32xf32, #tpu.memory_space<vmem>>, vector<1x16xf32>,
      %swap3A_105 = vector.shape_cast %swap3A_104 : vector<1x16xf32> to vector<16xf32>
      %swap3A_106 = vector.shape_cast %broadcast_in_dim3A_101 : vector<16xf32> to vector<1x16xf32>
      tpu.vector_store %arg9[%swap3A_102, %swap3A_103], %swap3A_106 {strides = array<i32>} : memref<128x32xf32, #tpu.memory_space<vmem>>, vector<1x16xf32>,
      %scan3A_107 = arith.constant 0 : i32
      scf.yield %scan3A_107 : i32
    }
    %scan3A_26 = arith.constant 128 : i32
    %mul3A_27 = arith.constant 3128 : i32
    %mul3A_28 = arith.muli %arg1, %mul3A_27 : i32
    %add3A_29 = arith.constant 0 : i32
    %add3A_30 = arith.addi %mul3A_28, %add3A_29 : i32
    "tpu.region"() ({
      %run_scoped3A = tpu.sem_alloc : memref<!tpu.dma_semaphore, #tpu.memory_space<semaphore_mem>>
      %dma_start3A_93 = arith.constant 0 : i32
      %dma_start3A_94 = tpu.memref_slice %arg12[%add3A_30, %dma_start3A_93] : memref<50048x32xf32, #tpu.memory_space<vmem_shared>> -> memref<128x32xf32, #tpu.memory_space<vmem_shared>>
      %dma_start3A_95 = arith.constant 0 : i32
      %dma_start3A_96 = tpu.memref_slice %arg12[%add3A_30, %dma_start3A_95] : memref<50048x32xf32, #tpu.memory_space<vmem_shared>> -> memref<128x32xf32, #tpu.memory_space<vmem_shared>>
      tpu.enqueue_dma source(%arg9 : memref<128x32xf32, #tpu.memory_space<vmem>>) target(%dma_start3A_96 : memref<128x32xf32, #tpu.memory_space<vmem_shared>>) target_semaphore(%run_scoped3A : memref<!tpu.dma_semaphore, #tpu.memory_space<semaphore_mem>>)
      %dma_wait3A_97 = arith.constant 0 : i32
      %dma_wait3A_98 = tpu.memref_slice %arg12[%add3A_30, %dma_wait3A_97] : memref<50048x32xf32, #tpu.memory_space<vmem_shared>> -> memref<128x32xf32, #tpu.memory_space<vmem_shared>>
      %dma_wait3A_99 = arith.constant 0 : i32
      %dma_wait3A_100 = tpu.memref_slice %arg12[%add3A_30, %dma_wait3A_99] : memref<50048x32xf32, #tpu.memory_space<vmem_shared>> -> memref<128x32xf32, #tpu.memory_space<vmem_shared>>
      tpu.wait_dma2 semaphore(%run_scoped3A : memref<!tpu.dma_semaphore, #tpu.memory_space<semaphore_mem>>) src(%arg9 : memref<128x32xf32, #tpu.memory_space<vmem>>) dst(%dma_wait3A_100 : memref<128x32xf32, #tpu.memory_space<vmem_shared>>)
      tpu.yield
    }) : () -> ()
    %add3A_31 = arith.constant 128 : i32
    %add3A_32 = arith.addi %mul3A_28, %add3A_31 : i32
    "tpu.region"() ({
      %run_scoped3A = tpu.sem_alloc : memref<!tpu.dma_semaphore, #tpu.memory_space<semaphore_mem>>
      %dma_start3A_93 = arith.constant 0 : i32
      %dma_start3A_94 = tpu.memref_slice %arg12[%add3A_32, %dma_start3A_93] : memref<50048x32xf32, #tpu.memory_space<vmem_shared>> -> memref<128x32xf32, #tpu.memory_space<vmem_shared>>
      %dma_start3A_95 = arith.constant 0 : i32
      %dma_start3A_96 = tpu.memref_slice %arg12[%add3A_32, %dma_start3A_95] : memref<50048x32xf32, #tpu.memory_space<vmem_shared>> -> memref<128x32xf32, #tpu.memory_space<vmem_shared>>
      tpu.enqueue_dma source(%arg9 : memref<128x32xf32, #tpu.memory_space<vmem>>) target(%dma_start3A_96 : memref<128x32xf32, #tpu.memory_space<vmem_shared>>) target_semaphore(%run_scoped3A : memref<!tpu.dma_semaphore, #tpu.memory_space<semaphore_mem>>)
      %dma_wait3A_97 = arith.constant 0 : i32
      %dma_wait3A_98 = tpu.memref_slice %arg12[%add3A_32, %dma_wait3A_97] : memref<50048x32xf32, #tpu.memory_space<vmem_shared>> -> memref<128x32xf32, #tpu.memory_space<vmem_shared>>
      %dma_wait3A_99 = arith.constant 0 : i32
      %dma_wait3A_100 = tpu.memref_slice %arg12[%add3A_32, %dma_wait3A_99] : memref<50048x32xf32, #tpu.memory_space<vmem_shared>> -> memref<128x32xf32, #tpu.memory_space<vmem_shared>>
      tpu.wait_dma2 semaphore(%run_scoped3A : memref<!tpu.dma_semaphore, #tpu.memory_space<semaphore_mem>>) src(%arg9 : memref<128x32xf32, #tpu.memory_space<vmem>>) dst(%dma_wait3A_100 : memref<128x32xf32, #tpu.memory_space<vmem_shared>>)
      tpu.yield
    }) : () -> ()
    %add3A_33 = arith.constant 256 : i32
    %add3A_34 = arith.addi %mul3A_28, %add3A_33 : i32
    "tpu.region"() ({
      %run_scoped3A = tpu.sem_alloc : memref<!tpu.dma_semaphore, #tpu.memory_space<semaphore_mem>>
      %dma_start3A_93 = arith.constant 0 : i32
      %dma_start3A_94 = tpu.memref_slice %arg12[%add3A_34, %dma_start3A_93] : memref<50048x32xf32, #tpu.memory_space<vmem_shared>> -> memref<128x32xf32, #tpu.memory_space<vmem_shared>>
      %dma_start3A_95 = arith.constant 0 : i32
      %dma_start3A_96 = tpu.memref_slice %arg12[%add3A_34, %dma_start3A_95] : memref<50048x32xf32, #tpu.memory_space<vmem_shared>> -> memref<128x32xf32, #tpu.memory_space<vmem_shared>>
      tpu.enqueue_dma source(%arg9 : memref<128x32xf32, #tpu.memory_space<vmem>>) target(%dma_start3A_96 : memref<128x32xf32, #tpu.memory_space<vmem_shared>>) target_semaphore(%run_scoped3A : memref<!tpu.dma_semaphore, #tpu.memory_space<semaphore_mem>>)
      %dma_wait3A_97 = arith.constant 0 : i32
      %dma_wait3A_98 = tpu.memref_slice %arg12[%add3A_34, %dma_wait3A_97] : memref<50048x32xf32, #tpu.memory_space<vmem_shared>> -> memref<128x32xf32, #tpu.memory_space<vmem_shared>>
      %dma_wait3A_99 = arith.constant 0 : i32
      %dma_wait3A_100 = tpu.memref_slice %arg12[%add3A_34, %dma_wait3A_99] : memref<50048x32xf32, #tpu.memory_space<vmem_shared>> -> memref<128x32xf32, #tpu.memory_space<vmem_shared>>
      tpu.wait_dma2 semaphore(%run_scoped3A : memref<!tpu.dma_semaphore, #tpu.memory_space<semaphore_mem>>) src(%arg9 : memref<128x32xf32, #tpu.memory_space<vmem>>) dst(%dma_wait3A_100 : memref<128x32xf32, #tpu.memory_space<vmem_shared>>)
      tpu.yield
    }) : () -> ()
    %add3A_35 = arith.constant 384 : i32
    %add3A_36 = arith.addi %mul3A_28, %add3A_35 : i32
    "tpu.region"() ({
      %run_scoped3A = tpu.sem_alloc : memref<!tpu.dma_semaphore, #tpu.memory_space<semaphore_mem>>
      %dma_start3A_93 = arith.constant 0 : i32
      %dma_start3A_94 = tpu.memref_slice %arg12[%add3A_36, %dma_start3A_93] : memref<50048x32xf32, #tpu.memory_space<vmem_shared>> -> memref<128x32xf32, #tpu.memory_space<vmem_shared>>
      %dma_start3A_95 = arith.constant 0 : i32
      %dma_start3A_96 = tpu.memref_slice %arg12[%add3A_36, %dma_start3A_95] : memref<50048x32xf32, #tpu.memory_space<vmem_shared>> -> memref<128x32xf32, #tpu.memory_space<vmem_shared>>
      tpu.enqueue_dma source(%arg9 : memref<128x32xf32, #tpu.memory_space<vmem>>) target(%dma_start3A_96 : memref<128x32xf32, #tpu.memory_space<vmem_shared>>) target_semaphore(%run_scoped3A : memref<!tpu.dma_semaphore, #tpu.memory_space<semaphore_mem>>)
      %dma_wait3A_97 = arith.constant 0 : i32
      %dma_wait3A_98 = tpu.memref_slice %arg12[%add3A_36, %dma_wait3A_97] : memref<50048x32xf32, #tpu.memory_space<vmem_shared>> -> memref<128x32xf32, #tpu.memory_space<vmem_shared>>
      %dma_wait3A_99 = arith.constant 0 : i32
      %dma_wait3A_100 = tpu.memref_slice %arg12[%add3A_36, %dma_wait3A_99] : memref<50048x32xf32, #tpu.memory_space<vmem_shared>> -> memref<128x32xf32, #tpu.memory_space<vmem_shared>>
      tpu.wait_dma2 semaphore(%run_scoped3A : memref<!tpu.dma_semaphore, #tpu.memory_space<semaphore_mem>>) src(%arg9 : memref<128x32xf32, #tpu.memory_space<vmem>>) dst(%dma_wait3A_100 : memref<128x32xf32, #tpu.memory_space<vmem_shared>>)
      tpu.yield
    }) : () -> ()
    %add3A_37 = arith.constant 512 : i32
    %add3A_38 = arith.addi %mul3A_28, %add3A_37 : i32
    "tpu.region"() ({
      %run_scoped3A = tpu.sem_alloc : memref<!tpu.dma_semaphore, #tpu.memory_space<semaphore_mem>>
      %dma_start3A_93 = arith.constant 0 : i32
      %dma_start3A_94 = tpu.memref_slice %arg12[%add3A_38, %dma_start3A_93] : memref<50048x32xf32, #tpu.memory_space<vmem_shared>> -> memref<128x32xf32, #tpu.memory_space<vmem_shared>>
      %dma_start3A_95 = arith.constant 0 : i32
      %dma_start3A_96 = tpu.memref_slice %arg12[%add3A_38, %dma_start3A_95] : memref<50048x32xf32, #tpu.memory_space<vmem_shared>> -> memref<128x32xf32, #tpu.memory_space<vmem_shared>>
      tpu.enqueue_dma source(%arg9 : memref<128x32xf32, #tpu.memory_space<vmem>>) target(%dma_start3A_96 : memref<128x32xf32, #tpu.memory_space<vmem_shared>>) target_semaphore(%run_scoped3A : memref<!tpu.dma_semaphore, #tpu.memory_space<semaphore_mem>>)
      %dma_wait3A_97 = arith.constant 0 : i32
      %dma_wait3A_98 = tpu.memref_slice %arg12[%add3A_38, %dma_wait3A_97] : memref<50048x32xf32, #tpu.memory_space<vmem_shared>> -> memref<128x32xf32, #tpu.memory_space<vmem_shared>>
      %dma_wait3A_99 = arith.constant 0 : i32
      %dma_wait3A_100 = tpu.memref_slice %arg12[%add3A_38, %dma_wait3A_99] : memref<50048x32xf32, #tpu.memory_space<vmem_shared>> -> memref<128x32xf32, #tpu.memory_space<vmem_shared>>
      tpu.wait_dma2 semaphore(%run_scoped3A : memref<!tpu.dma_semaphore, #tpu.memory_space<semaphore_mem>>) src(%arg9 : memref<128x32xf32, #tpu.memory_space<vmem>>) dst(%dma_wait3A_100 : memref<128x32xf32, #tpu.memory_space<vmem_shared>>)
      tpu.yield
    }) : () -> ()
    %add3A_39 = arith.constant 640 : i32
    %add3A_40 = arith.addi %mul3A_28, %add3A_39 : i32
    "tpu.region"() ({
      %run_scoped3A = tpu.sem_alloc : memref<!tpu.dma_semaphore, #tpu.memory_space<semaphore_mem>>
      %dma_start3A_93 = arith.constant 0 : i32
      %dma_start3A_94 = tpu.memref_slice %arg12[%add3A_40, %dma_start3A_93] : memref<50048x32xf32, #tpu.memory_space<vmem_shared>> -> memref<128x32xf32, #tpu.memory_space<vmem_shared>>
      %dma_start3A_95 = arith.constant 0 : i32
      %dma_start3A_96 = tpu.memref_slice %arg12[%add3A_40, %dma_start3A_95] : memref<50048x32xf32, #tpu.memory_space<vmem_shared>> -> memref<128x32xf32, #tpu.memory_space<vmem_shared>>
      tpu.enqueue_dma source(%arg9 : memref<128x32xf32, #tpu.memory_space<vmem>>) target(%dma_start3A_96 : memref<128x32xf32, #tpu.memory_space<vmem_shared>>) target_semaphore(%run_scoped3A : memref<!tpu.dma_semaphore, #tpu.memory_space<semaphore_mem>>)
      %dma_wait3A_97 = arith.constant 0 : i32
      %dma_wait3A_98 = tpu.memref_slice %arg12[%add3A_40, %dma_wait3A_97] : memref<50048x32xf32, #tpu.memory_space<vmem_shared>> -> memref<128x32xf32, #tpu.memory_space<vmem_shared>>
      %dma_wait3A_99 = arith.constant 0 : i32
      %dma_wait3A_100 = tpu.memref_slice %arg12[%add3A_40, %dma_wait3A_99] : memref<50048x32xf32, #tpu.memory_space<vmem_shared>> -> memref<128x32xf32, #tpu.memory_space<vmem_shared>>
      tpu.wait_dma2 semaphore(%run_scoped3A : memref<!tpu.dma_semaphore, #tpu.memory_space<semaphore_mem>>) src(%arg9 : memref<128x32xf32, #tpu.memory_space<vmem>>) dst(%dma_wait3A_100 : memref<128x32xf32, #tpu.memory_space<vmem_shared>>)
      tpu.yield
    }) : () -> ()
    %add3A_41 = arith.constant 768 : i32
    %add3A_42 = arith.addi %mul3A_28, %add3A_41 : i32
    "tpu.region"() ({
      %run_scoped3A = tpu.sem_alloc : memref<!tpu.dma_semaphore, #tpu.memory_space<semaphore_mem>>
      %dma_start3A_93 = arith.constant 0 : i32
      %dma_start3A_94 = tpu.memref_slice %arg12[%add3A_42, %dma_start3A_93] : memref<50048x32xf32, #tpu.memory_space<vmem_shared>> -> memref<128x32xf32, #tpu.memory_space<vmem_shared>>
      %dma_start3A_95 = arith.constant 0 : i32
      %dma_start3A_96 = tpu.memref_slice %arg12[%add3A_42, %dma_start3A_95] : memref<50048x32xf32, #tpu.memory_space<vmem_shared>> -> memref<128x32xf32, #tpu.memory_space<vmem_shared>>
      tpu.enqueue_dma source(%arg9 : memref<128x32xf32, #tpu.memory_space<vmem>>) target(%dma_start3A_96 : memref<128x32xf32, #tpu.memory_space<vmem_shared>>) target_semaphore(%run_scoped3A : memref<!tpu.dma_semaphore, #tpu.memory_space<semaphore_mem>>)
      %dma_wait3A_97 = arith.constant 0 : i32
      %dma_wait3A_98 = tpu.memref_slice %arg12[%add3A_42, %dma_wait3A_97] : memref<50048x32xf32, #tpu.memory_space<vmem_shared>> -> memref<128x32xf32, #tpu.memory_space<vmem_shared>>
      %dma_wait3A_99 = arith.constant 0 : i32
      %dma_wait3A_100 = tpu.memref_slice %arg12[%add3A_42, %dma_wait3A_99] : memref<50048x32xf32, #tpu.memory_space<vmem_shared>> -> memref<128x32xf32, #tpu.memory_space<vmem_shared>>
      tpu.wait_dma2 semaphore(%run_scoped3A : memref<!tpu.dma_semaphore, #tpu.memory_space<semaphore_mem>>) src(%arg9 : memref<128x32xf32, #tpu.memory_space<vmem>>) dst(%dma_wait3A_100 : memref<128x32xf32, #tpu.memory_space<vmem_shared>>)
      tpu.yield
    }) : () -> ()
    %add3A_43 = arith.constant 896 : i32
    %add3A_44 = arith.addi %mul3A_28, %add3A_43 : i32
    "tpu.region"() ({
      %run_scoped3A = tpu.sem_alloc : memref<!tpu.dma_semaphore, #tpu.memory_space<semaphore_mem>>
      %dma_start3A_93 = arith.constant 0 : i32
      %dma_start3A_94 = tpu.memref_slice %arg12[%add3A_44, %dma_start3A_93] : memref<50048x32xf32, #tpu.memory_space<vmem_shared>> -> memref<128x32xf32, #tpu.memory_space<vmem_shared>>
      %dma_start3A_95 = arith.constant 0 : i32
      %dma_start3A_96 = tpu.memref_slice %arg12[%add3A_44, %dma_start3A_95] : memref<50048x32xf32, #tpu.memory_space<vmem_shared>> -> memref<128x32xf32, #tpu.memory_space<vmem_shared>>
      tpu.enqueue_dma source(%arg9 : memref<128x32xf32, #tpu.memory_space<vmem>>) target(%dma_start3A_96 : memref<128x32xf32, #tpu.memory_space<vmem_shared>>) target_semaphore(%run_scoped3A : memref<!tpu.dma_semaphore, #tpu.memory_space<semaphore_mem>>)
      %dma_wait3A_97 = arith.constant 0 : i32
      %dma_wait3A_98 = tpu.memref_slice %arg12[%add3A_44, %dma_wait3A_97] : memref<50048x32xf32, #tpu.memory_space<vmem_shared>> -> memref<128x32xf32, #tpu.memory_space<vmem_shared>>
      %dma_wait3A_99 = arith.constant 0 : i32
      %dma_wait3A_100 = tpu.memref_slice %arg12[%add3A_44, %dma_wait3A_99] : memref<50048x32xf32, #tpu.memory_space<vmem_shared>> -> memref<128x32xf32, #tpu.memory_space<vmem_shared>>
      tpu.wait_dma2 semaphore(%run_scoped3A : memref<!tpu.dma_semaphore, #tpu.memory_space<semaphore_mem>>) src(%arg9 : memref<128x32xf32, #tpu.memory_space<vmem>>) dst(%dma_wait3A_100 : memref<128x32xf32, #tpu.memory_space<vmem_shared>>)
      tpu.yield
    }) : () -> ()
    %add3A_45 = arith.constant 1024 : i32
    %add3A_46 = arith.addi %mul3A_28, %add3A_45 : i32
    "tpu.region"() ({
      %run_scoped3A = tpu.sem_alloc : memref<!tpu.dma_semaphore, #tpu.memory_space<semaphore_mem>>
      %dma_start3A_93 = arith.constant 0 : i32
      %dma_start3A_94 = tpu.memref_slice %arg12[%add3A_46, %dma_start3A_93] : memref<50048x32xf32, #tpu.memory_space<vmem_shared>> -> memref<128x32xf32, #tpu.memory_space<vmem_shared>>
      %dma_start3A_95 = arith.constant 0 : i32
      %dma_start3A_96 = tpu.memref_slice %arg12[%add3A_46, %dma_start3A_95] : memref<50048x32xf32, #tpu.memory_space<vmem_shared>> -> memref<128x32xf32, #tpu.memory_space<vmem_shared>>
      tpu.enqueue_dma source(%arg9 : memref<128x32xf32, #tpu.memory_space<vmem>>) target(%dma_start3A_96 : memref<128x32xf32, #tpu.memory_space<vmem_shared>>) target_semaphore(%run_scoped3A : memref<!tpu.dma_semaphore, #tpu.memory_space<semaphore_mem>>)
      %dma_wait3A_97 = arith.constant 0 : i32
      %dma_wait3A_98 = tpu.memref_slice %arg12[%add3A_46, %dma_wait3A_97] : memref<50048x32xf32, #tpu.memory_space<vmem_shared>> -> memref<128x32xf32, #tpu.memory_space<vmem_shared>>
      %dma_wait3A_99 = arith.constant 0 : i32
      %dma_wait3A_100 = tpu.memref_slice %arg12[%add3A_46, %dma_wait3A_99] : memref<50048x32xf32, #tpu.memory_space<vmem_shared>> -> memref<128x32xf32, #tpu.memory_space<vmem_shared>>
      tpu.wait_dma2 semaphore(%run_scoped3A : memref<!tpu.dma_semaphore, #tpu.memory_space<semaphore_mem>>) src(%arg9 : memref<128x32xf32, #tpu.memory_space<vmem>>) dst(%dma_wait3A_100 : memref<128x32xf32, #tpu.memory_space<vmem_shared>>)
      tpu.yield
    }) : () -> ()
    %add3A_47 = arith.constant 1152 : i32
    %add3A_48 = arith.addi %mul3A_28, %add3A_47 : i32
    "tpu.region"() ({
      %run_scoped3A = tpu.sem_alloc : memref<!tpu.dma_semaphore, #tpu.memory_space<semaphore_mem>>
      %dma_start3A_93 = arith.constant 0 : i32
      %dma_start3A_94 = tpu.memref_slice %arg12[%add3A_48, %dma_start3A_93] : memref<50048x32xf32, #tpu.memory_space<vmem_shared>> -> memref<128x32xf32, #tpu.memory_space<vmem_shared>>
      %dma_start3A_95 = arith.constant 0 : i32
      %dma_start3A_96 = tpu.memref_slice %arg12[%add3A_48, %dma_start3A_95] : memref<50048x32xf32, #tpu.memory_space<vmem_shared>> -> memref<128x32xf32, #tpu.memory_space<vmem_shared>>
      tpu.enqueue_dma source(%arg9 : memref<128x32xf32, #tpu.memory_space<vmem>>) target(%dma_start3A_96 : memref<128x32xf32, #tpu.memory_space<vmem_shared>>) target_semaphore(%run_scoped3A : memref<!tpu.dma_semaphore, #tpu.memory_space<semaphore_mem>>)
      %dma_wait3A_97 = arith.constant 0 : i32
      %dma_wait3A_98 = tpu.memref_slice %arg12[%add3A_48, %dma_wait3A_97] : memref<50048x32xf32, #tpu.memory_space<vmem_shared>> -> memref<128x32xf32, #tpu.memory_space<vmem_shared>>
      %dma_wait3A_99 = arith.constant 0 : i32
      %dma_wait3A_100 = tpu.memref_slice %arg12[%add3A_48, %dma_wait3A_99] : memref<50048x32xf32, #tpu.memory_space<vmem_shared>> -> memref<128x32xf32, #tpu.memory_space<vmem_shared>>
      tpu.wait_dma2 semaphore(%run_scoped3A : memref<!tpu.dma_semaphore, #tpu.memory_space<semaphore_mem>>) src(%arg9 : memref<128x32xf32, #tpu.memory_space<vmem>>) dst(%dma_wait3A_100 : memref<128x32xf32, #tpu.memory_space<vmem_shared>>)
      tpu.yield
    }) : () -> ()
    %add3A_49 = arith.constant 1280 : i32
    %add3A_50 = arith.addi %mul3A_28, %add3A_49 : i32
    "tpu.region"() ({
      %run_scoped3A = tpu.sem_alloc : memref<!tpu.dma_semaphore, #tpu.memory_space<semaphore_mem>>
      %dma_start3A_93 = arith.constant 0 : i32
      %dma_start3A_94 = tpu.memref_slice %arg12[%add3A_50, %dma_start3A_93] : memref<50048x32xf32, #tpu.memory_space<vmem_shared>> -> memref<128x32xf32, #tpu.memory_space<vmem_shared>>
      %dma_start3A_95 = arith.constant 0 : i32
      %dma_start3A_96 = tpu.memref_slice %arg12[%add3A_50, %dma_start3A_95] : memref<50048x32xf32, #tpu.memory_space<vmem_shared>> -> memref<128x32xf32, #tpu.memory_space<vmem_shared>>
      tpu.enqueue_dma source(%arg9 : memref<128x32xf32, #tpu.memory_space<vmem>>) target(%dma_start3A_96 : memref<128x32xf32, #tpu.memory_space<vmem_shared>>) target_semaphore(%run_scoped3A : memref<!tpu.dma_semaphore, #tpu.memory_space<semaphore_mem>>)
      %dma_wait3A_97 = arith.constant 0 : i32
      %dma_wait3A_98 = tpu.memref_slice %arg12[%add3A_50, %dma_wait3A_97] : memref<50048x32xf32, #tpu.memory_space<vmem_shared>> -> memref<128x32xf32, #tpu.memory_space<vmem_shared>>
      %dma_wait3A_99 = arith.constant 0 : i32
      %dma_wait3A_100 = tpu.memref_slice %arg12[%add3A_50, %dma_wait3A_99] : memref<50048x32xf32, #tpu.memory_space<vmem_shared>> -> memref<128x32xf32, #tpu.memory_space<vmem_shared>>
      tpu.wait_dma2 semaphore(%run_scoped3A : memref<!tpu.dma_semaphore, #tpu.memory_space<semaphore_mem>>) src(%arg9 : memref<128x32xf32, #tpu.memory_space<vmem>>) dst(%dma_wait3A_100 : memref<128x32xf32, #tpu.memory_space<vmem_shared>>)
      tpu.yield
    }) : () -> ()
    %add3A_51 = arith.constant 1408 : i32
    %add3A_52 = arith.addi %mul3A_28, %add3A_51 : i32
    "tpu.region"() ({
      %run_scoped3A = tpu.sem_alloc : memref<!tpu.dma_semaphore, #tpu.memory_space<semaphore_mem>>
      %dma_start3A_93 = arith.constant 0 : i32
      %dma_start3A_94 = tpu.memref_slice %arg12[%add3A_52, %dma_start3A_93] : memref<50048x32xf32, #tpu.memory_space<vmem_shared>> -> memref<128x32xf32, #tpu.memory_space<vmem_shared>>
      %dma_start3A_95 = arith.constant 0 : i32
      %dma_start3A_96 = tpu.memref_slice %arg12[%add3A_52, %dma_start3A_95] : memref<50048x32xf32, #tpu.memory_space<vmem_shared>> -> memref<128x32xf32, #tpu.memory_space<vmem_shared>>
      tpu.enqueue_dma source(%arg9 : memref<128x32xf32, #tpu.memory_space<vmem>>) target(%dma_start3A_96 : memref<128x32xf32, #tpu.memory_space<vmem_shared>>) target_semaphore(%run_scoped3A : memref<!tpu.dma_semaphore, #tpu.memory_space<semaphore_mem>>)
      %dma_wait3A_97 = arith.constant 0 : i32
      %dma_wait3A_98 = tpu.memref_slice %arg12[%add3A_52, %dma_wait3A_97] : memref<50048x32xf32, #tpu.memory_space<vmem_shared>> -> memref<128x32xf32, #tpu.memory_space<vmem_shared>>
      %dma_wait3A_99 = arith.constant 0 : i32
      %dma_wait3A_100 = tpu.memref_slice %arg12[%add3A_52, %dma_wait3A_99] : memref<50048x32xf32, #tpu.memory_space<vmem_shared>> -> memref<128x32xf32, #tpu.memory_space<vmem_shared>>
      tpu.wait_dma2 semaphore(%run_scoped3A : memref<!tpu.dma_semaphore, #tpu.memory_space<semaphore_mem>>) src(%arg9 : memref<128x32xf32, #tpu.memory_space<vmem>>) dst(%dma_wait3A_100 : memref<128x32xf32, #tpu.memory_space<vmem_shared>>)
      tpu.yield
    }) : () -> ()
    %add3A_53 = arith.constant 1536 : i32
    %add3A_54 = arith.addi %mul3A_28, %add3A_53 : i32
    "tpu.region"() ({
      %run_scoped3A = tpu.sem_alloc : memref<!tpu.dma_semaphore, #tpu.memory_space<semaphore_mem>>
      %dma_start3A_93 = arith.constant 0 : i32
      %dma_start3A_94 = tpu.memref_slice %arg12[%add3A_54, %dma_start3A_93] : memref<50048x32xf32, #tpu.memory_space<vmem_shared>> -> memref<128x32xf32, #tpu.memory_space<vmem_shared>>
      %dma_start3A_95 = arith.constant 0 : i32
      %dma_start3A_96 = tpu.memref_slice %arg12[%add3A_54, %dma_start3A_95] : memref<50048x32xf32, #tpu.memory_space<vmem_shared>> -> memref<128x32xf32, #tpu.memory_space<vmem_shared>>
      tpu.enqueue_dma source(%arg9 : memref<128x32xf32, #tpu.memory_space<vmem>>) target(%dma_start3A_96 : memref<128x32xf32, #tpu.memory_space<vmem_shared>>) target_semaphore(%run_scoped3A : memref<!tpu.dma_semaphore, #tpu.memory_space<semaphore_mem>>)
      %dma_wait3A_97 = arith.constant 0 : i32
      %dma_wait3A_98 = tpu.memref_slice %arg12[%add3A_54, %dma_wait3A_97] : memref<50048x32xf32, #tpu.memory_space<vmem_shared>> -> memref<128x32xf32, #tpu.memory_space<vmem_shared>>
      %dma_wait3A_99 = arith.constant 0 : i32
      %dma_wait3A_100 = tpu.memref_slice %arg12[%add3A_54, %dma_wait3A_99] : memref<50048x32xf32, #tpu.memory_space<vmem_shared>> -> memref<128x32xf32, #tpu.memory_space<vmem_shared>>
      tpu.wait_dma2 semaphore(%run_scoped3A : memref<!tpu.dma_semaphore, #tpu.memory_space<semaphore_mem>>) src(%arg9 : memref<128x32xf32, #tpu.memory_space<vmem>>) dst(%dma_wait3A_100 : memref<128x32xf32, #tpu.memory_space<vmem_shared>>)
      tpu.yield
    }) : () -> ()
    %add3A_55 = arith.constant 1664 : i32
    %add3A_56 = arith.addi %mul3A_28, %add3A_55 : i32
    "tpu.region"() ({
      %run_scoped3A = tpu.sem_alloc : memref<!tpu.dma_semaphore, #tpu.memory_space<semaphore_mem>>
      %dma_start3A_93 = arith.constant 0 : i32
      %dma_start3A_94 = tpu.memref_slice %arg12[%add3A_56, %dma_start3A_93] : memref<50048x32xf32, #tpu.memory_space<vmem_shared>> -> memref<128x32xf32, #tpu.memory_space<vmem_shared>>
      %dma_start3A_95 = arith.constant 0 : i32
      %dma_start3A_96 = tpu.memref_slice %arg12[%add3A_56, %dma_start3A_95] : memref<50048x32xf32, #tpu.memory_space<vmem_shared>> -> memref<128x32xf32, #tpu.memory_space<vmem_shared>>
      tpu.enqueue_dma source(%arg9 : memref<128x32xf32, #tpu.memory_space<vmem>>) target(%dma_start3A_96 : memref<128x32xf32, #tpu.memory_space<vmem_shared>>) target_semaphore(%run_scoped3A : memref<!tpu.dma_semaphore, #tpu.memory_space<semaphore_mem>>)
      %dma_wait3A_97 = arith.constant 0 : i32
      %dma_wait3A_98 = tpu.memref_slice %arg12[%add3A_56, %dma_wait3A_97] : memref<50048x32xf32, #tpu.memory_space<vmem_shared>> -> memref<128x32xf32, #tpu.memory_space<vmem_shared>>
      %dma_wait3A_99 = arith.constant 0 : i32
      %dma_wait3A_100 = tpu.memref_slice %arg12[%add3A_56, %dma_wait3A_99] : memref<50048x32xf32, #tpu.memory_space<vmem_shared>> -> memref<128x32xf32, #tpu.memory_space<vmem_shared>>
      tpu.wait_dma2 semaphore(%run_scoped3A : memref<!tpu.dma_semaphore, #tpu.memory_space<semaphore_mem>>) src(%arg9 : memref<128x32xf32, #tpu.memory_space<vmem>>) dst(%dma_wait3A_100 : memref<128x32xf32, #tpu.memory_space<vmem_shared>>)
      tpu.yield
    }) : () -> ()
    %add3A_57 = arith.constant 1792 : i32
    %add3A_58 = arith.addi %mul3A_28, %add3A_57 : i32
    "tpu.region"() ({
      %run_scoped3A = tpu.sem_alloc : memref<!tpu.dma_semaphore, #tpu.memory_space<semaphore_mem>>
      %dma_start3A_93 = arith.constant 0 : i32
      %dma_start3A_94 = tpu.memref_slice %arg12[%add3A_58, %dma_start3A_93] : memref<50048x32xf32, #tpu.memory_space<vmem_shared>> -> memref<128x32xf32, #tpu.memory_space<vmem_shared>>
      %dma_start3A_95 = arith.constant 0 : i32
      %dma_start3A_96 = tpu.memref_slice %arg12[%add3A_58, %dma_start3A_95] : memref<50048x32xf32, #tpu.memory_space<vmem_shared>> -> memref<128x32xf32, #tpu.memory_space<vmem_shared>>
      tpu.enqueue_dma source(%arg9 : memref<128x32xf32, #tpu.memory_space<vmem>>) target(%dma_start3A_96 : memref<128x32xf32, #tpu.memory_space<vmem_shared>>) target_semaphore(%run_scoped3A : memref<!tpu.dma_semaphore, #tpu.memory_space<semaphore_mem>>)
      %dma_wait3A_97 = arith.constant 0 : i32
      %dma_wait3A_98 = tpu.memref_slice %arg12[%add3A_58, %dma_wait3A_97] : memref<50048x32xf32, #tpu.memory_space<vmem_shared>> -> memref<128x32xf32, #tpu.memory_space<vmem_shared>>
      %dma_wait3A_99 = arith.constant 0 : i32
      %dma_wait3A_100 = tpu.memref_slice %arg12[%add3A_58, %dma_wait3A_99] : memref<50048x32xf32, #tpu.memory_space<vmem_shared>> -> memref<128x32xf32, #tpu.memory_space<vmem_shared>>
      tpu.wait_dma2 semaphore(%run_scoped3A : memref<!tpu.dma_semaphore, #tpu.memory_space<semaphore_mem>>) src(%arg9 : memref<128x32xf32, #tpu.memory_space<vmem>>) dst(%dma_wait3A_100 : memref<128x32xf32, #tpu.memory_space<vmem_shared>>)
      tpu.yield
    }) : () -> ()
    %add3A_59 = arith.constant 1920 : i32
    %add3A_60 = arith.addi %mul3A_28, %add3A_59 : i32
    "tpu.region"() ({
      %run_scoped3A = tpu.sem_alloc : memref<!tpu.dma_semaphore, #tpu.memory_space<semaphore_mem>>
      %dma_start3A_93 = arith.constant 0 : i32
      %dma_start3A_94 = tpu.memref_slice %arg12[%add3A_60, %dma_start3A_93] : memref<50048x32xf32, #tpu.memory_space<vmem_shared>> -> memref<128x32xf32, #tpu.memory_space<vmem_shared>>
      %dma_start3A_95 = arith.constant 0 : i32
      %dma_start3A_96 = tpu.memref_slice %arg12[%add3A_60, %dma_start3A_95] : memref<50048x32xf32, #tpu.memory_space<vmem_shared>> -> memref<128x32xf32, #tpu.memory_space<vmem_shared>>
      tpu.enqueue_dma source(%arg9 : memref<128x32xf32, #tpu.memory_space<vmem>>) target(%dma_start3A_96 : memref<128x32xf32, #tpu.memory_space<vmem_shared>>) target_semaphore(%run_scoped3A : memref<!tpu.dma_semaphore, #tpu.memory_space<semaphore_mem>>)
      %dma_wait3A_97 = arith.constant 0 : i32
      %dma_wait3A_98 = tpu.memref_slice %arg12[%add3A_60, %dma_wait3A_97] : memref<50048x32xf32, #tpu.memory_space<vmem_shared>> -> memref<128x32xf32, #tpu.memory_space<vmem_shared>>
      %dma_wait3A_99 = arith.constant 0 : i32
      %dma_wait3A_100 = tpu.memref_slice %arg12[%add3A_60, %dma_wait3A_99] : memref<50048x32xf32, #tpu.memory_space<vmem_shared>> -> memref<128x32xf32, #tpu.memory_space<vmem_shared>>
      tpu.wait_dma2 semaphore(%run_scoped3A : memref<!tpu.dma_semaphore, #tpu.memory_space<semaphore_mem>>) src(%arg9 : memref<128x32xf32, #tpu.memory_space<vmem>>) dst(%dma_wait3A_100 : memref<128x32xf32, #tpu.memory_space<vmem_shared>>)
      tpu.yield
    }) : () -> ()
    %add3A_61 = arith.constant 2048 : i32
    %add3A_62 = arith.addi %mul3A_28, %add3A_61 : i32
    "tpu.region"() ({
      %run_scoped3A = tpu.sem_alloc : memref<!tpu.dma_semaphore, #tpu.memory_space<semaphore_mem>>
      %dma_start3A_93 = arith.constant 0 : i32
      %dma_start3A_94 = tpu.memref_slice %arg12[%add3A_62, %dma_start3A_93] : memref<50048x32xf32, #tpu.memory_space<vmem_shared>> -> memref<128x32xf32, #tpu.memory_space<vmem_shared>>
      %dma_start3A_95 = arith.constant 0 : i32
      %dma_start3A_96 = tpu.memref_slice %arg12[%add3A_62, %dma_start3A_95] : memref<50048x32xf32, #tpu.memory_space<vmem_shared>> -> memref<128x32xf32, #tpu.memory_space<vmem_shared>>
      tpu.enqueue_dma source(%arg9 : memref<128x32xf32, #tpu.memory_space<vmem>>) target(%dma_start3A_96 : memref<128x32xf32, #tpu.memory_space<vmem_shared>>) target_semaphore(%run_scoped3A : memref<!tpu.dma_semaphore, #tpu.memory_space<semaphore_mem>>)
      %dma_wait3A_97 = arith.constant 0 : i32
      %dma_wait3A_98 = tpu.memref_slice %arg12[%add3A_62, %dma_wait3A_97] : memref<50048x32xf32, #tpu.memory_space<vmem_shared>> -> memref<128x32xf32, #tpu.memory_space<vmem_shared>>
      %dma_wait3A_99 = arith.constant 0 : i32
      %dma_wait3A_100 = tpu.memref_slice %arg12[%add3A_62, %dma_wait3A_99] : memref<50048x32xf32, #tpu.memory_space<vmem_shared>> -> memref<128x32xf32, #tpu.memory_space<vmem_shared>>
      tpu.wait_dma2 semaphore(%run_scoped3A : memref<!tpu.dma_semaphore, #tpu.memory_space<semaphore_mem>>) src(%arg9 : memref<128x32xf32, #tpu.memory_space<vmem>>) dst(%dma_wait3A_100 : memref<128x32xf32, #tpu.memory_space<vmem_shared>>)
      tpu.yield
    }) : () -> ()
    %add3A_63 = arith.constant 2176 : i32
    %add3A_64 = arith.addi %mul3A_28, %add3A_63 : i32
    "tpu.region"() ({
      %run_scoped3A = tpu.sem_alloc : memref<!tpu.dma_semaphore, #tpu.memory_space<semaphore_mem>>
      %dma_start3A_93 = arith.constant 0 : i32
      %dma_start3A_94 = tpu.memref_slice %arg12[%add3A_64, %dma_start3A_93] : memref<50048x32xf32, #tpu.memory_space<vmem_shared>> -> memref<128x32xf32, #tpu.memory_space<vmem_shared>>
      %dma_start3A_95 = arith.constant 0 : i32
      %dma_start3A_96 = tpu.memref_slice %arg12[%add3A_64, %dma_start3A_95] : memref<50048x32xf32, #tpu.memory_space<vmem_shared>> -> memref<128x32xf32, #tpu.memory_space<vmem_shared>>
      tpu.enqueue_dma source(%arg9 : memref<128x32xf32, #tpu.memory_space<vmem>>) target(%dma_start3A_96 : memref<128x32xf32, #tpu.memory_space<vmem_shared>>) target_semaphore(%run_scoped3A : memref<!tpu.dma_semaphore, #tpu.memory_space<semaphore_mem>>)
      %dma_wait3A_97 = arith.constant 0 : i32
      %dma_wait3A_98 = tpu.memref_slice %arg12[%add3A_64, %dma_wait3A_97] : memref<50048x32xf32, #tpu.memory_space<vmem_shared>> -> memref<128x32xf32, #tpu.memory_space<vmem_shared>>
      %dma_wait3A_99 = arith.constant 0 : i32
      %dma_wait3A_100 = tpu.memref_slice %arg12[%add3A_64, %dma_wait3A_99] : memref<50048x32xf32, #tpu.memory_space<vmem_shared>> -> memref<128x32xf32, #tpu.memory_space<vmem_shared>>
      tpu.wait_dma2 semaphore(%run_scoped3A : memref<!tpu.dma_semaphore, #tpu.memory_space<semaphore_mem>>) src(%arg9 : memref<128x32xf32, #tpu.memory_space<vmem>>) dst(%dma_wait3A_100 : memref<128x32xf32, #tpu.memory_space<vmem_shared>>)
      tpu.yield
    }) : () -> ()
    %add3A_65 = arith.constant 2304 : i32
    %add3A_66 = arith.addi %mul3A_28, %add3A_65 : i32
    "tpu.region"() ({
      %run_scoped3A = tpu.sem_alloc : memref<!tpu.dma_semaphore, #tpu.memory_space<semaphore_mem>>
      %dma_start3A_93 = arith.constant 0 : i32
      %dma_start3A_94 = tpu.memref_slice %arg12[%add3A_66, %dma_start3A_93] : memref<50048x32xf32, #tpu.memory_space<vmem_shared>> -> memref<128x32xf32, #tpu.memory_space<vmem_shared>>
      %dma_start3A_95 = arith.constant 0 : i32
      %dma_start3A_96 = tpu.memref_slice %arg12[%add3A_66, %dma_start3A_95] : memref<50048x32xf32, #tpu.memory_space<vmem_shared>> -> memref<128x32xf32, #tpu.memory_space<vmem_shared>>
      tpu.enqueue_dma source(%arg9 : memref<128x32xf32, #tpu.memory_space<vmem>>) target(%dma_start3A_96 : memref<128x32xf32, #tpu.memory_space<vmem_shared>>) target_semaphore(%run_scoped3A : memref<!tpu.dma_semaphore, #tpu.memory_space<semaphore_mem>>)
      %dma_wait3A_97 = arith.constant 0 : i32
      %dma_wait3A_98 = tpu.memref_slice %arg12[%add3A_66, %dma_wait3A_97] : memref<50048x32xf32, #tpu.memory_space<vmem_shared>> -> memref<128x32xf32, #tpu.memory_space<vmem_shared>>
      %dma_wait3A_99 = arith.constant 0 : i32
      %dma_wait3A_100 = tpu.memref_slice %arg12[%add3A_66, %dma_wait3A_99] : memref<50048x32xf32, #tpu.memory_space<vmem_shared>> -> memref<128x32xf32, #tpu.memory_space<vmem_shared>>
      tpu.wait_dma2 semaphore(%run_scoped3A : memref<!tpu.dma_semaphore, #tpu.memory_space<semaphore_mem>>) src(%arg9 : memref<128x32xf32, #tpu.memory_space<vmem>>) dst(%dma_wait3A_100 : memref<128x32xf32, #tpu.memory_space<vmem_shared>>)
      tpu.yield
    }) : () -> ()
    %add3A_67 = arith.constant 2432 : i32
    %add3A_68 = arith.addi %mul3A_28, %add3A_67 : i32
    "tpu.region"() ({
      %run_scoped3A = tpu.sem_alloc : memref<!tpu.dma_semaphore, #tpu.memory_space<semaphore_mem>>
      %dma_start3A_93 = arith.constant 0 : i32
      %dma_start3A_94 = tpu.memref_slice %arg12[%add3A_68, %dma_start3A_93] : memref<50048x32xf32, #tpu.memory_space<vmem_shared>> -> memref<128x32xf32, #tpu.memory_space<vmem_shared>>
      %dma_start3A_95 = arith.constant 0 : i32
      %dma_start3A_96 = tpu.memref_slice %arg12[%add3A_68, %dma_start3A_95] : memref<50048x32xf32, #tpu.memory_space<vmem_shared>> -> memref<128x32xf32, #tpu.memory_space<vmem_shared>>
      tpu.enqueue_dma source(%arg9 : memref<128x32xf32, #tpu.memory_space<vmem>>) target(%dma_start3A_96 : memref<128x32xf32, #tpu.memory_space<vmem_shared>>) target_semaphore(%run_scoped3A : memref<!tpu.dma_semaphore, #tpu.memory_space<semaphore_mem>>)
      %dma_wait3A_97 = arith.constant 0 : i32
      %dma_wait3A_98 = tpu.memref_slice %arg12[%add3A_68, %dma_wait3A_97] : memref<50048x32xf32, #tpu.memory_space<vmem_shared>> -> memref<128x32xf32, #tpu.memory_space<vmem_shared>>
      %dma_wait3A_99 = arith.constant 0 : i32
      %dma_wait3A_100 = tpu.memref_slice %arg12[%add3A_68, %dma_wait3A_99] : memref<50048x32xf32, #tpu.memory_space<vmem_shared>> -> memref<128x32xf32, #tpu.memory_space<vmem_shared>>
      tpu.wait_dma2 semaphore(%run_scoped3A : memref<!tpu.dma_semaphore, #tpu.memory_space<semaphore_mem>>) src(%arg9 : memref<128x32xf32, #tpu.memory_space<vmem>>) dst(%dma_wait3A_100 : memref<128x32xf32, #tpu.memory_space<vmem_shared>>)
      tpu.yield
    }) : () -> ()
    %add3A_69 = arith.constant 2560 : i32
    %add3A_70 = arith.addi %mul3A_28, %add3A_69 : i32
    "tpu.region"() ({
      %run_scoped3A = tpu.sem_alloc : memref<!tpu.dma_semaphore, #tpu.memory_space<semaphore_mem>>
      %dma_start3A_93 = arith.constant 0 : i32
      %dma_start3A_94 = tpu.memref_slice %arg12[%add3A_70, %dma_start3A_93] : memref<50048x32xf32, #tpu.memory_space<vmem_shared>> -> memref<128x32xf32, #tpu.memory_space<vmem_shared>>
      %dma_start3A_95 = arith.constant 0 : i32
      %dma_start3A_96 = tpu.memref_slice %arg12[%add3A_70, %dma_start3A_95] : memref<50048x32xf32, #tpu.memory_space<vmem_shared>> -> memref<128x32xf32, #tpu.memory_space<vmem_shared>>
      tpu.enqueue_dma source(%arg9 : memref<128x32xf32, #tpu.memory_space<vmem>>) target(%dma_start3A_96 : memref<128x32xf32, #tpu.memory_space<vmem_shared>>) target_semaphore(%run_scoped3A : memref<!tpu.dma_semaphore, #tpu.memory_space<semaphore_mem>>)
      %dma_wait3A_97 = arith.constant 0 : i32
      %dma_wait3A_98 = tpu.memref_slice %arg12[%add3A_70, %dma_wait3A_97] : memref<50048x32xf32, #tpu.memory_space<vmem_shared>> -> memref<128x32xf32, #tpu.memory_space<vmem_shared>>
      %dma_wait3A_99 = arith.constant 0 : i32
      %dma_wait3A_100 = tpu.memref_slice %arg12[%add3A_70, %dma_wait3A_99] : memref<50048x32xf32, #tpu.memory_space<vmem_shared>> -> memref<128x32xf32, #tpu.memory_space<vmem_shared>>
      tpu.wait_dma2 semaphore(%run_scoped3A : memref<!tpu.dma_semaphore, #tpu.memory_space<semaphore_mem>>) src(%arg9 : memref<128x32xf32, #tpu.memory_space<vmem>>) dst(%dma_wait3A_100 : memref<128x32xf32, #tpu.memory_space<vmem_shared>>)
      tpu.yield
    }) : () -> ()
    %add3A_71 = arith.constant 2688 : i32
    %add3A_72 = arith.addi %mul3A_28, %add3A_71 : i32
    "tpu.region"() ({
      %run_scoped3A = tpu.sem_alloc : memref<!tpu.dma_semaphore, #tpu.memory_space<semaphore_mem>>
      %dma_start3A_93 = arith.constant 0 : i32
      %dma_start3A_94 = tpu.memref_slice %arg12[%add3A_72, %dma_start3A_93] : memref<50048x32xf32, #tpu.memory_space<vmem_shared>> -> memref<128x32xf32, #tpu.memory_space<vmem_shared>>
      %dma_start3A_95 = arith.constant 0 : i32
      %dma_start3A_96 = tpu.memref_slice %arg12[%add3A_72, %dma_start3A_95] : memref<50048x32xf32, #tpu.memory_space<vmem_shared>> -> memref<128x32xf32, #tpu.memory_space<vmem_shared>>
      tpu.enqueue_dma source(%arg9 : memref<128x32xf32, #tpu.memory_space<vmem>>) target(%dma_start3A_96 : memref<128x32xf32, #tpu.memory_space<vmem_shared>>) target_semaphore(%run_scoped3A : memref<!tpu.dma_semaphore, #tpu.memory_space<semaphore_mem>>)
      %dma_wait3A_97 = arith.constant 0 : i32
      %dma_wait3A_98 = tpu.memref_slice %arg12[%add3A_72, %dma_wait3A_97] : memref<50048x32xf32, #tpu.memory_space<vmem_shared>> -> memref<128x32xf32, #tpu.memory_space<vmem_shared>>
      %dma_wait3A_99 = arith.constant 0 : i32
      %dma_wait3A_100 = tpu.memref_slice %arg12[%add3A_72, %dma_wait3A_99] : memref<50048x32xf32, #tpu.memory_space<vmem_shared>> -> memref<128x32xf32, #tpu.memory_space<vmem_shared>>
      tpu.wait_dma2 semaphore(%run_scoped3A : memref<!tpu.dma_semaphore, #tpu.memory_space<semaphore_mem>>) src(%arg9 : memref<128x32xf32, #tpu.memory_space<vmem>>) dst(%dma_wait3A_100 : memref<128x32xf32, #tpu.memory_space<vmem_shared>>)
      tpu.yield
    }) : () -> ()
    %add3A_73 = arith.constant 2816 : i32
    %add3A_74 = arith.addi %mul3A_28, %add3A_73 : i32
    "tpu.region"() ({
      %run_scoped3A = tpu.sem_alloc : memref<!tpu.dma_semaphore, #tpu.memory_space<semaphore_mem>>
      %dma_start3A_93 = arith.constant 0 : i32
      %dma_start3A_94 = tpu.memref_slice %arg12[%add3A_74, %dma_start3A_93] : memref<50048x32xf32, #tpu.memory_space<vmem_shared>> -> memref<128x32xf32, #tpu.memory_space<vmem_shared>>
      %dma_start3A_95 = arith.constant 0 : i32
      %dma_start3A_96 = tpu.memref_slice %arg12[%add3A_74, %dma_start3A_95] : memref<50048x32xf32, #tpu.memory_space<vmem_shared>> -> memref<128x32xf32, #tpu.memory_space<vmem_shared>>
      tpu.enqueue_dma source(%arg9 : memref<128x32xf32, #tpu.memory_space<vmem>>) target(%dma_start3A_96 : memref<128x32xf32, #tpu.memory_space<vmem_shared>>) target_semaphore(%run_scoped3A : memref<!tpu.dma_semaphore, #tpu.memory_space<semaphore_mem>>)
      %dma_wait3A_97 = arith.constant 0 : i32
      %dma_wait3A_98 = tpu.memref_slice %arg12[%add3A_74, %dma_wait3A_97] : memref<50048x32xf32, #tpu.memory_space<vmem_shared>> -> memref<128x32xf32, #tpu.memory_space<vmem_shared>>
      %dma_wait3A_99 = arith.constant 0 : i32
      %dma_wait3A_100 = tpu.memref_slice %arg12[%add3A_74, %dma_wait3A_99] : memref<50048x32xf32, #tpu.memory_space<vmem_shared>> -> memref<128x32xf32, #tpu.memory_space<vmem_shared>>
      tpu.wait_dma2 semaphore(%run_scoped3A : memref<!tpu.dma_semaphore, #tpu.memory_space<semaphore_mem>>) src(%arg9 : memref<128x32xf32, #tpu.memory_space<vmem>>) dst(%dma_wait3A_100 : memref<128x32xf32, #tpu.memory_space<vmem_shared>>)
      tpu.yield
    }) : () -> ()
    %add3A_75 = arith.constant 2944 : i32
    %add3A_76 = arith.addi %mul3A_28, %add3A_75 : i32
    "tpu.region"() ({
      %run_scoped3A = tpu.sem_alloc : memref<!tpu.dma_semaphore, #tpu.memory_space<semaphore_mem>>
      %dma_start3A_93 = arith.constant 0 : i32
      %dma_start3A_94 = tpu.memref_slice %arg12[%add3A_76, %dma_start3A_93] : memref<50048x32xf32, #tpu.memory_space<vmem_shared>> -> memref<128x32xf32, #tpu.memory_space<vmem_shared>>
      %dma_start3A_95 = arith.constant 0 : i32
      %dma_start3A_96 = tpu.memref_slice %arg12[%add3A_76, %dma_start3A_95] : memref<50048x32xf32, #tpu.memory_space<vmem_shared>> -> memref<128x32xf32, #tpu.memory_space<vmem_shared>>
      tpu.enqueue_dma source(%arg9 : memref<128x32xf32, #tpu.memory_space<vmem>>) target(%dma_start3A_96 : memref<128x32xf32, #tpu.memory_space<vmem_shared>>) target_semaphore(%run_scoped3A : memref<!tpu.dma_semaphore, #tpu.memory_space<semaphore_mem>>)
      %dma_wait3A_97 = arith.constant 0 : i32
      %dma_wait3A_98 = tpu.memref_slice %arg12[%add3A_76, %dma_wait3A_97] : memref<50048x32xf32, #tpu.memory_space<vmem_shared>> -> memref<128x32xf32, #tpu.memory_space<vmem_shared>>
      %dma_wait3A_99 = arith.constant 0 : i32
      %dma_wait3A_100 = tpu.memref_slice %arg12[%add3A_76, %dma_wait3A_99] : memref<50048x32xf32, #tpu.memory_space<vmem_shared>> -> memref<128x32xf32, #tpu.memory_space<vmem_shared>>
      tpu.wait_dma2 semaphore(%run_scoped3A : memref<!tpu.dma_semaphore, #tpu.memory_space<semaphore_mem>>) src(%arg9 : memref<128x32xf32, #tpu.memory_space<vmem>>) dst(%dma_wait3A_100 : memref<128x32xf32, #tpu.memory_space<vmem_shared>>)
      tpu.yield
    }) : () -> ()
    %add3A_77 = arith.constant 3072 : i32
    %add3A_78 = arith.addi %mul3A_28, %add3A_77 : i32
    "tpu.region"() ({
      %run_scoped3A = tpu.sem_alloc : memref<!tpu.dma_semaphore, #tpu.memory_space<semaphore_mem>>
      %dma_start3A_93 = arith.constant 0 : i32
      %dma_start3A_94 = arith.constant 0 : i32
      %dma_start3A_95 = tpu.memref_slice %arg9[%dma_start3A_93, %dma_start3A_94] : memref<128x32xf32, #tpu.memory_space<vmem>> -> memref<56x32xf32, #tpu.memory_space<vmem>>
      %dma_start3A_96 = arith.constant 0 : i32
      %dma_start3A_97 = tpu.memref_slice %arg12[%add3A_78, %dma_start3A_96] : memref<50048x32xf32, #tpu.memory_space<vmem_shared>> -> memref<56x32xf32, #tpu.memory_space<vmem_shared>>
      %dma_start3A_98 = arith.constant 0 : i32
      %dma_start3A_99 = tpu.memref_slice %arg12[%add3A_78, %dma_start3A_98] : memref<50048x32xf32, #tpu.memory_space<vmem_shared>> -> memref<56x32xf32, #tpu.memory_space<vmem_shared>>
      %dma_start3A_100 = arith.constant 0 : i32
      %dma_start3A_101 = arith.constant 0 : i32
      %dma_start3A_102 = tpu.memref_slice %arg9[%dma_start3A_100, %dma_start3A_101] : memref<128x32xf32, #tpu.memory_space<vmem>> -> memref<56x32xf32, #tpu.memory_space<vmem>>
      tpu.enqueue_dma source(%dma_start3A_102 : memref<56x32xf32, #tpu.memory_space<vmem>>) target(%dma_start3A_99 : memref<56x32xf32, #tpu.memory_space<vmem_shared>>) target_semaphore(%run_scoped3A : memref<!tpu.dma_semaphore, #tpu.memory_space<semaphore_mem>>)
      %dma_wait3A_103 = arith.constant 0 : i32
      %dma_wait3A_104 = arith.constant 0 : i32
      %dma_wait3A_105 = tpu.memref_slice %arg9[%dma_wait3A_103, %dma_wait3A_104] : memref<128x32xf32, #tpu.memory_space<vmem>> -> memref<56x32xf32, #tpu.memory_space<vmem>>
      %dma_wait3A_106 = arith.constant 0 : i32
      %dma_wait3A_107 = tpu.memref_slice %arg12[%add3A_78, %dma_wait3A_106] : memref<50048x32xf32, #tpu.memory_space<vmem_shared>> -> memref<56x32xf32, #tpu.memory_space<vmem_shared>>
      %dma_wait3A_108 = arith.constant 0 : i32
      %dma_wait3A_109 = tpu.memref_slice %arg12[%add3A_78, %dma_wait3A_108] : memref<50048x32xf32, #tpu.memory_space<vmem_shared>> -> memref<56x32xf32, #tpu.memory_space<vmem_shared>>
      %dma_wait3A_110 = arith.constant 0 : i32
      %dma_wait3A_111 = arith.constant 0 : i32
      %dma_wait3A_112 = tpu.memref_slice %arg9[%dma_wait3A_110, %dma_wait3A_111] : memref<128x32xf32, #tpu.memory_space<vmem>> -> memref<56x32xf32, #tpu.memory_space<vmem>>
      tpu.wait_dma2 semaphore(%run_scoped3A : memref<!tpu.dma_semaphore, #tpu.memory_space<semaphore_mem>>) src(%dma_wait3A_112 : memref<56x32xf32, #tpu.memory_space<vmem>>) dst(%dma_wait3A_109 : memref<56x32xf32, #tpu.memory_space<vmem_shared>>)
      tpu.yield
    }) : () -> ()
    %barrier3A = arith.constant 0 : index
    tpu.barrier barrier_id(%barrier3A)
    %scan3A_79 = arith.constant 0 : i32
    %scan3A_80 = arith.constant 0 : i32
    %scan3A_81 = arith.constant 200 : i32
    %scan3A_82 = arith.addi %scan3A_80, %scan3A_81 : i32
    %scan3A_83 = arith.constant 1 : i32
    %scan3A_84 = scf.for %scan3A_93 = %scan3A_80 to %scan3A_82 step %scan3A_83 iter_args(%scan3A_94 = %scan3A_79) -> (i32)  : i32 {
      %mul3A_95 = arith.constant 2 : i32
      %mul3A_96 = arith.muli %mul3A_95, %scan3A_93 : i32
      %gt3A = arith.constant 0 : i32
      %gt3A_97 = arith.cmpi sgt, %scan3A_93, %gt3A : i32
      %convert_element_type3A = arith.extui %gt3A_97 : i1 to i32
      %cond3A = arith.constant 0 : i32
      %cond3A_98 = arith.cmpi ne, %convert_element_type3A, %cond3A : i32
      scf.if %cond3A_98 {
        %dma_wait3A_197 = arith.constant 1 : i32
        %dma_wait3A_198 = arith.constant 0 : i32
        %dma_wait3A_199 = tpu.memref_slice %arg7[%dma_wait3A_197, %dma_wait3A_198] : memref<2x128xi32, #tpu.memory_space<vmem>> -> memref<1x128xi32, #tpu.memory_space<vmem>>
        %dma_wait3A_200 = tpu.memref_squeeze %dma_wait3A_199 : memref<1x128xi32, #tpu.memory_space<vmem>> -> memref<128xi32, #tpu.memory_space<vmem>>
        %dma_wait3A_201 = arith.constant 0 : i32
        %dma_wait3A_202 = arith.constant 0 : i32
        %dma_wait3A_203 = tpu.memref_slice %arg12[%dma_wait3A_201, %dma_wait3A_202] : memref<50048x32xf32, #tpu.memory_space<vmem_shared>> -> memref<50048x32xf32, #tpu.memory_space<vmem_shared>>
        tpu.wait_indirect_dma semaphore(%arg18 : memref<!tpu.dma_semaphore, #tpu.memory_space<semaphore_mem>>) src(%arg9 : memref<128x32xf32, #tpu.memory_space<vmem>>) dst(%dma_wait3A_203 : memref<50048x32xf32, #tpu.memory_space<vmem_shared>>)
      } else {
      }
      %add3A_99 = arith.constant 1 : i32
      %add3A_100 = arith.addi %mul3A_96, %add3A_99 : i32
      %mul3A_101 = arith.constant 2 : i32
      %mul3A_102 = arith.muli %mul3A_101, %add3A_100 : i32
      %add3A_103 = arith.addi %mul3A_4, %mul3A_102 : i32
      "tpu.region"() ({
        %run_scoped3A = tpu.sem_alloc : memref<!tpu.dma_semaphore, #tpu.memory_space<semaphore_mem>>
        %dma_start3A_197 = arith.constant 0 : i32
        %dma_start3A_198 = tpu.memref_slice %arg4[%add3A_103, %dma_start3A_197] : memref<25600x128xi32, #tpu.memory_space<hbm>> -> memref<2x128xi32, #tpu.memory_space<hbm>>
        %dma_start3A_199 = arith.constant 0 : i32
        %dma_start3A_200 = tpu.memref_slice %arg4[%add3A_103, %dma_start3A_199] : memref<25600x128xi32, #tpu.memory_space<hbm>> -> memref<2x128xi32, #tpu.memory_space<hbm>>
        tpu.enqueue_dma source(%dma_start3A_200 : memref<2x128xi32, #tpu.memory_space<hbm>>) target(%arg7 : memref<2x128xi32, #tpu.memory_space<vmem>>) target_semaphore(%run_scoped3A : memref<!tpu.dma_semaphore, #tpu.memory_space<semaphore_mem>>)
        %dma_wait3A_201 = arith.constant 0 : i32
        %dma_wait3A_202 = tpu.memref_slice %arg4[%add3A_103, %dma_wait3A_201] : memref<25600x128xi32, #tpu.memory_space<hbm>> -> memref<2x128xi32, #tpu.memory_space<hbm>>
        %dma_wait3A_203 = arith.constant 0 : i32
        %dma_wait3A_204 = tpu.memref_slice %arg4[%add3A_103, %dma_wait3A_203] : memref<25600x128xi32, #tpu.memory_space<hbm>> -> memref<2x128xi32, #tpu.memory_space<hbm>>
        tpu.wait_dma2 semaphore(%run_scoped3A : memref<!tpu.dma_semaphore, #tpu.memory_space<semaphore_mem>>) src(%dma_wait3A_204 : memref<2x128xi32, #tpu.memory_space<hbm>>) dst(%arg7 : memref<2x128xi32, #tpu.memory_space<vmem>>)
        tpu.yield
      }) : () -> ()
      %add3A_104 = arith.constant 1 : i32
      %add3A_105 = arith.addi %mul3A_96, %add3A_104 : i32
      %mul3A_106 = arith.constant 64 : i32
      %mul3A_107 = arith.muli %add3A_105, %mul3A_106 : i32
      %add3A_108 = arith.addi %mul3A_6, %mul3A_107 : i32
      %dma_start3A_109 = arith.constant 0 : i32
      %dma_start3A_110 = tpu.memref_slice %arg3[%add3A_108, %dma_start3A_109] : memref<409600x128xf32, #tpu.memory_space<hbm>> -> memref<64x128xf32, #tpu.memory_space<hbm>>
      %dma_start3A_111 = arith.constant 0 : i32
      %dma_start3A_112 = tpu.memref_slice %arg3[%add3A_108, %dma_start3A_111] : memref<409600x128xf32, #tpu.memory_space<hbm>> -> memref<64x128xf32, #tpu.memory_space<hbm>>
      tpu.enqueue_dma source(%dma_start3A_112 : memref<64x128xf32, #tpu.memory_space<hbm>>) target(%arg11 : memref<64x128xf32, #tpu.memory_space<vmem>>) target_semaphore(%arg16 : memref<!tpu.dma_semaphore, #tpu.memory_space<semaphore_mem>>)
      %dma_start3A_113 = arith.constant 0 : i32
      %dma_start3A_114 = arith.constant 0 : i32
      %dma_start3A_115 = tpu.memref_slice %arg7[%dma_start3A_113, %dma_start3A_114] : memref<2x128xi32, #tpu.memory_space<vmem>> -> memref<1x128xi32, #tpu.memory_space<vmem>>
      %dma_start3A_116 = tpu.memref_squeeze %dma_start3A_115 : memref<1x128xi32, #tpu.memory_space<vmem>> -> memref<128xi32, #tpu.memory_space<vmem>>
      %dma_start3A_117 = arith.constant 0 : i32
      %dma_start3A_118 = arith.constant 0 : i32
      %dma_start3A_119 = tpu.memref_slice %arg2[%dma_start3A_117, %dma_start3A_118] : memref<100000x32xf32, #tpu.memory_space<hbm>> -> memref<100000x32xf32, #tpu.memory_space<hbm>>
      tpu.enqueue_indirect_dma source(%dma_start3A_119 : memref<100000x32xf32, #tpu.memory_space<hbm>>) target(%arg9 : memref<128x32xf32, #tpu.memory_space<vmem>>) offsets(%dma_start3A_116 : memref<128xi32, #tpu.memory_space<vmem>>) semaphore(%arg14 : memref<!tpu.dma_semaphore, #tpu.memory_space<semaphore_mem>>)
      %mul3A_120 = arith.constant 64 : i32
      %mul3A_121 = arith.muli %mul3A_96, %mul3A_120 : i32
      %add3A_122 = arith.addi %mul3A_6, %mul3A_121 : i32
      %dma_wait3A_123 = arith.constant 0 : i32
      %dma_wait3A_124 = tpu.memref_slice %arg3[%add3A_122, %dma_wait3A_123] : memref<409600x128xf32, #tpu.memory_space<hbm>> -> memref<64x128xf32, #tpu.memory_space<hbm>>
      %dma_wait3A_125 = arith.constant 0 : i32
      %dma_wait3A_126 = tpu.memref_slice %arg3[%add3A_122, %dma_wait3A_125] : memref<409600x128xf32, #tpu.memory_space<hbm>> -> memref<64x128xf32, #tpu.memory_space<hbm>>
      tpu.wait_dma2 semaphore(%arg15 : memref<!tpu.dma_semaphore, #tpu.memory_space<semaphore_mem>>) src(%dma_wait3A_126 : memref<64x128xf32, #tpu.memory_space<hbm>>) dst(%arg10 : memref<64x128xf32, #tpu.memory_space<vmem>>)
      %dma_wait3A_127 = arith.constant 0 : i32
      %dma_wait3A_128 = arith.constant 0 : i32
      %dma_wait3A_129 = tpu.memref_slice %arg6[%dma_wait3A_127, %dma_wait3A_128] : memref<2x128xi32, #tpu.memory_space<vmem>> -> memref<1x128xi32, #tpu.memory_space<vmem>>
      %dma_wait3A_130 = tpu.memref_squeeze %dma_wait3A_129 : memref<1x128xi32, #tpu.memory_space<vmem>> -> memref<128xi32, #tpu.memory_space<vmem>>
      %dma_wait3A_131 = arith.constant 0 : i32
      %dma_wait3A_132 = arith.constant 0 : i32
      %dma_wait3A_133 = tpu.memref_slice %arg2[%dma_wait3A_131, %dma_wait3A_132] : memref<100000x32xf32, #tpu.memory_space<hbm>> -> memref<100000x32xf32, #tpu.memory_space<hbm>>
      tpu.wait_indirect_dma semaphore(%arg13 : memref<!tpu.dma_semaphore, #tpu.memory_space<semaphore_mem>>) src(%dma_wait3A_133 : memref<100000x32xf32, #tpu.memory_space<hbm>>) dst(%arg8 : memref<128x32xf32, #tpu.memory_space<vmem>>)
      %eq3A = arith.constant 0 : i32
      %eq3A_134 = arith.cmpi eq, %arg0, %eq3A : i32
      %convert_element_type3A_135 = arith.extui %eq3A_134 : i1 to i32
      %cond3A_136 = arith.constant 0 : i32
      %cond3A_137 = arith.cmpi ne, %convert_element_type3A_135, %cond3A_136 : i32
      scf.if %cond3A_137 {
        %scan3A_197 = arith.constant 0 : i32
        %scan3A_198 = arith.constant 0 : i32
        %scan3A_199 = arith.constant 64 : i32
        %scan3A_200 = arith.addi %scan3A_198, %scan3A_199 : i32
        %scan3A_201 = arith.constant 1 : i32
        %scan3A_202 = scf.for %scan3A_204 = %scan3A_198 to %scan3A_200 step %scan3A_201 iter_args(%scan3A_205 = %scan3A_197) -> (i32)  : i32 {
          %mul3A_206 = arith.constant 2 : i32
          %mul3A_207 = arith.muli %mul3A_206, %scan3A_204 : i32
          %get3A = arith.index_cast %mul3A_207 : i32 to index
          %get3A_208 = arith.constant 0 : index
          %get3A_209 = tpu.vector_load %arg8[%get3A, %get3A_208] {strides = array<i32>} : memref<128x32xf32, #tpu.memory_space<vmem>>, vector<1x16xf32>,
          %get3A_210 = vector.shape_cast %get3A_209 : vector<1x16xf32> to vector<16xf32>
          %get3A_211 = arith.index_cast %scan3A_204 : i32 to index
          %get3A_212 = arith.constant 0 : index
          %get3A_213 = tpu.vector_load %arg10[%get3A_211, %get3A_212] {strides = array<i32>} : memref<64x128xf32, #tpu.memory_space<vmem>>, vector<1x16xf32>,
          %get3A_214 = vector.shape_cast %get3A_213 : vector<1x16xf32> to vector<16xf32>
          %mul3A_215 = arith.mulf %get3A_210, %get3A_214 : vector<16xf32>
          %swap3A = arith.index_cast %mul3A_207 : i32 to index
          %swap3A_216 = arith.constant 0 : index
          %swap3A_217 = tpu.vector_load %arg8[%swap3A, %swap3A_216] {strides = array<i32>} : memref<128x32xf32, #tpu.memory_space<vmem>>, vector<1x16xf32>,
          %swap3A_218 = vector.shape_cast %swap3A_217 : vector<1x16xf32> to vector<16xf32>
          %swap3A_219 = vector.shape_cast %mul3A_215 : vector<16xf32> to vector<1x16xf32>
          tpu.vector_store %arg8[%swap3A, %swap3A_216], %swap3A_219 {strides = array<i32>} : memref<128x32xf32, #tpu.memory_space<vmem>>, vector<1x16xf32>,
          %get3A_220 = arith.index_cast %mul3A_207 : i32 to index
          %get3A_221 = arith.constant 16 : index
          %get3A_222 = tpu.vector_load %arg8[%get3A_220, %get3A_221] {strides = array<i32>} : memref<128x32xf32, #tpu.memory_space<vmem>>, vector<1x16xf32>,
          %get3A_223 = vector.shape_cast %get3A_222 : vector<1x16xf32> to vector<16xf32>
          %get3A_224 = arith.index_cast %scan3A_204 : i32 to index
          %get3A_225 = arith.constant 16 : index
          %get3A_226 = tpu.vector_load %arg10[%get3A_224, %get3A_225] {strides = array<i32>} : memref<64x128xf32, #tpu.memory_space<vmem>>, vector<1x16xf32>,
          %get3A_227 = vector.shape_cast %get3A_226 : vector<1x16xf32> to vector<16xf32>
          %mul3A_228 = arith.mulf %get3A_223, %get3A_227 : vector<16xf32>
          %swap3A_229 = arith.index_cast %mul3A_207 : i32 to index
          %swap3A_230 = arith.constant 16 : index
          %swap3A_231 = tpu.vector_load %arg8[%swap3A_229, %swap3A_230] {strides = array<i32>} : memref<128x32xf32, #tpu.memory_space<vmem>>, vector<1x16xf32>,
          %swap3A_232 = vector.shape_cast %swap3A_231 : vector<1x16xf32> to vector<16xf32>
          %swap3A_233 = vector.shape_cast %mul3A_228 : vector<16xf32> to vector<1x16xf32>
          tpu.vector_store %arg8[%swap3A_229, %swap3A_230], %swap3A_233 {strides = array<i32>} : memref<128x32xf32, #tpu.memory_space<vmem>>, vector<1x16xf32>,
          %add3A_234 = arith.constant 1 : i32
          %add3A_235 = arith.addi %mul3A_207, %add3A_234 : i32
          %get3A_236 = arith.index_cast %add3A_235 : i32 to index
          %get3A_237 = arith.constant 0 : index
          %get3A_238 = tpu.vector_load %arg8[%get3A_236, %get3A_237] {strides = array<i32>} : memref<128x32xf32, #tpu.memory_space<vmem>>, vector<1x16xf32>,
          %get3A_239 = vector.shape_cast %get3A_238 : vector<1x16xf32> to vector<16xf32>
          %get3A_240 = arith.index_cast %scan3A_204 : i32 to index
          %get3A_241 = arith.constant 64 : index
          %get3A_242 = tpu.vector_load %arg10[%get3A_240, %get3A_241] {strides = array<i32>} : memref<64x128xf32, #tpu.memory_space<vmem>>, vector<1x16xf32>,
          %get3A_243 = vector.shape_cast %get3A_242 : vector<1x16xf32> to vector<16xf32>
          %mul3A_244 = arith.mulf %get3A_239, %get3A_243 : vector<16xf32>
          %add3A_245 = arith.constant 1 : i32
          %add3A_246 = arith.addi %mul3A_207, %add3A_245 : i32
          %swap3A_247 = arith.index_cast %add3A_246 : i32 to index
          %swap3A_248 = arith.constant 0 : index
          %swap3A_249 = tpu.vector_load %arg8[%swap3A_247, %swap3A_248] {strides = array<i32>} : memref<128x32xf32, #tpu.memory_space<vmem>>, vector<1x16xf32>,
          %swap3A_250 = vector.shape_cast %swap3A_249 : vector<1x16xf32> to vector<16xf32>
          %swap3A_251 = vector.shape_cast %mul3A_244 : vector<16xf32> to vector<1x16xf32>
          tpu.vector_store %arg8[%swap3A_247, %swap3A_248], %swap3A_251 {strides = array<i32>} : memref<128x32xf32, #tpu.memory_space<vmem>>, vector<1x16xf32>,
          %add3A_252 = arith.constant 1 : i32
          %add3A_253 = arith.addi %mul3A_207, %add3A_252 : i32
          %get3A_254 = arith.index_cast %add3A_253 : i32 to index
          %get3A_255 = arith.constant 16 : index
          %get3A_256 = tpu.vector_load %arg8[%get3A_254, %get3A_255] {strides = array<i32>} : memref<128x32xf32, #tpu.memory_space<vmem>>, vector<1x16xf32>,
          %get3A_257 = vector.shape_cast %get3A_256 : vector<1x16xf32> to vector<16xf32>
          %get3A_258 = arith.index_cast %scan3A_204 : i32 to index
          %get3A_259 = arith.constant 80 : index
          %get3A_260 = tpu.vector_load %arg10[%get3A_258, %get3A_259] {strides = array<i32>} : memref<64x128xf32, #tpu.memory_space<vmem>>, vector<1x16xf32>,
          %get3A_261 = vector.shape_cast %get3A_260 : vector<1x16xf32> to vector<16xf32>
          %mul3A_262 = arith.mulf %get3A_257, %get3A_261 : vector<16xf32>
          %add3A_263 = arith.constant 1 : i32
          %add3A_264 = arith.addi %mul3A_207, %add3A_263 : i32
          %swap3A_265 = arith.index_cast %add3A_264 : i32 to index
          %swap3A_266 = arith.constant 16 : index
          %swap3A_267 = tpu.vector_load %arg8[%swap3A_265, %swap3A_266] {strides = array<i32>} : memref<128x32xf32, #tpu.memory_space<vmem>>, vector<1x16xf32>,
          %swap3A_268 = vector.shape_cast %swap3A_267 : vector<1x16xf32> to vector<16xf32>
          %swap3A_269 = vector.shape_cast %mul3A_262 : vector<16xf32> to vector<1x16xf32>
          tpu.vector_store %arg8[%swap3A_265, %swap3A_266], %swap3A_269 {strides = array<i32>} : memref<128x32xf32, #tpu.memory_space<vmem>>, vector<1x16xf32>,
          %scan3A_270 = arith.constant 0 : i32
          scf.yield %scan3A_270 : i32
        }
        %scan3A_203 = arith.constant 64 : i32
      } else {
      }
      %eq3A_138 = arith.constant 1 : i32
      %eq3A_139 = arith.cmpi eq, %arg0, %eq3A_138 : i32
      %convert_element_type3A_140 = arith.extui %eq3A_139 : i1 to i32
      %cond3A_141 = arith.constant 0 : i32
      %cond3A_142 = arith.cmpi ne, %convert_element_type3A_140, %cond3A_141 : i32
      scf.if %cond3A_142 {
        %scan3A_197 = arith.constant 0 : i32
        %scan3A_198 = arith.constant 0 : i32
        %scan3A_199 = arith.constant 64 : i32
        %scan3A_200 = arith.addi %scan3A_198, %scan3A_199 : i32
        %scan3A_201 = arith.constant 1 : i32
        %scan3A_202 = scf.for %scan3A_204 = %scan3A_198 to %scan3A_200 step %scan3A_201 iter_args(%scan3A_205 = %scan3A_197) -> (i32)  : i32 {
          %mul3A_206 = arith.constant 2 : i32
          %mul3A_207 = arith.muli %mul3A_206, %scan3A_204 : i32
          %get3A = arith.index_cast %mul3A_207 : i32 to index
          %get3A_208 = arith.constant 0 : index
          %get3A_209 = tpu.vector_load %arg8[%get3A, %get3A_208] {strides = array<i32>} : memref<128x32xf32, #tpu.memory_space<vmem>>, vector<1x16xf32>,
          %get3A_210 = vector.shape_cast %get3A_209 : vector<1x16xf32> to vector<16xf32>
          %get3A_211 = arith.index_cast %scan3A_204 : i32 to index
          %get3A_212 = arith.constant 32 : index
          %get3A_213 = tpu.vector_load %arg10[%get3A_211, %get3A_212] {strides = array<i32>} : memref<64x128xf32, #tpu.memory_space<vmem>>, vector<1x16xf32>,
          %get3A_214 = vector.shape_cast %get3A_213 : vector<1x16xf32> to vector<16xf32>
          %mul3A_215 = arith.mulf %get3A_210, %get3A_214 : vector<16xf32>
          %swap3A = arith.index_cast %mul3A_207 : i32 to index
          %swap3A_216 = arith.constant 0 : index
          %swap3A_217 = tpu.vector_load %arg8[%swap3A, %swap3A_216] {strides = array<i32>} : memref<128x32xf32, #tpu.memory_space<vmem>>, vector<1x16xf32>,
          %swap3A_218 = vector.shape_cast %swap3A_217 : vector<1x16xf32> to vector<16xf32>
          %swap3A_219 = vector.shape_cast %mul3A_215 : vector<16xf32> to vector<1x16xf32>
          tpu.vector_store %arg8[%swap3A, %swap3A_216], %swap3A_219 {strides = array<i32>} : memref<128x32xf32, #tpu.memory_space<vmem>>, vector<1x16xf32>,
          %get3A_220 = arith.index_cast %mul3A_207 : i32 to index
          %get3A_221 = arith.constant 16 : index
          %get3A_222 = tpu.vector_load %arg8[%get3A_220, %get3A_221] {strides = array<i32>} : memref<128x32xf32, #tpu.memory_space<vmem>>, vector<1x16xf32>,
          %get3A_223 = vector.shape_cast %get3A_222 : vector<1x16xf32> to vector<16xf32>
          %get3A_224 = arith.index_cast %scan3A_204 : i32 to index
          %get3A_225 = arith.constant 48 : index
          %get3A_226 = tpu.vector_load %arg10[%get3A_224, %get3A_225] {strides = array<i32>} : memref<64x128xf32, #tpu.memory_space<vmem>>, vector<1x16xf32>,
          %get3A_227 = vector.shape_cast %get3A_226 : vector<1x16xf32> to vector<16xf32>
          %mul3A_228 = arith.mulf %get3A_223, %get3A_227 : vector<16xf32>
          %swap3A_229 = arith.index_cast %mul3A_207 : i32 to index
          %swap3A_230 = arith.constant 16 : index
          %swap3A_231 = tpu.vector_load %arg8[%swap3A_229, %swap3A_230] {strides = array<i32>} : memref<128x32xf32, #tpu.memory_space<vmem>>, vector<1x16xf32>,
          %swap3A_232 = vector.shape_cast %swap3A_231 : vector<1x16xf32> to vector<16xf32>
          %swap3A_233 = vector.shape_cast %mul3A_228 : vector<16xf32> to vector<1x16xf32>
          tpu.vector_store %arg8[%swap3A_229, %swap3A_230], %swap3A_233 {strides = array<i32>} : memref<128x32xf32, #tpu.memory_space<vmem>>, vector<1x16xf32>,
          %add3A_234 = arith.constant 1 : i32
          %add3A_235 = arith.addi %mul3A_207, %add3A_234 : i32
          %get3A_236 = arith.index_cast %add3A_235 : i32 to index
          %get3A_237 = arith.constant 0 : index
          %get3A_238 = tpu.vector_load %arg8[%get3A_236, %get3A_237] {strides = array<i32>} : memref<128x32xf32, #tpu.memory_space<vmem>>, vector<1x16xf32>,
          %get3A_239 = vector.shape_cast %get3A_238 : vector<1x16xf32> to vector<16xf32>
          %get3A_240 = arith.index_cast %scan3A_204 : i32 to index
          %get3A_241 = arith.constant 96 : index
          %get3A_242 = tpu.vector_load %arg10[%get3A_240, %get3A_241] {strides = array<i32>} : memref<64x128xf32, #tpu.memory_space<vmem>>, vector<1x16xf32>,
          %get3A_243 = vector.shape_cast %get3A_242 : vector<1x16xf32> to vector<16xf32>
          %mul3A_244 = arith.mulf %get3A_239, %get3A_243 : vector<16xf32>
          %add3A_245 = arith.constant 1 : i32
          %add3A_246 = arith.addi %mul3A_207, %add3A_245 : i32
          %swap3A_247 = arith.index_cast %add3A_246 : i32 to index
          %swap3A_248 = arith.constant 0 : index
          %swap3A_249 = tpu.vector_load %arg8[%swap3A_247, %swap3A_248] {strides = array<i32>} : memref<128x32xf32, #tpu.memory_space<vmem>>, vector<1x16xf32>,
          %swap3A_250 = vector.shape_cast %swap3A_249 : vector<1x16xf32> to vector<16xf32>
          %swap3A_251 = vector.shape_cast %mul3A_244 : vector<16xf32> to vector<1x16xf32>
          tpu.vector_store %arg8[%swap3A_247, %swap3A_248], %swap3A_251 {strides = array<i32>} : memref<128x32xf32, #tpu.memory_space<vmem>>, vector<1x16xf32>,
          %add3A_252 = arith.constant 1 : i32
          %add3A_253 = arith.addi %mul3A_207, %add3A_252 : i32
          %get3A_254 = arith.index_cast %add3A_253 : i32 to index
          %get3A_255 = arith.constant 16 : index
          %get3A_256 = tpu.vector_load %arg8[%get3A_254, %get3A_255] {strides = array<i32>} : memref<128x32xf32, #tpu.memory_space<vmem>>, vector<1x16xf32>,
          %get3A_257 = vector.shape_cast %get3A_256 : vector<1x16xf32> to vector<16xf32>
          %get3A_258 = arith.index_cast %scan3A_204 : i32 to index
          %get3A_259 = arith.constant 112 : index
          %get3A_260 = tpu.vector_load %arg10[%get3A_258, %get3A_259] {strides = array<i32>} : memref<64x128xf32, #tpu.memory_space<vmem>>, vector<1x16xf32>,
          %get3A_261 = vector.shape_cast %get3A_260 : vector<1x16xf32> to vector<16xf32>
          %mul3A_262 = arith.mulf %get3A_257, %get3A_261 : vector<16xf32>
          %add3A_263 = arith.constant 1 : i32
          %add3A_264 = arith.addi %mul3A_207, %add3A_263 : i32
          %swap3A_265 = arith.index_cast %add3A_264 : i32 to index
          %swap3A_266 = arith.constant 16 : index
          %swap3A_267 = tpu.vector_load %arg8[%swap3A_265, %swap3A_266] {strides = array<i32>} : memref<128x32xf32, #tpu.memory_space<vmem>>, vector<1x16xf32>,
          %swap3A_268 = vector.shape_cast %swap3A_267 : vector<1x16xf32> to vector<16xf32>
          %swap3A_269 = vector.shape_cast %mul3A_262 : vector<16xf32> to vector<1x16xf32>
          tpu.vector_store %arg8[%swap3A_265, %swap3A_266], %swap3A_269 {strides = array<i32>} : memref<128x32xf32, #tpu.memory_space<vmem>>, vector<1x16xf32>,
          %scan3A_270 = arith.constant 0 : i32
          scf.yield %scan3A_270 : i32
        }
        %scan3A_203 = arith.constant 64 : i32
      } else {
      }
      %dma_start3A_143 = arith.constant 1 : i32
      %dma_start3A_144 = arith.constant 0 : i32
      %dma_start3A_145 = tpu.memref_slice %arg6[%dma_start3A_143, %dma_start3A_144] : memref<2x128xi32, #tpu.memory_space<vmem>> -> memref<1x128xi32, #tpu.memory_space<vmem>>
      %dma_start3A_146 = tpu.memref_squeeze %dma_start3A_145 : memref<1x128xi32, #tpu.memory_space<vmem>> -> memref<128xi32, #tpu.memory_space<vmem>>
      %dma_start3A_147 = arith.constant 0 : i32
      %dma_start3A_148 = arith.constant 0 : i32
      %dma_start3A_149 = tpu.memref_slice %arg12[%dma_start3A_147, %dma_start3A_148] : memref<50048x32xf32, #tpu.memory_space<vmem_shared>> -> memref<50048x32xf32, #tpu.memory_space<vmem_shared>>
      tpu.enqueue_indirect_dma source(%arg8 : memref<128x32xf32, #tpu.memory_space<vmem>>) target(%dma_start3A_149 : memref<50048x32xf32, #tpu.memory_space<vmem_shared>>) offsets(%dma_start3A_146 : memref<128xi32, #tpu.memory_space<vmem>>) semaphore(%arg17 : memref<!tpu.dma_semaphore, #tpu.memory_space<semaphore_mem>>) {add = true}
      %dma_wait3A_150 = arith.constant 1 : i32
      %dma_wait3A_151 = arith.constant 0 : i32
      %dma_wait3A_152 = tpu.memref_slice %arg6[%dma_wait3A_150, %dma_wait3A_151] : memref<2x128xi32, #tpu.memory_space<vmem>> -> memref<1x128xi32, #tpu.memory_space<vmem>>
      %dma_wait3A_153 = tpu.memref_squeeze %dma_wait3A_152 : memref<1x128xi32, #tpu.memory_space<vmem>> -> memref<128xi32, #tpu.memory_space<vmem>>
      %dma_wait3A_154 = arith.constant 0 : i32
      %dma_wait3A_155 = arith.constant 0 : i32
      %dma_wait3A_156 = tpu.memref_slice %arg12[%dma_wait3A_154, %dma_wait3A_155] : memref<50048x32xf32, #tpu.memory_space<vmem_shared>> -> memref<50048x32xf32, #tpu.memory_space<vmem_shared>>
      tpu.wait_indirect_dma semaphore(%arg17 : memref<!tpu.dma_semaphore, #tpu.memory_space<semaphore_mem>>) src(%arg8 : memref<128x32xf32, #tpu.memory_space<vmem>>) dst(%dma_wait3A_156 : memref<50048x32xf32, #tpu.memory_space<vmem_shared>>)
      %add3A_157 = arith.constant 1 : i32
      %add3A_158 = arith.addi %scan3A_93, %add3A_157 : i32
      %lt3A = arith.constant 200 : i32
      %lt3A_159 = arith.cmpi slt, %add3A_158, %lt3A : i32
      %convert_element_type3A_160 = arith.extui %lt3A_159 : i1 to i32
      %cond3A_161 = arith.constant 0 : i32
      %cond3A_162 = arith.cmpi ne, %convert_element_type3A_160, %cond3A_161 : i32
      scf.if %cond3A_162 {
        %add3A_197 = arith.constant 2 : i32
        %add3A_198 = arith.addi %mul3A_96, %add3A_197 : i32
        %mul3A_199 = arith.constant 2 : i32
        %mul3A_200 = arith.muli %mul3A_199, %add3A_198 : i32
        %add3A_201 = arith.addi %mul3A_4, %mul3A_200 : i32
        "tpu.region"() ({
          %run_scoped3A = tpu.sem_alloc : memref<!tpu.dma_semaphore, #tpu.memory_space<semaphore_mem>>
          %dma_start3A_218 = arith.constant 0 : i32
          %dma_start3A_219 = tpu.memref_slice %arg4[%add3A_201, %dma_start3A_218] : memref<25600x128xi32, #tpu.memory_space<hbm>> -> memref<2x128xi32, #tpu.memory_space<hbm>>
          %dma_start3A_220 = arith.constant 0 : i32
          %dma_start3A_221 = tpu.memref_slice %arg4[%add3A_201, %dma_start3A_220] : memref<25600x128xi32, #tpu.memory_space<hbm>> -> memref<2x128xi32, #tpu.memory_space<hbm>>
          tpu.enqueue_dma source(%dma_start3A_221 : memref<2x128xi32, #tpu.memory_space<hbm>>) target(%arg6 : memref<2x128xi32, #tpu.memory_space<vmem>>) target_semaphore(%run_scoped3A : memref<!tpu.dma_semaphore, #tpu.memory_space<semaphore_mem>>)
          %dma_wait3A_222 = arith.constant 0 : i32
          %dma_wait3A_223 = tpu.memref_slice %arg4[%add3A_201, %dma_wait3A_222] : memref<25600x128xi32, #tpu.memory_space<hbm>> -> memref<2x128xi32, #tpu.memory_space<hbm>>
          %dma_wait3A_224 = arith.constant 0 : i32
          %dma_wait3A_225 = tpu.memref_slice %arg4[%add3A_201, %dma_wait3A_224] : memref<25600x128xi32, #tpu.memory_space<hbm>> -> memref<2x128xi32, #tpu.memory_space<hbm>>
          tpu.wait_dma2 semaphore(%run_scoped3A : memref<!tpu.dma_semaphore, #tpu.memory_space<semaphore_mem>>) src(%dma_wait3A_225 : memref<2x128xi32, #tpu.memory_space<hbm>>) dst(%arg6 : memref<2x128xi32, #tpu.memory_space<vmem>>)
          tpu.yield
        }) : () -> ()
        %add3A_202 = arith.constant 2 : i32
        %add3A_203 = arith.addi %mul3A_96, %add3A_202 : i32
        %mul3A_204 = arith.constant 64 : i32
        %mul3A_205 = arith.muli %add3A_203, %mul3A_204 : i32
        %add3A_206 = arith.addi %mul3A_6, %mul3A_205 : i32
        %dma_start3A_207 = arith.constant 0 : i32
        %dma_start3A_208 = tpu.memref_slice %arg3[%add3A_206, %dma_start3A_207] : memref<409600x128xf32, #tpu.memory_space<hbm>> -> memref<64x128xf32, #tpu.memory_space<hbm>>
        %dma_start3A_209 = arith.constant 0 : i32
        %dma_start3A_210 = tpu.memref_slice %arg3[%add3A_206, %dma_start3A_209] : memref<409600x128xf32, #tpu.memory_space<hbm>> -> memref<64x128xf32, #tpu.memory_space<hbm>>
        tpu.enqueue_dma source(%dma_start3A_210 : memref<64x128xf32, #tpu.memory_space<hbm>>) target(%arg10 : memref<64x128xf32, #tpu.memory_space<vmem>>) target_semaphore(%arg15 : memref<!tpu.dma_semaphore, #tpu.memory_space<semaphore_mem>>)
        %dma_start3A_211 = arith.constant 0 : i32
        %dma_start3A_212 = arith.constant 0 : i32
        %dma_start3A_213 = tpu.memref_slice %arg6[%dma_start3A_211, %dma_start3A_212] : memref<2x128xi32, #tpu.memory_space<vmem>> -> memref<1x128xi32, #tpu.memory_space<vmem>>
        %dma_start3A_214 = tpu.memref_squeeze %dma_start3A_213 : memref<1x128xi32, #tpu.memory_space<vmem>> -> memref<128xi32, #tpu.memory_space<vmem>>
        %dma_start3A_215 = arith.constant 0 : i32
        %dma_start3A_216 = arith.constant 0 : i32
        %dma_start3A_217 = tpu.memref_slice %arg2[%dma_start3A_215, %dma_start3A_216] : memref<100000x32xf32, #tpu.memory_space<hbm>> -> memref<100000x32xf32, #tpu.memory_space<hbm>>
        tpu.enqueue_indirect_dma source(%dma_start3A_217 : memref<100000x32xf32, #tpu.memory_space<hbm>>) target(%arg8 : memref<128x32xf32, #tpu.memory_space<vmem>>) offsets(%dma_start3A_214 : memref<128xi32, #tpu.memory_space<vmem>>) semaphore(%arg13 : memref<!tpu.dma_semaphore, #tpu.memory_space<semaphore_mem>>)
      } else {
      }
      %add3A_163 = arith.constant 1 : i32
      %add3A_164 = arith.addi %mul3A_96, %add3A_163 : i32
      %mul3A_165 = arith.constant 64 : i32
      %mul3A_166 = arith.muli %add3A_164, %mul3A_165 : i32
      %add3A_167 = arith.addi %mul3A_6, %mul3A_166 : i32
      %dma_wait3A_168 = arith.constant 0 : i32
      %dma_wait3A_169 = tpu.memref_slice %arg3[%add3A_167, %dma_wait3A_168] : memref<409600x128xf32, #tpu.memory_space<hbm>> -> memref<64x128xf32, #tpu.memory_space<hbm>>
      %dma_wait3A_170 = arith.constant 0 : i32
      %dma_wait3A_171 = tpu.memref_slice %arg3[%add3A_167, %dma_wait3A_170] : memref<409600x128xf32, #tpu.memory_space<hbm>> -> memref<64x128xf32, #tpu.memory_space<hbm>>
      tpu.wait_dma2 semaphore(%arg16 : memref<!tpu.dma_semaphore, #tpu.memory_space<semaphore_mem>>) src(%dma_wait3A_171 : memref<64x128xf32, #tpu.memory_space<hbm>>) dst(%arg11 : memref<64x128xf32, #tpu.memory_space<vmem>>)
      %dma_wait3A_172 = arith.constant 0 : i32
      %dma_wait3A_173 = arith.constant 0 : i32
      %dma_wait3A_174 = tpu.memref_slice %arg7[%dma_wait3A_172, %dma_wait3A_173] : memref<2x128xi32, #tpu.memory_space<vmem>> -> memref<1x128xi32, #tpu.memory_space<vmem>>
      %dma_wait3A_175 = tpu.memref_squeeze %dma_wait3A_174 : memref<1x128xi32, #tpu.memory_space<vmem>> -> memref<128xi32, #tpu.memory_space<vmem>>
      %dma_wait3A_176 = arith.constant 0 : i32
      %dma_wait3A_177 = arith.constant 0 : i32
      %dma_wait3A_178 = tpu.memref_slice %arg2[%dma_wait3A_176, %dma_wait3A_177] : memref<100000x32xf32, #tpu.memory_space<hbm>> -> memref<100000x32xf32, #tpu.memory_space<hbm>>
      tpu.wait_indirect_dma semaphore(%arg14 : memref<!tpu.dma_semaphore, #tpu.memory_space<semaphore_mem>>) src(%dma_wait3A_178 : memref<100000x32xf32, #tpu.memory_space<hbm>>) dst(%arg9 : memref<128x32xf32, #tpu.memory_space<vmem>>)
      %eq3A_179 = arith.constant 0 : i32
      %eq3A_180 = arith.cmpi eq, %arg0, %eq3A_179 : i32
      %convert_element_type3A_181 = arith.extui %eq3A_180 : i1 to i32
      %cond3A_182 = arith.constant 0 : i32
      %cond3A_183 = arith.cmpi ne, %convert_element_type3A_181, %cond3A_182 : i32
      scf.if %cond3A_183 {
        %scan3A_197 = arith.constant 0 : i32
        %scan3A_198 = arith.constant 0 : i32
        %scan3A_199 = arith.constant 64 : i32
        %scan3A_200 = arith.addi %scan3A_198, %scan3A_199 : i32
        %scan3A_201 = arith.constant 1 : i32
        %scan3A_202 = scf.for %scan3A_204 = %scan3A_198 to %scan3A_200 step %scan3A_201 iter_args(%scan3A_205 = %scan3A_197) -> (i32)  : i32 {
          %mul3A_206 = arith.constant 2 : i32
          %mul3A_207 = arith.muli %mul3A_206, %scan3A_204 : i32
          %get3A = arith.index_cast %mul3A_207 : i32 to index
          %get3A_208 = arith.constant 0 : index
          %get3A_209 = tpu.vector_load %arg9[%get3A, %get3A_208] {strides = array<i32>} : memref<128x32xf32, #tpu.memory_space<vmem>>, vector<1x16xf32>,
          %get3A_210 = vector.shape_cast %get3A_209 : vector<1x16xf32> to vector<16xf32>
          %get3A_211 = arith.index_cast %scan3A_204 : i32 to index
          %get3A_212 = arith.constant 0 : index
          %get3A_213 = tpu.vector_load %arg11[%get3A_211, %get3A_212] {strides = array<i32>} : memref<64x128xf32, #tpu.memory_space<vmem>>, vector<1x16xf32>,
          %get3A_214 = vector.shape_cast %get3A_213 : vector<1x16xf32> to vector<16xf32>
          %mul3A_215 = arith.mulf %get3A_210, %get3A_214 : vector<16xf32>
          %swap3A = arith.index_cast %mul3A_207 : i32 to index
          %swap3A_216 = arith.constant 0 : index
          %swap3A_217 = tpu.vector_load %arg9[%swap3A, %swap3A_216] {strides = array<i32>} : memref<128x32xf32, #tpu.memory_space<vmem>>, vector<1x16xf32>,
          %swap3A_218 = vector.shape_cast %swap3A_217 : vector<1x16xf32> to vector<16xf32>
          %swap3A_219 = vector.shape_cast %mul3A_215 : vector<16xf32> to vector<1x16xf32>
          tpu.vector_store %arg9[%swap3A, %swap3A_216], %swap3A_219 {strides = array<i32>} : memref<128x32xf32, #tpu.memory_space<vmem>>, vector<1x16xf32>,
          %get3A_220 = arith.index_cast %mul3A_207 : i32 to index
          %get3A_221 = arith.constant 16 : index
          %get3A_222 = tpu.vector_load %arg9[%get3A_220, %get3A_221] {strides = array<i32>} : memref<128x32xf32, #tpu.memory_space<vmem>>, vector<1x16xf32>,
          %get3A_223 = vector.shape_cast %get3A_222 : vector<1x16xf32> to vector<16xf32>
          %get3A_224 = arith.index_cast %scan3A_204 : i32 to index
          %get3A_225 = arith.constant 16 : index
          %get3A_226 = tpu.vector_load %arg11[%get3A_224, %get3A_225] {strides = array<i32>} : memref<64x128xf32, #tpu.memory_space<vmem>>, vector<1x16xf32>,
          %get3A_227 = vector.shape_cast %get3A_226 : vector<1x16xf32> to vector<16xf32>
          %mul3A_228 = arith.mulf %get3A_223, %get3A_227 : vector<16xf32>
          %swap3A_229 = arith.index_cast %mul3A_207 : i32 to index
          %swap3A_230 = arith.constant 16 : index
          %swap3A_231 = tpu.vector_load %arg9[%swap3A_229, %swap3A_230] {strides = array<i32>} : memref<128x32xf32, #tpu.memory_space<vmem>>, vector<1x16xf32>,
          %swap3A_232 = vector.shape_cast %swap3A_231 : vector<1x16xf32> to vector<16xf32>
          %swap3A_233 = vector.shape_cast %mul3A_228 : vector<16xf32> to vector<1x16xf32>
          tpu.vector_store %arg9[%swap3A_229, %swap3A_230], %swap3A_233 {strides = array<i32>} : memref<128x32xf32, #tpu.memory_space<vmem>>, vector<1x16xf32>,
          %add3A_234 = arith.constant 1 : i32
          %add3A_235 = arith.addi %mul3A_207, %add3A_234 : i32
          %get3A_236 = arith.index_cast %add3A_235 : i32 to index
          %get3A_237 = arith.constant 0 : index
          %get3A_238 = tpu.vector_load %arg9[%get3A_236, %get3A_237] {strides = array<i32>} : memref<128x32xf32, #tpu.memory_space<vmem>>, vector<1x16xf32>,
          %get3A_239 = vector.shape_cast %get3A_238 : vector<1x16xf32> to vector<16xf32>
          %get3A_240 = arith.index_cast %scan3A_204 : i32 to index
          %get3A_241 = arith.constant 64 : index
          %get3A_242 = tpu.vector_load %arg11[%get3A_240, %get3A_241] {strides = array<i32>} : memref<64x128xf32, #tpu.memory_space<vmem>>, vector<1x16xf32>,
          %get3A_243 = vector.shape_cast %get3A_242 : vector<1x16xf32> to vector<16xf32>
          %mul3A_244 = arith.mulf %get3A_239, %get3A_243 : vector<16xf32>
          %add3A_245 = arith.constant 1 : i32
          %add3A_246 = arith.addi %mul3A_207, %add3A_245 : i32
          %swap3A_247 = arith.index_cast %add3A_246 : i32 to index
          %swap3A_248 = arith.constant 0 : index
          %swap3A_249 = tpu.vector_load %arg9[%swap3A_247, %swap3A_248] {strides = array<i32>} : memref<128x32xf32, #tpu.memory_space<vmem>>, vector<1x16xf32>,
          %swap3A_250 = vector.shape_cast %swap3A_249 : vector<1x16xf32> to vector<16xf32>
          %swap3A_251 = vector.shape_cast %mul3A_244 : vector<16xf32> to vector<1x16xf32>
          tpu.vector_store %arg9[%swap3A_247, %swap3A_248], %swap3A_251 {strides = array<i32>} : memref<128x32xf32, #tpu.memory_space<vmem>>, vector<1x16xf32>,
          %add3A_252 = arith.constant 1 : i32
          %add3A_253 = arith.addi %mul3A_207, %add3A_252 : i32
          %get3A_254 = arith.index_cast %add3A_253 : i32 to index
          %get3A_255 = arith.constant 16 : index
          %get3A_256 = tpu.vector_load %arg9[%get3A_254, %get3A_255] {strides = array<i32>} : memref<128x32xf32, #tpu.memory_space<vmem>>, vector<1x16xf32>,
          %get3A_257 = vector.shape_cast %get3A_256 : vector<1x16xf32> to vector<16xf32>
          %get3A_258 = arith.index_cast %scan3A_204 : i32 to index
          %get3A_259 = arith.constant 80 : index
          %get3A_260 = tpu.vector_load %arg11[%get3A_258, %get3A_259] {strides = array<i32>} : memref<64x128xf32, #tpu.memory_space<vmem>>, vector<1x16xf32>,
          %get3A_261 = vector.shape_cast %get3A_260 : vector<1x16xf32> to vector<16xf32>
          %mul3A_262 = arith.mulf %get3A_257, %get3A_261 : vector<16xf32>
          %add3A_263 = arith.constant 1 : i32
          %add3A_264 = arith.addi %mul3A_207, %add3A_263 : i32
          %swap3A_265 = arith.index_cast %add3A_264 : i32 to index
          %swap3A_266 = arith.constant 16 : index
          %swap3A_267 = tpu.vector_load %arg9[%swap3A_265, %swap3A_266] {strides = array<i32>} : memref<128x32xf32, #tpu.memory_space<vmem>>, vector<1x16xf32>,
          %swap3A_268 = vector.shape_cast %swap3A_267 : vector<1x16xf32> to vector<16xf32>
          %swap3A_269 = vector.shape_cast %mul3A_262 : vector<16xf32> to vector<1x16xf32>
          tpu.vector_store %arg9[%swap3A_265, %swap3A_266], %swap3A_269 {strides = array<i32>} : memref<128x32xf32, #tpu.memory_space<vmem>>, vector<1x16xf32>,
          %scan3A_270 = arith.constant 0 : i32
          scf.yield %scan3A_270 : i32
        }
        %scan3A_203 = arith.constant 64 : i32
      } else {
      }
      %eq3A_184 = arith.constant 1 : i32
      %eq3A_185 = arith.cmpi eq, %arg0, %eq3A_184 : i32
      %convert_element_type3A_186 = arith.extui %eq3A_185 : i1 to i32
      %cond3A_187 = arith.constant 0 : i32
      %cond3A_188 = arith.cmpi ne, %convert_element_type3A_186, %cond3A_187 : i32
      scf.if %cond3A_188 {
        %scan3A_197 = arith.constant 0 : i32
        %scan3A_198 = arith.constant 0 : i32
        %scan3A_199 = arith.constant 64 : i32
        %scan3A_200 = arith.addi %scan3A_198, %scan3A_199 : i32
        %scan3A_201 = arith.constant 1 : i32
        %scan3A_202 = scf.for %scan3A_204 = %scan3A_198 to %scan3A_200 step %scan3A_201 iter_args(%scan3A_205 = %scan3A_197) -> (i32)  : i32 {
          %mul3A_206 = arith.constant 2 : i32
          %mul3A_207 = arith.muli %mul3A_206, %scan3A_204 : i32
          %get3A = arith.index_cast %mul3A_207 : i32 to index
          %get3A_208 = arith.constant 0 : index
          %get3A_209 = tpu.vector_load %arg9[%get3A, %get3A_208] {strides = array<i32>} : memref<128x32xf32, #tpu.memory_space<vmem>>, vector<1x16xf32>,
          %get3A_210 = vector.shape_cast %get3A_209 : vector<1x16xf32> to vector<16xf32>
          %get3A_211 = arith.index_cast %scan3A_204 : i32 to index
          %get3A_212 = arith.constant 32 : index
          %get3A_213 = tpu.vector_load %arg11[%get3A_211, %get3A_212] {strides = array<i32>} : memref<64x128xf32, #tpu.memory_space<vmem>>, vector<1x16xf32>,
          %get3A_214 = vector.shape_cast %get3A_213 : vector<1x16xf32> to vector<16xf32>
          %mul3A_215 = arith.mulf %get3A_210, %get3A_214 : vector<16xf32>
          %swap3A = arith.index_cast %mul3A_207 : i32 to index
          %swap3A_216 = arith.constant 0 : index
          %swap3A_217 = tpu.vector_load %arg9[%swap3A, %swap3A_216] {strides = array<i32>} : memref<128x32xf32, #tpu.memory_space<vmem>>, vector<1x16xf32>,
          %swap3A_218 = vector.shape_cast %swap3A_217 : vector<1x16xf32> to vector<16xf32>
          %swap3A_219 = vector.shape_cast %mul3A_215 : vector<16xf32> to vector<1x16xf32>
          tpu.vector_store %arg9[%swap3A, %swap3A_216], %swap3A_219 {strides = array<i32>} : memref<128x32xf32, #tpu.memory_space<vmem>>, vector<1x16xf32>,
          %get3A_220 = arith.index_cast %mul3A_207 : i32 to index
          %get3A_221 = arith.constant 16 : index
          %get3A_222 = tpu.vector_load %arg9[%get3A_220, %get3A_221] {strides = array<i32>} : memref<128x32xf32, #tpu.memory_space<vmem>>, vector<1x16xf32>,
          %get3A_223 = vector.shape_cast %get3A_222 : vector<1x16xf32> to vector<16xf32>
          %get3A_224 = arith.index_cast %scan3A_204 : i32 to index
          %get3A_225 = arith.constant 48 : index
          %get3A_226 = tpu.vector_load %arg11[%get3A_224, %get3A_225] {strides = array<i32>} : memref<64x128xf32, #tpu.memory_space<vmem>>, vector<1x16xf32>,
          %get3A_227 = vector.shape_cast %get3A_226 : vector<1x16xf32> to vector<16xf32>
          %mul3A_228 = arith.mulf %get3A_223, %get3A_227 : vector<16xf32>
          %swap3A_229 = arith.index_cast %mul3A_207 : i32 to index
          %swap3A_230 = arith.constant 16 : index
          %swap3A_231 = tpu.vector_load %arg9[%swap3A_229, %swap3A_230] {strides = array<i32>} : memref<128x32xf32, #tpu.memory_space<vmem>>, vector<1x16xf32>,
          %swap3A_232 = vector.shape_cast %swap3A_231 : vector<1x16xf32> to vector<16xf32>
          %swap3A_233 = vector.shape_cast %mul3A_228 : vector<16xf32> to vector<1x16xf32>
          tpu.vector_store %arg9[%swap3A_229, %swap3A_230], %swap3A_233 {strides = array<i32>} : memref<128x32xf32, #tpu.memory_space<vmem>>, vector<1x16xf32>,
          %add3A_234 = arith.constant 1 : i32
          %add3A_235 = arith.addi %mul3A_207, %add3A_234 : i32
          %get3A_236 = arith.index_cast %add3A_235 : i32 to index
          %get3A_237 = arith.constant 0 : index
          %get3A_238 = tpu.vector_load %arg9[%get3A_236, %get3A_237] {strides = array<i32>} : memref<128x32xf32, #tpu.memory_space<vmem>>, vector<1x16xf32>,
          %get3A_239 = vector.shape_cast %get3A_238 : vector<1x16xf32> to vector<16xf32>
          %get3A_240 = arith.index_cast %scan3A_204 : i32 to index
          %get3A_241 = arith.constant 96 : index
          %get3A_242 = tpu.vector_load %arg11[%get3A_240, %get3A_241] {strides = array<i32>} : memref<64x128xf32, #tpu.memory_space<vmem>>, vector<1x16xf32>,
          %get3A_243 = vector.shape_cast %get3A_242 : vector<1x16xf32> to vector<16xf32>
          %mul3A_244 = arith.mulf %get3A_239, %get3A_243 : vector<16xf32>
          %add3A_245 = arith.constant 1 : i32
          %add3A_246 = arith.addi %mul3A_207, %add3A_245 : i32
          %swap3A_247 = arith.index_cast %add3A_246 : i32 to index
          %swap3A_248 = arith.constant 0 : index
          %swap3A_249 = tpu.vector_load %arg9[%swap3A_247, %swap3A_248] {strides = array<i32>} : memref<128x32xf32, #tpu.memory_space<vmem>>, vector<1x16xf32>,
          %swap3A_250 = vector.shape_cast %swap3A_249 : vector<1x16xf32> to vector<16xf32>
          %swap3A_251 = vector.shape_cast %mul3A_244 : vector<16xf32> to vector<1x16xf32>
          tpu.vector_store %arg9[%swap3A_247, %swap3A_248], %swap3A_251 {strides = array<i32>} : memref<128x32xf32, #tpu.memory_space<vmem>>, vector<1x16xf32>,
          %add3A_252 = arith.constant 1 : i32
          %add3A_253 = arith.addi %mul3A_207, %add3A_252 : i32
          %get3A_254 = arith.index_cast %add3A_253 : i32 to index
          %get3A_255 = arith.constant 16 : index
          %get3A_256 = tpu.vector_load %arg9[%get3A_254, %get3A_255] {strides = array<i32>} : memref<128x32xf32, #tpu.memory_space<vmem>>, vector<1x16xf32>,
          %get3A_257 = vector.shape_cast %get3A_256 : vector<1x16xf32> to vector<16xf32>
          %get3A_258 = arith.index_cast %scan3A_204 : i32 to index
          %get3A_259 = arith.constant 112 : index
          %get3A_260 = tpu.vector_load %arg11[%get3A_258, %get3A_259] {strides = array<i32>} : memref<64x128xf32, #tpu.memory_space<vmem>>, vector<1x16xf32>,
          %get3A_261 = vector.shape_cast %get3A_260 : vector<1x16xf32> to vector<16xf32>
          %mul3A_262 = arith.mulf %get3A_257, %get3A_261 : vector<16xf32>
          %add3A_263 = arith.constant 1 : i32
          %add3A_264 = arith.addi %mul3A_207, %add3A_263 : i32
          %swap3A_265 = arith.index_cast %add3A_264 : i32 to index
          %swap3A_266 = arith.constant 16 : index
          %swap3A_267 = tpu.vector_load %arg9[%swap3A_265, %swap3A_266] {strides = array<i32>} : memref<128x32xf32, #tpu.memory_space<vmem>>, vector<1x16xf32>,
          %swap3A_268 = vector.shape_cast %swap3A_267 : vector<1x16xf32> to vector<16xf32>
          %swap3A_269 = vector.shape_cast %mul3A_262 : vector<16xf32> to vector<1x16xf32>
          tpu.vector_store %arg9[%swap3A_265, %swap3A_266], %swap3A_269 {strides = array<i32>} : memref<128x32xf32, #tpu.memory_space<vmem>>, vector<1x16xf32>,
          %scan3A_270 = arith.constant 0 : i32
          scf.yield %scan3A_270 : i32
        }
        %scan3A_203 = arith.constant 64 : i32
      } else {
      }
      %dma_start3A_189 = arith.constant 1 : i32
      %dma_start3A_190 = arith.constant 0 : i32
      %dma_start3A_191 = tpu.memref_slice %arg7[%dma_start3A_189, %dma_start3A_190] : memref<2x128xi32, #tpu.memory_space<vmem>> -> memref<1x128xi32, #tpu.memory_space<vmem>>
      %dma_start3A_192 = tpu.memref_squeeze %dma_start3A_191 : memref<1x128xi32, #tpu.memory_space<vmem>> -> memref<128xi32, #tpu.memory_space<vmem>>
      %dma_start3A_193 = arith.constant 0 : i32
      %dma_start3A_194 = arith.constant 0 : i32
      %dma_start3A_195 = tpu.memref_slice %arg12[%dma_start3A_193, %dma_start3A_194] : memref<50048x32xf32, #tpu.memory_space<vmem_shared>> -> memref<50048x32xf32, #tpu.memory_space<vmem_shared>>
      tpu.enqueue_indirect_dma source(%arg9 : memref<128x32xf32, #tpu.memory_space<vmem>>) target(%dma_start3A_195 : memref<50048x32xf32, #tpu.memory_space<vmem_shared>>) offsets(%dma_start3A_192 : memref<128xi32, #tpu.memory_space<vmem>>) semaphore(%arg18 : memref<!tpu.dma_semaphore, #tpu.memory_space<semaphore_mem>>) {add = true}
      %scan3A_196 = arith.constant 0 : i32
      scf.yield %scan3A_196 : i32
    }
    %scan3A_85 = arith.constant 200 : i32
    %dma_wait3A = arith.constant 1 : i32
    %dma_wait3A_86 = arith.constant 0 : i32
    %dma_wait3A_87 = tpu.memref_slice %arg7[%dma_wait3A, %dma_wait3A_86] : memref<2x128xi32, #tpu.memory_space<vmem>> -> memref<1x128xi32, #tpu.memory_space<vmem>>
    %dma_wait3A_88 = tpu.memref_squeeze %dma_wait3A_87 : memref<1x128xi32, #tpu.memory_space<vmem>> -> memref<128xi32, #tpu.memory_space<vmem>>
    %dma_wait3A_89 = arith.constant 0 : i32
    %dma_wait3A_90 = arith.constant 0 : i32
    %dma_wait3A_91 = tpu.memref_slice %arg12[%dma_wait3A_89, %dma_wait3A_90] : memref<50048x32xf32, #tpu.memory_space<vmem_shared>> -> memref<50048x32xf32, #tpu.memory_space<vmem_shared>>
    tpu.wait_indirect_dma semaphore(%arg18 : memref<!tpu.dma_semaphore, #tpu.memory_space<semaphore_mem>>) src(%arg9 : memref<128x32xf32, #tpu.memory_space<vmem>>) dst(%dma_wait3A_91 : memref<50048x32xf32, #tpu.memory_space<vmem_shared>>)
    %barrier3A_92 = arith.constant 0 : index
    tpu.barrier barrier_id(%barrier3A_92)
    "tpu.region"() ({
      %run_scoped3A = tpu.sem_alloc : memref<!tpu.dma_semaphore, #tpu.memory_space<semaphore_mem>>
      %dma_start3A_93 = arith.constant 0 : i32
      %dma_start3A_94 = tpu.memref_slice %arg5[%arg0, %mul3A_28, %dma_start3A_93] : memref<2x50048x32xf32, #tpu.memory_space<hbm>> -> memref<1x3128x32xf32, #tpu.memory_space<hbm>>
      %dma_start3A_95 = tpu.memref_squeeze %dma_start3A_94 : memref<1x3128x32xf32, #tpu.memory_space<hbm>> -> memref<3128x32xf32, #tpu.memory_space<hbm>>
      %dma_start3A_96 = arith.constant 0 : i32
      %dma_start3A_97 = tpu.memref_slice %arg12[%mul3A_28, %dma_start3A_96] : memref<50048x32xf32, #tpu.memory_space<vmem_shared>> -> memref<3128x32xf32, #tpu.memory_space<vmem_shared>>
      tpu.enqueue_dma source(%dma_start3A_97 : memref<3128x32xf32, #tpu.memory_space<vmem_shared>>) target(%dma_start3A_95 : memref<3128x32xf32, #tpu.memory_space<hbm>>) target_semaphore(%run_scoped3A : memref<!tpu.dma_semaphore, #tpu.memory_space<semaphore_mem>>)
      %dma_wait3A_98 = arith.constant 0 : i32
      %dma_wait3A_99 = tpu.memref_slice %arg5[%arg0, %mul3A_28, %dma_wait3A_98] : memref<2x50048x32xf32, #tpu.memory_space<hbm>> -> memref<1x3128x32xf32, #tpu.memory_space<hbm>>
      %dma_wait3A_100 = tpu.memref_squeeze %dma_wait3A_99 : memref<1x3128x32xf32, #tpu.memory_space<hbm>> -> memref<3128x32xf32, #tpu.memory_space<hbm>>
      %dma_wait3A_101 = arith.constant 0 : i32
      %dma_wait3A_102 = tpu.memref_slice %arg12[%mul3A_28, %dma_wait3A_101] : memref<50048x32xf32, #tpu.memory_space<vmem_shared>> -> memref<3128x32xf32, #tpu.memory_space<vmem_shared>>
      tpu.wait_dma2 semaphore(%run_scoped3A : memref<!tpu.dma_semaphore, #tpu.memory_space<semaphore_mem>>) src(%dma_wait3A_102 : memref<3128x32xf32, #tpu.memory_space<vmem_shared>>) dst(%dma_wait3A_100 : memref<3128x32xf32, #tpu.memory_space<hbm>>)
      tpu.yield
    }) : () -> ()
    return
  }
}

#map = affine_map<(d0, d1) -> (0, 0)>
#map1 = affine_map<(d0, d1) -> (0, 0, 0)>
module attributes {stable_mosaic.version = 14 : i64} {
  func.func @_sc_body(%arg0: i32, %arg1: i32, %arg2: memref<100000x32xf32, #tpu.memory_space<hbm>>, %arg3: memref<409600x128xf32, #tpu.memory_space<hbm>>, %arg4: memref<25600x128xi32, #tpu.memory_space<hbm>>, %arg5: memref<2x50048x32xf32, #tpu.memory_space<hbm>>, %arg6: memref<2x128xi32, #tpu.memory_space<vmem>>, %arg7: memref<2x128xi32, #tpu.memory_space<vmem>>, %arg8: memref<128x32xf32, #tpu.memory_space<vmem>>, %arg9: memref<128x32xf32, #tpu.memory_space<vmem>>, %arg10: memref<64x128xf32, #tpu.memory_space<vmem>>, %arg11: memref<64x128xf32, #tpu.memory_space<vmem>>, %arg12: memref<50048x32xf32, #tpu.memory_space<vmem_shared>>, %arg13: memref<!tpu.dma_semaphore, #tpu.memory_space<semaphore_mem>>, %arg14: memref<!tpu.dma_semaphore, #tpu.memory_space<semaphore_mem>>, %arg15: memref<!tpu.dma_semaphore, #tpu.memory_space<semaphore_mem>>, %arg16: memref<!tpu.dma_semaphore, #tpu.memory_space<semaphore_mem>>, %arg17: memref<!tpu.dma_semaphore, #tpu.memory_space<semaphore_mem>>, %arg18: memref<!tpu.dma_semaphore, #tpu.memory_space<semaphore_mem>>) attributes {dimension_semantics = [#tpu.dimension_semantics<core_parallel>, #tpu.dimension_semantics<subcore_parallel>], iteration_bounds = array<i64: 2, 16>, scalar_prefetch = 0 : i64, scratch_operands = 13 : i64, tpu.core_type = #tpu.core_type<sc_vector_subcore>, window_params = [{transform_indices = #map}, {transform_indices = #map}, {transform_indices = #map}, {transform_indices = #map1}]} {
    %mul3A = arith.constant 6400 : i32
    %mul3A_0 = arith.muli %arg0, %mul3A : i32
    %mul3A_1 = arith.constant 400 : i32
    %mul3A_2 = arith.muli %arg1, %mul3A_1 : i32
    %add3A = arith.addi %mul3A_0, %mul3A_2 : i32
    %mul3A_3 = arith.constant 2 : i32
    %mul3A_4 = arith.muli %mul3A_3, %add3A : i32
    %mul3A_5 = arith.constant 25600 : i32
    %mul3A_6 = arith.muli %arg1, %mul3A_5 : i32
    %add3A_7 = arith.constant 0 : i32
    %add3A_8 = arith.addi %mul3A_4, %add3A_7 : i32
    "tpu.region"() ({
      %run_scoped3A = tpu.sem_alloc : memref<!tpu.dma_semaphore, #tpu.memory_space<semaphore_mem>>
      %dma_start3A_93 = arith.constant 0 : i32
      %dma_start3A_94 = tpu.memref_slice %arg4[%add3A_8, %dma_start3A_93] : memref<25600x128xi32, #tpu.memory_space<hbm>> -> memref<2x128xi32, #tpu.memory_space<hbm>>
      %dma_start3A_95 = arith.constant 0 : i32
      %dma_start3A_96 = tpu.memref_slice %arg4[%add3A_8, %dma_start3A_95] : memref<25600x128xi32, #tpu.memory_space<hbm>> -> memref<2x128xi32, #tpu.memory_space<hbm>>
      tpu.enqueue_dma source(%dma_start3A_96 : memref<2x128xi32, #tpu.memory_space<hbm>>) target(%arg6 : memref<2x128xi32, #tpu.memory_space<vmem>>) target_semaphore(%run_scoped3A : memref<!tpu.dma_semaphore, #tpu.memory_space<semaphore_mem>>)
      %dma_wait3A_97 = arith.constant 0 : i32
      %dma_wait3A_98 = tpu.memref_slice %arg4[%add3A_8, %dma_wait3A_97] : memref<25600x128xi32, #tpu.memory_space<hbm>> -> memref<2x128xi32, #tpu.memory_space<hbm>>
      %dma_wait3A_99 = arith.constant 0 : i32
      %dma_wait3A_100 = tpu.memref_slice %arg4[%add3A_8, %dma_wait3A_99] : memref<25600x128xi32, #tpu.memory_space<hbm>> -> memref<2x128xi32, #tpu.memory_space<hbm>>
      tpu.wait_dma2 semaphore(%run_scoped3A : memref<!tpu.dma_semaphore, #tpu.memory_space<semaphore_mem>>) src(%dma_wait3A_100 : memref<2x128xi32, #tpu.memory_space<hbm>>) dst(%arg6 : memref<2x128xi32, #tpu.memory_space<vmem>>)
      tpu.yield
    }) : () -> ()
    %add3A_9 = arith.constant 0 : i32
    %add3A_10 = arith.addi %mul3A_6, %add3A_9 : i32
    %dma_start3A = arith.constant 0 : i32
    %dma_start3A_11 = tpu.memref_slice %arg3[%add3A_10, %dma_start3A] : memref<409600x128xf32, #tpu.memory_space<hbm>> -> memref<64x128xf32, #tpu.memory_space<hbm>>
    %dma_start3A_12 = arith.constant 0 : i32
    %dma_start3A_13 = tpu.memref_slice %arg3[%add3A_10, %dma_start3A_12] : memref<409600x128xf32, #tpu.memory_space<hbm>> -> memref<64x128xf32, #tpu.memory_space<hbm>>
    tpu.enqueue_dma source(%dma_start3A_13 : memref<64x128xf32, #tpu.memory_space<hbm>>) target(%arg10 : memref<64x128xf32, #tpu.memory_space<vmem>>) target_semaphore(%arg15 : memref<!tpu.dma_semaphore, #tpu.memory_space<semaphore_mem>>)
    %dma_start3A_14 = arith.constant 0 : i32
    %dma_start3A_15 = arith.constant 0 : i32
    %dma_start3A_16 = tpu.memref_slice %arg6[%dma_start3A_14, %dma_start3A_15] : memref<2x128xi32, #tpu.memory_space<vmem>> -> memref<1x128xi32, #tpu.memory_space<vmem>>
    %dma_start3A_17 = tpu.memref_squeeze %dma_start3A_16 : memref<1x128xi32, #tpu.memory_space<vmem>> -> memref<128xi32, #tpu.memory_space<vmem>>
    %dma_start3A_18 = arith.constant 0 : i32
    %dma_start3A_19 = arith.constant 0 : i32
    %dma_start3A_20 = tpu.memref_slice %arg2[%dma_start3A_18, %dma_start3A_19] : memref<100000x32xf32, #tpu.memory_space<hbm>> -> memref<100000x32xf32, #tpu.memory_space<hbm>>
    tpu.enqueue_indirect_dma source(%dma_start3A_20 : memref<100000x32xf32, #tpu.memory_space<hbm>>) target(%arg8 : memref<128x32xf32, #tpu.memory_space<vmem>>) offsets(%dma_start3A_17 : memref<128xi32, #tpu.memory_space<vmem>>) semaphore(%arg13 : memref<!tpu.dma_semaphore, #tpu.memory_space<semaphore_mem>>)
    %scan3A = arith.constant 0 : i32
    %scan3A_21 = arith.constant 0 : i32
    %scan3A_22 = arith.constant 128 : i32
    %scan3A_23 = arith.addi %scan3A_21, %scan3A_22 : i32
    %scan3A_24 = arith.constant 1 : i32
    %scan3A_25 = scf.for %scan3A_93 = %scan3A_21 to %scan3A_23 step %scan3A_24 iter_args(%scan3A_94 = %scan3A) -> (i32)  : i32 {
      %broadcast_in_dim3A = arith.constant 0.000000e+00 : f32
      %broadcast_in_dim3A_95 = vector.broadcast %broadcast_in_dim3A : f32 to vector<16xf32>
      %swap3A = arith.index_cast %scan3A_93 : i32 to index
      %swap3A_96 = arith.constant 0 : index
      %swap3A_97 = tpu.vector_load %arg9[%swap3A, %swap3A_96] {strides = array<i32>} : memref<128x32xf32, #tpu.memory_space<vmem>>, vector<1x16xf32>,
      %swap3A_98 = vector.shape_cast %swap3A_97 : vector<1x16xf32> to vector<16xf32>
      %swap3A_99 = vector.shape_cast %broadcast_in_dim3A_95 : vector<16xf32> to vector<1x16xf32>
      tpu.vector_store %arg9[%swap3A, %swap3A_96], %swap3A_99 {strides = array<i32>} : memref<128x32xf32, #tpu.memory_space<vmem>>, vector<1x16xf32>,
      %broadcast_in_dim3A_100 = arith.constant 0.000000e+00 : f32
      %broadcast_in_dim3A_101 = vector.broadcast %broadcast_in_dim3A_100 : f32 to vector<16xf32>
      %swap3A_102 = arith.index_cast %scan3A_93 : i32 to index
      %swap3A_103 = arith.constant 16 : index
      %swap3A_104 = tpu.vector_load %arg9[%swap3A_102, %swap3A_103] {strides = array<i32>} : memref<128x32xf32, #tpu.memory_space<vmem>>, vector<1x16xf32>,
      %swap3A_105 = vector.shape_cast %swap3A_104 : vector<1x16xf32> to vector<16xf32>
      %swap3A_106 = vector.shape_cast %broadcast_in_dim3A_101 : vector<16xf32> to vector<1x16xf32>
      tpu.vector_store %arg9[%swap3A_102, %swap3A_103], %swap3A_106 {strides = array<i32>} : memref<128x32xf32, #tpu.memory_space<vmem>>, vector<1x16xf32>,
      %scan3A_107 = arith.constant 0 : i32
      scf.yield %scan3A_107 : i32
    }
    %scan3A_26 = arith.constant 128 : i32
    %mul3A_27 = arith.constant 3128 : i32
    %mul3A_28 = arith.muli %arg1, %mul3A_27 : i32
    %add3A_29 = arith.constant 0 : i32
    %add3A_30 = arith.addi %mul3A_28, %add3A_29 : i32
    "tpu.region"() ({
      %run_scoped3A = tpu.sem_alloc : memref<!tpu.dma_semaphore, #tpu.memory_space<semaphore_mem>>
      %dma_start3A_93 = arith.constant 0 : i32
      %dma_start3A_94 = tpu.memref_slice %arg12[%add3A_30, %dma_start3A_93] : memref<50048x32xf32, #tpu.memory_space<vmem_shared>> -> memref<128x32xf32, #tpu.memory_space<vmem_shared>>
      %dma_start3A_95 = arith.constant 0 : i32
      %dma_start3A_96 = tpu.memref_slice %arg12[%add3A_30, %dma_start3A_95] : memref<50048x32xf32, #tpu.memory_space<vmem_shared>> -> memref<128x32xf32, #tpu.memory_space<vmem_shared>>
      tpu.enqueue_dma source(%arg9 : memref<128x32xf32, #tpu.memory_space<vmem>>) target(%dma_start3A_96 : memref<128x32xf32, #tpu.memory_space<vmem_shared>>) target_semaphore(%run_scoped3A : memref<!tpu.dma_semaphore, #tpu.memory_space<semaphore_mem>>)
      %dma_wait3A_97 = arith.constant 0 : i32
      %dma_wait3A_98 = tpu.memref_slice %arg12[%add3A_30, %dma_wait3A_97] : memref<50048x32xf32, #tpu.memory_space<vmem_shared>> -> memref<128x32xf32, #tpu.memory_space<vmem_shared>>
      %dma_wait3A_99 = arith.constant 0 : i32
      %dma_wait3A_100 = tpu.memref_slice %arg12[%add3A_30, %dma_wait3A_99] : memref<50048x32xf32, #tpu.memory_space<vmem_shared>> -> memref<128x32xf32, #tpu.memory_space<vmem_shared>>
      tpu.wait_dma2 semaphore(%run_scoped3A : memref<!tpu.dma_semaphore, #tpu.memory_space<semaphore_mem>>) src(%arg9 : memref<128x32xf32, #tpu.memory_space<vmem>>) dst(%dma_wait3A_100 : memref<128x32xf32, #tpu.memory_space<vmem_shared>>)
      tpu.yield
    }) : () -> ()
    %add3A_31 = arith.constant 128 : i32
    %add3A_32 = arith.addi %mul3A_28, %add3A_31 : i32
    "tpu.region"() ({
      %run_scoped3A = tpu.sem_alloc : memref<!tpu.dma_semaphore, #tpu.memory_space<semaphore_mem>>
      %dma_start3A_93 = arith.constant 0 : i32
      %dma_start3A_94 = tpu.memref_slice %arg12[%add3A_32, %dma_start3A_93] : memref<50048x32xf32, #tpu.memory_space<vmem_shared>> -> memref<128x32xf32, #tpu.memory_space<vmem_shared>>
      %dma_start3A_95 = arith.constant 0 : i32
      %dma_start3A_96 = tpu.memref_slice %arg12[%add3A_32, %dma_start3A_95] : memref<50048x32xf32, #tpu.memory_space<vmem_shared>> -> memref<128x32xf32, #tpu.memory_space<vmem_shared>>
      tpu.enqueue_dma source(%arg9 : memref<128x32xf32, #tpu.memory_space<vmem>>) target(%dma_start3A_96 : memref<128x32xf32, #tpu.memory_space<vmem_shared>>) target_semaphore(%run_scoped3A : memref<!tpu.dma_semaphore, #tpu.memory_space<semaphore_mem>>)
      %dma_wait3A_97 = arith.constant 0 : i32
      %dma_wait3A_98 = tpu.memref_slice %arg12[%add3A_32, %dma_wait3A_97] : memref<50048x32xf32, #tpu.memory_space<vmem_shared>> -> memref<128x32xf32, #tpu.memory_space<vmem_shared>>
      %dma_wait3A_99 = arith.constant 0 : i32
      %dma_wait3A_100 = tpu.memref_slice %arg12[%add3A_32, %dma_wait3A_99] : memref<50048x32xf32, #tpu.memory_space<vmem_shared>> -> memref<128x32xf32, #tpu.memory_space<vmem_shared>>
      tpu.wait_dma2 semaphore(%run_scoped3A : memref<!tpu.dma_semaphore, #tpu.memory_space<semaphore_mem>>) src(%arg9 : memref<128x32xf32, #tpu.memory_space<vmem>>) dst(%dma_wait3A_100 : memref<128x32xf32, #tpu.memory_space<vmem_shared>>)
      tpu.yield
    }) : () -> ()
    %add3A_33 = arith.constant 256 : i32
    %add3A_34 = arith.addi %mul3A_28, %add3A_33 : i32
    "tpu.region"() ({
      %run_scoped3A = tpu.sem_alloc : memref<!tpu.dma_semaphore, #tpu.memory_space<semaphore_mem>>
      %dma_start3A_93 = arith.constant 0 : i32
      %dma_start3A_94 = tpu.memref_slice %arg12[%add3A_34, %dma_start3A_93] : memref<50048x32xf32, #tpu.memory_space<vmem_shared>> -> memref<128x32xf32, #tpu.memory_space<vmem_shared>>
      %dma_start3A_95 = arith.constant 0 : i32
      %dma_start3A_96 = tpu.memref_slice %arg12[%add3A_34, %dma_start3A_95] : memref<50048x32xf32, #tpu.memory_space<vmem_shared>> -> memref<128x32xf32, #tpu.memory_space<vmem_shared>>
      tpu.enqueue_dma source(%arg9 : memref<128x32xf32, #tpu.memory_space<vmem>>) target(%dma_start3A_96 : memref<128x32xf32, #tpu.memory_space<vmem_shared>>) target_semaphore(%run_scoped3A : memref<!tpu.dma_semaphore, #tpu.memory_space<semaphore_mem>>)
      %dma_wait3A_97 = arith.constant 0 : i32
      %dma_wait3A_98 = tpu.memref_slice %arg12[%add3A_34, %dma_wait3A_97] : memref<50048x32xf32, #tpu.memory_space<vmem_shared>> -> memref<128x32xf32, #tpu.memory_space<vmem_shared>>
      %dma_wait3A_99 = arith.constant 0 : i32
      %dma_wait3A_100 = tpu.memref_slice %arg12[%add3A_34, %dma_wait3A_99] : memref<50048x32xf32, #tpu.memory_space<vmem_shared>> -> memref<128x32xf32, #tpu.memory_space<vmem_shared>>
      tpu.wait_dma2 semaphore(%run_scoped3A : memref<!tpu.dma_semaphore, #tpu.memory_space<semaphore_mem>>) src(%arg9 : memref<128x32xf32, #tpu.memory_space<vmem>>) dst(%dma_wait3A_100 : memref<128x32xf32, #tpu.memory_space<vmem_shared>>)
      tpu.yield
    }) : () -> ()
    %add3A_35 = arith.constant 384 : i32
    %add3A_36 = arith.addi %mul3A_28, %add3A_35 : i32
    "tpu.region"() ({
      %run_scoped3A = tpu.sem_alloc : memref<!tpu.dma_semaphore, #tpu.memory_space<semaphore_mem>>
      %dma_start3A_93 = arith.constant 0 : i32
      %dma_start3A_94 = tpu.memref_slice %arg12[%add3A_36, %dma_start3A_93] : memref<50048x32xf32, #tpu.memory_space<vmem_shared>> -> memref<128x32xf32, #tpu.memory_space<vmem_shared>>
      %dma_start3A_95 = arith.constant 0 : i32
      %dma_start3A_96 = tpu.memref_slice %arg12[%add3A_36, %dma_start3A_95] : memref<50048x32xf32, #tpu.memory_space<vmem_shared>> -> memref<128x32xf32, #tpu.memory_space<vmem_shared>>
      tpu.enqueue_dma source(%arg9 : memref<128x32xf32, #tpu.memory_space<vmem>>) target(%dma_start3A_96 : memref<128x32xf32, #tpu.memory_space<vmem_shared>>) target_semaphore(%run_scoped3A : memref<!tpu.dma_semaphore, #tpu.memory_space<semaphore_mem>>)
      %dma_wait3A_97 = arith.constant 0 : i32
      %dma_wait3A_98 = tpu.memref_slice %arg12[%add3A_36, %dma_wait3A_97] : memref<50048x32xf32, #tpu.memory_space<vmem_shared>> -> memref<128x32xf32, #tpu.memory_space<vmem_shared>>
      %dma_wait3A_99 = arith.constant 0 : i32
      %dma_wait3A_100 = tpu.memref_slice %arg12[%add3A_36, %dma_wait3A_99] : memref<50048x32xf32, #tpu.memory_space<vmem_shared>> -> memref<128x32xf32, #tpu.memory_space<vmem_shared>>
      tpu.wait_dma2 semaphore(%run_scoped3A : memref<!tpu.dma_semaphore, #tpu.memory_space<semaphore_mem>>) src(%arg9 : memref<128x32xf32, #tpu.memory_space<vmem>>) dst(%dma_wait3A_100 : memref<128x32xf32, #tpu.memory_space<vmem_shared>>)
      tpu.yield
    }) : () -> ()
    %add3A_37 = arith.constant 512 : i32
    %add3A_38 = arith.addi %mul3A_28, %add3A_37 : i32
    "tpu.region"() ({
      %run_scoped3A = tpu.sem_alloc : memref<!tpu.dma_semaphore, #tpu.memory_space<semaphore_mem>>
      %dma_start3A_93 = arith.constant 0 : i32
      %dma_start3A_94 = tpu.memref_slice %arg12[%add3A_38, %dma_start3A_93] : memref<50048x32xf32, #tpu.memory_space<vmem_shared>> -> memref<128x32xf32, #tpu.memory_space<vmem_shared>>
      %dma_start3A_95 = arith.constant 0 : i32
      %dma_start3A_96 = tpu.memref_slice %arg12[%add3A_38, %dma_start3A_95] : memref<50048x32xf32, #tpu.memory_space<vmem_shared>> -> memref<128x32xf32, #tpu.memory_space<vmem_shared>>
      tpu.enqueue_dma source(%arg9 : memref<128x32xf32, #tpu.memory_space<vmem>>) target(%dma_start3A_96 : memref<128x32xf32, #tpu.memory_space<vmem_shared>>) target_semaphore(%run_scoped3A : memref<!tpu.dma_semaphore, #tpu.memory_space<semaphore_mem>>)
      %dma_wait3A_97 = arith.constant 0 : i32
      %dma_wait3A_98 = tpu.memref_slice %arg12[%add3A_38, %dma_wait3A_97] : memref<50048x32xf32, #tpu.memory_space<vmem_shared>> -> memref<128x32xf32, #tpu.memory_space<vmem_shared>>
      %dma_wait3A_99 = arith.constant 0 : i32
      %dma_wait3A_100 = tpu.memref_slice %arg12[%add3A_38, %dma_wait3A_99] : memref<50048x32xf32, #tpu.memory_space<vmem_shared>> -> memref<128x32xf32, #tpu.memory_space<vmem_shared>>
      tpu.wait_dma2 semaphore(%run_scoped3A : memref<!tpu.dma_semaphore, #tpu.memory_space<semaphore_mem>>) src(%arg9 : memref<128x32xf32, #tpu.memory_space<vmem>>) dst(%dma_wait3A_100 : memref<128x32xf32, #tpu.memory_space<vmem_shared>>)
      tpu.yield
    }) : () -> ()
    %add3A_39 = arith.constant 640 : i32
    %add3A_40 = arith.addi %mul3A_28, %add3A_39 : i32
    "tpu.region"() ({
      %run_scoped3A = tpu.sem_alloc : memref<!tpu.dma_semaphore, #tpu.memory_space<semaphore_mem>>
      %dma_start3A_93 = arith.constant 0 : i32
      %dma_start3A_94 = tpu.memref_slice %arg12[%add3A_40, %dma_start3A_93] : memref<50048x32xf32, #tpu.memory_space<vmem_shared>> -> memref<128x32xf32, #tpu.memory_space<vmem_shared>>
      %dma_start3A_95 = arith.constant 0 : i32
      %dma_start3A_96 = tpu.memref_slice %arg12[%add3A_40, %dma_start3A_95] : memref<50048x32xf32, #tpu.memory_space<vmem_shared>> -> memref<128x32xf32, #tpu.memory_space<vmem_shared>>
      tpu.enqueue_dma source(%arg9 : memref<128x32xf32, #tpu.memory_space<vmem>>) target(%dma_start3A_96 : memref<128x32xf32, #tpu.memory_space<vmem_shared>>) target_semaphore(%run_scoped3A : memref<!tpu.dma_semaphore, #tpu.memory_space<semaphore_mem>>)
      %dma_wait3A_97 = arith.constant 0 : i32
      %dma_wait3A_98 = tpu.memref_slice %arg12[%add3A_40, %dma_wait3A_97] : memref<50048x32xf32, #tpu.memory_space<vmem_shared>> -> memref<128x32xf32, #tpu.memory_space<vmem_shared>>
      %dma_wait3A_99 = arith.constant 0 : i32
      %dma_wait3A_100 = tpu.memref_slice %arg12[%add3A_40, %dma_wait3A_99] : memref<50048x32xf32, #tpu.memory_space<vmem_shared>> -> memref<128x32xf32, #tpu.memory_space<vmem_shared>>
      tpu.wait_dma2 semaphore(%run_scoped3A : memref<!tpu.dma_semaphore, #tpu.memory_space<semaphore_mem>>) src(%arg9 : memref<128x32xf32, #tpu.memory_space<vmem>>) dst(%dma_wait3A_100 : memref<128x32xf32, #tpu.memory_space<vmem_shared>>)
      tpu.yield
    }) : () -> ()
    %add3A_41 = arith.constant 768 : i32
    %add3A_42 = arith.addi %mul3A_28, %add3A_41 : i32
    "tpu.region"() ({
      %run_scoped3A = tpu.sem_alloc : memref<!tpu.dma_semaphore, #tpu.memory_space<semaphore_mem>>
      %dma_start3A_93 = arith.constant 0 : i32
      %dma_start3A_94 = tpu.memref_slice %arg12[%add3A_42, %dma_start3A_93] : memref<50048x32xf32, #tpu.memory_space<vmem_shared>> -> memref<128x32xf32, #tpu.memory_space<vmem_shared>>
      %dma_start3A_95 = arith.constant 0 : i32
      %dma_start3A_96 = tpu.memref_slice %arg12[%add3A_42, %dma_start3A_95] : memref<50048x32xf32, #tpu.memory_space<vmem_shared>> -> memref<128x32xf32, #tpu.memory_space<vmem_shared>>
      tpu.enqueue_dma source(%arg9 : memref<128x32xf32, #tpu.memory_space<vmem>>) target(%dma_start3A_96 : memref<128x32xf32, #tpu.memory_space<vmem_shared>>) target_semaphore(%run_scoped3A : memref<!tpu.dma_semaphore, #tpu.memory_space<semaphore_mem>>)
      %dma_wait3A_97 = arith.constant 0 : i32
      %dma_wait3A_98 = tpu.memref_slice %arg12[%add3A_42, %dma_wait3A_97] : memref<50048x32xf32, #tpu.memory_space<vmem_shared>> -> memref<128x32xf32, #tpu.memory_space<vmem_shared>>
      %dma_wait3A_99 = arith.constant 0 : i32
      %dma_wait3A_100 = tpu.memref_slice %arg12[%add3A_42, %dma_wait3A_99] : memref<50048x32xf32, #tpu.memory_space<vmem_shared>> -> memref<128x32xf32, #tpu.memory_space<vmem_shared>>
      tpu.wait_dma2 semaphore(%run_scoped3A : memref<!tpu.dma_semaphore, #tpu.memory_space<semaphore_mem>>) src(%arg9 : memref<128x32xf32, #tpu.memory_space<vmem>>) dst(%dma_wait3A_100 : memref<128x32xf32, #tpu.memory_space<vmem_shared>>)
      tpu.yield
    }) : () -> ()
    %add3A_43 = arith.constant 896 : i32
    %add3A_44 = arith.addi %mul3A_28, %add3A_43 : i32
    "tpu.region"() ({
      %run_scoped3A = tpu.sem_alloc : memref<!tpu.dma_semaphore, #tpu.memory_space<semaphore_mem>>
      %dma_start3A_93 = arith.constant 0 : i32
      %dma_start3A_94 = tpu.memref_slice %arg12[%add3A_44, %dma_start3A_93] : memref<50048x32xf32, #tpu.memory_space<vmem_shared>> -> memref<128x32xf32, #tpu.memory_space<vmem_shared>>
      %dma_start3A_95 = arith.constant 0 : i32
      %dma_start3A_96 = tpu.memref_slice %arg12[%add3A_44, %dma_start3A_95] : memref<50048x32xf32, #tpu.memory_space<vmem_shared>> -> memref<128x32xf32, #tpu.memory_space<vmem_shared>>
      tpu.enqueue_dma source(%arg9 : memref<128x32xf32, #tpu.memory_space<vmem>>) target(%dma_start3A_96 : memref<128x32xf32, #tpu.memory_space<vmem_shared>>) target_semaphore(%run_scoped3A : memref<!tpu.dma_semaphore, #tpu.memory_space<semaphore_mem>>)
      %dma_wait3A_97 = arith.constant 0 : i32
      %dma_wait3A_98 = tpu.memref_slice %arg12[%add3A_44, %dma_wait3A_97] : memref<50048x32xf32, #tpu.memory_space<vmem_shared>> -> memref<128x32xf32, #tpu.memory_space<vmem_shared>>
      %dma_wait3A_99 = arith.constant 0 : i32
      %dma_wait3A_100 = tpu.memref_slice %arg12[%add3A_44, %dma_wait3A_99] : memref<50048x32xf32, #tpu.memory_space<vmem_shared>> -> memref<128x32xf32, #tpu.memory_space<vmem_shared>>
      tpu.wait_dma2 semaphore(%run_scoped3A : memref<!tpu.dma_semaphore, #tpu.memory_space<semaphore_mem>>) src(%arg9 : memref<128x32xf32, #tpu.memory_space<vmem>>) dst(%dma_wait3A_100 : memref<128x32xf32, #tpu.memory_space<vmem_shared>>)
      tpu.yield
    }) : () -> ()
    %add3A_45 = arith.constant 1024 : i32
    %add3A_46 = arith.addi %mul3A_28, %add3A_45 : i32
    "tpu.region"() ({
      %run_scoped3A = tpu.sem_alloc : memref<!tpu.dma_semaphore, #tpu.memory_space<semaphore_mem>>
      %dma_start3A_93 = arith.constant 0 : i32
      %dma_start3A_94 = tpu.memref_slice %arg12[%add3A_46, %dma_start3A_93] : memref<50048x32xf32, #tpu.memory_space<vmem_shared>> -> memref<128x32xf32, #tpu.memory_space<vmem_shared>>
      %dma_start3A_95 = arith.constant 0 : i32
      %dma_start3A_96 = tpu.memref_slice %arg12[%add3A_46, %dma_start3A_95] : memref<50048x32xf32, #tpu.memory_space<vmem_shared>> -> memref<128x32xf32, #tpu.memory_space<vmem_shared>>
      tpu.enqueue_dma source(%arg9 : memref<128x32xf32, #tpu.memory_space<vmem>>) target(%dma_start3A_96 : memref<128x32xf32, #tpu.memory_space<vmem_shared>>) target_semaphore(%run_scoped3A : memref<!tpu.dma_semaphore, #tpu.memory_space<semaphore_mem>>)
      %dma_wait3A_97 = arith.constant 0 : i32
      %dma_wait3A_98 = tpu.memref_slice %arg12[%add3A_46, %dma_wait3A_97] : memref<50048x32xf32, #tpu.memory_space<vmem_shared>> -> memref<128x32xf32, #tpu.memory_space<vmem_shared>>
      %dma_wait3A_99 = arith.constant 0 : i32
      %dma_wait3A_100 = tpu.memref_slice %arg12[%add3A_46, %dma_wait3A_99] : memref<50048x32xf32, #tpu.memory_space<vmem_shared>> -> memref<128x32xf32, #tpu.memory_space<vmem_shared>>
      tpu.wait_dma2 semaphore(%run_scoped3A : memref<!tpu.dma_semaphore, #tpu.memory_space<semaphore_mem>>) src(%arg9 : memref<128x32xf32, #tpu.memory_space<vmem>>) dst(%dma_wait3A_100 : memref<128x32xf32, #tpu.memory_space<vmem_shared>>)
      tpu.yield
    }) : () -> ()
    %add3A_47 = arith.constant 1152 : i32
    %add3A_48 = arith.addi %mul3A_28, %add3A_47 : i32
    "tpu.region"() ({
      %run_scoped3A = tpu.sem_alloc : memref<!tpu.dma_semaphore, #tpu.memory_space<semaphore_mem>>
      %dma_start3A_93 = arith.constant 0 : i32
      %dma_start3A_94 = tpu.memref_slice %arg12[%add3A_48, %dma_start3A_93] : memref<50048x32xf32, #tpu.memory_space<vmem_shared>> -> memref<128x32xf32, #tpu.memory_space<vmem_shared>>
      %dma_start3A_95 = arith.constant 0 : i32
      %dma_start3A_96 = tpu.memref_slice %arg12[%add3A_48, %dma_start3A_95] : memref<50048x32xf32, #tpu.memory_space<vmem_shared>> -> memref<128x32xf32, #tpu.memory_space<vmem_shared>>
      tpu.enqueue_dma source(%arg9 : memref<128x32xf32, #tpu.memory_space<vmem>>) target(%dma_start3A_96 : memref<128x32xf32, #tpu.memory_space<vmem_shared>>) target_semaphore(%run_scoped3A : memref<!tpu.dma_semaphore, #tpu.memory_space<semaphore_mem>>)
      %dma_wait3A_97 = arith.constant 0 : i32
      %dma_wait3A_98 = tpu.memref_slice %arg12[%add3A_48, %dma_wait3A_97] : memref<50048x32xf32, #tpu.memory_space<vmem_shared>> -> memref<128x32xf32, #tpu.memory_space<vmem_shared>>
      %dma_wait3A_99 = arith.constant 0 : i32
      %dma_wait3A_100 = tpu.memref_slice %arg12[%add3A_48, %dma_wait3A_99] : memref<50048x32xf32, #tpu.memory_space<vmem_shared>> -> memref<128x32xf32, #tpu.memory_space<vmem_shared>>
      tpu.wait_dma2 semaphore(%run_scoped3A : memref<!tpu.dma_semaphore, #tpu.memory_space<semaphore_mem>>) src(%arg9 : memref<128x32xf32, #tpu.memory_space<vmem>>) dst(%dma_wait3A_100 : memref<128x32xf32, #tpu.memory_space<vmem_shared>>)
      tpu.yield
    }) : () -> ()
    %add3A_49 = arith.constant 1280 : i32
    %add3A_50 = arith.addi %mul3A_28, %add3A_49 : i32
    "tpu.region"() ({
      %run_scoped3A = tpu.sem_alloc : memref<!tpu.dma_semaphore, #tpu.memory_space<semaphore_mem>>
      %dma_start3A_93 = arith.constant 0 : i32
      %dma_start3A_94 = tpu.memref_slice %arg12[%add3A_50, %dma_start3A_93] : memref<50048x32xf32, #tpu.memory_space<vmem_shared>> -> memref<128x32xf32, #tpu.memory_space<vmem_shared>>
      %dma_start3A_95 = arith.constant 0 : i32
      %dma_start3A_96 = tpu.memref_slice %arg12[%add3A_50, %dma_start3A_95] : memref<50048x32xf32, #tpu.memory_space<vmem_shared>> -> memref<128x32xf32, #tpu.memory_space<vmem_shared>>
      tpu.enqueue_dma source(%arg9 : memref<128x32xf32, #tpu.memory_space<vmem>>) target(%dma_start3A_96 : memref<128x32xf32, #tpu.memory_space<vmem_shared>>) target_semaphore(%run_scoped3A : memref<!tpu.dma_semaphore, #tpu.memory_space<semaphore_mem>>)
      %dma_wait3A_97 = arith.constant 0 : i32
      %dma_wait3A_98 = tpu.memref_slice %arg12[%add3A_50, %dma_wait3A_97] : memref<50048x32xf32, #tpu.memory_space<vmem_shared>> -> memref<128x32xf32, #tpu.memory_space<vmem_shared>>
      %dma_wait3A_99 = arith.constant 0 : i32
      %dma_wait3A_100 = tpu.memref_slice %arg12[%add3A_50, %dma_wait3A_99] : memref<50048x32xf32, #tpu.memory_space<vmem_shared>> -> memref<128x32xf32, #tpu.memory_space<vmem_shared>>
      tpu.wait_dma2 semaphore(%run_scoped3A : memref<!tpu.dma_semaphore, #tpu.memory_space<semaphore_mem>>) src(%arg9 : memref<128x32xf32, #tpu.memory_space<vmem>>) dst(%dma_wait3A_100 : memref<128x32xf32, #tpu.memory_space<vmem_shared>>)
      tpu.yield
    }) : () -> ()
    %add3A_51 = arith.constant 1408 : i32
    %add3A_52 = arith.addi %mul3A_28, %add3A_51 : i32
    "tpu.region"() ({
      %run_scoped3A = tpu.sem_alloc : memref<!tpu.dma_semaphore, #tpu.memory_space<semaphore_mem>>
      %dma_start3A_93 = arith.constant 0 : i32
      %dma_start3A_94 = tpu.memref_slice %arg12[%add3A_52, %dma_start3A_93] : memref<50048x32xf32, #tpu.memory_space<vmem_shared>> -> memref<128x32xf32, #tpu.memory_space<vmem_shared>>
      %dma_start3A_95 = arith.constant 0 : i32
      %dma_start3A_96 = tpu.memref_slice %arg12[%add3A_52, %dma_start3A_95] : memref<50048x32xf32, #tpu.memory_space<vmem_shared>> -> memref<128x32xf32, #tpu.memory_space<vmem_shared>>
      tpu.enqueue_dma source(%arg9 : memref<128x32xf32, #tpu.memory_space<vmem>>) target(%dma_start3A_96 : memref<128x32xf32, #tpu.memory_space<vmem_shared>>) target_semaphore(%run_scoped3A : memref<!tpu.dma_semaphore, #tpu.memory_space<semaphore_mem>>)
      %dma_wait3A_97 = arith.constant 0 : i32
      %dma_wait3A_98 = tpu.memref_slice %arg12[%add3A_52, %dma_wait3A_97] : memref<50048x32xf32, #tpu.memory_space<vmem_shared>> -> memref<128x32xf32, #tpu.memory_space<vmem_shared>>
      %dma_wait3A_99 = arith.constant 0 : i32
      %dma_wait3A_100 = tpu.memref_slice %arg12[%add3A_52, %dma_wait3A_99] : memref<50048x32xf32, #tpu.memory_space<vmem_shared>> -> memref<128x32xf32, #tpu.memory_space<vmem_shared>>
      tpu.wait_dma2 semaphore(%run_scoped3A : memref<!tpu.dma_semaphore, #tpu.memory_space<semaphore_mem>>) src(%arg9 : memref<128x32xf32, #tpu.memory_space<vmem>>) dst(%dma_wait3A_100 : memref<128x32xf32, #tpu.memory_space<vmem_shared>>)
      tpu.yield
    }) : () -> ()
    %add3A_53 = arith.constant 1536 : i32
    %add3A_54 = arith.addi %mul3A_28, %add3A_53 : i32
    "tpu.region"() ({
      %run_scoped3A = tpu.sem_alloc : memref<!tpu.dma_semaphore, #tpu.memory_space<semaphore_mem>>
      %dma_start3A_93 = arith.constant 0 : i32
      %dma_start3A_94 = tpu.memref_slice %arg12[%add3A_54, %dma_start3A_93] : memref<50048x32xf32, #tpu.memory_space<vmem_shared>> -> memref<128x32xf32, #tpu.memory_space<vmem_shared>>
      %dma_start3A_95 = arith.constant 0 : i32
      %dma_start3A_96 = tpu.memref_slice %arg12[%add3A_54, %dma_start3A_95] : memref<50048x32xf32, #tpu.memory_space<vmem_shared>> -> memref<128x32xf32, #tpu.memory_space<vmem_shared>>
      tpu.enqueue_dma source(%arg9 : memref<128x32xf32, #tpu.memory_space<vmem>>) target(%dma_start3A_96 : memref<128x32xf32, #tpu.memory_space<vmem_shared>>) target_semaphore(%run_scoped3A : memref<!tpu.dma_semaphore, #tpu.memory_space<semaphore_mem>>)
      %dma_wait3A_97 = arith.constant 0 : i32
      %dma_wait3A_98 = tpu.memref_slice %arg12[%add3A_54, %dma_wait3A_97] : memref<50048x32xf32, #tpu.memory_space<vmem_shared>> -> memref<128x32xf32, #tpu.memory_space<vmem_shared>>
      %dma_wait3A_99 = arith.constant 0 : i32
      %dma_wait3A_100 = tpu.memref_slice %arg12[%add3A_54, %dma_wait3A_99] : memref<50048x32xf32, #tpu.memory_space<vmem_shared>> -> memref<128x32xf32, #tpu.memory_space<vmem_shared>>
      tpu.wait_dma2 semaphore(%run_scoped3A : memref<!tpu.dma_semaphore, #tpu.memory_space<semaphore_mem>>) src(%arg9 : memref<128x32xf32, #tpu.memory_space<vmem>>) dst(%dma_wait3A_100 : memref<128x32xf32, #tpu.memory_space<vmem_shared>>)
      tpu.yield
    }) : () -> ()
    %add3A_55 = arith.constant 1664 : i32
    %add3A_56 = arith.addi %mul3A_28, %add3A_55 : i32
    "tpu.region"() ({
      %run_scoped3A = tpu.sem_alloc : memref<!tpu.dma_semaphore, #tpu.memory_space<semaphore_mem>>
      %dma_start3A_93 = arith.constant 0 : i32
      %dma_start3A_94 = tpu.memref_slice %arg12[%add3A_56, %dma_start3A_93] : memref<50048x32xf32, #tpu.memory_space<vmem_shared>> -> memref<128x32xf32, #tpu.memory_space<vmem_shared>>
      %dma_start3A_95 = arith.constant 0 : i32
      %dma_start3A_96 = tpu.memref_slice %arg12[%add3A_56, %dma_start3A_95] : memref<50048x32xf32, #tpu.memory_space<vmem_shared>> -> memref<128x32xf32, #tpu.memory_space<vmem_shared>>
      tpu.enqueue_dma source(%arg9 : memref<128x32xf32, #tpu.memory_space<vmem>>) target(%dma_start3A_96 : memref<128x32xf32, #tpu.memory_space<vmem_shared>>) target_semaphore(%run_scoped3A : memref<!tpu.dma_semaphore, #tpu.memory_space<semaphore_mem>>)
      %dma_wait3A_97 = arith.constant 0 : i32
      %dma_wait3A_98 = tpu.memref_slice %arg12[%add3A_56, %dma_wait3A_97] : memref<50048x32xf32, #tpu.memory_space<vmem_shared>> -> memref<128x32xf32, #tpu.memory_space<vmem_shared>>
      %dma_wait3A_99 = arith.constant 0 : i32
      %dma_wait3A_100 = tpu.memref_slice %arg12[%add3A_56, %dma_wait3A_99] : memref<50048x32xf32, #tpu.memory_space<vmem_shared>> -> memref<128x32xf32, #tpu.memory_space<vmem_shared>>
      tpu.wait_dma2 semaphore(%run_scoped3A : memref<!tpu.dma_semaphore, #tpu.memory_space<semaphore_mem>>) src(%arg9 : memref<128x32xf32, #tpu.memory_space<vmem>>) dst(%dma_wait3A_100 : memref<128x32xf32, #tpu.memory_space<vmem_shared>>)
      tpu.yield
    }) : () -> ()
    %add3A_57 = arith.constant 1792 : i32
    %add3A_58 = arith.addi %mul3A_28, %add3A_57 : i32
    "tpu.region"() ({
      %run_scoped3A = tpu.sem_alloc : memref<!tpu.dma_semaphore, #tpu.memory_space<semaphore_mem>>
      %dma_start3A_93 = arith.constant 0 : i32
      %dma_start3A_94 = tpu.memref_slice %arg12[%add3A_58, %dma_start3A_93] : memref<50048x32xf32, #tpu.memory_space<vmem_shared>> -> memref<128x32xf32, #tpu.memory_space<vmem_shared>>
      %dma_start3A_95 = arith.constant 0 : i32
      %dma_start3A_96 = tpu.memref_slice %arg12[%add3A_58, %dma_start3A_95] : memref<50048x32xf32, #tpu.memory_space<vmem_shared>> -> memref<128x32xf32, #tpu.memory_space<vmem_shared>>
      tpu.enqueue_dma source(%arg9 : memref<128x32xf32, #tpu.memory_space<vmem>>) target(%dma_start3A_96 : memref<128x32xf32, #tpu.memory_space<vmem_shared>>) target_semaphore(%run_scoped3A : memref<!tpu.dma_semaphore, #tpu.memory_space<semaphore_mem>>)
      %dma_wait3A_97 = arith.constant 0 : i32
      %dma_wait3A_98 = tpu.memref_slice %arg12[%add3A_58, %dma_wait3A_97] : memref<50048x32xf32, #tpu.memory_space<vmem_shared>> -> memref<128x32xf32, #tpu.memory_space<vmem_shared>>
      %dma_wait3A_99 = arith.constant 0 : i32
      %dma_wait3A_100 = tpu.memref_slice %arg12[%add3A_58, %dma_wait3A_99] : memref<50048x32xf32, #tpu.memory_space<vmem_shared>> -> memref<128x32xf32, #tpu.memory_space<vmem_shared>>
      tpu.wait_dma2 semaphore(%run_scoped3A : memref<!tpu.dma_semaphore, #tpu.memory_space<semaphore_mem>>) src(%arg9 : memref<128x32xf32, #tpu.memory_space<vmem>>) dst(%dma_wait3A_100 : memref<128x32xf32, #tpu.memory_space<vmem_shared>>)
      tpu.yield
    }) : () -> ()
    %add3A_59 = arith.constant 1920 : i32
    %add3A_60 = arith.addi %mul3A_28, %add3A_59 : i32
    "tpu.region"() ({
      %run_scoped3A = tpu.sem_alloc : memref<!tpu.dma_semaphore, #tpu.memory_space<semaphore_mem>>
      %dma_start3A_93 = arith.constant 0 : i32
      %dma_start3A_94 = tpu.memref_slice %arg12[%add3A_60, %dma_start3A_93] : memref<50048x32xf32, #tpu.memory_space<vmem_shared>> -> memref<128x32xf32, #tpu.memory_space<vmem_shared>>
      %dma_start3A_95 = arith.constant 0 : i32
      %dma_start3A_96 = tpu.memref_slice %arg12[%add3A_60, %dma_start3A_95] : memref<50048x32xf32, #tpu.memory_space<vmem_shared>> -> memref<128x32xf32, #tpu.memory_space<vmem_shared>>
      tpu.enqueue_dma source(%arg9 : memref<128x32xf32, #tpu.memory_space<vmem>>) target(%dma_start3A_96 : memref<128x32xf32, #tpu.memory_space<vmem_shared>>) target_semaphore(%run_scoped3A : memref<!tpu.dma_semaphore, #tpu.memory_space<semaphore_mem>>)
      %dma_wait3A_97 = arith.constant 0 : i32
      %dma_wait3A_98 = tpu.memref_slice %arg12[%add3A_60, %dma_wait3A_97] : memref<50048x32xf32, #tpu.memory_space<vmem_shared>> -> memref<128x32xf32, #tpu.memory_space<vmem_shared>>
      %dma_wait3A_99 = arith.constant 0 : i32
      %dma_wait3A_100 = tpu.memref_slice %arg12[%add3A_60, %dma_wait3A_99] : memref<50048x32xf32, #tpu.memory_space<vmem_shared>> -> memref<128x32xf32, #tpu.memory_space<vmem_shared>>
      tpu.wait_dma2 semaphore(%run_scoped3A : memref<!tpu.dma_semaphore, #tpu.memory_space<semaphore_mem>>) src(%arg9 : memref<128x32xf32, #tpu.memory_space<vmem>>) dst(%dma_wait3A_100 : memref<128x32xf32, #tpu.memory_space<vmem_shared>>)
      tpu.yield
    }) : () -> ()
    %add3A_61 = arith.constant 2048 : i32
    %add3A_62 = arith.addi %mul3A_28, %add3A_61 : i32
    "tpu.region"() ({
      %run_scoped3A = tpu.sem_alloc : memref<!tpu.dma_semaphore, #tpu.memory_space<semaphore_mem>>
      %dma_start3A_93 = arith.constant 0 : i32
      %dma_start3A_94 = tpu.memref_slice %arg12[%add3A_62, %dma_start3A_93] : memref<50048x32xf32, #tpu.memory_space<vmem_shared>> -> memref<128x32xf32, #tpu.memory_space<vmem_shared>>
      %dma_start3A_95 = arith.constant 0 : i32
      %dma_start3A_96 = tpu.memref_slice %arg12[%add3A_62, %dma_start3A_95] : memref<50048x32xf32, #tpu.memory_space<vmem_shared>> -> memref<128x32xf32, #tpu.memory_space<vmem_shared>>
      tpu.enqueue_dma source(%arg9 : memref<128x32xf32, #tpu.memory_space<vmem>>) target(%dma_start3A_96 : memref<128x32xf32, #tpu.memory_space<vmem_shared>>) target_semaphore(%run_scoped3A : memref<!tpu.dma_semaphore, #tpu.memory_space<semaphore_mem>>)
      %dma_wait3A_97 = arith.constant 0 : i32
      %dma_wait3A_98 = tpu.memref_slice %arg12[%add3A_62, %dma_wait3A_97] : memref<50048x32xf32, #tpu.memory_space<vmem_shared>> -> memref<128x32xf32, #tpu.memory_space<vmem_shared>>
      %dma_wait3A_99 = arith.constant 0 : i32
      %dma_wait3A_100 = tpu.memref_slice %arg12[%add3A_62, %dma_wait3A_99] : memref<50048x32xf32, #tpu.memory_space<vmem_shared>> -> memref<128x32xf32, #tpu.memory_space<vmem_shared>>
      tpu.wait_dma2 semaphore(%run_scoped3A : memref<!tpu.dma_semaphore, #tpu.memory_space<semaphore_mem>>) src(%arg9 : memref<128x32xf32, #tpu.memory_space<vmem>>) dst(%dma_wait3A_100 : memref<128x32xf32, #tpu.memory_space<vmem_shared>>)
      tpu.yield
    }) : () -> ()
    %add3A_63 = arith.constant 2176 : i32
    %add3A_64 = arith.addi %mul3A_28, %add3A_63 : i32
    "tpu.region"() ({
      %run_scoped3A = tpu.sem_alloc : memref<!tpu.dma_semaphore, #tpu.memory_space<semaphore_mem>>
      %dma_start3A_93 = arith.constant 0 : i32
      %dma_start3A_94 = tpu.memref_slice %arg12[%add3A_64, %dma_start3A_93] : memref<50048x32xf32, #tpu.memory_space<vmem_shared>> -> memref<128x32xf32, #tpu.memory_space<vmem_shared>>
      %dma_start3A_95 = arith.constant 0 : i32
      %dma_start3A_96 = tpu.memref_slice %arg12[%add3A_64, %dma_start3A_95] : memref<50048x32xf32, #tpu.memory_space<vmem_shared>> -> memref<128x32xf32, #tpu.memory_space<vmem_shared>>
      tpu.enqueue_dma source(%arg9 : memref<128x32xf32, #tpu.memory_space<vmem>>) target(%dma_start3A_96 : memref<128x32xf32, #tpu.memory_space<vmem_shared>>) target_semaphore(%run_scoped3A : memref<!tpu.dma_semaphore, #tpu.memory_space<semaphore_mem>>)
      %dma_wait3A_97 = arith.constant 0 : i32
      %dma_wait3A_98 = tpu.memref_slice %arg12[%add3A_64, %dma_wait3A_97] : memref<50048x32xf32, #tpu.memory_space<vmem_shared>> -> memref<128x32xf32, #tpu.memory_space<vmem_shared>>
      %dma_wait3A_99 = arith.constant 0 : i32
      %dma_wait3A_100 = tpu.memref_slice %arg12[%add3A_64, %dma_wait3A_99] : memref<50048x32xf32, #tpu.memory_space<vmem_shared>> -> memref<128x32xf32, #tpu.memory_space<vmem_shared>>
      tpu.wait_dma2 semaphore(%run_scoped3A : memref<!tpu.dma_semaphore, #tpu.memory_space<semaphore_mem>>) src(%arg9 : memref<128x32xf32, #tpu.memory_space<vmem>>) dst(%dma_wait3A_100 : memref<128x32xf32, #tpu.memory_space<vmem_shared>>)
      tpu.yield
    }) : () -> ()
    %add3A_65 = arith.constant 2304 : i32
    %add3A_66 = arith.addi %mul3A_28, %add3A_65 : i32
    "tpu.region"() ({
      %run_scoped3A = tpu.sem_alloc : memref<!tpu.dma_semaphore, #tpu.memory_space<semaphore_mem>>
      %dma_start3A_93 = arith.constant 0 : i32
      %dma_start3A_94 = tpu.memref_slice %arg12[%add3A_66, %dma_start3A_93] : memref<50048x32xf32, #tpu.memory_space<vmem_shared>> -> memref<128x32xf32, #tpu.memory_space<vmem_shared>>
      %dma_start3A_95 = arith.constant 0 : i32
      %dma_start3A_96 = tpu.memref_slice %arg12[%add3A_66, %dma_start3A_95] : memref<50048x32xf32, #tpu.memory_space<vmem_shared>> -> memref<128x32xf32, #tpu.memory_space<vmem_shared>>
      tpu.enqueue_dma source(%arg9 : memref<128x32xf32, #tpu.memory_space<vmem>>) target(%dma_start3A_96 : memref<128x32xf32, #tpu.memory_space<vmem_shared>>) target_semaphore(%run_scoped3A : memref<!tpu.dma_semaphore, #tpu.memory_space<semaphore_mem>>)
      %dma_wait3A_97 = arith.constant 0 : i32
      %dma_wait3A_98 = tpu.memref_slice %arg12[%add3A_66, %dma_wait3A_97] : memref<50048x32xf32, #tpu.memory_space<vmem_shared>> -> memref<128x32xf32, #tpu.memory_space<vmem_shared>>
      %dma_wait3A_99 = arith.constant 0 : i32
      %dma_wait3A_100 = tpu.memref_slice %arg12[%add3A_66, %dma_wait3A_99] : memref<50048x32xf32, #tpu.memory_space<vmem_shared>> -> memref<128x32xf32, #tpu.memory_space<vmem_shared>>
      tpu.wait_dma2 semaphore(%run_scoped3A : memref<!tpu.dma_semaphore, #tpu.memory_space<semaphore_mem>>) src(%arg9 : memref<128x32xf32, #tpu.memory_space<vmem>>) dst(%dma_wait3A_100 : memref<128x32xf32, #tpu.memory_space<vmem_shared>>)
      tpu.yield
    }) : () -> ()
    %add3A_67 = arith.constant 2432 : i32
    %add3A_68 = arith.addi %mul3A_28, %add3A_67 : i32
    "tpu.region"() ({
      %run_scoped3A = tpu.sem_alloc : memref<!tpu.dma_semaphore, #tpu.memory_space<semaphore_mem>>
      %dma_start3A_93 = arith.constant 0 : i32
      %dma_start3A_94 = tpu.memref_slice %arg12[%add3A_68, %dma_start3A_93] : memref<50048x32xf32, #tpu.memory_space<vmem_shared>> -> memref<128x32xf32, #tpu.memory_space<vmem_shared>>
      %dma_start3A_95 = arith.constant 0 : i32
      %dma_start3A_96 = tpu.memref_slice %arg12[%add3A_68, %dma_start3A_95] : memref<50048x32xf32, #tpu.memory_space<vmem_shared>> -> memref<128x32xf32, #tpu.memory_space<vmem_shared>>
      tpu.enqueue_dma source(%arg9 : memref<128x32xf32, #tpu.memory_space<vmem>>) target(%dma_start3A_96 : memref<128x32xf32, #tpu.memory_space<vmem_shared>>) target_semaphore(%run_scoped3A : memref<!tpu.dma_semaphore, #tpu.memory_space<semaphore_mem>>)
      %dma_wait3A_97 = arith.constant 0 : i32
      %dma_wait3A_98 = tpu.memref_slice %arg12[%add3A_68, %dma_wait3A_97] : memref<50048x32xf32, #tpu.memory_space<vmem_shared>> -> memref<128x32xf32, #tpu.memory_space<vmem_shared>>
      %dma_wait3A_99 = arith.constant 0 : i32
      %dma_wait3A_100 = tpu.memref_slice %arg12[%add3A_68, %dma_wait3A_99] : memref<50048x32xf32, #tpu.memory_space<vmem_shared>> -> memref<128x32xf32, #tpu.memory_space<vmem_shared>>
      tpu.wait_dma2 semaphore(%run_scoped3A : memref<!tpu.dma_semaphore, #tpu.memory_space<semaphore_mem>>) src(%arg9 : memref<128x32xf32, #tpu.memory_space<vmem>>) dst(%dma_wait3A_100 : memref<128x32xf32, #tpu.memory_space<vmem_shared>>)
      tpu.yield
    }) : () -> ()
    %add3A_69 = arith.constant 2560 : i32
    %add3A_70 = arith.addi %mul3A_28, %add3A_69 : i32
    "tpu.region"() ({
      %run_scoped3A = tpu.sem_alloc : memref<!tpu.dma_semaphore, #tpu.memory_space<semaphore_mem>>
      %dma_start3A_93 = arith.constant 0 : i32
      %dma_start3A_94 = tpu.memref_slice %arg12[%add3A_70, %dma_start3A_93] : memref<50048x32xf32, #tpu.memory_space<vmem_shared>> -> memref<128x32xf32, #tpu.memory_space<vmem_shared>>
      %dma_start3A_95 = arith.constant 0 : i32
      %dma_start3A_96 = tpu.memref_slice %arg12[%add3A_70, %dma_start3A_95] : memref<50048x32xf32, #tpu.memory_space<vmem_shared>> -> memref<128x32xf32, #tpu.memory_space<vmem_shared>>
      tpu.enqueue_dma source(%arg9 : memref<128x32xf32, #tpu.memory_space<vmem>>) target(%dma_start3A_96 : memref<128x32xf32, #tpu.memory_space<vmem_shared>>) target_semaphore(%run_scoped3A : memref<!tpu.dma_semaphore, #tpu.memory_space<semaphore_mem>>)
      %dma_wait3A_97 = arith.constant 0 : i32
      %dma_wait3A_98 = tpu.memref_slice %arg12[%add3A_70, %dma_wait3A_97] : memref<50048x32xf32, #tpu.memory_space<vmem_shared>> -> memref<128x32xf32, #tpu.memory_space<vmem_shared>>
      %dma_wait3A_99 = arith.constant 0 : i32
      %dma_wait3A_100 = tpu.memref_slice %arg12[%add3A_70, %dma_wait3A_99] : memref<50048x32xf32, #tpu.memory_space<vmem_shared>> -> memref<128x32xf32, #tpu.memory_space<vmem_shared>>
      tpu.wait_dma2 semaphore(%run_scoped3A : memref<!tpu.dma_semaphore, #tpu.memory_space<semaphore_mem>>) src(%arg9 : memref<128x32xf32, #tpu.memory_space<vmem>>) dst(%dma_wait3A_100 : memref<128x32xf32, #tpu.memory_space<vmem_shared>>)
      tpu.yield
    }) : () -> ()
    %add3A_71 = arith.constant 2688 : i32
    %add3A_72 = arith.addi %mul3A_28, %add3A_71 : i32
    "tpu.region"() ({
      %run_scoped3A = tpu.sem_alloc : memref<!tpu.dma_semaphore, #tpu.memory_space<semaphore_mem>>
      %dma_start3A_93 = arith.constant 0 : i32
      %dma_start3A_94 = tpu.memref_slice %arg12[%add3A_72, %dma_start3A_93] : memref<50048x32xf32, #tpu.memory_space<vmem_shared>> -> memref<128x32xf32, #tpu.memory_space<vmem_shared>>
      %dma_start3A_95 = arith.constant 0 : i32
      %dma_start3A_96 = tpu.memref_slice %arg12[%add3A_72, %dma_start3A_95] : memref<50048x32xf32, #tpu.memory_space<vmem_shared>> -> memref<128x32xf32, #tpu.memory_space<vmem_shared>>
      tpu.enqueue_dma source(%arg9 : memref<128x32xf32, #tpu.memory_space<vmem>>) target(%dma_start3A_96 : memref<128x32xf32, #tpu.memory_space<vmem_shared>>) target_semaphore(%run_scoped3A : memref<!tpu.dma_semaphore, #tpu.memory_space<semaphore_mem>>)
      %dma_wait3A_97 = arith.constant 0 : i32
      %dma_wait3A_98 = tpu.memref_slice %arg12[%add3A_72, %dma_wait3A_97] : memref<50048x32xf32, #tpu.memory_space<vmem_shared>> -> memref<128x32xf32, #tpu.memory_space<vmem_shared>>
      %dma_wait3A_99 = arith.constant 0 : i32
      %dma_wait3A_100 = tpu.memref_slice %arg12[%add3A_72, %dma_wait3A_99] : memref<50048x32xf32, #tpu.memory_space<vmem_shared>> -> memref<128x32xf32, #tpu.memory_space<vmem_shared>>
      tpu.wait_dma2 semaphore(%run_scoped3A : memref<!tpu.dma_semaphore, #tpu.memory_space<semaphore_mem>>) src(%arg9 : memref<128x32xf32, #tpu.memory_space<vmem>>) dst(%dma_wait3A_100 : memref<128x32xf32, #tpu.memory_space<vmem_shared>>)
      tpu.yield
    }) : () -> ()
    %add3A_73 = arith.constant 2816 : i32
    %add3A_74 = arith.addi %mul3A_28, %add3A_73 : i32
    "tpu.region"() ({
      %run_scoped3A = tpu.sem_alloc : memref<!tpu.dma_semaphore, #tpu.memory_space<semaphore_mem>>
      %dma_start3A_93 = arith.constant 0 : i32
      %dma_start3A_94 = tpu.memref_slice %arg12[%add3A_74, %dma_start3A_93] : memref<50048x32xf32, #tpu.memory_space<vmem_shared>> -> memref<128x32xf32, #tpu.memory_space<vmem_shared>>
      %dma_start3A_95 = arith.constant 0 : i32
      %dma_start3A_96 = tpu.memref_slice %arg12[%add3A_74, %dma_start3A_95] : memref<50048x32xf32, #tpu.memory_space<vmem_shared>> -> memref<128x32xf32, #tpu.memory_space<vmem_shared>>
      tpu.enqueue_dma source(%arg9 : memref<128x32xf32, #tpu.memory_space<vmem>>) target(%dma_start3A_96 : memref<128x32xf32, #tpu.memory_space<vmem_shared>>) target_semaphore(%run_scoped3A : memref<!tpu.dma_semaphore, #tpu.memory_space<semaphore_mem>>)
      %dma_wait3A_97 = arith.constant 0 : i32
      %dma_wait3A_98 = tpu.memref_slice %arg12[%add3A_74, %dma_wait3A_97] : memref<50048x32xf32, #tpu.memory_space<vmem_shared>> -> memref<128x32xf32, #tpu.memory_space<vmem_shared>>
      %dma_wait3A_99 = arith.constant 0 : i32
      %dma_wait3A_100 = tpu.memref_slice %arg12[%add3A_74, %dma_wait3A_99] : memref<50048x32xf32, #tpu.memory_space<vmem_shared>> -> memref<128x32xf32, #tpu.memory_space<vmem_shared>>
      tpu.wait_dma2 semaphore(%run_scoped3A : memref<!tpu.dma_semaphore, #tpu.memory_space<semaphore_mem>>) src(%arg9 : memref<128x32xf32, #tpu.memory_space<vmem>>) dst(%dma_wait3A_100 : memref<128x32xf32, #tpu.memory_space<vmem_shared>>)
      tpu.yield
    }) : () -> ()
    %add3A_75 = arith.constant 2944 : i32
    %add3A_76 = arith.addi %mul3A_28, %add3A_75 : i32
    "tpu.region"() ({
      %run_scoped3A = tpu.sem_alloc : memref<!tpu.dma_semaphore, #tpu.memory_space<semaphore_mem>>
      %dma_start3A_93 = arith.constant 0 : i32
      %dma_start3A_94 = tpu.memref_slice %arg12[%add3A_76, %dma_start3A_93] : memref<50048x32xf32, #tpu.memory_space<vmem_shared>> -> memref<128x32xf32, #tpu.memory_space<vmem_shared>>
      %dma_start3A_95 = arith.constant 0 : i32
      %dma_start3A_96 = tpu.memref_slice %arg12[%add3A_76, %dma_start3A_95] : memref<50048x32xf32, #tpu.memory_space<vmem_shared>> -> memref<128x32xf32, #tpu.memory_space<vmem_shared>>
      tpu.enqueue_dma source(%arg9 : memref<128x32xf32, #tpu.memory_space<vmem>>) target(%dma_start3A_96 : memref<128x32xf32, #tpu.memory_space<vmem_shared>>) target_semaphore(%run_scoped3A : memref<!tpu.dma_semaphore, #tpu.memory_space<semaphore_mem>>)
      %dma_wait3A_97 = arith.constant 0 : i32
      %dma_wait3A_98 = tpu.memref_slice %arg12[%add3A_76, %dma_wait3A_97] : memref<50048x32xf32, #tpu.memory_space<vmem_shared>> -> memref<128x32xf32, #tpu.memory_space<vmem_shared>>
      %dma_wait3A_99 = arith.constant 0 : i32
      %dma_wait3A_100 = tpu.memref_slice %arg12[%add3A_76, %dma_wait3A_99] : memref<50048x32xf32, #tpu.memory_space<vmem_shared>> -> memref<128x32xf32, #tpu.memory_space<vmem_shared>>
      tpu.wait_dma2 semaphore(%run_scoped3A : memref<!tpu.dma_semaphore, #tpu.memory_space<semaphore_mem>>) src(%arg9 : memref<128x32xf32, #tpu.memory_space<vmem>>) dst(%dma_wait3A_100 : memref<128x32xf32, #tpu.memory_space<vmem_shared>>)
      tpu.yield
    }) : () -> ()
    %add3A_77 = arith.constant 3072 : i32
    %add3A_78 = arith.addi %mul3A_28, %add3A_77 : i32
    "tpu.region"() ({
      %run_scoped3A = tpu.sem_alloc : memref<!tpu.dma_semaphore, #tpu.memory_space<semaphore_mem>>
      %dma_start3A_93 = arith.constant 0 : i32
      %dma_start3A_94 = arith.constant 0 : i32
      %dma_start3A_95 = tpu.memref_slice %arg9[%dma_start3A_93, %dma_start3A_94] : memref<128x32xf32, #tpu.memory_space<vmem>> -> memref<56x32xf32, #tpu.memory_space<vmem>>
      %dma_start3A_96 = arith.constant 0 : i32
      %dma_start3A_97 = tpu.memref_slice %arg12[%add3A_78, %dma_start3A_96] : memref<50048x32xf32, #tpu.memory_space<vmem_shared>> -> memref<56x32xf32, #tpu.memory_space<vmem_shared>>
      %dma_start3A_98 = arith.constant 0 : i32
      %dma_start3A_99 = tpu.memref_slice %arg12[%add3A_78, %dma_start3A_98] : memref<50048x32xf32, #tpu.memory_space<vmem_shared>> -> memref<56x32xf32, #tpu.memory_space<vmem_shared>>
      %dma_start3A_100 = arith.constant 0 : i32
      %dma_start3A_101 = arith.constant 0 : i32
      %dma_start3A_102 = tpu.memref_slice %arg9[%dma_start3A_100, %dma_start3A_101] : memref<128x32xf32, #tpu.memory_space<vmem>> -> memref<56x32xf32, #tpu.memory_space<vmem>>
      tpu.enqueue_dma source(%dma_start3A_102 : memref<56x32xf32, #tpu.memory_space<vmem>>) target(%dma_start3A_99 : memref<56x32xf32, #tpu.memory_space<vmem_shared>>) target_semaphore(%run_scoped3A : memref<!tpu.dma_semaphore, #tpu.memory_space<semaphore_mem>>)
      %dma_wait3A_103 = arith.constant 0 : i32
      %dma_wait3A_104 = arith.constant 0 : i32
      %dma_wait3A_105 = tpu.memref_slice %arg9[%dma_wait3A_103, %dma_wait3A_104] : memref<128x32xf32, #tpu.memory_space<vmem>> -> memref<56x32xf32, #tpu.memory_space<vmem>>
      %dma_wait3A_106 = arith.constant 0 : i32
      %dma_wait3A_107 = tpu.memref_slice %arg12[%add3A_78, %dma_wait3A_106] : memref<50048x32xf32, #tpu.memory_space<vmem_shared>> -> memref<56x32xf32, #tpu.memory_space<vmem_shared>>
      %dma_wait3A_108 = arith.constant 0 : i32
      %dma_wait3A_109 = tpu.memref_slice %arg12[%add3A_78, %dma_wait3A_108] : memref<50048x32xf32, #tpu.memory_space<vmem_shared>> -> memref<56x32xf32, #tpu.memory_space<vmem_shared>>
      %dma_wait3A_110 = arith.constant 0 : i32
      %dma_wait3A_111 = arith.constant 0 : i32
      %dma_wait3A_112 = tpu.memref_slice %arg9[%dma_wait3A_110, %dma_wait3A_111] : memref<128x32xf32, #tpu.memory_space<vmem>> -> memref<56x32xf32, #tpu.memory_space<vmem>>
      tpu.wait_dma2 semaphore(%run_scoped3A : memref<!tpu.dma_semaphore, #tpu.memory_space<semaphore_mem>>) src(%dma_wait3A_112 : memref<56x32xf32, #tpu.memory_space<vmem>>) dst(%dma_wait3A_109 : memref<56x32xf32, #tpu.memory_space<vmem_shared>>)
      tpu.yield
    }) : () -> ()
    %barrier3A = arith.constant 0 : index
    tpu.barrier barrier_id(%barrier3A)
    %scan3A_79 = arith.constant 0 : i32
    %scan3A_80 = arith.constant 0 : i32
    %scan3A_81 = arith.constant 200 : i32
    %scan3A_82 = arith.addi %scan3A_80, %scan3A_81 : i32
    %scan3A_83 = arith.constant 1 : i32
    %scan3A_84 = scf.for %scan3A_93 = %scan3A_80 to %scan3A_82 step %scan3A_83 iter_args(%scan3A_94 = %scan3A_79) -> (i32)  : i32 {
      %mul3A_95 = arith.constant 2 : i32
      %mul3A_96 = arith.muli %mul3A_95, %scan3A_93 : i32
      %gt3A = arith.constant 0 : i32
      %gt3A_97 = arith.cmpi sgt, %scan3A_93, %gt3A : i32
      %convert_element_type3A = arith.extui %gt3A_97 : i1 to i32
      %cond3A = arith.constant 0 : i32
      %cond3A_98 = arith.cmpi ne, %convert_element_type3A, %cond3A : i32
      scf.if %cond3A_98 {
        %dma_wait3A_197 = arith.constant 1 : i32
        %dma_wait3A_198 = arith.constant 0 : i32
        %dma_wait3A_199 = tpu.memref_slice %arg7[%dma_wait3A_197, %dma_wait3A_198] : memref<2x128xi32, #tpu.memory_space<vmem>> -> memref<1x128xi32, #tpu.memory_space<vmem>>
        %dma_wait3A_200 = tpu.memref_squeeze %dma_wait3A_199 : memref<1x128xi32, #tpu.memory_space<vmem>> -> memref<128xi32, #tpu.memory_space<vmem>>
        %dma_wait3A_201 = arith.constant 0 : i32
        %dma_wait3A_202 = arith.constant 0 : i32
        %dma_wait3A_203 = tpu.memref_slice %arg12[%dma_wait3A_201, %dma_wait3A_202] : memref<50048x32xf32, #tpu.memory_space<vmem_shared>> -> memref<50048x32xf32, #tpu.memory_space<vmem_shared>>
        tpu.wait_indirect_dma semaphore(%arg18 : memref<!tpu.dma_semaphore, #tpu.memory_space<semaphore_mem>>) src(%arg9 : memref<128x32xf32, #tpu.memory_space<vmem>>) dst(%dma_wait3A_203 : memref<50048x32xf32, #tpu.memory_space<vmem_shared>>)
      } else {
      }
      %add3A_99 = arith.constant 1 : i32
      %add3A_100 = arith.addi %mul3A_96, %add3A_99 : i32
      %mul3A_101 = arith.constant 2 : i32
      %mul3A_102 = arith.muli %mul3A_101, %add3A_100 : i32
      %add3A_103 = arith.addi %mul3A_4, %mul3A_102 : i32
      "tpu.region"() ({
        %run_scoped3A = tpu.sem_alloc : memref<!tpu.dma_semaphore, #tpu.memory_space<semaphore_mem>>
        %dma_start3A_197 = arith.constant 0 : i32
        %dma_start3A_198 = tpu.memref_slice %arg4[%add3A_103, %dma_start3A_197] : memref<25600x128xi32, #tpu.memory_space<hbm>> -> memref<2x128xi32, #tpu.memory_space<hbm>>
        %dma_start3A_199 = arith.constant 0 : i32
        %dma_start3A_200 = tpu.memref_slice %arg4[%add3A_103, %dma_start3A_199] : memref<25600x128xi32, #tpu.memory_space<hbm>> -> memref<2x128xi32, #tpu.memory_space<hbm>>
        tpu.enqueue_dma source(%dma_start3A_200 : memref<2x128xi32, #tpu.memory_space<hbm>>) target(%arg7 : memref<2x128xi32, #tpu.memory_space<vmem>>) target_semaphore(%run_scoped3A : memref<!tpu.dma_semaphore, #tpu.memory_space<semaphore_mem>>)
        %dma_wait3A_201 = arith.constant 0 : i32
        %dma_wait3A_202 = tpu.memref_slice %arg4[%add3A_103, %dma_wait3A_201] : memref<25600x128xi32, #tpu.memory_space<hbm>> -> memref<2x128xi32, #tpu.memory_space<hbm>>
        %dma_wait3A_203 = arith.constant 0 : i32
        %dma_wait3A_204 = tpu.memref_slice %arg4[%add3A_103, %dma_wait3A_203] : memref<25600x128xi32, #tpu.memory_space<hbm>> -> memref<2x128xi32, #tpu.memory_space<hbm>>
        tpu.wait_dma2 semaphore(%run_scoped3A : memref<!tpu.dma_semaphore, #tpu.memory_space<semaphore_mem>>) src(%dma_wait3A_204 : memref<2x128xi32, #tpu.memory_space<hbm>>) dst(%arg7 : memref<2x128xi32, #tpu.memory_space<vmem>>)
        tpu.yield
      }) : () -> ()
      %add3A_104 = arith.constant 1 : i32
      %add3A_105 = arith.addi %mul3A_96, %add3A_104 : i32
      %mul3A_106 = arith.constant 64 : i32
      %mul3A_107 = arith.muli %add3A_105, %mul3A_106 : i32
      %add3A_108 = arith.addi %mul3A_6, %mul3A_107 : i32
      %dma_start3A_109 = arith.constant 0 : i32
      %dma_start3A_110 = tpu.memref_slice %arg3[%add3A_108, %dma_start3A_109] : memref<409600x128xf32, #tpu.memory_space<hbm>> -> memref<64x128xf32, #tpu.memory_space<hbm>>
      %dma_start3A_111 = arith.constant 0 : i32
      %dma_start3A_112 = tpu.memref_slice %arg3[%add3A_108, %dma_start3A_111] : memref<409600x128xf32, #tpu.memory_space<hbm>> -> memref<64x128xf32, #tpu.memory_space<hbm>>
      tpu.enqueue_dma source(%dma_start3A_112 : memref<64x128xf32, #tpu.memory_space<hbm>>) target(%arg11 : memref<64x128xf32, #tpu.memory_space<vmem>>) target_semaphore(%arg16 : memref<!tpu.dma_semaphore, #tpu.memory_space<semaphore_mem>>)
      %dma_start3A_113 = arith.constant 0 : i32
      %dma_start3A_114 = arith.constant 0 : i32
      %dma_start3A_115 = tpu.memref_slice %arg7[%dma_start3A_113, %dma_start3A_114] : memref<2x128xi32, #tpu.memory_space<vmem>> -> memref<1x128xi32, #tpu.memory_space<vmem>>
      %dma_start3A_116 = tpu.memref_squeeze %dma_start3A_115 : memref<1x128xi32, #tpu.memory_space<vmem>> -> memref<128xi32, #tpu.memory_space<vmem>>
      %dma_start3A_117 = arith.constant 0 : i32
      %dma_start3A_118 = arith.constant 0 : i32
      %dma_start3A_119 = tpu.memref_slice %arg2[%dma_start3A_117, %dma_start3A_118] : memref<100000x32xf32, #tpu.memory_space<hbm>> -> memref<100000x32xf32, #tpu.memory_space<hbm>>
      tpu.enqueue_indirect_dma source(%dma_start3A_119 : memref<100000x32xf32, #tpu.memory_space<hbm>>) target(%arg9 : memref<128x32xf32, #tpu.memory_space<vmem>>) offsets(%dma_start3A_116 : memref<128xi32, #tpu.memory_space<vmem>>) semaphore(%arg14 : memref<!tpu.dma_semaphore, #tpu.memory_space<semaphore_mem>>)
      %mul3A_120 = arith.constant 64 : i32
      %mul3A_121 = arith.muli %mul3A_96, %mul3A_120 : i32
      %add3A_122 = arith.addi %mul3A_6, %mul3A_121 : i32
      %dma_wait3A_123 = arith.constant 0 : i32
      %dma_wait3A_124 = tpu.memref_slice %arg3[%add3A_122, %dma_wait3A_123] : memref<409600x128xf32, #tpu.memory_space<hbm>> -> memref<64x128xf32, #tpu.memory_space<hbm>>
      %dma_wait3A_125 = arith.constant 0 : i32
      %dma_wait3A_126 = tpu.memref_slice %arg3[%add3A_122, %dma_wait3A_125] : memref<409600x128xf32, #tpu.memory_space<hbm>> -> memref<64x128xf32, #tpu.memory_space<hbm>>
      tpu.wait_dma2 semaphore(%arg15 : memref<!tpu.dma_semaphore, #tpu.memory_space<semaphore_mem>>) src(%dma_wait3A_126 : memref<64x128xf32, #tpu.memory_space<hbm>>) dst(%arg10 : memref<64x128xf32, #tpu.memory_space<vmem>>)
      %dma_wait3A_127 = arith.constant 0 : i32
      %dma_wait3A_128 = arith.constant 0 : i32
      %dma_wait3A_129 = tpu.memref_slice %arg6[%dma_wait3A_127, %dma_wait3A_128] : memref<2x128xi32, #tpu.memory_space<vmem>> -> memref<1x128xi32, #tpu.memory_space<vmem>>
      %dma_wait3A_130 = tpu.memref_squeeze %dma_wait3A_129 : memref<1x128xi32, #tpu.memory_space<vmem>> -> memref<128xi32, #tpu.memory_space<vmem>>
      %dma_wait3A_131 = arith.constant 0 : i32
      %dma_wait3A_132 = arith.constant 0 : i32
      %dma_wait3A_133 = tpu.memref_slice %arg2[%dma_wait3A_131, %dma_wait3A_132] : memref<100000x32xf32, #tpu.memory_space<hbm>> -> memref<100000x32xf32, #tpu.memory_space<hbm>>
      tpu.wait_indirect_dma semaphore(%arg13 : memref<!tpu.dma_semaphore, #tpu.memory_space<semaphore_mem>>) src(%dma_wait3A_133 : memref<100000x32xf32, #tpu.memory_space<hbm>>) dst(%arg8 : memref<128x32xf32, #tpu.memory_space<vmem>>)
      %eq3A = arith.constant 0 : i32
      %eq3A_134 = arith.cmpi eq, %arg0, %eq3A : i32
      %convert_element_type3A_135 = arith.extui %eq3A_134 : i1 to i32
      %cond3A_136 = arith.constant 0 : i32
      %cond3A_137 = arith.cmpi ne, %convert_element_type3A_135, %cond3A_136 : i32
      scf.if %cond3A_137 {
        %scan3A_197 = arith.constant 0 : i32
        %scan3A_198 = arith.constant 0 : i32
        %scan3A_199 = arith.constant 64 : i32
        %scan3A_200 = arith.addi %scan3A_198, %scan3A_199 : i32
        %scan3A_201 = arith.constant 1 : i32
        %scan3A_202 = scf.for %scan3A_204 = %scan3A_198 to %scan3A_200 step %scan3A_201 iter_args(%scan3A_205 = %scan3A_197) -> (i32)  : i32 {
          %mul3A_206 = arith.constant 2 : i32
          %mul3A_207 = arith.muli %mul3A_206, %scan3A_204 : i32
          %get3A = arith.index_cast %mul3A_207 : i32 to index
          %get3A_208 = arith.constant 0 : index
          %get3A_209 = tpu.vector_load %arg8[%get3A, %get3A_208] {strides = array<i32>} : memref<128x32xf32, #tpu.memory_space<vmem>>, vector<1x16xf32>,
          %get3A_210 = vector.shape_cast %get3A_209 : vector<1x16xf32> to vector<16xf32>
          %get3A_211 = arith.index_cast %scan3A_204 : i32 to index
          %get3A_212 = arith.constant 0 : index
          %get3A_213 = tpu.vector_load %arg10[%get3A_211, %get3A_212] {strides = array<i32>} : memref<64x128xf32, #tpu.memory_space<vmem>>, vector<1x16xf32>,
          %get3A_214 = vector.shape_cast %get3A_213 : vector<1x16xf32> to vector<16xf32>
          %mul3A_215 = arith.mulf %get3A_210, %get3A_214 : vector<16xf32>
          %swap3A = arith.index_cast %mul3A_207 : i32 to index
          %swap3A_216 = arith.constant 0 : index
          %swap3A_217 = tpu.vector_load %arg8[%swap3A, %swap3A_216] {strides = array<i32>} : memref<128x32xf32, #tpu.memory_space<vmem>>, vector<1x16xf32>,
          %swap3A_218 = vector.shape_cast %swap3A_217 : vector<1x16xf32> to vector<16xf32>
          %swap3A_219 = vector.shape_cast %mul3A_215 : vector<16xf32> to vector<1x16xf32>
          tpu.vector_store %arg8[%swap3A, %swap3A_216], %swap3A_219 {strides = array<i32>} : memref<128x32xf32, #tpu.memory_space<vmem>>, vector<1x16xf32>,
          %get3A_220 = arith.index_cast %mul3A_207 : i32 to index
          %get3A_221 = arith.constant 16 : index
          %get3A_222 = tpu.vector_load %arg8[%get3A_220, %get3A_221] {strides = array<i32>} : memref<128x32xf32, #tpu.memory_space<vmem>>, vector<1x16xf32>,
          %get3A_223 = vector.shape_cast %get3A_222 : vector<1x16xf32> to vector<16xf32>
          %get3A_224 = arith.index_cast %scan3A_204 : i32 to index
          %get3A_225 = arith.constant 16 : index
          %get3A_226 = tpu.vector_load %arg10[%get3A_224, %get3A_225] {strides = array<i32>} : memref<64x128xf32, #tpu.memory_space<vmem>>, vector<1x16xf32>,
          %get3A_227 = vector.shape_cast %get3A_226 : vector<1x16xf32> to vector<16xf32>
          %mul3A_228 = arith.mulf %get3A_223, %get3A_227 : vector<16xf32>
          %swap3A_229 = arith.index_cast %mul3A_207 : i32 to index
          %swap3A_230 = arith.constant 16 : index
          %swap3A_231 = tpu.vector_load %arg8[%swap3A_229, %swap3A_230] {strides = array<i32>} : memref<128x32xf32, #tpu.memory_space<vmem>>, vector<1x16xf32>,
          %swap3A_232 = vector.shape_cast %swap3A_231 : vector<1x16xf32> to vector<16xf32>
          %swap3A_233 = vector.shape_cast %mul3A_228 : vector<16xf32> to vector<1x16xf32>
          tpu.vector_store %arg8[%swap3A_229, %swap3A_230], %swap3A_233 {strides = array<i32>} : memref<128x32xf32, #tpu.memory_space<vmem>>, vector<1x16xf32>,
          %add3A_234 = arith.constant 1 : i32
          %add3A_235 = arith.addi %mul3A_207, %add3A_234 : i32
          %get3A_236 = arith.index_cast %add3A_235 : i32 to index
          %get3A_237 = arith.constant 0 : index
          %get3A_238 = tpu.vector_load %arg8[%get3A_236, %get3A_237] {strides = array<i32>} : memref<128x32xf32, #tpu.memory_space<vmem>>, vector<1x16xf32>,
          %get3A_239 = vector.shape_cast %get3A_238 : vector<1x16xf32> to vector<16xf32>
          %get3A_240 = arith.index_cast %scan3A_204 : i32 to index
          %get3A_241 = arith.constant 64 : index
          %get3A_242 = tpu.vector_load %arg10[%get3A_240, %get3A_241] {strides = array<i32>} : memref<64x128xf32, #tpu.memory_space<vmem>>, vector<1x16xf32>,
          %get3A_243 = vector.shape_cast %get3A_242 : vector<1x16xf32> to vector<16xf32>
          %mul3A_244 = arith.mulf %get3A_239, %get3A_243 : vector<16xf32>
          %add3A_245 = arith.constant 1 : i32
          %add3A_246 = arith.addi %mul3A_207, %add3A_245 : i32
          %swap3A_247 = arith.index_cast %add3A_246 : i32 to index
          %swap3A_248 = arith.constant 0 : index
          %swap3A_249 = tpu.vector_load %arg8[%swap3A_247, %swap3A_248] {strides = array<i32>} : memref<128x32xf32, #tpu.memory_space<vmem>>, vector<1x16xf32>,
          %swap3A_250 = vector.shape_cast %swap3A_249 : vector<1x16xf32> to vector<16xf32>
          %swap3A_251 = vector.shape_cast %mul3A_244 : vector<16xf32> to vector<1x16xf32>
          tpu.vector_store %arg8[%swap3A_247, %swap3A_248], %swap3A_251 {strides = array<i32>} : memref<128x32xf32, #tpu.memory_space<vmem>>, vector<1x16xf32>,
          %add3A_252 = arith.constant 1 : i32
          %add3A_253 = arith.addi %mul3A_207, %add3A_252 : i32
          %get3A_254 = arith.index_cast %add3A_253 : i32 to index
          %get3A_255 = arith.constant 16 : index
          %get3A_256 = tpu.vector_load %arg8[%get3A_254, %get3A_255] {strides = array<i32>} : memref<128x32xf32, #tpu.memory_space<vmem>>, vector<1x16xf32>,
          %get3A_257 = vector.shape_cast %get3A_256 : vector<1x16xf32> to vector<16xf32>
          %get3A_258 = arith.index_cast %scan3A_204 : i32 to index
          %get3A_259 = arith.constant 80 : index
          %get3A_260 = tpu.vector_load %arg10[%get3A_258, %get3A_259] {strides = array<i32>} : memref<64x128xf32, #tpu.memory_space<vmem>>, vector<1x16xf32>,
          %get3A_261 = vector.shape_cast %get3A_260 : vector<1x16xf32> to vector<16xf32>
          %mul3A_262 = arith.mulf %get3A_257, %get3A_261 : vector<16xf32>
          %add3A_263 = arith.constant 1 : i32
          %add3A_264 = arith.addi %mul3A_207, %add3A_263 : i32
          %swap3A_265 = arith.index_cast %add3A_264 : i32 to index
          %swap3A_266 = arith.constant 16 : index
          %swap3A_267 = tpu.vector_load %arg8[%swap3A_265, %swap3A_266] {strides = array<i32>} : memref<128x32xf32, #tpu.memory_space<vmem>>, vector<1x16xf32>,
          %swap3A_268 = vector.shape_cast %swap3A_267 : vector<1x16xf32> to vector<16xf32>
          %swap3A_269 = vector.shape_cast %mul3A_262 : vector<16xf32> to vector<1x16xf32>
          tpu.vector_store %arg8[%swap3A_265, %swap3A_266], %swap3A_269 {strides = array<i32>} : memref<128x32xf32, #tpu.memory_space<vmem>>, vector<1x16xf32>,
          %scan3A_270 = arith.constant 0 : i32
          scf.yield %scan3A_270 : i32
        }
        %scan3A_203 = arith.constant 64 : i32
      } else {
      }
      %eq3A_138 = arith.constant 1 : i32
      %eq3A_139 = arith.cmpi eq, %arg0, %eq3A_138 : i32
      %convert_element_type3A_140 = arith.extui %eq3A_139 : i1 to i32
      %cond3A_141 = arith.constant 0 : i32
      %cond3A_142 = arith.cmpi ne, %convert_element_type3A_140, %cond3A_141 : i32
      scf.if %cond3A_142 {
        %scan3A_197 = arith.constant 0 : i32
        %scan3A_198 = arith.constant 0 : i32
        %scan3A_199 = arith.constant 64 : i32
        %scan3A_200 = arith.addi %scan3A_198, %scan3A_199 : i32
        %scan3A_201 = arith.constant 1 : i32
        %scan3A_202 = scf.for %scan3A_204 = %scan3A_198 to %scan3A_200 step %scan3A_201 iter_args(%scan3A_205 = %scan3A_197) -> (i32)  : i32 {
          %mul3A_206 = arith.constant 2 : i32
          %mul3A_207 = arith.muli %mul3A_206, %scan3A_204 : i32
          %get3A = arith.index_cast %mul3A_207 : i32 to index
          %get3A_208 = arith.constant 0 : index
          %get3A_209 = tpu.vector_load %arg8[%get3A, %get3A_208] {strides = array<i32>} : memref<128x32xf32, #tpu.memory_space<vmem>>, vector<1x16xf32>,
          %get3A_210 = vector.shape_cast %get3A_209 : vector<1x16xf32> to vector<16xf32>
          %get3A_211 = arith.index_cast %scan3A_204 : i32 to index
          %get3A_212 = arith.constant 32 : index
          %get3A_213 = tpu.vector_load %arg10[%get3A_211, %get3A_212] {strides = array<i32>} : memref<64x128xf32, #tpu.memory_space<vmem>>, vector<1x16xf32>,
          %get3A_214 = vector.shape_cast %get3A_213 : vector<1x16xf32> to vector<16xf32>
          %mul3A_215 = arith.mulf %get3A_210, %get3A_214 : vector<16xf32>
          %swap3A = arith.index_cast %mul3A_207 : i32 to index
          %swap3A_216 = arith.constant 0 : index
          %swap3A_217 = tpu.vector_load %arg8[%swap3A, %swap3A_216] {strides = array<i32>} : memref<128x32xf32, #tpu.memory_space<vmem>>, vector<1x16xf32>,
          %swap3A_218 = vector.shape_cast %swap3A_217 : vector<1x16xf32> to vector<16xf32>
          %swap3A_219 = vector.shape_cast %mul3A_215 : vector<16xf32> to vector<1x16xf32>
          tpu.vector_store %arg8[%swap3A, %swap3A_216], %swap3A_219 {strides = array<i32>} : memref<128x32xf32, #tpu.memory_space<vmem>>, vector<1x16xf32>,
          %get3A_220 = arith.index_cast %mul3A_207 : i32 to index
          %get3A_221 = arith.constant 16 : index
          %get3A_222 = tpu.vector_load %arg8[%get3A_220, %get3A_221] {strides = array<i32>} : memref<128x32xf32, #tpu.memory_space<vmem>>, vector<1x16xf32>,
          %get3A_223 = vector.shape_cast %get3A_222 : vector<1x16xf32> to vector<16xf32>
          %get3A_224 = arith.index_cast %scan3A_204 : i32 to index
          %get3A_225 = arith.constant 48 : index
          %get3A_226 = tpu.vector_load %arg10[%get3A_224, %get3A_225] {strides = array<i32>} : memref<64x128xf32, #tpu.memory_space<vmem>>, vector<1x16xf32>,
          %get3A_227 = vector.shape_cast %get3A_226 : vector<1x16xf32> to vector<16xf32>
          %mul3A_228 = arith.mulf %get3A_223, %get3A_227 : vector<16xf32>
          %swap3A_229 = arith.index_cast %mul3A_207 : i32 to index
          %swap3A_230 = arith.constant 16 : index
          %swap3A_231 = tpu.vector_load %arg8[%swap3A_229, %swap3A_230] {strides = array<i32>} : memref<128x32xf32, #tpu.memory_space<vmem>>, vector<1x16xf32>,
          %swap3A_232 = vector.shape_cast %swap3A_231 : vector<1x16xf32> to vector<16xf32>
          %swap3A_233 = vector.shape_cast %mul3A_228 : vector<16xf32> to vector<1x16xf32>
          tpu.vector_store %arg8[%swap3A_229, %swap3A_230], %swap3A_233 {strides = array<i32>} : memref<128x32xf32, #tpu.memory_space<vmem>>, vector<1x16xf32>,
          %add3A_234 = arith.constant 1 : i32
          %add3A_235 = arith.addi %mul3A_207, %add3A_234 : i32
          %get3A_236 = arith.index_cast %add3A_235 : i32 to index
          %get3A_237 = arith.constant 0 : index
          %get3A_238 = tpu.vector_load %arg8[%get3A_236, %get3A_237] {strides = array<i32>} : memref<128x32xf32, #tpu.memory_space<vmem>>, vector<1x16xf32>,
          %get3A_239 = vector.shape_cast %get3A_238 : vector<1x16xf32> to vector<16xf32>
          %get3A_240 = arith.index_cast %scan3A_204 : i32 to index
          %get3A_241 = arith.constant 96 : index
          %get3A_242 = tpu.vector_load %arg10[%get3A_240, %get3A_241] {strides = array<i32>} : memref<64x128xf32, #tpu.memory_space<vmem>>, vector<1x16xf32>,
          %get3A_243 = vector.shape_cast %get3A_242 : vector<1x16xf32> to vector<16xf32>
          %mul3A_244 = arith.mulf %get3A_239, %get3A_243 : vector<16xf32>
          %add3A_245 = arith.constant 1 : i32
          %add3A_246 = arith.addi %mul3A_207, %add3A_245 : i32
          %swap3A_247 = arith.index_cast %add3A_246 : i32 to index
          %swap3A_248 = arith.constant 0 : index
          %swap3A_249 = tpu.vector_load %arg8[%swap3A_247, %swap3A_248] {strides = array<i32>} : memref<128x32xf32, #tpu.memory_space<vmem>>, vector<1x16xf32>,
          %swap3A_250 = vector.shape_cast %swap3A_249 : vector<1x16xf32> to vector<16xf32>
          %swap3A_251 = vector.shape_cast %mul3A_244 : vector<16xf32> to vector<1x16xf32>
          tpu.vector_store %arg8[%swap3A_247, %swap3A_248], %swap3A_251 {strides = array<i32>} : memref<128x32xf32, #tpu.memory_space<vmem>>, vector<1x16xf32>,
          %add3A_252 = arith.constant 1 : i32
          %add3A_253 = arith.addi %mul3A_207, %add3A_252 : i32
          %get3A_254 = arith.index_cast %add3A_253 : i32 to index
          %get3A_255 = arith.constant 16 : index
          %get3A_256 = tpu.vector_load %arg8[%get3A_254, %get3A_255] {strides = array<i32>} : memref<128x32xf32, #tpu.memory_space<vmem>>, vector<1x16xf32>,
          %get3A_257 = vector.shape_cast %get3A_256 : vector<1x16xf32> to vector<16xf32>
          %get3A_258 = arith.index_cast %scan3A_204 : i32 to index
          %get3A_259 = arith.constant 112 : index
          %get3A_260 = tpu.vector_load %arg10[%get3A_258, %get3A_259] {strides = array<i32>} : memref<64x128xf32, #tpu.memory_space<vmem>>, vector<1x16xf32>,
          %get3A_261 = vector.shape_cast %get3A_260 : vector<1x16xf32> to vector<16xf32>
          %mul3A_262 = arith.mulf %get3A_257, %get3A_261 : vector<16xf32>
          %add3A_263 = arith.constant 1 : i32
          %add3A_264 = arith.addi %mul3A_207, %add3A_263 : i32
          %swap3A_265 = arith.index_cast %add3A_264 : i32 to index
          %swap3A_266 = arith.constant 16 : index
          %swap3A_267 = tpu.vector_load %arg8[%swap3A_265, %swap3A_266] {strides = array<i32>} : memref<128x32xf32, #tpu.memory_space<vmem>>, vector<1x16xf32>,
          %swap3A_268 = vector.shape_cast %swap3A_267 : vector<1x16xf32> to vector<16xf32>
          %swap3A_269 = vector.shape_cast %mul3A_262 : vector<16xf32> to vector<1x16xf32>
          tpu.vector_store %arg8[%swap3A_265, %swap3A_266], %swap3A_269 {strides = array<i32>} : memref<128x32xf32, #tpu.memory_space<vmem>>, vector<1x16xf32>,
          %scan3A_270 = arith.constant 0 : i32
          scf.yield %scan3A_270 : i32
        }
        %scan3A_203 = arith.constant 64 : i32
      } else {
      }
      %dma_start3A_143 = arith.constant 1 : i32
      %dma_start3A_144 = arith.constant 0 : i32
      %dma_start3A_145 = tpu.memref_slice %arg6[%dma_start3A_143, %dma_start3A_144] : memref<2x128xi32, #tpu.memory_space<vmem>> -> memref<1x128xi32, #tpu.memory_space<vmem>>
      %dma_start3A_146 = tpu.memref_squeeze %dma_start3A_145 : memref<1x128xi32, #tpu.memory_space<vmem>> -> memref<128xi32, #tpu.memory_space<vmem>>
      %dma_start3A_147 = arith.constant 0 : i32
      %dma_start3A_148 = arith.constant 0 : i32
      %dma_start3A_149 = tpu.memref_slice %arg12[%dma_start3A_147, %dma_start3A_148] : memref<50048x32xf32, #tpu.memory_space<vmem_shared>> -> memref<50048x32xf32, #tpu.memory_space<vmem_shared>>
      tpu.enqueue_indirect_dma source(%arg8 : memref<128x32xf32, #tpu.memory_space<vmem>>) target(%dma_start3A_149 : memref<50048x32xf32, #tpu.memory_space<vmem_shared>>) offsets(%dma_start3A_146 : memref<128xi32, #tpu.memory_space<vmem>>) semaphore(%arg17 : memref<!tpu.dma_semaphore, #tpu.memory_space<semaphore_mem>>) {add = true}
      %dma_wait3A_150 = arith.constant 1 : i32
      %dma_wait3A_151 = arith.constant 0 : i32
      %dma_wait3A_152 = tpu.memref_slice %arg6[%dma_wait3A_150, %dma_wait3A_151] : memref<2x128xi32, #tpu.memory_space<vmem>> -> memref<1x128xi32, #tpu.memory_space<vmem>>
      %dma_wait3A_153 = tpu.memref_squeeze %dma_wait3A_152 : memref<1x128xi32, #tpu.memory_space<vmem>> -> memref<128xi32, #tpu.memory_space<vmem>>
      %dma_wait3A_154 = arith.constant 0 : i32
      %dma_wait3A_155 = arith.constant 0 : i32
      %dma_wait3A_156 = tpu.memref_slice %arg12[%dma_wait3A_154, %dma_wait3A_155] : memref<50048x32xf32, #tpu.memory_space<vmem_shared>> -> memref<50048x32xf32, #tpu.memory_space<vmem_shared>>
      tpu.wait_indirect_dma semaphore(%arg17 : memref<!tpu.dma_semaphore, #tpu.memory_space<semaphore_mem>>) src(%arg8 : memref<128x32xf32, #tpu.memory_space<vmem>>) dst(%dma_wait3A_156 : memref<50048x32xf32, #tpu.memory_space<vmem_shared>>)
      %add3A_157 = arith.constant 1 : i32
      %add3A_158 = arith.addi %scan3A_93, %add3A_157 : i32
      %lt3A = arith.constant 200 : i32
      %lt3A_159 = arith.cmpi slt, %add3A_158, %lt3A : i32
      %convert_element_type3A_160 = arith.extui %lt3A_159 : i1 to i32
      %cond3A_161 = arith.constant 0 : i32
      %cond3A_162 = arith.cmpi ne, %convert_element_type3A_160, %cond3A_161 : i32
      scf.if %cond3A_162 {
        %add3A_197 = arith.constant 2 : i32
        %add3A_198 = arith.addi %mul3A_96, %add3A_197 : i32
        %mul3A_199 = arith.constant 2 : i32
        %mul3A_200 = arith.muli %mul3A_199, %add3A_198 : i32
        %add3A_201 = arith.addi %mul3A_4, %mul3A_200 : i32
        "tpu.region"() ({
          %run_scoped3A = tpu.sem_alloc : memref<!tpu.dma_semaphore, #tpu.memory_space<semaphore_mem>>
          %dma_start3A_218 = arith.constant 0 : i32
          %dma_start3A_219 = tpu.memref_slice %arg4[%add3A_201, %dma_start3A_218] : memref<25600x128xi32, #tpu.memory_space<hbm>> -> memref<2x128xi32, #tpu.memory_space<hbm>>
          %dma_start3A_220 = arith.constant 0 : i32
          %dma_start3A_221 = tpu.memref_slice %arg4[%add3A_201, %dma_start3A_220] : memref<25600x128xi32, #tpu.memory_space<hbm>> -> memref<2x128xi32, #tpu.memory_space<hbm>>
          tpu.enqueue_dma source(%dma_start3A_221 : memref<2x128xi32, #tpu.memory_space<hbm>>) target(%arg6 : memref<2x128xi32, #tpu.memory_space<vmem>>) target_semaphore(%run_scoped3A : memref<!tpu.dma_semaphore, #tpu.memory_space<semaphore_mem>>)
          %dma_wait3A_222 = arith.constant 0 : i32
          %dma_wait3A_223 = tpu.memref_slice %arg4[%add3A_201, %dma_wait3A_222] : memref<25600x128xi32, #tpu.memory_space<hbm>> -> memref<2x128xi32, #tpu.memory_space<hbm>>
          %dma_wait3A_224 = arith.constant 0 : i32
          %dma_wait3A_225 = tpu.memref_slice %arg4[%add3A_201, %dma_wait3A_224] : memref<25600x128xi32, #tpu.memory_space<hbm>> -> memref<2x128xi32, #tpu.memory_space<hbm>>
          tpu.wait_dma2 semaphore(%run_scoped3A : memref<!tpu.dma_semaphore, #tpu.memory_space<semaphore_mem>>) src(%dma_wait3A_225 : memref<2x128xi32, #tpu.memory_space<hbm>>) dst(%arg6 : memref<2x128xi32, #tpu.memory_space<vmem>>)
          tpu.yield
        }) : () -> ()
        %add3A_202 = arith.constant 2 : i32
        %add3A_203 = arith.addi %mul3A_96, %add3A_202 : i32
        %mul3A_204 = arith.constant 64 : i32
        %mul3A_205 = arith.muli %add3A_203, %mul3A_204 : i32
        %add3A_206 = arith.addi %mul3A_6, %mul3A_205 : i32
        %dma_start3A_207 = arith.constant 0 : i32
        %dma_start3A_208 = tpu.memref_slice %arg3[%add3A_206, %dma_start3A_207] : memref<409600x128xf32, #tpu.memory_space<hbm>> -> memref<64x128xf32, #tpu.memory_space<hbm>>
        %dma_start3A_209 = arith.constant 0 : i32
        %dma_start3A_210 = tpu.memref_slice %arg3[%add3A_206, %dma_start3A_209] : memref<409600x128xf32, #tpu.memory_space<hbm>> -> memref<64x128xf32, #tpu.memory_space<hbm>>
        tpu.enqueue_dma source(%dma_start3A_210 : memref<64x128xf32, #tpu.memory_space<hbm>>) target(%arg10 : memref<64x128xf32, #tpu.memory_space<vmem>>) target_semaphore(%arg15 : memref<!tpu.dma_semaphore, #tpu.memory_space<semaphore_mem>>)
        %dma_start3A_211 = arith.constant 0 : i32
        %dma_start3A_212 = arith.constant 0 : i32
        %dma_start3A_213 = tpu.memref_slice %arg6[%dma_start3A_211, %dma_start3A_212] : memref<2x128xi32, #tpu.memory_space<vmem>> -> memref<1x128xi32, #tpu.memory_space<vmem>>
        %dma_start3A_214 = tpu.memref_squeeze %dma_start3A_213 : memref<1x128xi32, #tpu.memory_space<vmem>> -> memref<128xi32, #tpu.memory_space<vmem>>
        %dma_start3A_215 = arith.constant 0 : i32
        %dma_start3A_216 = arith.constant 0 : i32
        %dma_start3A_217 = tpu.memref_slice %arg2[%dma_start3A_215, %dma_start3A_216] : memref<100000x32xf32, #tpu.memory_space<hbm>> -> memref<100000x32xf32, #tpu.memory_space<hbm>>
        tpu.enqueue_indirect_dma source(%dma_start3A_217 : memref<100000x32xf32, #tpu.memory_space<hbm>>) target(%arg8 : memref<128x32xf32, #tpu.memory_space<vmem>>) offsets(%dma_start3A_214 : memref<128xi32, #tpu.memory_space<vmem>>) semaphore(%arg13 : memref<!tpu.dma_semaphore, #tpu.memory_space<semaphore_mem>>)
      } else {
      }
      %add3A_163 = arith.constant 1 : i32
      %add3A_164 = arith.addi %mul3A_96, %add3A_163 : i32
      %mul3A_165 = arith.constant 64 : i32
      %mul3A_166 = arith.muli %add3A_164, %mul3A_165 : i32
      %add3A_167 = arith.addi %mul3A_6, %mul3A_166 : i32
      %dma_wait3A_168 = arith.constant 0 : i32
      %dma_wait3A_169 = tpu.memref_slice %arg3[%add3A_167, %dma_wait3A_168] : memref<409600x128xf32, #tpu.memory_space<hbm>> -> memref<64x128xf32, #tpu.memory_space<hbm>>
      %dma_wait3A_170 = arith.constant 0 : i32
      %dma_wait3A_171 = tpu.memref_slice %arg3[%add3A_167, %dma_wait3A_170] : memref<409600x128xf32, #tpu.memory_space<hbm>> -> memref<64x128xf32, #tpu.memory_space<hbm>>
      tpu.wait_dma2 semaphore(%arg16 : memref<!tpu.dma_semaphore, #tpu.memory_space<semaphore_mem>>) src(%dma_wait3A_171 : memref<64x128xf32, #tpu.memory_space<hbm>>) dst(%arg11 : memref<64x128xf32, #tpu.memory_space<vmem>>)
      %dma_wait3A_172 = arith.constant 0 : i32
      %dma_wait3A_173 = arith.constant 0 : i32
      %dma_wait3A_174 = tpu.memref_slice %arg7[%dma_wait3A_172, %dma_wait3A_173] : memref<2x128xi32, #tpu.memory_space<vmem>> -> memref<1x128xi32, #tpu.memory_space<vmem>>
      %dma_wait3A_175 = tpu.memref_squeeze %dma_wait3A_174 : memref<1x128xi32, #tpu.memory_space<vmem>> -> memref<128xi32, #tpu.memory_space<vmem>>
      %dma_wait3A_176 = arith.constant 0 : i32
      %dma_wait3A_177 = arith.constant 0 : i32
      %dma_wait3A_178 = tpu.memref_slice %arg2[%dma_wait3A_176, %dma_wait3A_177] : memref<100000x32xf32, #tpu.memory_space<hbm>> -> memref<100000x32xf32, #tpu.memory_space<hbm>>
      tpu.wait_indirect_dma semaphore(%arg14 : memref<!tpu.dma_semaphore, #tpu.memory_space<semaphore_mem>>) src(%dma_wait3A_178 : memref<100000x32xf32, #tpu.memory_space<hbm>>) dst(%arg9 : memref<128x32xf32, #tpu.memory_space<vmem>>)
      %eq3A_179 = arith.constant 0 : i32
      %eq3A_180 = arith.cmpi eq, %arg0, %eq3A_179 : i32
      %convert_element_type3A_181 = arith.extui %eq3A_180 : i1 to i32
      %cond3A_182 = arith.constant 0 : i32
      %cond3A_183 = arith.cmpi ne, %convert_element_type3A_181, %cond3A_182 : i32
      scf.if %cond3A_183 {
        %scan3A_197 = arith.constant 0 : i32
        %scan3A_198 = arith.constant 0 : i32
        %scan3A_199 = arith.constant 64 : i32
        %scan3A_200 = arith.addi %scan3A_198, %scan3A_199 : i32
        %scan3A_201 = arith.constant 1 : i32
        %scan3A_202 = scf.for %scan3A_204 = %scan3A_198 to %scan3A_200 step %scan3A_201 iter_args(%scan3A_205 = %scan3A_197) -> (i32)  : i32 {
          %mul3A_206 = arith.constant 2 : i32
          %mul3A_207 = arith.muli %mul3A_206, %scan3A_204 : i32
          %get3A = arith.index_cast %mul3A_207 : i32 to index
          %get3A_208 = arith.constant 0 : index
          %get3A_209 = tpu.vector_load %arg9[%get3A, %get3A_208] {strides = array<i32>} : memref<128x32xf32, #tpu.memory_space<vmem>>, vector<1x16xf32>,
          %get3A_210 = vector.shape_cast %get3A_209 : vector<1x16xf32> to vector<16xf32>
          %get3A_211 = arith.index_cast %scan3A_204 : i32 to index
          %get3A_212 = arith.constant 0 : index
          %get3A_213 = tpu.vector_load %arg11[%get3A_211, %get3A_212] {strides = array<i32>} : memref<64x128xf32, #tpu.memory_space<vmem>>, vector<1x16xf32>,
          %get3A_214 = vector.shape_cast %get3A_213 : vector<1x16xf32> to vector<16xf32>
          %mul3A_215 = arith.mulf %get3A_210, %get3A_214 : vector<16xf32>
          %swap3A = arith.index_cast %mul3A_207 : i32 to index
          %swap3A_216 = arith.constant 0 : index
          %swap3A_217 = tpu.vector_load %arg9[%swap3A, %swap3A_216] {strides = array<i32>} : memref<128x32xf32, #tpu.memory_space<vmem>>, vector<1x16xf32>,
          %swap3A_218 = vector.shape_cast %swap3A_217 : vector<1x16xf32> to vector<16xf32>
          %swap3A_219 = vector.shape_cast %mul3A_215 : vector<16xf32> to vector<1x16xf32>
          tpu.vector_store %arg9[%swap3A, %swap3A_216], %swap3A_219 {strides = array<i32>} : memref<128x32xf32, #tpu.memory_space<vmem>>, vector<1x16xf32>,
          %get3A_220 = arith.index_cast %mul3A_207 : i32 to index
          %get3A_221 = arith.constant 16 : index
          %get3A_222 = tpu.vector_load %arg9[%get3A_220, %get3A_221] {strides = array<i32>} : memref<128x32xf32, #tpu.memory_space<vmem>>, vector<1x16xf32>,
          %get3A_223 = vector.shape_cast %get3A_222 : vector<1x16xf32> to vector<16xf32>
          %get3A_224 = arith.index_cast %scan3A_204 : i32 to index
          %get3A_225 = arith.constant 16 : index
          %get3A_226 = tpu.vector_load %arg11[%get3A_224, %get3A_225] {strides = array<i32>} : memref<64x128xf32, #tpu.memory_space<vmem>>, vector<1x16xf32>,
          %get3A_227 = vector.shape_cast %get3A_226 : vector<1x16xf32> to vector<16xf32>
          %mul3A_228 = arith.mulf %get3A_223, %get3A_227 : vector<16xf32>
          %swap3A_229 = arith.index_cast %mul3A_207 : i32 to index
          %swap3A_230 = arith.constant 16 : index
          %swap3A_231 = tpu.vector_load %arg9[%swap3A_229, %swap3A_230] {strides = array<i32>} : memref<128x32xf32, #tpu.memory_space<vmem>>, vector<1x16xf32>,
          %swap3A_232 = vector.shape_cast %swap3A_231 : vector<1x16xf32> to vector<16xf32>
          %swap3A_233 = vector.shape_cast %mul3A_228 : vector<16xf32> to vector<1x16xf32>
          tpu.vector_store %arg9[%swap3A_229, %swap3A_230], %swap3A_233 {strides = array<i32>} : memref<128x32xf32, #tpu.memory_space<vmem>>, vector<1x16xf32>,
          %add3A_234 = arith.constant 1 : i32
          %add3A_235 = arith.addi %mul3A_207, %add3A_234 : i32
          %get3A_236 = arith.index_cast %add3A_235 : i32 to index
          %get3A_237 = arith.constant 0 : index
          %get3A_238 = tpu.vector_load %arg9[%get3A_236, %get3A_237] {strides = array<i32>} : memref<128x32xf32, #tpu.memory_space<vmem>>, vector<1x16xf32>,
          %get3A_239 = vector.shape_cast %get3A_238 : vector<1x16xf32> to vector<16xf32>
          %get3A_240 = arith.index_cast %scan3A_204 : i32 to index
          %get3A_241 = arith.constant 64 : index
          %get3A_242 = tpu.vector_load %arg11[%get3A_240, %get3A_241] {strides = array<i32>} : memref<64x128xf32, #tpu.memory_space<vmem>>, vector<1x16xf32>,
          %get3A_243 = vector.shape_cast %get3A_242 : vector<1x16xf32> to vector<16xf32>
          %mul3A_244 = arith.mulf %get3A_239, %get3A_243 : vector<16xf32>
          %add3A_245 = arith.constant 1 : i32
          %add3A_246 = arith.addi %mul3A_207, %add3A_245 : i32
          %swap3A_247 = arith.index_cast %add3A_246 : i32 to index
          %swap3A_248 = arith.constant 0 : index
          %swap3A_249 = tpu.vector_load %arg9[%swap3A_247, %swap3A_248] {strides = array<i32>} : memref<128x32xf32, #tpu.memory_space<vmem>>, vector<1x16xf32>,
          %swap3A_250 = vector.shape_cast %swap3A_249 : vector<1x16xf32> to vector<16xf32>
          %swap3A_251 = vector.shape_cast %mul3A_244 : vector<16xf32> to vector<1x16xf32>
          tpu.vector_store %arg9[%swap3A_247, %swap3A_248], %swap3A_251 {strides = array<i32>} : memref<128x32xf32, #tpu.memory_space<vmem>>, vector<1x16xf32>,
          %add3A_252 = arith.constant 1 : i32
          %add3A_253 = arith.addi %mul3A_207, %add3A_252 : i32
          %get3A_254 = arith.index_cast %add3A_253 : i32 to index
          %get3A_255 = arith.constant 16 : index
          %get3A_256 = tpu.vector_load %arg9[%get3A_254, %get3A_255] {strides = array<i32>} : memref<128x32xf32, #tpu.memory_space<vmem>>, vector<1x16xf32>,
          %get3A_257 = vector.shape_cast %get3A_256 : vector<1x16xf32> to vector<16xf32>
          %get3A_258 = arith.index_cast %scan3A_204 : i32 to index
          %get3A_259 = arith.constant 80 : index
          %get3A_260 = tpu.vector_load %arg11[%get3A_258, %get3A_259] {strides = array<i32>} : memref<64x128xf32, #tpu.memory_space<vmem>>, vector<1x16xf32>,
          %get3A_261 = vector.shape_cast %get3A_260 : vector<1x16xf32> to vector<16xf32>
          %mul3A_262 = arith.mulf %get3A_257, %get3A_261 : vector<16xf32>
          %add3A_263 = arith.constant 1 : i32
          %add3A_264 = arith.addi %mul3A_207, %add3A_263 : i32
          %swap3A_265 = arith.index_cast %add3A_264 : i32 to index
          %swap3A_266 = arith.constant 16 : index
          %swap3A_267 = tpu.vector_load %arg9[%swap3A_265, %swap3A_266] {strides = array<i32>} : memref<128x32xf32, #tpu.memory_space<vmem>>, vector<1x16xf32>,
          %swap3A_268 = vector.shape_cast %swap3A_267 : vector<1x16xf32> to vector<16xf32>
          %swap3A_269 = vector.shape_cast %mul3A_262 : vector<16xf32> to vector<1x16xf32>
          tpu.vector_store %arg9[%swap3A_265, %swap3A_266], %swap3A_269 {strides = array<i32>} : memref<128x32xf32, #tpu.memory_space<vmem>>, vector<1x16xf32>,
          %scan3A_270 = arith.constant 0 : i32
          scf.yield %scan3A_270 : i32
        }
        %scan3A_203 = arith.constant 64 : i32
      } else {
      }
      %eq3A_184 = arith.constant 1 : i32
      %eq3A_185 = arith.cmpi eq, %arg0, %eq3A_184 : i32
      %convert_element_type3A_186 = arith.extui %eq3A_185 : i1 to i32
      %cond3A_187 = arith.constant 0 : i32
      %cond3A_188 = arith.cmpi ne, %convert_element_type3A_186, %cond3A_187 : i32
      scf.if %cond3A_188 {
        %scan3A_197 = arith.constant 0 : i32
        %scan3A_198 = arith.constant 0 : i32
        %scan3A_199 = arith.constant 64 : i32
        %scan3A_200 = arith.addi %scan3A_198, %scan3A_199 : i32
        %scan3A_201 = arith.constant 1 : i32
        %scan3A_202 = scf.for %scan3A_204 = %scan3A_198 to %scan3A_200 step %scan3A_201 iter_args(%scan3A_205 = %scan3A_197) -> (i32)  : i32 {
          %mul3A_206 = arith.constant 2 : i32
          %mul3A_207 = arith.muli %mul3A_206, %scan3A_204 : i32
          %get3A = arith.index_cast %mul3A_207 : i32 to index
          %get3A_208 = arith.constant 0 : index
          %get3A_209 = tpu.vector_load %arg9[%get3A, %get3A_208] {strides = array<i32>} : memref<128x32xf32, #tpu.memory_space<vmem>>, vector<1x16xf32>,
          %get3A_210 = vector.shape_cast %get3A_209 : vector<1x16xf32> to vector<16xf32>
          %get3A_211 = arith.index_cast %scan3A_204 : i32 to index
          %get3A_212 = arith.constant 32 : index
          %get3A_213 = tpu.vector_load %arg11[%get3A_211, %get3A_212] {strides = array<i32>} : memref<64x128xf32, #tpu.memory_space<vmem>>, vector<1x16xf32>,
          %get3A_214 = vector.shape_cast %get3A_213 : vector<1x16xf32> to vector<16xf32>
          %mul3A_215 = arith.mulf %get3A_210, %get3A_214 : vector<16xf32>
          %swap3A = arith.index_cast %mul3A_207 : i32 to index
          %swap3A_216 = arith.constant 0 : index
          %swap3A_217 = tpu.vector_load %arg9[%swap3A, %swap3A_216] {strides = array<i32>} : memref<128x32xf32, #tpu.memory_space<vmem>>, vector<1x16xf32>,
          %swap3A_218 = vector.shape_cast %swap3A_217 : vector<1x16xf32> to vector<16xf32>
          %swap3A_219 = vector.shape_cast %mul3A_215 : vector<16xf32> to vector<1x16xf32>
          tpu.vector_store %arg9[%swap3A, %swap3A_216], %swap3A_219 {strides = array<i32>} : memref<128x32xf32, #tpu.memory_space<vmem>>, vector<1x16xf32>,
          %get3A_220 = arith.index_cast %mul3A_207 : i32 to index
          %get3A_221 = arith.constant 16 : index
          %get3A_222 = tpu.vector_load %arg9[%get3A_220, %get3A_221] {strides = array<i32>} : memref<128x32xf32, #tpu.memory_space<vmem>>, vector<1x16xf32>,
          %get3A_223 = vector.shape_cast %get3A_222 : vector<1x16xf32> to vector<16xf32>
          %get3A_224 = arith.index_cast %scan3A_204 : i32 to index
          %get3A_225 = arith.constant 48 : index
          %get3A_226 = tpu.vector_load %arg11[%get3A_224, %get3A_225] {strides = array<i32>} : memref<64x128xf32, #tpu.memory_space<vmem>>, vector<1x16xf32>,
          %get3A_227 = vector.shape_cast %get3A_226 : vector<1x16xf32> to vector<16xf32>
          %mul3A_228 = arith.mulf %get3A_223, %get3A_227 : vector<16xf32>
          %swap3A_229 = arith.index_cast %mul3A_207 : i32 to index
          %swap3A_230 = arith.constant 16 : index
          %swap3A_231 = tpu.vector_load %arg9[%swap3A_229, %swap3A_230] {strides = array<i32>} : memref<128x32xf32, #tpu.memory_space<vmem>>, vector<1x16xf32>,
          %swap3A_232 = vector.shape_cast %swap3A_231 : vector<1x16xf32> to vector<16xf32>
          %swap3A_233 = vector.shape_cast %mul3A_228 : vector<16xf32> to vector<1x16xf32>
          tpu.vector_store %arg9[%swap3A_229, %swap3A_230], %swap3A_233 {strides = array<i32>} : memref<128x32xf32, #tpu.memory_space<vmem>>, vector<1x16xf32>,
          %add3A_234 = arith.constant 1 : i32
          %add3A_235 = arith.addi %mul3A_207, %add3A_234 : i32
          %get3A_236 = arith.index_cast %add3A_235 : i32 to index
          %get3A_237 = arith.constant 0 : index
          %get3A_238 = tpu.vector_load %arg9[%get3A_236, %get3A_237] {strides = array<i32>} : memref<128x32xf32, #tpu.memory_space<vmem>>, vector<1x16xf32>,
          %get3A_239 = vector.shape_cast %get3A_238 : vector<1x16xf32> to vector<16xf32>
          %get3A_240 = arith.index_cast %scan3A_204 : i32 to index
          %get3A_241 = arith.constant 96 : index
          %get3A_242 = tpu.vector_load %arg11[%get3A_240, %get3A_241] {strides = array<i32>} : memref<64x128xf32, #tpu.memory_space<vmem>>, vector<1x16xf32>,
          %get3A_243 = vector.shape_cast %get3A_242 : vector<1x16xf32> to vector<16xf32>
          %mul3A_244 = arith.mulf %get3A_239, %get3A_243 : vector<16xf32>
          %add3A_245 = arith.constant 1 : i32
          %add3A_246 = arith.addi %mul3A_207, %add3A_245 : i32
          %swap3A_247 = arith.index_cast %add3A_246 : i32 to index
          %swap3A_248 = arith.constant 0 : index
          %swap3A_249 = tpu.vector_load %arg9[%swap3A_247, %swap3A_248] {strides = array<i32>} : memref<128x32xf32, #tpu.memory_space<vmem>>, vector<1x16xf32>,
          %swap3A_250 = vector.shape_cast %swap3A_249 : vector<1x16xf32> to vector<16xf32>
          %swap3A_251 = vector.shape_cast %mul3A_244 : vector<16xf32> to vector<1x16xf32>
          tpu.vector_store %arg9[%swap3A_247, %swap3A_248], %swap3A_251 {strides = array<i32>} : memref<128x32xf32, #tpu.memory_space<vmem>>, vector<1x16xf32>,
          %add3A_252 = arith.constant 1 : i32
          %add3A_253 = arith.addi %mul3A_207, %add3A_252 : i32
          %get3A_254 = arith.index_cast %add3A_253 : i32 to index
          %get3A_255 = arith.constant 16 : index
          %get3A_256 = tpu.vector_load %arg9[%get3A_254, %get3A_255] {strides = array<i32>} : memref<128x32xf32, #tpu.memory_space<vmem>>, vector<1x16xf32>,
          %get3A_257 = vector.shape_cast %get3A_256 : vector<1x16xf32> to vector<16xf32>
          %get3A_258 = arith.index_cast %scan3A_204 : i32 to index
          %get3A_259 = arith.constant 112 : index
          %get3A_260 = tpu.vector_load %arg11[%get3A_258, %get3A_259] {strides = array<i32>} : memref<64x128xf32, #tpu.memory_space<vmem>>, vector<1x16xf32>,
          %get3A_261 = vector.shape_cast %get3A_260 : vector<1x16xf32> to vector<16xf32>
          %mul3A_262 = arith.mulf %get3A_257, %get3A_261 : vector<16xf32>
          %add3A_263 = arith.constant 1 : i32
          %add3A_264 = arith.addi %mul3A_207, %add3A_263 : i32
          %swap3A_265 = arith.index_cast %add3A_264 : i32 to index
          %swap3A_266 = arith.constant 16 : index
          %swap3A_267 = tpu.vector_load %arg9[%swap3A_265, %swap3A_266] {strides = array<i32>} : memref<128x32xf32, #tpu.memory_space<vmem>>, vector<1x16xf32>,
          %swap3A_268 = vector.shape_cast %swap3A_267 : vector<1x16xf32> to vector<16xf32>
          %swap3A_269 = vector.shape_cast %mul3A_262 : vector<16xf32> to vector<1x16xf32>
          tpu.vector_store %arg9[%swap3A_265, %swap3A_266], %swap3A_269 {strides = array<i32>} : memref<128x32xf32, #tpu.memory_space<vmem>>, vector<1x16xf32>,
          %scan3A_270 = arith.constant 0 : i32
          scf.yield %scan3A_270 : i32
        }
        %scan3A_203 = arith.constant 64 : i32
      } else {
      }
      %dma_start3A_189 = arith.constant 1 : i32
      %dma_start3A_190 = arith.constant 0 : i32
      %dma_start3A_191 = tpu.memref_slice %arg7[%dma_start3A_189, %dma_start3A_190] : memref<2x128xi32, #tpu.memory_space<vmem>> -> memref<1x128xi32, #tpu.memory_space<vmem>>
      %dma_start3A_192 = tpu.memref_squeeze %dma_start3A_191 : memref<1x128xi32, #tpu.memory_space<vmem>> -> memref<128xi32, #tpu.memory_space<vmem>>
      %dma_start3A_193 = arith.constant 0 : i32
      %dma_start3A_194 = arith.constant 0 : i32
      %dma_start3A_195 = tpu.memref_slice %arg12[%dma_start3A_193, %dma_start3A_194] : memref<50048x32xf32, #tpu.memory_space<vmem_shared>> -> memref<50048x32xf32, #tpu.memory_space<vmem_shared>>
      tpu.enqueue_indirect_dma source(%arg9 : memref<128x32xf32, #tpu.memory_space<vmem>>) target(%dma_start3A_195 : memref<50048x32xf32, #tpu.memory_space<vmem_shared>>) offsets(%dma_start3A_192 : memref<128xi32, #tpu.memory_space<vmem>>) semaphore(%arg18 : memref<!tpu.dma_semaphore, #tpu.memory_space<semaphore_mem>>) {add = true}
      %scan3A_196 = arith.constant 0 : i32
      scf.yield %scan3A_196 : i32
    }
    %scan3A_85 = arith.constant 200 : i32
    %dma_wait3A = arith.constant 1 : i32
    %dma_wait3A_86 = arith.constant 0 : i32
    %dma_wait3A_87 = tpu.memref_slice %arg7[%dma_wait3A, %dma_wait3A_86] : memref<2x128xi32, #tpu.memory_space<vmem>> -> memref<1x128xi32, #tpu.memory_space<vmem>>
    %dma_wait3A_88 = tpu.memref_squeeze %dma_wait3A_87 : memref<1x128xi32, #tpu.memory_space<vmem>> -> memref<128xi32, #tpu.memory_space<vmem>>
    %dma_wait3A_89 = arith.constant 0 : i32
    %dma_wait3A_90 = arith.constant 0 : i32
    %dma_wait3A_91 = tpu.memref_slice %arg12[%dma_wait3A_89, %dma_wait3A_90] : memref<50048x32xf32, #tpu.memory_space<vmem_shared>> -> memref<50048x32xf32, #tpu.memory_space<vmem_shared>>
    tpu.wait_indirect_dma semaphore(%arg18 : memref<!tpu.dma_semaphore, #tpu.memory_space<semaphore_mem>>) src(%arg9 : memref<128x32xf32, #tpu.memory_space<vmem>>) dst(%dma_wait3A_91 : memref<50048x32xf32, #tpu.memory_space<vmem_shared>>)
    %barrier3A_92 = arith.constant 0 : index
    tpu.barrier barrier_id(%barrier3A_92)
    "tpu.region"() ({
      %run_scoped3A = tpu.sem_alloc : memref<!tpu.dma_semaphore, #tpu.memory_space<semaphore_mem>>
      %dma_start3A_93 = arith.constant 0 : i32
      %dma_start3A_94 = tpu.memref_slice %arg5[%arg0, %mul3A_28, %dma_start3A_93] : memref<2x50048x32xf32, #tpu.memory_space<hbm>> -> memref<1x3128x32xf32, #tpu.memory_space<hbm>>
      %dma_start3A_95 = tpu.memref_squeeze %dma_start3A_94 : memref<1x3128x32xf32, #tpu.memory_space<hbm>> -> memref<3128x32xf32, #tpu.memory_space<hbm>>
      %dma_start3A_96 = arith.constant 0 : i32
      %dma_start3A_97 = tpu.memref_slice %arg12[%mul3A_28, %dma_start3A_96] : memref<50048x32xf32, #tpu.memory_space<vmem_shared>> -> memref<3128x32xf32, #tpu.memory_space<vmem_shared>>
      tpu.enqueue_dma source(%dma_start3A_97 : memref<3128x32xf32, #tpu.memory_space<vmem_shared>>) target(%dma_start3A_95 : memref<3128x32xf32, #tpu.memory_space<hbm>>) target_semaphore(%run_scoped3A : memref<!tpu.dma_semaphore, #tpu.memory_space<semaphore_mem>>)
      %dma_wait3A_98 = arith.constant 0 : i32
      %dma_wait3A_99 = tpu.memref_slice %arg5[%arg0, %mul3A_28, %dma_wait3A_98] : memref<2x50048x32xf32, #tpu.memory_space<hbm>> -> memref<1x3128x32xf32, #tpu.memory_space<hbm>>
      %dma_wait3A_100 = tpu.memref_squeeze %dma_wait3A_99 : memref<1x3128x32xf32, #tpu.memory_space<hbm>> -> memref<3128x32xf32, #tpu.memory_space<hbm>>
      %dma_wait3A_101 = arith.constant 0 : i32
      %dma_wait3A_102 = tpu.memref_slice %arg12[%mul3A_28, %dma_wait3A_101] : memref<50048x32xf32, #tpu.memory_space<vmem_shared>> -> memref<3128x32xf32, #tpu.memory_space<vmem_shared>>
      tpu.wait_dma2 semaphore(%run_scoped3A : memref<!tpu.dma_semaphore, #tpu.memory_space<semaphore_mem>>) src(%dma_wait3A_102 : memref<3128x32xf32, #tpu.memory_space<vmem_shared>>) dst(%dma_wait3A_100 : memref<3128x32xf32, #tpu.memory_space<hbm>>)
      tpu.yield
    }) : () -> ()
    return
  }
}

module attributes {stable_mosaic.version = 14 : i64} {
  func.func @_emb_body(%arg0: i32, %arg1: i32, %arg2: memref<1x1x2000xi32, #tpu.memory_space<vmem>>, %arg3: memref<128x64xf32, #tpu.memory_space<vmem>>, %arg4: memref<1x64x32xf32, #tpu.memory_space<vmem>>, %arg5: memref<2000x64xf32, #tpu.memory_space<vmem>>, %arg6: memref<2000x32xf32, #tpu.memory_space<vmem>>) attributes {dimension_semantics = [#tpu.dimension_semantics<arbitrary>, #tpu.dimension_semantics<arbitrary>], iteration_bounds = array<i64: 25, 2>, scalar_prefetch = 0 : i64, scratch_operands = 0 : i64, tpu.core_type = #tpu.core_type<tc>, window_params = [{transform_indices = @transform_0, window_bounds = array<i64: 1, 1, 2000>}, {pipeline_mode = #tpu.pipeline_mode<synchronous>, transform_indices = @transform_1, window_bounds = array<i64: 128, 64>}, {transform_indices = @transform_2, window_bounds = array<i64: 1, 64, 32>}, {transform_indices = @transform_3, window_bounds = array<i64: 2000, 64>}, {transform_indices = @transform_4, window_bounds = array<i64: 2000, 32>}]} {
    %get3A = arith.constant 0 : index
    %get3A_0 = arith.constant 0 : index
    %get3A_1 = arith.constant 0 : index
    %get3A_2 = vector.load %arg2[%get3A, %get3A_0, %get3A_1] : memref<1x1x2000xi32, #tpu.memory_space<vmem>>, vector<1x1x2000xi32>
    %get3A_3 = vector.shape_cast %get3A_2 : vector<1x1x2000xi32> to vector<2000xi32>
    %broadcast_in_dim3A = vector.shape_cast %get3A_3 : vector<2000xi32> to vector<2000x1xi32>
    %iota3A = tpu.iota {dimensions = array<i32: 1>} : vector<2000x128xi32>
    %eq3A = vector.broadcast %broadcast_in_dim3A : vector<2000x1xi32> to vector<2000x128xi32>
    %eq3A_4 = arith.cmpi eq, %eq3A, %iota3A : vector<2000x128xi32>
    %convert_element_type3A = arith.extui %eq3A_4 : vector<2000x128xi1> to vector<2000x128xi32>
    %convert_element_type3A_5 = arith.sitofp %convert_element_type3A : vector<2000x128xi32> to vector<2000x128xf32>
    %get3A_6 = arith.constant 0 : index
    %get3A_7 = arith.constant 0 : index
    %get3A_8 = vector.load %arg3[%get3A_6, %get3A_7] : memref<128x64xf32, #tpu.memory_space<vmem>>, vector<128x64xf32>
    %dot_general3A = arith.constant dense<0.000000e+00> : vector<2000x64xf32>
    %dot_general3A_9 = tpu.matmul %convert_element_type3A_5, %get3A_8, %dot_general3A {dimension_numbers = #tpu.dot_dimension_numbers<[1], [0], [0], [1], [0, 0, 1, 1], [], []>, transpose_lhs_hint = false} : vector<2000x128xf32>, vector<128x64xf32>, vector<2000x64xf32> -> vector<2000x64xf32>
    %swap3A = arith.constant 0 : index
    %swap3A_10 = arith.constant 0 : index
    %swap3A_11 = vector.load %arg5[%swap3A, %swap3A_10] : memref<2000x64xf32, #tpu.memory_space<vmem>>, vector<2000x64xf32>
    tpu.vector_store %arg5[%swap3A, %swap3A_10], %dot_general3A_9 {strides = array<i32>} : memref<2000x64xf32, #tpu.memory_space<vmem>>, vector<2000x64xf32>,
    %get3A_12 = arith.constant 0 : index
    %get3A_13 = arith.constant 0 : index
    %get3A_14 = arith.constant 0 : index
    %get3A_15 = vector.load %arg4[%get3A_12, %get3A_13, %get3A_14] : memref<1x64x32xf32, #tpu.memory_space<vmem>>, vector<1x64x32xf32>
    %get3A_16 = vector.shape_cast %get3A_15 : vector<1x64x32xf32> to vector<64x32xf32>
    %dot_general3A_17 = arith.constant dense<0.000000e+00> : vector<2000x32xf32>
    %dot_general3A_18 = tpu.matmul %dot_general3A_9, %get3A_16, %dot_general3A_17 {dimension_numbers = #tpu.dot_dimension_numbers<[1], [0], [0], [1], [0, 0, 1, 1], [], []>, transpose_lhs_hint = false} : vector<2000x64xf32>, vector<64x32xf32>, vector<2000x32xf32> -> vector<2000x32xf32>
    %swap3A_19 = arith.constant 0 : index
    %swap3A_20 = arith.constant 0 : index
    %swap3A_21 = vector.load %arg6[%swap3A_19, %swap3A_20] : memref<2000x32xf32, #tpu.memory_space<vmem>>, vector<2000x32xf32>
    tpu.vector_store %arg6[%swap3A_19, %swap3A_20], %dot_general3A_18 {strides = array<i32>} : memref<2000x32xf32, #tpu.memory_space<vmem>>, vector<2000x32xf32>,
    return
  }
  func.func @transform_0(%arg0: i32, %arg1: i32) -> (i32, i32, i32) {
    %c0_i32 = arith.constant 0 : i32
    %c0_i32_0 = arith.constant 0 : i32
    %c0_i32_1 = arith.constant 0 : i32
    return %arg0, %c0_i32, %c0_i32_0 : i32, i32, i32
  }
  func.func @transform_1(%arg0: i32, %arg1: i32) -> (i32, i32) {
    %c0_i32 = arith.constant 0 : i32
    %c0_i32_0 = arith.constant 0 : i32
    %c0_i32_1 = arith.constant 0 : i32
    return %c0_i32, %c0_i32_0 : i32, i32
  }
  func.func @transform_2(%arg0: i32, %arg1: i32) -> (i32, i32, i32) {
    %c0_i32 = arith.constant 0 : i32
    %c0_i32_0 = arith.constant 0 : i32
    %c0_i32_1 = arith.constant 0 : i32
    return %arg1, %c0_i32, %c0_i32_0 : i32, i32, i32
  }
  func.func @transform_3(%arg0: i32, %arg1: i32) -> (i32, i32) {
    %c0_i32 = arith.constant 0 : i32
    %c0_i32_0 = arith.constant 0 : i32
    return %arg0, %c0_i32 : i32, i32
  }
  func.func @transform_4(%arg0: i32, %arg1: i32) -> (i32, i32) {
    %mul3A = arith.constant 25 : i32
    %mul3A_0 = arith.muli %arg1, %mul3A : i32
    %add3A = arith.addi %mul3A_0, %arg0 : i32
    %c0_i32 = arith.constant 0 : i32
    %c0_i32_1 = arith.constant 0 : i32
    return %add3A, %c0_i32 : i32, i32
  }
}

module attributes {stable_mosaic.version = 14 : i64} {
  func.func @_h_body(%arg0: i32, %arg1: memref<2048x2xf32, #tpu.memory_space<vmem>>, %arg2: memref<2x100xf32, #tpu.memory_space<vmem>>, %arg3: memref<1x100xf32, #tpu.memory_space<vmem>>, %arg4: memref<100x128xf32, #tpu.memory_space<vmem>>, %arg5: memref<1x128xf32, #tpu.memory_space<vmem>>, %arg6: memref<128x128xf32, #tpu.memory_space<vmem>>, %arg7: memref<1x128xf32, #tpu.memory_space<vmem>>, %arg8: memref<2048x128xf32, #tpu.memory_space<vmem>>) attributes {dimension_semantics = [#tpu.dimension_semantics<arbitrary>], iteration_bounds = array<i64: 196>, scalar_prefetch = 0 : i64, scratch_operands = 0 : i64, tpu.core_type = #tpu.core_type<tc>, window_params = [{transform_indices = @transform_0, window_bounds = array<i64: 2048, 2>}, {pipeline_mode = #tpu.pipeline_mode<synchronous>, transform_indices = @transform_1, window_bounds = array<i64: 2, 100>}, {pipeline_mode = #tpu.pipeline_mode<synchronous>, transform_indices = @transform_2, window_bounds = array<i64: 1, 100>}, {pipeline_mode = #tpu.pipeline_mode<synchronous>, transform_indices = @transform_3, window_bounds = array<i64: 100, 128>}, {pipeline_mode = #tpu.pipeline_mode<synchronous>, transform_indices = @transform_4, window_bounds = array<i64: 1, 128>}, {pipeline_mode = #tpu.pipeline_mode<synchronous>, transform_indices = @transform_5, window_bounds = array<i64: 128, 128>}, {pipeline_mode = #tpu.pipeline_mode<synchronous>, transform_indices = @transform_6, window_bounds = array<i64: 1, 128>}, {transform_indices = @transform_7, window_bounds = array<i64: 2048, 128>}]} {
    %get3A = arith.constant 0 : index
    %get3A_0 = arith.constant 0 : index
    %get3A_1 = vector.load %arg1[%get3A, %get3A_0] : memref<2048x2xf32, #tpu.memory_space<vmem>>, vector<2048x2xf32>
    %get3A_2 = arith.constant 0 : index
    %get3A_3 = arith.constant 0 : index
    %get3A_4 = vector.load %arg2[%get3A_2, %get3A_3] : memref<2x100xf32, #tpu.memory_space<vmem>>, vector<2x100xf32>
    %dot_general3A = arith.constant dense<0.000000e+00> : vector<2048x100xf32>
    %dot_general3A_5 = tpu.matmul %get3A_1, %get3A_4, %dot_general3A {dimension_numbers = #tpu.dot_dimension_numbers<[1], [0], [0], [1], [0, 0, 1, 1], [], []>, transpose_lhs_hint = false} : vector<2048x2xf32>, vector<2x100xf32>, vector<2048x100xf32> -> vector<2048x100xf32>
    %get3A_6 = arith.constant 0 : index
    %get3A_7 = arith.constant 0 : index
    %get3A_8 = vector.load %arg3[%get3A_6, %get3A_7] : memref<1x100xf32, #tpu.memory_space<vmem>>, vector<1x100xf32>
    %sub3A = vector.broadcast %get3A_8 : vector<1x100xf32> to vector<2048x100xf32>
    %sub3A_9 = arith.subf %dot_general3A_5, %sub3A : vector<2048x100xf32>
    %mul3A = arith.constant -9.79999923 : f32
    %mul3A_10 = vector.broadcast %mul3A : f32 to vector<2048x100xf32>
    %mul3A_11 = arith.mulf %mul3A_10, %sub3A_9 : vector<2048x100xf32>
    %mul3A_12 = arith.mulf %mul3A_11, %sub3A_9 : vector<2048x100xf32>
    %exp3A = math.exp %mul3A_12 : vector<2048x100xf32>
    %get3A_13 = arith.constant 0 : index
    %get3A_14 = arith.constant 0 : index
    %get3A_15 = vector.load %arg4[%get3A_13, %get3A_14] : memref<100x128xf32, #tpu.memory_space<vmem>>, vector<100x128xf32>
    %dot_general3A_16 = arith.constant dense<0.000000e+00> : vector<2048x128xf32>
    %dot_general3A_17 = tpu.matmul %exp3A, %get3A_15, %dot_general3A_16 {dimension_numbers = #tpu.dot_dimension_numbers<[1], [0], [0], [1], [0, 0, 1, 1], [], []>, transpose_lhs_hint = false} : vector<2048x100xf32>, vector<100x128xf32>, vector<2048x128xf32> -> vector<2048x128xf32>
    %get3A_18 = arith.constant 0 : index
    %get3A_19 = arith.constant 0 : index
    %get3A_20 = vector.load %arg5[%get3A_18, %get3A_19] : memref<1x128xf32, #tpu.memory_space<vmem>>, vector<1x128xf32>
    %add3A = vector.broadcast %get3A_20 : vector<1x128xf32> to vector<2048x128xf32>
    %add3A_21 = arith.addf %dot_general3A_17, %add3A : vector<2048x128xf32>
    %mul3A_22 = arith.constant 5.000000e-01 : f32
    %mul3A_23 = vector.broadcast %mul3A_22 : f32 to vector<2048x128xf32>
    %mul3A_24 = arith.mulf %mul3A_23, %add3A_21 : vector<2048x128xf32>
    %exp3A_25 = math.exp %mul3A_24 : vector<2048x128xf32>
    %log1p3A = math.log1p %exp3A_25 : vector<2048x128xf32>
    %mul3A_26 = arith.constant 2.000000e+00 : f32
    %mul3A_27 = vector.broadcast %mul3A_26 : f32 to vector<2048x128xf32>
    %mul3A_28 = arith.mulf %mul3A_27, %log1p3A : vector<2048x128xf32>
    %get3A_29 = arith.constant 0 : index
    %get3A_30 = arith.constant 0 : index
    %get3A_31 = vector.load %arg6[%get3A_29, %get3A_30] : memref<128x128xf32, #tpu.memory_space<vmem>>, vector<128x128xf32>
    %dot_general3A_32 = arith.constant dense<0.000000e+00> : vector<2048x128xf32>
    %dot_general3A_33 = tpu.matmul %mul3A_28, %get3A_31, %dot_general3A_32 {dimension_numbers = #tpu.dot_dimension_numbers<[1], [0], [0], [1], [0, 0, 1, 1], [], []>, transpose_lhs_hint = false} : vector<2048x128xf32>, vector<128x128xf32>, vector<2048x128xf32> -> vector<2048x128xf32>
    %get3A_34 = arith.constant 0 : index
    %get3A_35 = arith.constant 0 : index
    %get3A_36 = vector.load %arg7[%get3A_34, %get3A_35] : memref<1x128xf32, #tpu.memory_space<vmem>>, vector<1x128xf32>
    %add3A_37 = vector.broadcast %get3A_36 : vector<1x128xf32> to vector<2048x128xf32>
    %add3A_38 = arith.addf %dot_general3A_33, %add3A_37 : vector<2048x128xf32>
    %mul3A_39 = arith.constant 5.000000e-01 : f32
    %mul3A_40 = vector.broadcast %mul3A_39 : f32 to vector<2048x128xf32>
    %mul3A_41 = arith.mulf %mul3A_40, %add3A_38 : vector<2048x128xf32>
    %exp3A_42 = math.exp %mul3A_41 : vector<2048x128xf32>
    %log1p3A_43 = math.log1p %exp3A_42 : vector<2048x128xf32>
    %mul3A_44 = arith.constant 2.000000e+00 : f32
    %mul3A_45 = vector.broadcast %mul3A_44 : f32 to vector<2048x128xf32>
    %mul3A_46 = arith.mulf %mul3A_45, %log1p3A_43 : vector<2048x128xf32>
    %swap3A = arith.constant 0 : index
    %swap3A_47 = arith.constant 0 : index
    %swap3A_48 = vector.load %arg8[%swap3A, %swap3A_47] : memref<2048x128xf32, #tpu.memory_space<vmem>>, vector<2048x128xf32>
    tpu.vector_store %arg8[%swap3A, %swap3A_47], %mul3A_46 {strides = array<i32>} : memref<2048x128xf32, #tpu.memory_space<vmem>>, vector<2048x128xf32>,
    return
  }
  func.func @transform_0(%arg0: i32) -> (i32, i32) {
    %c0_i32 = arith.constant 0 : i32
    %c0_i32_0 = arith.constant 0 : i32
    return %arg0, %c0_i32 : i32, i32
  }
  func.func @transform_1(%arg0: i32) -> (i32, i32) {
    %c0_i32 = arith.constant 0 : i32
    %c0_i32_0 = arith.constant 0 : i32
    %c0_i32_1 = arith.constant 0 : i32
    return %c0_i32, %c0_i32_0 : i32, i32
  }
  func.func @transform_2(%arg0: i32) -> (i32, i32) {
    %c0_i32 = arith.constant 0 : i32
    %c0_i32_0 = arith.constant 0 : i32
    %c0_i32_1 = arith.constant 0 : i32
    return %c0_i32, %c0_i32_0 : i32, i32
  }
  func.func @transform_3(%arg0: i32) -> (i32, i32) {
    %c0_i32 = arith.constant 0 : i32
    %c0_i32_0 = arith.constant 0 : i32
    %c0_i32_1 = arith.constant 0 : i32
    return %c0_i32, %c0_i32_0 : i32, i32
  }
  func.func @transform_4(%arg0: i32) -> (i32, i32) {
    %c0_i32 = arith.constant 0 : i32
    %c0_i32_0 = arith.constant 0 : i32
    %c0_i32_1 = arith.constant 0 : i32
    return %c0_i32, %c0_i32_0 : i32, i32
  }
  func.func @transform_5(%arg0: i32) -> (i32, i32) {
    %c0_i32 = arith.constant 0 : i32
    %c0_i32_0 = arith.constant 0 : i32
    %c0_i32_1 = arith.constant 0 : i32
    return %c0_i32, %c0_i32_0 : i32, i32
  }
  func.func @transform_6(%arg0: i32) -> (i32, i32) {
    %c0_i32 = arith.constant 0 : i32
    %c0_i32_0 = arith.constant 0 : i32
    %c0_i32_1 = arith.constant 0 : i32
    return %c0_i32, %c0_i32_0 : i32, i32
  }
  func.func @transform_7(%arg0: i32) -> (i32, i32) {
    %c0_i32 = arith.constant 0 : i32
    %c0_i32_0 = arith.constant 0 : i32
    return %arg0, %c0_i32 : i32, i32
  }
}

module attributes {stable_mosaic.version = 14 : i64} {
  func.func @_upd_body(%arg0: i32, %arg1: i32, %arg2: memref<2000x64xf32, #tpu.memory_space<vmem>>, %arg3: memref<1x2000x32xf32, #tpu.memory_space<vmem>>, %arg4: memref<1x2000x32xf32, #tpu.memory_space<vmem>>, %arg5: memref<64x64xf32, #tpu.memory_space<vmem>>, %arg6: memref<1x64xf32, #tpu.memory_space<vmem>>, %arg7: memref<64x64xf32, #tpu.memory_space<vmem>>, %arg8: memref<1x64xf32, #tpu.memory_space<vmem>>, %arg9: memref<1x64x32xf32, #tpu.memory_space<vmem>>, %arg10: memref<2000x64xf32, #tpu.memory_space<vmem>>, %arg11: memref<2000x32xf32, #tpu.memory_space<vmem>>) attributes {dimension_semantics = [#tpu.dimension_semantics<arbitrary>, #tpu.dimension_semantics<arbitrary>], iteration_bounds = array<i64: 25, 2>, scalar_prefetch = 0 : i64, scratch_operands = 0 : i64, tpu.core_type = #tpu.core_type<tc>, window_params = [{transform_indices = @transform_0, window_bounds = array<i64: 2000, 64>}, {transform_indices = @transform_1, window_bounds = array<i64: 1, 2000, 32>}, {transform_indices = @transform_2, window_bounds = array<i64: 1, 2000, 32>}, {pipeline_mode = #tpu.pipeline_mode<synchronous>, transform_indices = @transform_3, window_bounds = array<i64: 64, 64>}, {pipeline_mode = #tpu.pipeline_mode<synchronous>, transform_indices = @transform_4, window_bounds = array<i64: 1, 64>}, {pipeline_mode = #tpu.pipeline_mode<synchronous>, transform_indices = @transform_5, window_bounds = array<i64: 64, 64>}, {pipeline_mode = #tpu.pipeline_mode<synchronous>, transform_indices = @transform_6, window_bounds = array<i64: 1, 64>}, {transform_indices = @transform_7, window_bounds = array<i64: 1, 64, 32>}, {transform_indices = @transform_8, window_bounds = array<i64: 2000, 64>}, {transform_indices = @transform_9, window_bounds = array<i64: 2000, 32>}]} {
    %get3A = arith.constant 0 : index
    %get3A_0 = arith.constant 0 : index
    %get3A_1 = vector.load %arg5[%get3A, %get3A_0] : memref<64x64xf32, #tpu.memory_space<vmem>>, vector<64x64xf32>
    %get3A_2 = arith.constant 0 : index
    %get3A_3 = arith.constant 0 : index
    %get3A_4 = arith.constant 0 : index
    %get3A_5 = vector.load %arg3[%get3A_2, %get3A_3, %get3A_4] : memref<1x2000x32xf32, #tpu.memory_space<vmem>>, vector<1x2000x32xf32>
    %get3A_6 = vector.shape_cast %get3A_5 : vector<1x2000x32xf32> to vector<2000x32xf32>
    %slice3A = vector.extract_strided_slice %get3A_1 {offsets = [0, 0], sizes = [32, 64], strides = [1, 1]} : vector<64x64xf32> to vector<32x64xf32>
    %dot_general3A = arith.constant dense<0.000000e+00> : vector<2000x64xf32>
    %dot_general3A_7 = tpu.matmul %get3A_6, %slice3A, %dot_general3A {dimension_numbers = #tpu.dot_dimension_numbers<[1], [0], [0], [1], [0, 0, 1, 1], [], []>, transpose_lhs_hint = false} : vector<2000x32xf32>, vector<32x64xf32>, vector<2000x64xf32> -> vector<2000x64xf32>
    %get3A_8 = arith.constant 0 : index
    %get3A_9 = arith.constant 0 : index
    %get3A_10 = arith.constant 0 : index
    %get3A_11 = vector.load %arg4[%get3A_8, %get3A_9, %get3A_10] : memref<1x2000x32xf32, #tpu.memory_space<vmem>>, vector<1x2000x32xf32>
    %get3A_12 = vector.shape_cast %get3A_11 : vector<1x2000x32xf32> to vector<2000x32xf32>
    %slice3A_13 = vector.extract_strided_slice %get3A_1 {offsets = [32, 0], sizes = [32, 64], strides = [1, 1]} : vector<64x64xf32> to vector<32x64xf32>
    %dot_general3A_14 = arith.constant dense<0.000000e+00> : vector<2000x64xf32>
    %dot_general3A_15 = tpu.matmul %get3A_12, %slice3A_13, %dot_general3A_14 {dimension_numbers = #tpu.dot_dimension_numbers<[1], [0], [0], [1], [0, 0, 1, 1], [], []>, transpose_lhs_hint = false} : vector<2000x32xf32>, vector<32x64xf32>, vector<2000x64xf32> -> vector<2000x64xf32>
    %add3A = arith.addf %dot_general3A_7, %dot_general3A_15 : vector<2000x64xf32>
    %get3A_16 = arith.constant 0 : index
    %get3A_17 = arith.constant 0 : index
    %get3A_18 = vector.load %arg6[%get3A_16, %get3A_17] : memref<1x64xf32, #tpu.memory_space<vmem>>, vector<1x64xf32>
    %add3A_19 = vector.broadcast %get3A_18 : vector<1x64xf32> to vector<2000x64xf32>
    %add3A_20 = arith.addf %add3A, %add3A_19 : vector<2000x64xf32>
    %mul3A = arith.constant 5.000000e-01 : f32
    %mul3A_21 = vector.broadcast %mul3A : f32 to vector<2000x64xf32>
    %mul3A_22 = arith.mulf %mul3A_21, %add3A_20 : vector<2000x64xf32>
    %gt3A = arith.constant 1.400000e+01 : f32
    %gt3A_23 = vector.broadcast %gt3A : f32 to vector<2000x64xf32>
    %gt3A_24 = arith.cmpf ogt, %mul3A_22, %gt3A_23 : vector<2000x64xf32>
    %mul3A_25 = arith.constant 5.000000e-01 : f32
    %mul3A_26 = vector.broadcast %mul3A_25 : f32 to vector<2000x64xf32>
    %mul3A_27 = arith.mulf %mul3A_26, %add3A_20 : vector<2000x64xf32>
    %min3A = arith.constant 1.400000e+01 : f32
    %min3A_28 = vector.broadcast %min3A : f32 to vector<2000x64xf32>
    %min3A_29 = arith.minimumf %mul3A_27, %min3A_28 : vector<2000x64xf32>
    %exp3A = math.exp %min3A_29 : vector<2000x64xf32>
    %log1p3A = math.log1p %exp3A : vector<2000x64xf32>
    %mul3A_30 = arith.constant 2.000000e+00 : f32
    %mul3A_31 = vector.broadcast %mul3A_30 : f32 to vector<2000x64xf32>
    %mul3A_32 = arith.mulf %mul3A_31, %log1p3A : vector<2000x64xf32>
    %select_n3A = arith.select %gt3A_24, %add3A_20, %mul3A_32 : vector<2000x64xi1>, vector<2000x64xf32>
    %get3A_33 = arith.constant 0 : index
    %get3A_34 = arith.constant 0 : index
    %get3A_35 = vector.load %arg2[%get3A_33, %get3A_34] : memref<2000x64xf32, #tpu.memory_space<vmem>>, vector<2000x64xf32>
    %get3A_36 = arith.constant 0 : index
    %get3A_37 = arith.constant 0 : index
    %get3A_38 = vector.load %arg7[%get3A_36, %get3A_37] : memref<64x64xf32, #tpu.memory_space<vmem>>, vector<64x64xf32>
    %dot_general3A_39 = arith.constant dense<0.000000e+00> : vector<2000x64xf32>
    %dot_general3A_40 = tpu.matmul %select_n3A, %get3A_38, %dot_general3A_39 {dimension_numbers = #tpu.dot_dimension_numbers<[1], [0], [0], [1], [0, 0, 1, 1], [], []>, transpose_lhs_hint = false} : vector<2000x64xf32>, vector<64x64xf32>, vector<2000x64xf32> -> vector<2000x64xf32>
    %add3A_41 = arith.addf %get3A_35, %dot_general3A_40 : vector<2000x64xf32>
    %get3A_42 = arith.constant 0 : index
    %get3A_43 = arith.constant 0 : index
    %get3A_44 = vector.load %arg8[%get3A_42, %get3A_43] : memref<1x64xf32, #tpu.memory_space<vmem>>, vector<1x64xf32>
    %add3A_45 = vector.broadcast %get3A_44 : vector<1x64xf32> to vector<2000x64xf32>
    %add3A_46 = arith.addf %add3A_41, %add3A_45 : vector<2000x64xf32>
    %swap3A = arith.constant 0 : index
    %swap3A_47 = arith.constant 0 : index
    %swap3A_48 = vector.load %arg10[%swap3A, %swap3A_47] : memref<2000x64xf32, #tpu.memory_space<vmem>>, vector<2000x64xf32>
    tpu.vector_store %arg10[%swap3A, %swap3A_47], %add3A_46 {strides = array<i32>} : memref<2000x64xf32, #tpu.memory_space<vmem>>, vector<2000x64xf32>,
    %get3A_49 = arith.constant 0 : index
    %get3A_50 = arith.constant 0 : index
    %get3A_51 = arith.constant 0 : index
    %get3A_52 = vector.load %arg9[%get3A_49, %get3A_50, %get3A_51] : memref<1x64x32xf32, #tpu.memory_space<vmem>>, vector<1x64x32xf32>
    %get3A_53 = vector.shape_cast %get3A_52 : vector<1x64x32xf32> to vector<64x32xf32>
    %dot_general3A_54 = arith.constant dense<0.000000e+00> : vector<2000x32xf32>
    %dot_general3A_55 = tpu.matmul %add3A_46, %get3A_53, %dot_general3A_54 {dimension_numbers = #tpu.dot_dimension_numbers<[1], [0], [0], [1], [0, 0, 1, 1], [], []>, transpose_lhs_hint = false} : vector<2000x64xf32>, vector<64x32xf32>, vector<2000x32xf32> -> vector<2000x32xf32>
    %swap3A_56 = arith.constant 0 : index
    %swap3A_57 = arith.constant 0 : index
    %swap3A_58 = vector.load %arg11[%swap3A_56, %swap3A_57] : memref<2000x32xf32, #tpu.memory_space<vmem>>, vector<2000x32xf32>
    tpu.vector_store %arg11[%swap3A_56, %swap3A_57], %dot_general3A_55 {strides = array<i32>} : memref<2000x32xf32, #tpu.memory_space<vmem>>, vector<2000x32xf32>,
    return
  }
  func.func @transform_0(%arg0: i32, %arg1: i32) -> (i32, i32) {
    %c0_i32 = arith.constant 0 : i32
    %c0_i32_0 = arith.constant 0 : i32
    return %arg0, %c0_i32 : i32, i32
  }
  func.func @transform_1(%arg0: i32, %arg1: i32) -> (i32, i32, i32) {
    %c0_i32 = arith.constant 0 : i32
    %c0_i32_0 = arith.constant 0 : i32
    %c0_i32_1 = arith.constant 0 : i32
    return %c0_i32, %arg0, %c0_i32_0 : i32, i32, i32
  }
  func.func @transform_2(%arg0: i32, %arg1: i32) -> (i32, i32, i32) {
    %c1_i32 = arith.constant 1 : i32
    %c0_i32 = arith.constant 0 : i32
    %c0_i32_0 = arith.constant 0 : i32
    return %c1_i32, %arg0, %c0_i32 : i32, i32, i32
  }
  func.func @transform_3(%arg0: i32, %arg1: i32) -> (i32, i32) {
    %c0_i32 = arith.constant 0 : i32
    %c0_i32_0 = arith.constant 0 : i32
    %c0_i32_1 = arith.constant 0 : i32
    return %c0_i32, %c0_i32_0 : i32, i32
  }
  func.func @transform_4(%arg0: i32, %arg1: i32) -> (i32, i32) {
    %c0_i32 = arith.constant 0 : i32
    %c0_i32_0 = arith.constant 0 : i32
    %c0_i32_1 = arith.constant 0 : i32
    return %c0_i32, %c0_i32_0 : i32, i32
  }
  func.func @transform_5(%arg0: i32, %arg1: i32) -> (i32, i32) {
    %c0_i32 = arith.constant 0 : i32
    %c0_i32_0 = arith.constant 0 : i32
    %c0_i32_1 = arith.constant 0 : i32
    return %c0_i32, %c0_i32_0 : i32, i32
  }
  func.func @transform_6(%arg0: i32, %arg1: i32) -> (i32, i32) {
    %c0_i32 = arith.constant 0 : i32
    %c0_i32_0 = arith.constant 0 : i32
    %c0_i32_1 = arith.constant 0 : i32
    return %c0_i32, %c0_i32_0 : i32, i32
  }
  func.func @transform_7(%arg0: i32, %arg1: i32) -> (i32, i32, i32) {
    %c0_i32 = arith.constant 0 : i32
    %c0_i32_0 = arith.constant 0 : i32
    %c0_i32_1 = arith.constant 0 : i32
    return %arg1, %c0_i32, %c0_i32_0 : i32, i32, i32
  }
  func.func @transform_8(%arg0: i32, %arg1: i32) -> (i32, i32) {
    %c0_i32 = arith.constant 0 : i32
    %c0_i32_0 = arith.constant 0 : i32
    return %arg0, %c0_i32 : i32, i32
  }
  func.func @transform_9(%arg0: i32, %arg1: i32) -> (i32, i32) {
    %mul3A = arith.constant 25 : i32
    %mul3A_0 = arith.muli %arg1, %mul3A : i32
    %add3A = arith.addi %mul3A_0, %arg0 : i32
    %c0_i32 = arith.constant 0 : i32
    %c0_i32_1 = arith.constant 0 : i32
    return %add3A, %c0_i32 : i32, i32
  }
}

module attributes {stable_mosaic.version = 14 : i64} {
  func.func @_fin_body(%arg0: i32, %arg1: memref<2000x64xf32, #tpu.memory_space<vmem>>, %arg2: memref<1x2000x32xf32, #tpu.memory_space<vmem>>, %arg3: memref<1x2000x32xf32, #tpu.memory_space<vmem>>, %arg4: memref<64x64xf32, #tpu.memory_space<vmem>>, %arg5: memref<1x64xf32, #tpu.memory_space<vmem>>, %arg6: memref<64x64xf32, #tpu.memory_space<vmem>>, %arg7: memref<1x64xf32, #tpu.memory_space<vmem>>, %arg8: memref<64x64xf32, #tpu.memory_space<vmem>>, %arg9: memref<1x64xf32, #tpu.memory_space<vmem>>, %arg10: memref<64x1xf32, #tpu.memory_space<vmem>>, %arg11: memref<1x1xf32, #tpu.memory_space<vmem>>, %arg12: memref<1x1xf32, #tpu.memory_space<vmem>>) attributes {dimension_semantics = [#tpu.dimension_semantics<arbitrary>], iteration_bounds = array<i64: 25>, scalar_prefetch = 0 : i64, scratch_operands = 0 : i64, tpu.core_type = #tpu.core_type<tc>, window_params = [{transform_indices = @transform_0, window_bounds = array<i64: 2000, 64>}, {transform_indices = @transform_1, window_bounds = array<i64: 1, 2000, 32>}, {transform_indices = @transform_2, window_bounds = array<i64: 1, 2000, 32>}, {pipeline_mode = #tpu.pipeline_mode<synchronous>, transform_indices = @transform_3, window_bounds = array<i64: 64, 64>}, {pipeline_mode = #tpu.pipeline_mode<synchronous>, transform_indices = @transform_4, window_bounds = array<i64: 1, 64>}, {pipeline_mode = #tpu.pipeline_mode<synchronous>, transform_indices = @transform_5, window_bounds = array<i64: 64, 64>}, {pipeline_mode = #tpu.pipeline_mode<synchronous>, transform_indices = @transform_6, window_bounds = array<i64: 1, 64>}, {pipeline_mode = #tpu.pipeline_mode<synchronous>, transform_indices = @transform_7, window_bounds = array<i64: 64, 64>}, {pipeline_mode = #tpu.pipeline_mode<synchronous>, transform_indices = @transform_8, window_bounds = array<i64: 1, 64>}, {pipeline_mode = #tpu.pipeline_mode<synchronous>, transform_indices = @transform_9, window_bounds = array<i64: 64, 1>}, {pipeline_mode = #tpu.pipeline_mode<synchronous>, transform_indices = @transform_10, window_bounds = array<i64: 1, 1>}, {pipeline_mode = #tpu.pipeline_mode<synchronous>, transform_indices = @transform_11, window_bounds = array<i64: 1, 1>}]} {
    %get3A = arith.constant 0 : index
    %get3A_0 = arith.constant 0 : index
    %get3A_1 = vector.load %arg4[%get3A, %get3A_0] : memref<64x64xf32, #tpu.memory_space<vmem>>, vector<64x64xf32>
    %get3A_2 = arith.constant 0 : index
    %get3A_3 = arith.constant 0 : index
    %get3A_4 = arith.constant 0 : index
    %get3A_5 = vector.load %arg2[%get3A_2, %get3A_3, %get3A_4] : memref<1x2000x32xf32, #tpu.memory_space<vmem>>, vector<1x2000x32xf32>
    %get3A_6 = vector.shape_cast %get3A_5 : vector<1x2000x32xf32> to vector<2000x32xf32>
    %slice3A = vector.extract_strided_slice %get3A_1 {offsets = [0, 0], sizes = [32, 64], strides = [1, 1]} : vector<64x64xf32> to vector<32x64xf32>
    %dot_general3A = arith.constant dense<0.000000e+00> : vector<2000x64xf32>
    %dot_general3A_7 = tpu.matmul %get3A_6, %slice3A, %dot_general3A {dimension_numbers = #tpu.dot_dimension_numbers<[1], [0], [0], [1], [0, 0, 1, 1], [], []>, transpose_lhs_hint = false} : vector<2000x32xf32>, vector<32x64xf32>, vector<2000x64xf32> -> vector<2000x64xf32>
    %get3A_8 = arith.constant 0 : index
    %get3A_9 = arith.constant 0 : index
    %get3A_10 = arith.constant 0 : index
    %get3A_11 = vector.load %arg3[%get3A_8, %get3A_9, %get3A_10] : memref<1x2000x32xf32, #tpu.memory_space<vmem>>, vector<1x2000x32xf32>
    %get3A_12 = vector.shape_cast %get3A_11 : vector<1x2000x32xf32> to vector<2000x32xf32>
    %slice3A_13 = vector.extract_strided_slice %get3A_1 {offsets = [32, 0], sizes = [32, 64], strides = [1, 1]} : vector<64x64xf32> to vector<32x64xf32>
    %dot_general3A_14 = arith.constant dense<0.000000e+00> : vector<2000x64xf32>
    %dot_general3A_15 = tpu.matmul %get3A_12, %slice3A_13, %dot_general3A_14 {dimension_numbers = #tpu.dot_dimension_numbers<[1], [0], [0], [1], [0, 0, 1, 1], [], []>, transpose_lhs_hint = false} : vector<2000x32xf32>, vector<32x64xf32>, vector<2000x64xf32> -> vector<2000x64xf32>
    %add3A = arith.addf %dot_general3A_7, %dot_general3A_15 : vector<2000x64xf32>
    %get3A_16 = arith.constant 0 : index
    %get3A_17 = arith.constant 0 : index
    %get3A_18 = vector.load %arg5[%get3A_16, %get3A_17] : memref<1x64xf32, #tpu.memory_space<vmem>>, vector<1x64xf32>
    %add3A_19 = vector.broadcast %get3A_18 : vector<1x64xf32> to vector<2000x64xf32>
    %add3A_20 = arith.addf %add3A, %add3A_19 : vector<2000x64xf32>
    %mul3A = arith.constant 5.000000e-01 : f32
    %mul3A_21 = vector.broadcast %mul3A : f32 to vector<2000x64xf32>
    %mul3A_22 = arith.mulf %mul3A_21, %add3A_20 : vector<2000x64xf32>
    %gt3A = arith.constant 1.400000e+01 : f32
    %gt3A_23 = vector.broadcast %gt3A : f32 to vector<2000x64xf32>
    %gt3A_24 = arith.cmpf ogt, %mul3A_22, %gt3A_23 : vector<2000x64xf32>
    %mul3A_25 = arith.constant 5.000000e-01 : f32
    %mul3A_26 = vector.broadcast %mul3A_25 : f32 to vector<2000x64xf32>
    %mul3A_27 = arith.mulf %mul3A_26, %add3A_20 : vector<2000x64xf32>
    %min3A = arith.constant 1.400000e+01 : f32
    %min3A_28 = vector.broadcast %min3A : f32 to vector<2000x64xf32>
    %min3A_29 = arith.minimumf %mul3A_27, %min3A_28 : vector<2000x64xf32>
    %exp3A = math.exp %min3A_29 : vector<2000x64xf32>
    %log1p3A = math.log1p %exp3A : vector<2000x64xf32>
    %mul3A_30 = arith.constant 2.000000e+00 : f32
    %mul3A_31 = vector.broadcast %mul3A_30 : f32 to vector<2000x64xf32>
    %mul3A_32 = arith.mulf %mul3A_31, %log1p3A : vector<2000x64xf32>
    %select_n3A = arith.select %gt3A_24, %add3A_20, %mul3A_32 : vector<2000x64xi1>, vector<2000x64xf32>
    %get3A_33 = arith.constant 0 : index
    %get3A_34 = arith.constant 0 : index
    %get3A_35 = vector.load %arg1[%get3A_33, %get3A_34] : memref<2000x64xf32, #tpu.memory_space<vmem>>, vector<2000x64xf32>
    %get3A_36 = arith.constant 0 : index
    %get3A_37 = arith.constant 0 : index
    %get3A_38 = vector.load %arg6[%get3A_36, %get3A_37] : memref<64x64xf32, #tpu.memory_space<vmem>>, vector<64x64xf32>
    %dot_general3A_39 = arith.constant dense<0.000000e+00> : vector<2000x64xf32>
    %dot_general3A_40 = tpu.matmul %select_n3A, %get3A_38, %dot_general3A_39 {dimension_numbers = #tpu.dot_dimension_numbers<[1], [0], [0], [1], [0, 0, 1, 1], [], []>, transpose_lhs_hint = false} : vector<2000x64xf32>, vector<64x64xf32>, vector<2000x64xf32> -> vector<2000x64xf32>
    %add3A_41 = arith.addf %get3A_35, %dot_general3A_40 : vector<2000x64xf32>
    %get3A_42 = arith.constant 0 : index
    %get3A_43 = arith.constant 0 : index
    %get3A_44 = vector.load %arg7[%get3A_42, %get3A_43] : memref<1x64xf32, #tpu.memory_space<vmem>>, vector<1x64xf32>
    %add3A_45 = vector.broadcast %get3A_44 : vector<1x64xf32> to vector<2000x64xf32>
    %add3A_46 = arith.addf %add3A_41, %add3A_45 : vector<2000x64xf32>
    %get3A_47 = arith.constant 0 : index
    %get3A_48 = arith.constant 0 : index
    %get3A_49 = vector.load %arg8[%get3A_47, %get3A_48] : memref<64x64xf32, #tpu.memory_space<vmem>>, vector<64x64xf32>
    %dot_general3A_50 = arith.constant dense<0.000000e+00> : vector<2000x64xf32>
    %dot_general3A_51 = tpu.matmul %add3A_46, %get3A_49, %dot_general3A_50 {dimension_numbers = #tpu.dot_dimension_numbers<[1], [0], [0], [1], [0, 0, 1, 1], [], []>, transpose_lhs_hint = false} : vector<2000x64xf32>, vector<64x64xf32>, vector<2000x64xf32> -> vector<2000x64xf32>
    %get3A_52 = arith.constant 0 : index
    %get3A_53 = arith.constant 0 : index
    %get3A_54 = vector.load %arg9[%get3A_52, %get3A_53] : memref<1x64xf32, #tpu.memory_space<vmem>>, vector<1x64xf32>
    %add3A_55 = vector.broadcast %get3A_54 : vector<1x64xf32> to vector<2000x64xf32>
    %add3A_56 = arith.addf %dot_general3A_51, %add3A_55 : vector<2000x64xf32>
    %gt3A_57 = arith.constant 2.000000e+01 : f32
    %gt3A_58 = vector.broadcast %gt3A_57 : f32 to vector<2000x64xf32>
    %gt3A_59 = arith.cmpf ogt, %add3A_56, %gt3A_58 : vector<2000x64xf32>
    %min3A_60 = arith.constant 2.000000e+01 : f32
    %min3A_61 = vector.broadcast %min3A_60 : f32 to vector<2000x64xf32>
    %min3A_62 = arith.minimumf %add3A_56, %min3A_61 : vector<2000x64xf32>
    %exp3A_63 = math.exp %min3A_62 : vector<2000x64xf32>
    %log1p3A_64 = math.log1p %exp3A_63 : vector<2000x64xf32>
    %select_n3A_65 = arith.select %gt3A_59, %add3A_56, %log1p3A_64 : vector<2000x64xi1>, vector<2000x64xf32>
    %sub3A = arith.constant 0.693147182 : f32
    %sub3A_66 = vector.broadcast %sub3A : f32 to vector<2000x64xf32>
    %sub3A_67 = arith.subf %select_n3A_65, %sub3A_66 : vector<2000x64xf32>
    %get3A_68 = arith.constant 0 : index
    %get3A_69 = arith.constant 0 : index
    %get3A_70 = vector.load %arg10[%get3A_68, %get3A_69] : memref<64x1xf32, #tpu.memory_space<vmem>>, vector<64x1xf32>
    %dot_general3A_71 = arith.constant dense<0.000000e+00> : vector<2000x1xf32>
    %dot_general3A_72 = tpu.matmul %sub3A_67, %get3A_70, %dot_general3A_71 {dimension_numbers = #tpu.dot_dimension_numbers<[1], [0], [0], [1], [0, 0, 1, 1], [], []>, transpose_lhs_hint = false} : vector<2000x64xf32>, vector<64x1xf32>, vector<2000x1xf32> -> vector<2000x1xf32>
    %reduce_sum3A = vector.shape_cast %dot_general3A_72 : vector<2000x1xf32> to vector<1x2000x1xf32>
    %reduce_sum3A_73 = arith.constant dense<0.000000e+00> : vector<1xf32>
    %reduce_sum3A_74 = vector.multi_reduction <add>, %reduce_sum3A, %reduce_sum3A_73 [1, 2] : vector<1x2000x1xf32> to vector<1xf32>
    %reduce_sum3A_75 = vector.shape_cast %reduce_sum3A_74 : vector<1xf32> to vector<1x1x1xf32>
    %reduce_sum3A_76 = vector.extract %reduce_sum3A_75[0, 0, 0] : f32 from vector<1x1x1xf32>
    %get3A_77 = arith.constant 0 : index
    %get3A_78 = arith.constant 0 : index
    %get3A_79 = vector.load %arg11[%get3A_77, %get3A_78] : memref<1x1xf32, #tpu.memory_space<vmem>>, vector<1x1xf32>
    %get3A_80 = vector.extract %get3A_79[0, 0] : f32 from vector<1x1xf32>
    %mul3A_81 = arith.constant 2.000000e+03 : f32
    %mul3A_82 = arith.mulf %mul3A_81, %get3A_80 : f32
    %add3A_83 = arith.addf %reduce_sum3A_76, %mul3A_82 : f32
    %mul3A_84 = arith.constant 2.000000e-05 : f32
    %mul3A_85 = arith.mulf %add3A_83, %mul3A_84 : f32
    %eq3A = arith.constant 0 : i32
    %eq3A_86 = arith.cmpi eq, %arg0, %eq3A : i32
    %convert_element_type3A = arith.extui %eq3A_86 : i1 to i32
    %cond3A = arith.constant 0 : i32
    %cond3A_87 = arith.cmpi ne, %convert_element_type3A, %cond3A : i32
    scf.if %cond3A_87 {
      %broadcast_in_dim3A = arith.constant 0.000000e+00 : f32
      %broadcast_in_dim3A_95 = vector.broadcast %broadcast_in_dim3A : f32 to vector<1x1xf32>
      %swap3A_96 = arith.constant 0 : index
      %swap3A_97 = arith.constant 0 : index
      %swap3A_98 = vector.load %arg12[%swap3A_96, %swap3A_97] : memref<1x1xf32, #tpu.memory_space<vmem>>, vector<1x1xf32>
      tpu.vector_store %arg12[%swap3A_96, %swap3A_97], %broadcast_in_dim3A_95 {strides = array<i32>} : memref<1x1xf32, #tpu.memory_space<vmem>>, vector<1x1xf32>,
    } else {
    }
    %get3A_88 = arith.constant 0 : index
    %get3A_89 = arith.constant 0 : index
    %get3A_90 = vector.load %arg12[%get3A_88, %get3A_89] : memref<1x1xf32, #tpu.memory_space<vmem>>, vector<1x1xf32>
    %add3A_91 = vector.broadcast %mul3A_85 : f32 to vector<1x1xf32>
    %add3A_92 = arith.addf %get3A_90, %add3A_91 : vector<1x1xf32>
    %swap3A = arith.constant 0 : index
    %swap3A_93 = arith.constant 0 : index
    %swap3A_94 = vector.load %arg12[%swap3A, %swap3A_93] : memref<1x1xf32, #tpu.memory_space<vmem>>, vector<1x1xf32>
    tpu.vector_store %arg12[%swap3A, %swap3A_93], %add3A_92 {strides = array<i32>} : memref<1x1xf32, #tpu.memory_space<vmem>>, vector<1x1xf32>,
    return
  }
  func.func @transform_0(%arg0: i32) -> (i32, i32) {
    %c0_i32 = arith.constant 0 : i32
    %c0_i32_0 = arith.constant 0 : i32
    return %arg0, %c0_i32 : i32, i32
  }
  func.func @transform_1(%arg0: i32) -> (i32, i32, i32) {
    %c0_i32 = arith.constant 0 : i32
    %c0_i32_0 = arith.constant 0 : i32
    %c0_i32_1 = arith.constant 0 : i32
    return %c0_i32, %arg0, %c0_i32_0 : i32, i32, i32
  }
  func.func @transform_2(%arg0: i32) -> (i32, i32, i32) {
    %c1_i32 = arith.constant 1 : i32
    %c0_i32 = arith.constant 0 : i32
    %c0_i32_0 = arith.constant 0 : i32
    return %c1_i32, %arg0, %c0_i32 : i32, i32, i32
  }
  func.func @transform_3(%arg0: i32) -> (i32, i32) {
    %c0_i32 = arith.constant 0 : i32
    %c0_i32_0 = arith.constant 0 : i32
    %c0_i32_1 = arith.constant 0 : i32
    return %c0_i32, %c0_i32_0 : i32, i32
  }
  func.func @transform_4(%arg0: i32) -> (i32, i32) {
    %c0_i32 = arith.constant 0 : i32
    %c0_i32_0 = arith.constant 0 : i32
    %c0_i32_1 = arith.constant 0 : i32
    return %c0_i32, %c0_i32_0 : i32, i32
  }
  func.func @transform_5(%arg0: i32) -> (i32, i32) {
    %c0_i32 = arith.constant 0 : i32
    %c0_i32_0 = arith.constant 0 : i32
    %c0_i32_1 = arith.constant 0 : i32
    return %c0_i32, %c0_i32_0 : i32, i32
  }
  func.func @transform_6(%arg0: i32) -> (i32, i32) {
    %c0_i32 = arith.constant 0 : i32
    %c0_i32_0 = arith.constant 0 : i32
    %c0_i32_1 = arith.constant 0 : i32
    return %c0_i32, %c0_i32_0 : i32, i32
  }
  func.func @transform_7(%arg0: i32) -> (i32, i32) {
    %c0_i32 = arith.constant 0 : i32
    %c0_i32_0 = arith.constant 0 : i32
    %c0_i32_1 = arith.constant 0 : i32
    return %c0_i32, %c0_i32_0 : i32, i32
  }
  func.func @transform_8(%arg0: i32) -> (i32, i32) {
    %c0_i32 = arith.constant 0 : i32
    %c0_i32_0 = arith.constant 0 : i32
    %c0_i32_1 = arith.constant 0 : i32
    return %c0_i32, %c0_i32_0 : i32, i32
  }
  func.func @transform_9(%arg0: i32) -> (i32, i32) {
    %c0_i32 = arith.constant 0 : i32
    %c0_i32_0 = arith.constant 0 : i32
    %c0_i32_1 = arith.constant 0 : i32
    return %c0_i32, %c0_i32_0 : i32, i32
  }
  func.func @transform_10(%arg0: i32) -> (i32, i32) {
    %c0_i32 = arith.constant 0 : i32
    %c0_i32_0 = arith.constant 0 : i32
    %c0_i32_1 = arith.constant 0 : i32
    return %c0_i32, %c0_i32_0 : i32, i32
  }
  func.func @transform_11(%arg0: i32) -> (i32, i32) {
    %c0_i32 = arith.constant 0 : i32
    %c0_i32_0 = arith.constant 0 : i32
    %c0_i32_1 = arith.constant 0 : i32
    return %c0_i32, %c0_i32_0 : i32, i32
  }
}

</mosaic_0001>

<sc_bundles>
// kernel: kernel.12.cloned.1.call-start
scs
__scs_entry_jumppad:
0x0: {  	(pc) =	sbr.rel $0x88, $3  }
0x1: {  	(tag) =	ssettag $0x0;
	lr =	simm.s32 $0x1  }
0x2: {  	[smem:$0x3F7E] =	sst lr;
	_ =	strace $0xD0000000  }
0x3: {  	_ = 	snop  }
0x4: {  	_ = 	snop  }
0x5: {  	_ = 	snop  }
0x6: {  	_ = 	snop  }
0x7: {  	_ = 	snop  }
__scs_overlays_trampoline_lowered:
0x8: {  	[smem:$0x3F8D] =	sst s0  }
0x9: {  	[smem:$0x3F8E] =	sst s1  }
0xa: {  	[smem:$0x3F8F] =	sst s2  }
0xb: {  	[smem:$0x3F90] =	sst s3  }
0xc: {  	[smem:$0x3F91] =	sst s4  }
0xd: {  	[smem:$0x3F92] =	sst s5  }
0xe: {  	[smem:$0x3F93] =	sst s6  }
0xf: {  	[smem:$0x3F94] =	sst s7  }
0x10: {  	[smem:$0x3F95] =	sst s8  }
0x11: {  	[smem:$0x3F96] =	sst s9;
	s0 =	simm.s32 @!p0 $0x0  }
0x12: {  	s1 =	sld [smem:$0x3F7C];
	s0 =	simm.s32 @p0 $0x1  }
0x13: {  	[smem:$0x3F97] =	sst s0;
	s0 =	simm.s32 @!p1 $0x0  }
0x14: {  	s2 =	sld [smem:$0x3F7B];
	s0 =	simm.s32 @p1 $0x1  }
0x15: {  	[smem:$0x3F98] =	sst s0;
	s0 =	simm.s32 @!p2 $0x0  }
0x16: {  	s3 =	sld [smem:$0x3FDB];
	s0 =	simm.s32 @p2 $0x1  }
0x17: {  	s4 =	simm.s32 $0x1BF5;
	[smem:$0x3F9A] =	sst s0  }
0x18: {  	s0 =	sld [smem:$0x3F7D];
	_ =	swait.ge [sflag:s4], $0x0  }
0x19: {  	s7 =	sld [smem:$0x3F7E]  }
0x1a: {  	s8 =	sadd.s32 $0xFFFFE003, lr  }
0x1b: {  	s9 =	sadd.s32 $0xFFFFFEF7, lr;
	s5 =	simm.s32 $0xFFFFFFFF;
	p2 =	slt.u32 s8, $0xFFFFF086  }
0x1c: {  	p1 =	slt.u32 s9, $0xF7A;
	s5 =	simm.s32 @!p2 $0x0  }
0x1d: {  	s5 =	simm.s32 @p1 $0x1;
	p0 =	seq.s32 s7, s2  }
0x1e: {  	s7 =	smul.u32 @!p0 $0xF7A, s2;
	p2 =	seq.s32 @!p0 s5, $0x0  }
0x1f: {  	s9 =	smul.u32 $0xF7A, s1;
	s8 =	simm.s32 @!p0 $0x1BF5;
	p2 =	por !p2, p0  }
0x20: {  	[sflag:s8] =	ssyncset.s32 @!p0 $0xFFFFF086;
	s6 =	sadd.s32 @!p0 s3, s7;
	s7 =	simm.s32 @!p0 $0x108  }
0x21: {  	s3 =	sadd.s32 s3, s9;
	s6 =	sadd.s32 @!p0 $0x88, s6;
	s7 =	simm.s32 @p2 $0x1082  }
0x22: {  	[simem:s7], [sflag:s8] =	dma.local @!p0 [hbm:s6], $0xF7A  }
0x23: {  	s9 =	sor.u32 $0xD0000000, s2;
	s6 =	simm.s32 $0x108;
	_ =	swait.ge @!p0 [sflag:s8], $0x0  }
0x24: {  	s3 =	sadd.s32 $0x88, s3;
	s6 =	simm.s32 @!p1 $0x1082;
	[sflag:s4] =	ssyncset.s32 $0xFFFFF086  }
0x25: {  	[simem:s6], [sflag:s4] =	dma.local [hbm:s3], $0xF7A  }
0x26: {  	[smem:$0x3F7E] =	sst s1;
	(tag) =	ssettag s2;
	_ =	strace s9  }
0x27: {  	s1 =	sld [smem:$0x3F8E]  }
0x28: {  	s2 =	sld [smem:$0x3F8F]  }
0x29: {  	s4 =	sld [smem:$0x3F91]  }
0x2a: {  	p0 =	seq.s32 s5, $0x0;
	s5 =	sld [smem:$0x3F92]  }
0x2b: {  	s6 =	sld [smem:$0x3F93]  }
0x2c: {  	s7 =	sld [smem:$0x3F94]  }
0x2d: {  	s3 =	simm.s32 $0x108;
	s8 =	sld [smem:$0x3F95]  }
0x2e: {  	s3 =	simm.s32 @!p0 $0x1082;
	s9 =	sld [smem:$0x3F96]  }
0x2f: {  	lr =	sadd.s32 s0, s3;
	s0 =	sld [smem:$0x3F8D]  }
0x30: {  	s3 =	sld [smem:$0x3F90]  }
0x31: {  	[smem:$0x3F99] =	sst s10  }
0x32: {  	s10 =	sld [smem:$0x3F97];
	_ =	sdelay $0x3  }
0x33: {  	p0 =	seq.s32 s10, $0x1;
	s10 =	sld [smem:$0x3F99];
	_ =	sdelay $0x3  }
0x34: {  	[smem:$0x3F99] =	sst s10  }
0x35: {  	s10 =	sld [smem:$0x3F98];
	_ =	sdelay $0x3  }
0x36: {  	p1 =	seq.s32 s10, $0x1;
	s10 =	sld [smem:$0x3F99];
	_ =	sdelay $0x3  }
0x37: {  	[smem:$0x3F99] =	sst s10  }
0x38: {  	s10 =	sld [smem:$0x3F9A]  }
0x39: {  	_ = 	snop;
	(pc) =	sbr.ind lr, $3  }
0x3a: {  	_ = 	snop  }
0x3b: {  	_ = 	snop  }
0x3c: {  	p2 =	seq.s32 s10, $0x1;
	s10 =	sld [smem:$0x3F99]  }
0x3d: {  	_ =	shalt  }
0x3e: {  	_ =	shalt  }
0x3f: {  	_ =	shalt  }
0x40: {  	_ =	shalt  }
0x41: {  	_ =	shalt  }
0x42: {  	_ =	shalt  }
0x43: {  	_ =	shalt  }
0x44: {  	_ =	shalt  }
0x45: {  	_ =	shalt  }
0x46: {  	_ =	shalt  }
0x47: {  	_ =	shalt  }
0x48: {  	_ =	shalt  }
0x49: {  	_ =	shalt  }
0x4a: {  	_ =	shalt  }
0x4b: {  	_ =	shalt  }
0x4c: {  	_ =	shalt  }
0x4d: {  	_ =	shalt  }
0x4e: {  	_ =	shalt  }
0x4f: {  	_ =	shalt  }
0x50: {  	_ =	shalt  }
0x51: {  	_ =	shalt  }
0x52: {  	_ =	shalt  }
0x53: {  	_ =	shalt  }
0x54: {  	_ =	shalt  }
0x55: {  	_ =	shalt  }
0x56: {  	_ =	shalt  }
0x57: {  	_ =	shalt  }
0x58: {  	_ =	shalt  }
0x59: {  	_ =	shalt  }
0x5a: {  	_ =	shalt  }
0x5b: {  	_ =	shalt  }
0x5c: {  	_ =	shalt  }
0x5d: {  	_ =	shalt  }
0x5e: {  	_ =	shalt  }
0x5f: {  	_ =	shalt  }
0x60: {  	_ =	shalt  }
0x61: {  	_ =	shalt  }
0x62: {  	_ =	shalt  }
0x63: {  	_ =	shalt  }
0x64: {  	_ =	shalt  }
0x65: {  	_ =	shalt  }
0x66: {  	_ =	shalt  }
0x67: {  	_ =	shalt  }
0x68: {  	_ =	shalt  }
0x69: {  	_ =	shalt  }
0x6a: {  	_ =	shalt  }
0x6b: {  	_ =	shalt  }
0x6c: {  	_ =	shalt  }
0x6d: {  	_ =	shalt  }
0x6e: {  	_ =	shalt  }
0x6f: {  	_ =	shalt  }
0x70: {  	_ =	shalt  }
0x71: {  	_ =	shalt  }
0x72: {  	_ =	shalt  }
0x73: {  	_ =	shalt  }
0x74: {  	_ =	shalt  }
0x75: {  	_ =	shalt  }
0x76: {  	_ =	shalt  }
0x77: {  	_ =	shalt  }
0x78: {  	_ =	shalt  }
0x79: {  	_ =	shalt  }
0x7a: {  	_ =	shalt  }
0x7b: {  	_ =	shalt  }
0x7c: {  	_ =	shalt  }
0x7d: {  	_ =	shalt  }
0x7e: {  	_ =	shalt  }
0x7f: {  	_ =	shalt  }
0x80: {  	_ =	shalt  }
0x81: {  	_ =	shalt  }
0x82: {  	_ =	shalt  }
0x83: {  	_ =	shalt  }
0x84: {  	_ =	shalt  }
0x85: {  	_ =	shalt  }
0x86: {  	_ =	shalt  }
0x87: {  	_ =	shalt  }
.Lfunc_end0:
.L_simem_size_0:
called_computation_lowered:
.L_overlay_start_0:
0x88: {  	s2 =	sld [smem:$0x3FD9]  }
0x89: {  	s3 =	sld [smem:$0x3FFE];
	_ =	sdelay $0x1  }
0x8a: {  	s1 =	srdreg.scid  }
0x8b: {  	s0 =	sand.u32 $0x1, s1  }
0x8c: {  	s16 =	sshll.u32 s0, $0xA;
	s2 =	sadd.s32 s3, s2  }
0x8d: {  	s2 =	sadd.s32 s2, s16  }
0x8e: {  	[smem:$0x3FA5] =	sst s2  }
0x8f: {  	_ = 	snop  }
0x90: {  	(tm) =	ssettm $0x1  }
0x91: {  	s17 =	sld [smem:$0x3FFB];
	_ =	sdelay $0x3  }
0x92: {  	_ =	strace s17  }
0x93: {  	s2 =	sld [smem:$0x3FFC];
	_ =	sdelay $0x3  }
0x94: {  	_ =	strace s2  }
0x95: {  	s2 =	sld [smem:$0x3FFD];
	_ =	sdelay $0x3  }
0x96: {  	_ =	strace s2  }
0x97: {  	_ =	strace $0x8FFFFFFF  }
0x98: {  	s18 =	sld [smem:$0x3FDB];
	_ =	sdelay $0x1  }
0x99: {  	s19 =	simm.s32 $_scs_section_size  }
0x9a: {  	s4 =	simm.s32 $_size__tile_overlayer_lowered;
	s5 =	simm.s32 $_tile_overlayer_lowered  }
0x9b: {  	s22 =	simm.s32 $0x1BFF;
	s21 =	sshll.u32 s5, $0x1;
	s2 =	sadd.s32 s19, s18  }
0x9c: {  	s6 =	simm.s32 $0x0;
	s20 =	sshll.u32 s4, $0x1;
	s4 =	sadd.s32 s21, s2  }
0x9d: {  	[timem:s6], [sflag:s22] =	dma.local [hbm:s4], s20  }
0x9e: {  	_ =	swait.ge [sflag:s22], s20  }
0x9f: {  	s3 =	ssub.s32 $0x0, s20;
	[sflag:s22] =	ssyncset.done $0x0  }
0xa0: {  	[sflag:s22] =	ssyncadd.s32 s3;
	_ =	sdelay $0x1  }
0xa1: {  	s23 =	simm.s32 $0x1B8B  }
0xa2: {  	_ =	swait.ge [sflag:s23], $0x1  }
0xa3: {  	[sflag:s23] =	ssyncset.done $0x0  }
0xa4: {  	s25 =	simm.s32 $0x1B8E;
	s24 =	sld [smem:$0x3FFE];
	[sflag:s23] =	ssyncadd.s32 $0xFFFFFFFF  }
0xa5: {  	s26 =	simm.s32 $execute0_lowered;
	[smem:$0x3FD2] =	sst s25  }
0xa6: {  	s4 =	sshll.u32 s26, $0x1;
	_ =	strace $0x80000046;
	[dreg:$0x1] =	wrdreg $0xFFFFFFFF  }
0xa7: {  	s28 =	simm.s32 $_size_execute0_lowered;
	s2 =	sadd.s32 s2, s4;
	[dreg:$0x0] =	wrdreg $0x0  }
0xa8: {  	s4 =	sshll.u32 s28, $0x1;
	[dreg:$0x2] =	wrdreg s2  }
0xa9: {  	[dreg:$0x3] =	wrdreg s4  }
0xaa: {  	[dreg:$0x4] =	wrdreg $0xC0  }
0xab: {  	_ =	task [dreg:s6], $0x5FFFF  }
0xac: {  	[dreg:$0x1] =	wrdreg $0xFFFFFFFF  }
0xad: {  	[dreg:$0x0] =	wrdreg $0x60  }
0xae: {  	[dreg:$0x2] =	wrdreg s24  }
0xaf: {  	[dreg:$0x3] =	wrdreg $0x62000  }
0xb0: {  	[dreg:$0x4] =	wrdreg $0x9  }
0xb1: {  	_ =	task.clear_ibuf [dreg:s6], $0x5FFFF;
	_ =	strace $0x90000046  }
0xb2: {  	s29 =	simm.s32 $0x9;
	_ =	strace $0x80000048  }
0xb3: {  	_ =	swait.ge [sflag:s29], $0x1  }
0xb4: {  	[sflag:s29] =	ssyncadd.s32 $0xFFFFFFFF  }
0xb5: {  	_ =	strace $0x90000048  }
0xb6: {  	_ =	sfence  }
0xb7: {  	s30 =	sld [smem:$0x0];
	_ =	sdelay $0x2  }
0xb8: {  	s31 =	sshll.u32 s1, $0xD;
	s1 =	sshrl.u32 s1, $0x2  }
0xb9: {  	s3 =	sand.u32 $0x4000, s31;
	s1 =	sadd.s32 s1, s30  }
0xba: {  	s0 =	sor.u32 s3, s0;
	s1 =	sshll.u32 s1, $0x11  }
0xbb: {  	s0 =	sor.u32 s1, s0  }
0xbc: {  	s0 =	sadd.s32 $0x8F2B, s0  }
0xbd: {  	[sflag:s0] =	ssyncadd.remote.s32 $0x1  }
0xbe: {  	_ =	sfence.sel $0xFFFF  }
0xbf: {  	[dreg:$0x0] =	wrdreg $0xFFFFFFFF;
	(pc) =	sbr.abs _section_cstart, $3  }
0xc0: {  	[dreg:$0x1] =	wrdreg $0xFFFFFFFF  }
0xc1: {  	_ =	task.clear_ibuf [dreg:s6], $0x2FFFF;
	_ =	strace $0x9FFFFFFF  }
0xc2: {  	(tm) =	ssettm $0x7FFFFFFF  }
0xc3: {  	_ =	shalt  }
tec
execute0_lowered:
.L_overlay_start_1:
0x0: {  	(tag) =	ssettag $0x1  }
0x1: {  	s2 =	srdreg.scid;
	s14 =	stileid.u32  }
0x2: {  	s2 =	sand.u32 $0x1, s2;
	s8 =	smul.u32 $0x18700, s14  }
0x3: {  	s0 =	rddreg [dreg:$0x0];
	s7 =	smul.u32 $0x187000, s2  }
0x4: {  	s1 =	rddreg [dreg:$0x1];
	s3 =	simm.s32 $0x0;
	s10 =	smul.u32 $0x190, s14  }
0x5: {  	s4 =	sadd.s32 $0x24FE00, s0;
	s9 =	smul.u32 $0x1900, s2;
	s7 =	sadd.s32 s8, s7  }
0x6: {  	s5 =	sadd.s32 $0x8CC200, s0;
	s6 =	sadd.s32 $0x6000, s0;
	s7 =	sshrl.u32 s7, $0x3  }
0x7: {  	s12 =	smul.u32 $0x61C00, s14;
	s0 =	sadd.s32 s7, s0;
	s7 =	sadd.s32 s10, s9  }
0x8: {  	[smem:$0x7FF] =	sst s3;
	s20 =	smul.u32 $0x64000, s14;
	s9 =	sshll.u32 s7, $0x5  }
0x9: {  	_ =	strace $0x80000047;
	s12 =	sshrl.u32 s12, $0x2;
	s9 =	sadd.s32 s6, s9  }
0xa: {  	s10 =	sadd.s32 s5, s20;
	[dreg:$0x3] =	wrdreg s9;
	s9 =	sadd.s32 s12, s1  }
0xb: {  	[dreg:$0x4] =	wrdreg s10;
	s21 =	sadd.s32 $0x1000, s9  }
0xc: {  	s22 =	sadd.s32 $0x2000, s9;
	[dreg:$0x5] =	wrdreg s21  }
0xd: {  	s23 =	sadd.s32 $0x3000, s9;
	[dreg:$0x6] =	wrdreg s22  }
0xe: {  	s24 =	sadd.s32 $0x4000, s9;
	[dreg:$0x7] =	wrdreg s23  }
0xf: {  	s25 =	sadd.s32 $0x5000, s9;
	[dreg:$0x8] =	wrdreg s24  }
0x10: {  	s26 =	sadd.s32 $0x6000, s9;
	[dreg:$0x9] =	wrdreg s25  }
0x11: {  	s11 =	ssub.s32 $0x2, s2;
	s30 =	sadd.s32 $0x7000, s9;
	[dreg:$0xa] =	wrdreg s26  }
0x12: {  	s13 =	sshrl.u32 s11, $0x1;
	s31 =	sadd.s32 $0x8000, s9;
	[dreg:$0xb] =	wrdreg s30  }
0x13: {  	s13 =	ssub.s32 s11, s13;
	s11 =	sadd.s32 $0x9000, s9;
	[dreg:$0xc] =	wrdreg s31  }
0x14: {  	s12 =	sadd.s32 $0xA000, s9;
	[dreg:$0xd] =	wrdreg s11  }
0x15: {  	s15 =	sadd.s32 $0xB000, s9;
	[dreg:$0xe] =	wrdreg s12  }
0x16: {  	s16 =	sadd.s32 $0xC000, s9;
	[dreg:$0xf] =	wrdreg s15  }
0x17: {  	s17 =	sadd.s32 $0xD000, s9;
	[dreg:$0x10] =	wrdreg s16  }
0x18: {  	s18 =	sadd.s32 $0xE000, s9;
	[dreg:$0x11] =	wrdreg s17  }
0x19: {  	s28 =	simm.s32 $0x0;
	s19 =	sadd.s32 $0xF000, s9;
	[dreg:$0x12] =	wrdreg s18  }
0x1a: {  	s29 =	simm.s32 $0x0;
	s20 =	sadd.s32 $0x10000, s9;
	[dreg:$0x13] =	wrdreg s19  }
0x1b: {  	p0 =	sne.s32 s2, $0x0;
	s10 =	sadd.s32 s8, s1;
	[dreg:$0x14] =	wrdreg s20  }
0x1c: {  	s21 =	sadd.s32 $0x11000, s9;
	s22 =	sadd.s32 $0x12000, s9;
	s23 =	sadd.s32 $0x13000, s9  }
0x1d: {  	s24 =	sadd.s32 $0x14000, s9;
	s25 =	sadd.s32 $0x15000, s9;
	[dreg:$0x15] =	wrdreg s21  }
0x1e: {  	s26 =	sadd.s32 $0x16000, s9;
	s30 =	sadd.s32 $0x17000, s9;
	[dreg:$0x16] =	wrdreg s22  }
0x1f: {  	s31 =	sadd.s32 $0x18000, s9;
	s11 =	sadd.s32 $0x6A000, s0;
	[dreg:$0x17] =	wrdreg s23  }
0x20: {  	s12 =	smax.u32 s13, $0x1;
	s13 =	smul.u32 $0x320000, s14;
	[dreg:$0x18] =	wrdreg s24  }
0x21: {  	s14 =	simm.s32 $0x7;
	s15 =	simm.s32 $0x80;
	[dreg:$0x19] =	wrdreg s25  }
.Ltmp0:
0x22: {  	s16 =	simm.s32 $0x200;
	[dreg:$0x1a] =	wrdreg s26;
	(pc) =	sbr.rel .LBB2_1-.Ltmp0, $4  }
0x23: {  	s17 =	simm.s32 $0x1200;
	s18 =	simm.s32 $0x100;
	[dreg:$0x1b] =	wrdreg s30  }
0x24: {  	s19 =	simm.s32 $0x4200;
	s20 =	simm.s32 $0x3;
	[dreg:$0x1c] =	wrdreg s31  }
0x25: {  	s21 =	simm.s32 $0x1;
	s22 =	simm.s32 $0x5;
	s23 =	simm.s32 $0x4  }
0x26: {  	v0 =	vimm.f32 $0.0e+00;
	s24 =	simm.s32 $0x2;
	s25 =	simm.s32 $0x180;
	s26 =	simm.s32 $0x6  }
.LBB2_19:
0x27: {  	_ =	swait.ge [sflag:s26], $0x1000;
	s0 =	stileid.u32  }
0x28: {  	s2 =	sshrl.u32 s10, $0x3;
	s28 =	sadd.s32 $0x1, s28;
	[sflag:s26] =	ssyncset.done $0x0  }
0x29: {  	s0 =	sshll.u32 s0, $0x6;
	p1 =	sne.s32 s28, s12;
	[sflag:s26] =	ssyncadd.s32 $0xFFFFF000  }
.Ltmp1:
0x2a: {  	s0 =	sor.u32 $0x1C07, s0;
	[bflag:$0x0] =	sbarrier.arrive $0xFFFF;
	(pc) =	sbr.rel @!p1 .LBB2_20-.Ltmp1, $4  }
0x2b: {  	[hbm:s11], [sflag:s0] =	dma.local [spmem:s2], $0x30E0  }
0x2c: {  	_ =	swait.ge [sflag:s14], $0x30E0  }
0x2d: {  	[sflag:s14] =	ssyncset.done $0x0  }
0x2e: {  	[sflag:s14] =	ssyncadd.s32 $0xFFFFCF20  }
.LBB2_1:
0x2f: {  	s0 =	rddreg [dreg:$0x3]  }
0x30: {  	[tilespmem:s3], [sflag:$0x7] =	stream.linear.gather [hbm4b:s0+s3], $0x100, $0x38;
	[tilespmem:$0x1E900] =	vst v63  }
0x31: {  	_ =	swait.ge [sflag:s14], $0x100  }
0x32: {  	[sflag:s14] =	ssyncset.done $0x0  }
0x33: {  	s2 =	simm.s32 $0x2200;
	s31 =	rddreg [dreg:$0x4];
	[sflag:s14] =	ssyncadd.s32 $0xFFFFFF00  }
0x34: {  	[tilespmem:s2], [sflag:$0x3] =	stream.linear.gather [hbm4b:s31+s3], $0x2000, $0x38;
	[tilespmem:$0x1E900] =	vst v63  }
0x35: {  	s0 =	simm.s32 $0x80;
	s2 =	simm.s32 $0x0  }
0x36: {  	[tilespmem:s16], [sflag:$0x1] =	stream.indirect.gather [hbm4b:s4+s15], $0x20, s3, s15, $0xb8;
	[tilespmem:$0x1E900] =	vst v63  }
.LBB2_2:
0x37: {  	p1 =	sne.s32 s0, $0x3F80;
	[tilespmem:s2+$0x1200] =	vst v0;
	s8 =	smov.u32 s0;
	s0 =	sadd.s32 $0x80, s0  }
.Ltmp2:
0x38: {  	[tilespmem:s2+$0x1210] =	vst v0;
	(pc) =	sbr.rel @p1 .LBB2_2-.Ltmp2, $2  }
0x39: {  	_ =	sdelay $0x2  }
0x3a: {  	s2 =	sshra.s32 s8, $0x2  }
0x3b: {  	[tilespmem:s2+$0x1200] =	vst v0  }
0x3c: {  	[tilespmem:s2+$0x1210] =	vst v0  }
0x3d: {  	[spmem:s10] =	stream.linear.scatter [tilespmem:s17], [sflag:$0x7], $0x1000, $0x38;
	[tilespmem:$0x1E900] =	vst v63  }
0x3e: {  	_ =	swait.ge [sflag:s14], $0x1000  }
0x3f: {  	[sflag:s14] =	ssyncset.done $0x0  }
0x40: {  	s0 =	rddreg [dreg:$0x5];
	[sflag:s14] =	ssyncadd.s32 $0xFFFFF000  }
0x41: {  	[spmem:s0] =	stream.linear.scatter [tilespmem:s17], [sflag:$0x7], $0x1000, $0x38;
	[tilespmem:$0x1E900] =	vst v63  }
0x42: {  	_ =	swait.ge [sflag:s14], $0x1000  }
0x43: {  	[sflag:s14] =	ssyncset.done $0x0  }
0x44: {  	s8 =	rddreg [dreg:$0x6];
	[sflag:s14] =	ssyncadd.s32 $0xFFFFF000  }
0x45: {  	[spmem:s8] =	stream.linear.scatter [tilespmem:s17], [sflag:$0x7], $0x1000, $0x38;
	[tilespmem:$0x1E900] =	vst v63  }
0x46: {  	_ =	swait.ge [sflag:s14], $0x1000  }
0x47: {  	[sflag:s14] =	ssyncset.done $0x0  }
0x48: {  	s9 =	rddreg [dreg:$0x7];
	[sflag:s14] =	ssyncadd.s32 $0xFFFFF000  }
0x49: {  	[spmem:s9] =	stream.linear.scatter [tilespmem:s17], [sflag:$0x7], $0x1000, $0x38;
	[tilespmem:$0x1E900] =	vst v63  }
0x4a: {  	_ =	swait.ge [sflag:s14], $0x1000  }
0x4b: {  	[sflag:s14] =	ssyncset.done $0x0  }
0x4c: {  	s31 =	rddreg [dreg:$0x8];
	[sflag:s14] =	ssyncadd.s32 $0xFFFFF000  }
0x4d: {  	[spmem:s31] =	stream.linear.scatter [tilespmem:s17], [sflag:$0x7], $0x1000, $0x38;
	[tilespmem:$0x1E900] =	vst v63  }
0x4e: {  	_ =	swait.ge [sflag:s14], $0x1000  }
0x4f: {  	[sflag:s14] =	ssyncset.done $0x0  }
0x50: {  	s2 =	rddreg [dreg:$0x9];
	[sflag:s14] =	ssyncadd.s32 $0xFFFFF000  }
0x51: {  	[spmem:s2] =	stream.linear.scatter [tilespmem:s17], [sflag:$0x7], $0x1000, $0x38;
	[tilespmem:$0x1E900] =	vst v63  }
0x52: {  	_ =	swait.ge [sflag:s14], $0x1000  }
0x53: {  	[sflag:s14] =	ssyncset.done $0x0  }
0x54: {  	s8 =	rddreg [dreg:$0xa];
	[sflag:s14] =	ssyncadd.s32 $0xFFFFF000  }
0x55: {  	[spmem:s8] =	stream.linear.scatter [tilespmem:s17], [sflag:$0x7], $0x1000, $0x38;
	[tilespmem:$0x1E900] =	vst v63  }
0x56: {  	_ =	swait.ge [sflag:s14], $0x1000  }
0x57: {  	[sflag:s14] =	ssyncset.done $0x0  }
0x58: {  	s9 =	rddreg [dreg:$0xb];
	[sflag:s14] =	ssyncadd.s32 $0xFFFFF000  }
0x59: {  	[spmem:s9] =	stream.linear.scatter [tilespmem:s17], [sflag:$0x7], $0x1000, $0x38;
	[tilespmem:$0x1E900] =	vst v63  }
0x5a: {  	_ =	swait.ge [sflag:s14], $0x1000  }
0x5b: {  	[sflag:s14] =	ssyncset.done $0x0  }
0x5c: {  	s31 =	rddreg [dreg:$0xc];
	[sflag:s14] =	ssyncadd.s32 $0xFFFFF000  }
0x5d: {  	[spmem:s31] =	stream.linear.scatter [tilespmem:s17], [sflag:$0x7], $0x1000, $0x38;
	[tilespmem:$0x1E900] =	vst v63  }
0x5e: {  	_ =	swait.ge [sflag:s14], $0x1000  }
0x5f: {  	[sflag:s14] =	ssyncset.done $0x0  }
0x60: {  	s2 =	rddreg [dreg:$0xd];
	[sflag:s14] =	ssyncadd.s32 $0xFFFFF000  }
0x61: {  	[spmem:s2] =	stream.linear.scatter [tilespmem:s17], [sflag:$0x7], $0x1000, $0x38;
	[tilespmem:$0x1E900] =	vst v63  }
0x62: {  	_ =	swait.ge [sflag:s14], $0x1000  }
0x63: {  	[sflag:s14] =	ssyncset.done $0x0  }
0x64: {  	s8 =	rddreg [dreg:$0xe];
	[sflag:s14] =	ssyncadd.s32 $0xFFFFF000  }
0x65: {  	[spmem:s8] =	stream.linear.scatter [tilespmem:s17], [sflag:$0x7], $0x1000, $0x38;
	[tilespmem:$0x1E900] =	vst v63  }
0x66: {  	_ =	swait.ge [sflag:s14], $0x1000  }
0x67: {  	[sflag:s14] =	ssyncset.done $0x0  }
0x68: {  	s9 =	rddreg [dreg:$0xf];
	[sflag:s14] =	ssyncadd.s32 $0xFFFFF000  }
0x69: {  	[spmem:s9] =	stream.linear.scatter [tilespmem:s17], [sflag:$0x7], $0x1000, $0x38;
	[tilespmem:$0x1E900] =	vst v63  }
0x6a: {  	_ =	swait.ge [sflag:s14], $0x1000  }
0x6b: {  	[sflag:s14] =	ssyncset.done $0x0  }
0x6c: {  	s31 =	rddreg [dreg:$0x10];
	[sflag:s14] =	ssyncadd.s32 $0xFFFFF000  }
0x6d: {  	[spmem:s31] =	stream.linear.scatter [tilespmem:s17], [sflag:$0x7], $0x1000, $0x38;
	[tilespmem:$0x1E900] =	vst v63  }
0x6e: {  	_ =	swait.ge [sflag:s14], $0x1000  }
0x6f: {  	[sflag:s14] =	ssyncset.done $0x0  }
0x70: {  	s2 =	rddreg [dreg:$0x11];
	[sflag:s14] =	ssyncadd.s32 $0xFFFFF000  }
0x71: {  	[spmem:s2] =	stream.linear.scatter [tilespmem:s17], [sflag:$0x7], $0x1000, $0x38;
	[tilespmem:$0x1E900] =	vst v63  }
0x72: {  	_ =	swait.ge [sflag:s14], $0x1000  }
0x73: {  	[sflag:s14] =	ssyncset.done $0x0  }
0x74: {  	s8 =	rddreg [dreg:$0x12];
	[sflag:s14] =	ssyncadd.s32 $0xFFFFF000  }
0x75: {  	[spmem:s8] =	stream.linear.scatter [tilespmem:s17], [sflag:$0x7], $0x1000, $0x38;
	[tilespmem:$0x1E900] =	vst v63  }
0x76: {  	_ =	swait.ge [sflag:s14], $0x1000  }
0x77: {  	[sflag:s14] =	ssyncset.done $0x0  }
0x78: {  	s9 =	rddreg [dreg:$0x13];
	[sflag:s14] =	ssyncadd.s32 $0xFFFFF000  }
0x79: {  	[spmem:s9] =	stream.linear.scatter [tilespmem:s17], [sflag:$0x7], $0x1000, $0x38;
	[tilespmem:$0x1E900] =	vst v63  }
0x7a: {  	_ =	swait.ge [sflag:s14], $0x1000  }
0x7b: {  	[sflag:s14] =	ssyncset.done $0x0  }
0x7c: {  	s31 =	rddreg [dreg:$0x14];
	[sflag:s14] =	ssyncadd.s32 $0xFFFFF000  }
0x7d: {  	[spmem:s31] =	stream.linear.scatter [tilespmem:s17], [sflag:$0x7], $0x1000, $0x38;
	[tilespmem:$0x1E900] =	vst v63  }
0x7e: {  	_ =	swait.ge [sflag:s14], $0x1000  }
0x7f: {  	[sflag:s14] =	ssyncset.done $0x0  }
0x80: {  	s2 =	rddreg [dreg:$0x15];
	[sflag:s14] =	ssyncadd.s32 $0xFFFFF000  }
0x81: {  	[spmem:s2] =	stream.linear.scatter [tilespmem:s17], [sflag:$0x7], $0x1000, $0x38;
	[tilespmem:$0x1E900] =	vst v63  }
0x82: {  	_ =	swait.ge [sflag:s14], $0x1000  }
0x83: {  	[sflag:s14] =	ssyncset.done $0x0  }
0x84: {  	s8 =	rddreg [dreg:$0x16];
	[sflag:s14] =	ssyncadd.s32 $0xFFFFF000  }
0x85: {  	[spmem:s8] =	stream.linear.scatter [tilespmem:s17], [sflag:$0x7], $0x1000, $0x38;
	[tilespmem:$0x1E900] =	vst v63  }
0x86: {  	_ =	swait.ge [sflag:s14], $0x1000  }
0x87: {  	[sflag:s14] =	ssyncset.done $0x0  }
0x88: {  	s9 =	rddreg [dreg:$0x17];
	[sflag:s14] =	ssyncadd.s32 $0xFFFFF000  }
0x89: {  	[spmem:s9] =	stream.linear.scatter [tilespmem:s17], [sflag:$0x7], $0x1000, $0x38;
	[tilespmem:$0x1E900] =	vst v63  }
0x8a: {  	_ =	swait.ge [sflag:s14], $0x1000  }
0x8b: {  	[sflag:s14] =	ssyncset.done $0x0  }
0x8c: {  	s31 =	rddreg [dreg:$0x18];
	[sflag:s14] =	ssyncadd.s32 $0xFFFFF000  }
0x8d: {  	[spmem:s31] =	stream.linear.scatter [tilespmem:s17], [sflag:$0x7], $0x1000, $0x38;
	[tilespmem:$0x1E900] =	vst v63  }
0x8e: {  	_ =	swait.ge [sflag:s14], $0x1000  }
0x8f: {  	[sflag:s14] =	ssyncset.done $0x0  }
0x90: {  	s2 =	rddreg [dreg:$0x19];
	[sflag:s14] =	ssyncadd.s32 $0xFFFFF000  }
0x91: {  	[spmem:s2] =	stream.linear.scatter [tilespmem:s17], [sflag:$0x7], $0x1000, $0x38;
	[tilespmem:$0x1E900] =	vst v63  }
0x92: {  	_ =	swait.ge [sflag:s14], $0x1000  }
0x93: {  	[sflag:s14] =	ssyncset.done $0x0  }
0x94: {  	s8 =	rddreg [dreg:$0x1a];
	[sflag:s14] =	ssyncadd.s32 $0xFFFFF000  }
0x95: {  	[spmem:s8] =	stream.linear.scatter [tilespmem:s17], [sflag:$0x7], $0x1000, $0x38;
	[tilespmem:$0x1E900] =	vst v63  }
0x96: {  	_ =	swait.ge [sflag:s14], $0x1000  }
0x97: {  	[sflag:s14] =	ssyncset.done $0x0  }
0x98: {  	s9 =	rddreg [dreg:$0x1b];
	[sflag:s14] =	ssyncadd.s32 $0xFFFFF000  }
0x99: {  	[spmem:s9] =	stream.linear.scatter [tilespmem:s17], [sflag:$0x7], $0x1000, $0x38;
	[tilespmem:$0x1E900] =	vst v63  }
0x9a: {  	_ =	swait.ge [sflag:s14], $0x1000  }
0x9b: {  	[sflag:s14] =	ssyncset.done $0x0  }
0x9c: {  	s31 =	rddreg [dreg:$0x1c];
	[sflag:s14] =	ssyncadd.s32 $0xFFFFF000  }
0x9d: {  	[spmem:s31] =	stream.linear.scatter [tilespmem:s17], [sflag:$0x7], $0x700, $0x38;
	[tilespmem:$0x1E900] =	vst v63  }
.Ltmp3:
0x9e: {  	_ =	swait.ge [sflag:s14], $0x700;
	(pc) =	sbr.rel .LBB2_4-.Ltmp3, $4  }
0x9f: {  	[sflag:s14] =	ssyncset.done $0x0  }
0xa0: {  	[sflag:s14] =	ssyncadd.s32 $0xFFFFF900  }
0xa1: {  	[bflag:$0x0] =	sbarrier.arrive $0xFFFF  }
0xa2: {  	s30 =	simm.s32 $0x0  }
.LBB2_17:
0xa3: {  	v2 =	vld [tilespmem:s8+$0x4220];
	_ =	sdelay $0x4  }
0xa4: {  	v1 =	vmul.f32 v2, v1;
	_ =	sdelay $0x1  }
0xa5: {  	[tilespmem:s0+$0xFFFFFFE0] =	vst v1;
	v1 =	vld [tilespmem:s0+$0xFFFFFFF0]  }
0xa6: {  	v2 =	vld [tilespmem:s8+$0x4230];
	_ =	sdelay $0x4  }
0xa7: {  	v1 =	vmul.f32 v2, v1;
	_ =	sdelay $0x1  }
0xa8: {  	[tilespmem:s0+$0xFFFFFFF0] =	vst v1;
	v1 =	vld [tilespmem:s0+$0x0]  }
0xa9: {  	v2 =	vld [tilespmem:s8+$0x4260];
	_ =	sdelay $0x4  }
0xaa: {  	v1 =	vmul.f32 v2, v1;
	_ =	sdelay $0x1  }
0xab: {  	[tilespmem:s0+$0x0] =	vst v1;
	v1 =	vld [tilespmem:s0+$0x10]  }
0xac: {  	v2 =	vld [tilespmem:s8+$0x4270];
	_ =	sdelay $0x4  }
0xad: {  	v1 =	vmul.f32 v2, v1;
	_ =	sdelay $0x1  }
0xae: {  	[tilespmem:s2+$0x10] =	vst v1  }
.LBB2_18:
0xaf: {  	s30 =	sadd.s32 $0x1, s30  }
0xb0: {  	p1 =	sne.s32 s30, $0xC8  }
.Ltmp4:
0xb1: {  	_ = 	snop;
	(pc) =	sbr.rel @!p1 .LBB2_19-.Ltmp4, $2  }
0xb2: {  	_ =	sdelay $0x2  }
0xb3: {  	[spmem:s1] =	stream.indirect.scatter.add.f32 [tilespmem:s17], [sflag:$0x6], $0x20, s25, s15, $0xb8;
	[tilespmem:$0x1E900] =	vst v63  }
.LBB2_4:
0xb4: {  	s31 =	sshll.u32 s30, $0x1;
	p1 =	seq.s32 s30, $0x0  }
0xb5: {  	s0 =	simm.s32 @!p1 $0x6;
	s2 =	sor.u32 $0x1, s31  }
0xb6: {  	_ =	swait.ge @!p1 [sflag:s0], $0x1000;
	s8 =	sadd.s32 s7, s2  }
0xb7: {  	[sflag:s0] =	ssyncset.done @!p1 $0x0;
	s8 =	sshll.u32 s8, $0x5  }
0xb8: {  	s9 =	sshll.u32 s2, $0xD;
	[sflag:s0] =	ssyncadd.s32 @!p1 $0xFFFFF000;
	s8 =	sadd.s32 s6, s8  }
0xb9: {  	[tilespmem:s18], [sflag:$0x7] =	stream.linear.gather [hbm4b:s8+s29], $0x100, $0x38;
	[tilespmem:$0x1E900] =	vst v63  }
0xba: {  	s0 =	sadd.s32 s13, s9;
	_ =	swait.ge [sflag:s14], $0x100  }
0xbb: {  	s0 =	sshrl.u32 s0, $0x3;
	[sflag:s14] =	ssyncset.done $0x0  }
0xbc: {  	s0 =	sadd.s32 s5, s0;
	[sflag:s14] =	ssyncadd.s32 $0xFFFFFF00  }
0xbd: {  	[tilespmem:s19], [sflag:$0x4] =	stream.linear.gather [hbm4b:s0+s29], $0x2000, $0x38;
	[tilespmem:$0x1E900] =	vst v63  }
0xbe: {  	_ = 	snop  }
0xbf: {  	[tilespmem:s17], [sflag:$0x2] =	stream.indirect.gather [hbm4b:s4+s15], $0x20, s18, s15, $0xb8;
	[tilespmem:$0x1E900] =	vst v63  }
0xc0: {  	_ =	swait.ge [sflag:s20], $0x2000  }
.Ltmp5:
0xc1: {  	[sflag:s20] =	ssyncset.done $0x0;
	(pc) =	sbr.rel @p0 .LBB2_8-.Ltmp5, $4  }
0xc2: {  	[sflag:s20] =	ssyncadd.s32 $0xFFFFE000  }
0xc3: {  	_ =	swait.ge [sflag:s21], $0x1000  }
0xc4: {  	[sflag:s21] =	ssyncset.done $0x0  }
0xc5: {  	s0 =	simm.s32 $0x220;
	[sflag:s21] =	ssyncadd.s32 $0xFFFFF000  }
0xc6: {  	v1 =	vld [tilespmem:s0+$0xFFFFFFE0];
	s8 =	simm.s32 $0x0;
	s9 =	simm.s32 $0x200;
	s2 =	simm.s32 $0x220  }
.LBB2_6:
0xc7: {  	p1 =	seq.s32 s9, $0x7E00;
	v2 =	vld [tilespmem:s8+$0x2200];
	_ =	sdelay $0x4  }
0xc8: {  	v1 =	vmul.f32 v2, v1;
	_ =	sdelay $0x1  }
0xc9: {  	[tilespmem:s0+$0xFFFFFFE0] =	vst v1;
	v1 =	vld [tilespmem:s0+$0xFFFFFFF0]  }
0xca: {  	v2 =	vld [tilespmem:s8+$0x2210];
	_ =	sdelay $0x4  }
0xcb: {  	v1 =	vmul.f32 v2, v1;
	_ =	sdelay $0x1  }
0xcc: {  	[tilespmem:s0+$0xFFFFFFF0] =	vst v1;
	v1 =	vld [tilespmem:s0+$0x0]  }
0xcd: {  	v2 =	vld [tilespmem:s8+$0x2240];
	_ =	sdelay $0x4  }
0xce: {  	v1 =	vmul.f32 v2, v1;
	_ =	sdelay $0x1  }
0xcf: {  	[tilespmem:s0+$0x0] =	vst v1;
	v1 =	vld [tilespmem:s0+$0x10]  }
0xd0: {  	v2 =	vld [tilespmem:s8+$0x2250];
	_ =	sdelay $0x2  }
.Ltmp6:
0xd1: {  	(pc) =	sbr.rel @!p1 .LBB2_6-.Ltmp6, $4  }
0xd2: {  	_ = 	snop  }
0xd3: {  	v2 =	vmul.f32 v2, v1  }
0xd4: {  	s0 =	sadd.s32 $0x40, s0  }
0xd5: {  	s8 =	sshra.s32 s9, $0x2;
	s9 =	sadd.s32 $0x200, s9;
	v1 =	vld [tilespmem:s0+$0xFFFFFFE0];
	[tilespmem:s2+$0x10] =	vst v2;
	s2 =	smov.u32 s0  }
0xd6: {  	v2 =	vld [tilespmem:s8+$0x2200];
	_ =	sdelay $0x4  }
0xd7: {  	v1 =	vmul.f32 v2, v1;
	_ =	sdelay $0x1  }
0xd8: {  	[tilespmem:s0+$0xFFFFFFE0] =	vst v1;
	v1 =	vld [tilespmem:s0+$0xFFFFFFF0]  }
0xd9: {  	v2 =	vld [tilespmem:s8+$0x2210];
	_ =	sdelay $0x4  }
0xda: {  	v1 =	vmul.f32 v2, v1;
	_ =	sdelay $0x1  }
0xdb: {  	[tilespmem:s0+$0xFFFFFFF0] =	vst v1;
	v1 =	vld [tilespmem:s0+$0x0]  }
0xdc: {  	v2 =	vld [tilespmem:s8+$0x2240];
	_ =	sdelay $0x4  }
0xdd: {  	v1 =	vmul.f32 v2, v1;
	_ =	sdelay $0x1  }
0xde: {  	[tilespmem:s0+$0x0] =	vst v1;
	v1 =	vld [tilespmem:s0+$0x10]  }
0xdf: {  	v2 =	vld [tilespmem:s8+$0x2250];
	_ =	sdelay $0x2  }
.Ltmp7:
0xe0: {  	_ = 	snop;
	(pc) =	sbr.rel .LBB2_11-.Ltmp7, $3  }
0xe1: {  	_ = 	snop  }
0xe2: {  	v1 =	vmul.f32 v2, v1;
	_ =	sdelay $0x1  }
0xe3: {  	[tilespmem:s2+$0x10] =	vst v1  }
.LBB2_8:
0xe4: {  	v1 =	vld [tilespmem:s0+$0xFFFFFFE0];
	s8 =	simm.s32 $0x0;
	s9 =	simm.s32 $0x200;
	s2 =	simm.s32 $0x220  }
.LBB2_9:
0xe5: {  	p1 =	sne.s32 s9, $0x7E00;
	v2 =	vld [tilespmem:s8+$0x2220];
	_ =	sdelay $0x4  }
0xe6: {  	v1 =	vmul.f32 v2, v1;
	_ =	sdelay $0x1  }
0xe7: {  	[tilespmem:s0+$0xFFFFFFE0] =	vst v1;
	v1 =	vld [tilespmem:s0+$0xFFFFFFF0]  }
0xe8: {  	v2 =	vld [tilespmem:s8+$0x2230];
	_ =	sdelay $0x4  }
0xe9: {  	v1 =	vmul.f32 v2, v1;
	_ =	sdelay $0x1  }
0xea: {  	[tilespmem:s0+$0xFFFFFFF0] =	vst v1;
	v1 =	vld [tilespmem:s0+$0x0]  }
0xeb: {  	v2 =	vld [tilespmem:s8+$0x2260];
	_ =	sdelay $0x4  }
0xec: {  	v1 =	vmul.f32 v2, v1;
	_ =	sdelay $0x1  }
0xed: {  	[tilespmem:s0+$0x0] =	vst v1;
	v1 =	vld [tilespmem:s0+$0x10]  }
0xee: {  	v2 =	vld [tilespmem:s8+$0x2270];
	_ =	sdelay $0x2  }
.Ltmp8:
0xef: {  	(pc) =	sbr.rel @p1 .LBB2_9-.Ltmp8, $4  }
0xf0: {  	_ = 	snop  }
0xf1: {  	v2 =	vmul.f32 v2, v1  }
0xf2: {  	s0 =	sadd.s32 $0x40, s0  }
0xf3: {  	s8 =	sshra.s32 s9, $0x2;
	s9 =	sadd.s32 $0x200, s9;
	v1 =	vld [tilespmem:s0+$0xFFFFFFE0];
	[tilespmem:s2+$0x10] =	vst v2;
	s2 =	smov.u32 s0  }
0xf4: {  	v2 =	vld [tilespmem:s8+$0x2220];
	_ =	sdelay $0x4  }
0xf5: {  	v1 =	vmul.f32 v2, v1;
	_ =	sdelay $0x1  }
0xf6: {  	[tilespmem:s0+$0xFFFFFFE0] =	vst v1;
	v1 =	vld [tilespmem:s0+$0xFFFFFFF0]  }
0xf7: {  	v2 =	vld [tilespmem:s8+$0x2230];
	_ =	sdelay $0x4  }
0xf8: {  	v1 =	vmul.f32 v2, v1;
	_ =	sdelay $0x1  }
0xf9: {  	[tilespmem:s0+$0xFFFFFFF0] =	vst v1;
	v1 =	vld [tilespmem:s0+$0x0]  }
0xfa: {  	v2 =	vld [tilespmem:s8+$0x2260];
	_ =	sdelay $0x4  }
0xfb: {  	v1 =	vmul.f32 v2, v1;
	_ =	sdelay $0x1  }
0xfc: {  	[tilespmem:s0+$0x0] =	vst v1;
	v1 =	vld [tilespmem:s0+$0x10]  }
0xfd: {  	v2 =	vld [tilespmem:s8+$0x2270];
	_ =	sdelay $0x4  }
0xfe: {  	v1 =	vmul.f32 v2, v1;
	_ =	sdelay $0x1  }
0xff: {  	[tilespmem:s2+$0x10] =	vst v1  }
.LBB2_11:
0x100: {  	[spmem:s1] =	stream.indirect.scatter.add.f32 [tilespmem:s16], [sflag:$0x5], $0x20, s15, s15, $0xb8;
	[tilespmem:$0x1E900] =	vst v63  }
0x101: {  	p1 =	seq.s32 s30, $0xC7  }
0x102: {  	s0 =	sadd.s32 @!p1 $0x2, s31  }
0x103: {  	_ =	swait.ge [sflag:s22], $0x1000;
	s2 =	sadd.s32 @!p1 s7, s0  }
0x104: {  	[sflag:s22] =	ssyncset.done $0x0;
	s2 =	sshll.u32 @!p1 s2, $0x5  }
0x105: {  	s8 =	simm.s32 @!p1 $0x0;
	[sflag:s22] =	ssyncadd.s32 $0xFFFFF000;
	s2 =	sadd.s32 @!p1 s6, s2  }
0x106: {  	[tilespmem:s8], [sflag:$0x7] =	stream.linear.gather @!p1 [hbm4b:s2+s8], $0x100, $0x38;
	[tilespmem:$0x1E900] =	vst v63  }
0x107: {  	s0 =	sshll.u32 @!p1 s0, $0xD;
	s2 =	simm.s32 @!p1 $0x7  }
0x108: {  	s0 =	sadd.s32 @!p1 s13, s0;
	_ =	swait.ge @!p1 [sflag:s2], $0x100  }
0x109: {  	s0 =	sshrl.u32 @!p1 s0, $0x3;
	[sflag:s2] =	ssyncset.done @!p1 $0x0  }
0x10a: {  	s0 =	sadd.s32 @!p1 s5, s0;
	[sflag:s2] =	ssyncadd.s32 @!p1 $0xFFFFFF00;
	s2 =	simm.s32 @!p1 $0x2200  }
0x10b: {  	[tilespmem:s2], [sflag:$0x3] =	stream.linear.gather @!p1 [hbm4b:s0+s8], $0x2000, $0x38;
	[tilespmem:$0x1E900] =	vst v63  }
0x10c: {  	s0 =	simm.s32 @!p1 $0x80;
	s2 =	simm.s32 @!p1 $0x200  }
0x10d: {  	[tilespmem:s2], [sflag:$0x1] =	stream.indirect.gather @!p1 [hbm4b:s4+s0], $0x20, s8, s0, $0xb8;
	[tilespmem:$0x1E900] =	vst v63  }
0x10e: {  	_ =	swait.ge [sflag:s23], $0x2000  }
.Ltmp9:
0x10f: {  	[sflag:s23] =	ssyncset.done $0x0;
	(pc) =	sbr.rel @p0 .LBB2_15-.Ltmp9, $4  }
0x110: {  	[sflag:s23] =	ssyncadd.s32 $0xFFFFE000  }
0x111: {  	_ =	swait.ge [sflag:s24], $0x1000  }
0x112: {  	[sflag:s24] =	ssyncset.done $0x0  }
0x113: {  	s0 =	simm.s32 $0x1220;
	[sflag:s24] =	ssyncadd.s32 $0xFFFFF000  }
0x114: {  	v1 =	vld [tilespmem:s0+$0xFFFFFFE0];
	s8 =	simm.s32 $0x0;
	s9 =	simm.s32 $0x200;
	s2 =	simm.s32 $0x1220  }
.LBB2_13:
0x115: {  	p1 =	seq.s32 s9, $0x7E00;
	v2 =	vld [tilespmem:s8+$0x4200];
	_ =	sdelay $0x4  }
0x116: {  	v1 =	vmul.f32 v2, v1;
	_ =	sdelay $0x1  }
0x117: {  	[tilespmem:s0+$0xFFFFFFE0] =	vst v1;
	v1 =	vld [tilespmem:s0+$0xFFFFFFF0]  }
0x118: {  	v2 =	vld [tilespmem:s8+$0x4210];
	_ =	sdelay $0x4  }
0x119: {  	v1 =	vmul.f32 v2, v1;
	_ =	sdelay $0x1  }
0x11a: {  	[tilespmem:s0+$0xFFFFFFF0] =	vst v1;
	v1 =	vld [tilespmem:s0+$0x0]  }
0x11b: {  	v2 =	vld [tilespmem:s8+$0x4240];
	_ =	sdelay $0x4  }
0x11c: {  	v1 =	vmul.f32 v2, v1;
	_ =	sdelay $0x1  }
0x11d: {  	[tilespmem:s0+$0x0] =	vst v1;
	v1 =	vld [tilespmem:s0+$0x10]  }
0x11e: {  	v2 =	vld [tilespmem:s8+$0x4250];
	_ =	sdelay $0x2  }
.Ltmp10:
0x11f: {  	(pc) =	sbr.rel @!p1 .LBB2_13-.Ltmp10, $4  }
0x120: {  	_ = 	snop  }
0x121: {  	v2 =	vmul.f32 v2, v1  }
0x122: {  	s0 =	sadd.s32 $0x40, s0  }
0x123: {  	s8 =	sshra.s32 s9, $0x2;
	s9 =	sadd.s32 $0x200, s9;
	v1 =	vld [tilespmem:s0+$0xFFFFFFE0];
	[tilespmem:s2+$0x10] =	vst v2;
	s2 =	smov.u32 s0  }
0x124: {  	v2 =	vld [tilespmem:s8+$0x4200];
	_ =	sdelay $0x4  }
0x125: {  	v1 =	vmul.f32 v2, v1;
	_ =	sdelay $0x1  }
0x126: {  	[tilespmem:s0+$0xFFFFFFE0] =	vst v1;
	v1 =	vld [tilespmem:s0+$0xFFFFFFF0]  }
0x127: {  	v2 =	vld [tilespmem:s8+$0x4210];
	_ =	sdelay $0x4  }
0x128: {  	v1 =	vmul.f32 v2, v1;
	_ =	sdelay $0x1  }
0x129: {  	[tilespmem:s0+$0xFFFFFFF0] =	vst v1;
	v1 =	vld [tilespmem:s0+$0x0]  }
0x12a: {  	v2 =	vld [tilespmem:s8+$0x4240];
	_ =	sdelay $0x4  }
0x12b: {  	v1 =	vmul.f32 v2, v1;
	_ =	sdelay $0x1  }
0x12c: {  	[tilespmem:s0+$0x0] =	vst v1;
	v1 =	vld [tilespmem:s0+$0x10]  }
0x12d: {  	v2 =	vld [tilespmem:s8+$0x4250];
	_ =	sdelay $0x2  }
.Ltmp11:
0x12e: {  	_ = 	snop;
	(pc) =	sbr.rel .LBB2_18-.Ltmp11, $3  }
0x12f: {  	_ = 	snop  }
0x130: {  	v1 =	vmul.f32 v2, v1;
	_ =	sdelay $0x1  }
0x131: {  	[tilespmem:s2+$0x10] =	vst v1  }
.LBB2_15:
0x132: {  	v1 =	vld [tilespmem:s0+$0xFFFFFFE0];
	s8 =	simm.s32 $0x0;
	s9 =	simm.s32 $0x200;
	s2 =	simm.s32 $0x1220  }
.LBB2_16:
0x133: {  	p1 =	sne.s32 s9, $0x7E00;
	v2 =	vld [tilespmem:s8+$0x4220];
	_ =	sdelay $0x4  }
0x134: {  	v1 =	vmul.f32 v2, v1;
	_ =	sdelay $0x1  }
0x135: {  	[tilespmem:s0+$0xFFFFFFE0] =	vst v1;
	v1 =	vld [tilespmem:s0+$0xFFFFFFF0]  }
0x136: {  	v2 =	vld [tilespmem:s8+$0x4230];
	_ =	sdelay $0x4  }
0x137: {  	v1 =	vmul.f32 v2, v1;
	_ =	sdelay $0x1  }
0x138: {  	[tilespmem:s0+$0xFFFFFFF0] =	vst v1;
	v1 =	vld [tilespmem:s0+$0x0]  }
0x139: {  	v2 =	vld [tilespmem:s8+$0x4260];
	_ =	sdelay $0x4  }
0x13a: {  	v1 =	vmul.f32 v2, v1;
	_ =	sdelay $0x1  }
0x13b: {  	[tilespmem:s0+$0x0] =	vst v1;
	v1 =	vld [tilespmem:s0+$0x10]  }
0x13c: {  	v2 =	vld [tilespmem:s8+$0x4270];
	_ =	sdelay $0x2  }
.Ltmp12:
0x13d: {  	(pc) =	sbr.rel @p1 .LBB2_16-.Ltmp12, $4  }
0x13e: {  	_ = 	snop  }
0x13f: {  	v2 =	vmul.f32 v2, v1  }
0x140: {  	s0 =	sadd.s32 $0x40, s0  }
0x141: {  	s8 =	sshra.s32 s9, $0x2;
	s9 =	sadd.s32 $0x200, s9;
	v1 =	vld [tilespmem:s0+$0xFFFFFFE0];
	[tilespmem:s2+$0x10] =	vst v2;
	s2 =	smov.u32 s0  }
.Ltmp13:
0x142: {  	_ = 	snop;
	(pc) =	sbr.rel .LBB2_17-.Ltmp13, $1  }
0x143: {  	_ =	sdelay $0x3  }
.LBB2_20:
0x144: {  	_ =	sfence.sel $0x180000  }
0x145: {  	[bflag:$0x0] =	sbarrier.arrive $0xFFFF  }
0x146: {  	_ =	strace $0x90000047  }
0x147: {  	s0 =	stileid.u32;
	[bflag:$0x2] =	sbarrier.arrive $0xFFFF  }
0x148: {  	p0 =	sne.s32 s0, $0x0;
	s0 =	rddreg [dreg:$0x2]  }
0x149: {  	s0 =	sadd.s32 @!p0 $0x100000, s0  }
0x14a: {  	[sflag:s0] =	ssyncadd.tile.s32 @!p0 $0x1;
	_ =	shalt  }
.Lfunc_end2:
_tile_overlayer_lowered:
.L_overlay_start_2:
0x14b: {  	(tag) =	ssettag $0x2  }
0x14c: {  	s0 =	rddreg [dreg:$0x0];
	s2 =	stileid.u32  }
0x14d: {  	s1 =	rddreg [dreg:$0x1];
	p0 =	sne.s32 s2, $0x0  }
0x14e: {  	s3 =	rddreg [dreg:$0x2];
	[bflag:$0x3] =	sbarrier.arrive $0xFFFF;
	s2 =	simm.s32 @!p0 $0x1C07  }
0x14f: {  	[timem:s3], [sflag:s2] =	dma.local @!p0 [hbm:s0], s1  }
0x150: {  	s0 =	simm.s32 @!p0 $0x7  }
0x151: {  	_ =	swait.ge @!p0 [sflag:s0], s1  }
0x152: {  	s1 =	ssub.s32 @!p0 $0x0, s1;
	[sflag:s0] =	ssyncset.done @!p0 $0x0  }
0x153: {  	[sflag:s0] =	ssyncadd.s32 @!p0 s1  }
0x154: {  	[bflag:$0x3] =	sbarrier.arrive $0xFFFF  }
0x155: {  	_ =	shalt  }

// kernel: kernel.15.cloned.1.call-start
scs
__scs_entry_jumppad:
0x0: {  	(pc) =	sbr.rel $0x88, $3  }
0x1: {  	(tag) =	ssettag $0x0;
	lr =	simm.s32 $0x1  }
0x2: {  	[smem:$0x3F7E] =	sst lr;
	_ =	strace $0xD0000000  }
0x3: {  	_ = 	snop  }
0x4: {  	_ = 	snop  }
0x5: {  	_ = 	snop  }
0x6: {  	_ = 	snop  }
0x7: {  	_ = 	snop  }
__scs_overlays_trampoline_lowered:
0x8: {  	[smem:$0x3F8D] =	sst s0  }
0x9: {  	[smem:$0x3F8E] =	sst s1  }
0xa: {  	[smem:$0x3F8F] =	sst s2  }
0xb: {  	[smem:$0x3F90] =	sst s3  }
0xc: {  	[smem:$0x3F91] =	sst s4  }
0xd: {  	[smem:$0x3F92] =	sst s5  }
0xe: {  	[smem:$0x3F93] =	sst s6  }
0xf: {  	[smem:$0x3F94] =	sst s7  }
0x10: {  	[smem:$0x3F95] =	sst s8  }
0x11: {  	[smem:$0x3F96] =	sst s9;
	s0 =	simm.s32 @!p0 $0x0  }
0x12: {  	s1 =	sld [smem:$0x3F7C];
	s0 =	simm.s32 @p0 $0x1  }
0x13: {  	[smem:$0x3F97] =	sst s0;
	s0 =	simm.s32 @!p1 $0x0  }
0x14: {  	s2 =	sld [smem:$0x3F7B];
	s0 =	simm.s32 @p1 $0x1  }
0x15: {  	[smem:$0x3F98] =	sst s0;
	s0 =	simm.s32 @!p2 $0x0  }
0x16: {  	s3 =	sld [smem:$0x3FDB];
	s0 =	simm.s32 @p2 $0x1  }
0x17: {  	s4 =	simm.s32 $0x1BF5;
	[smem:$0x3F9A] =	sst s0  }
0x18: {  	s0 =	sld [smem:$0x3F7D];
	_ =	swait.ge [sflag:s4], $0x0  }
0x19: {  	s7 =	sld [smem:$0x3F7E]  }
0x1a: {  	s8 =	sadd.s32 $0xFFFFE003, lr  }
0x1b: {  	s9 =	sadd.s32 $0xFFFFFEF7, lr;
	s5 =	simm.s32 $0xFFFFFFFF;
	p2 =	slt.u32 s8, $0xFFFFF086  }
0x1c: {  	p1 =	slt.u32 s9, $0xF7A;
	s5 =	simm.s32 @!p2 $0x0  }
0x1d: {  	s5 =	simm.s32 @p1 $0x1;
	p0 =	seq.s32 s7, s2  }
0x1e: {  	s7 =	smul.u32 @!p0 $0xF7A, s2;
	p2 =	seq.s32 @!p0 s5, $0x0  }
0x1f: {  	s9 =	smul.u32 $0xF7A, s1;
	s8 =	simm.s32 @!p0 $0x1BF5;
	p2 =	por !p2, p0  }
0x20: {  	[sflag:s8] =	ssyncset.s32 @!p0 $0xFFFFF086;
	s6 =	sadd.s32 @!p0 s3, s7;
	s7 =	simm.s32 @!p0 $0x108  }
0x21: {  	s3 =	sadd.s32 s3, s9;
	s6 =	sadd.s32 @!p0 $0x88, s6;
	s7 =	simm.s32 @p2 $0x1082  }
0x22: {  	[simem:s7], [sflag:s8] =	dma.local @!p0 [hbm:s6], $0xF7A  }
0x23: {  	s9 =	sor.u32 $0xD0000000, s2;
	s6 =	simm.s32 $0x108;
	_ =	swait.ge @!p0 [sflag:s8], $0x0  }
0x24: {  	s3 =	sadd.s32 $0x88, s3;
	s6 =	simm.s32 @!p1 $0x1082;
	[sflag:s4] =	ssyncset.s32 $0xFFFFF086  }
0x25: {  	[simem:s6], [sflag:s4] =	dma.local [hbm:s3], $0xF7A  }
0x26: {  	[smem:$0x3F7E] =	sst s1;
	(tag) =	ssettag s2;
	_ =	strace s9  }
0x27: {  	s1 =	sld [smem:$0x3F8E]  }
0x28: {  	s2 =	sld [smem:$0x3F8F]  }
0x29: {  	s4 =	sld [smem:$0x3F91]  }
0x2a: {  	p0 =	seq.s32 s5, $0x0;
	s5 =	sld [smem:$0x3F92]  }
0x2b: {  	s6 =	sld [smem:$0x3F93]  }
0x2c: {  	s7 =	sld [smem:$0x3F94]  }
0x2d: {  	s3 =	simm.s32 $0x108;
	s8 =	sld [smem:$0x3F95]  }
0x2e: {  	s3 =	simm.s32 @!p0 $0x1082;
	s9 =	sld [smem:$0x3F96]  }
0x2f: {  	lr =	sadd.s32 s0, s3;
	s0 =	sld [smem:$0x3F8D]  }
0x30: {  	s3 =	sld [smem:$0x3F90]  }
0x31: {  	[smem:$0x3F99] =	sst s10  }
0x32: {  	s10 =	sld [smem:$0x3F97];
	_ =	sdelay $0x3  }
0x33: {  	p0 =	seq.s32 s10, $0x1;
	s10 =	sld [smem:$0x3F99];
	_ =	sdelay $0x3  }
0x34: {  	[smem:$0x3F99] =	sst s10  }
0x35: {  	s10 =	sld [smem:$0x3F98];
	_ =	sdelay $0x3  }
0x36: {  	p1 =	seq.s32 s10, $0x1;
	s10 =	sld [smem:$0x3F99];
	_ =	sdelay $0x3  }
0x37: {  	[smem:$0x3F99] =	sst s10  }
0x38: {  	s10 =	sld [smem:$0x3F9A]  }
0x39: {  	_ = 	snop;
	(pc) =	sbr.ind lr, $3  }
0x3a: {  	_ = 	snop  }
0x3b: {  	_ = 	snop  }
0x3c: {  	p2 =	seq.s32 s10, $0x1;
	s10 =	sld [smem:$0x3F99]  }
0x3d: {  	_ =	shalt  }
0x3e: {  	_ =	shalt  }
0x3f: {  	_ =	shalt  }
0x40: {  	_ =	shalt  }
0x41: {  	_ =	shalt  }
0x42: {  	_ =	shalt  }
0x43: {  	_ =	shalt  }
0x44: {  	_ =	shalt  }
0x45: {  	_ =	shalt  }
0x46: {  	_ =	shalt  }
0x47: {  	_ =	shalt  }
0x48: {  	_ =	shalt  }
0x49: {  	_ =	shalt  }
0x4a: {  	_ =	shalt  }
0x4b: {  	_ =	shalt  }
0x4c: {  	_ =	shalt  }
0x4d: {  	_ =	shalt  }
0x4e: {  	_ =	shalt  }
0x4f: {  	_ =	shalt  }
0x50: {  	_ =	shalt  }
0x51: {  	_ =	shalt  }
0x52: {  	_ =	shalt  }
0x53: {  	_ =	shalt  }
0x54: {  	_ =	shalt  }
0x55: {  	_ =	shalt  }
0x56: {  	_ =	shalt  }
0x57: {  	_ =	shalt  }
0x58: {  	_ =	shalt  }
0x59: {  	_ =	shalt  }
0x5a: {  	_ =	shalt  }
0x5b: {  	_ =	shalt  }
0x5c: {  	_ =	shalt  }
0x5d: {  	_ =	shalt  }
0x5e: {  	_ =	shalt  }
0x5f: {  	_ =	shalt  }
0x60: {  	_ =	shalt  }
0x61: {  	_ =	shalt  }
0x62: {  	_ =	shalt  }
0x63: {  	_ =	shalt  }
0x64: {  	_ =	shalt  }
0x65: {  	_ =	shalt  }
0x66: {  	_ =	shalt  }
0x67: {  	_ =	shalt  }
0x68: {  	_ =	shalt  }
0x69: {  	_ =	shalt  }
0x6a: {  	_ =	shalt  }
0x6b: {  	_ =	shalt  }
0x6c: {  	_ =	shalt  }
0x6d: {  	_ =	shalt  }
0x6e: {  	_ =	shalt  }
0x6f: {  	_ =	shalt  }
0x70: {  	_ =	shalt  }
0x71: {  	_ =	shalt  }
0x72: {  	_ =	shalt  }
0x73: {  	_ =	shalt  }
0x74: {  	_ =	shalt  }
0x75: {  	_ =	shalt  }
0x76: {  	_ =	shalt  }
0x77: {  	_ =	shalt  }
0x78: {  	_ =	shalt  }
0x79: {  	_ =	shalt  }
0x7a: {  	_ =	shalt  }
0x7b: {  	_ =	shalt  }
0x7c: {  	_ =	shalt  }
0x7d: {  	_ =	shalt  }
0x7e: {  	_ =	shalt  }
0x7f: {  	_ =	shalt  }
0x80: {  	_ =	shalt  }
0x81: {  	_ =	shalt  }
0x82: {  	_ =	shalt  }
0x83: {  	_ =	shalt  }
0x84: {  	_ =	shalt  }
0x85: {  	_ =	shalt  }
0x86: {  	_ =	shalt  }
0x87: {  	_ =	shalt  }
.Lfunc_end0:
.L_simem_size_0:
called_computation.1_lowered:
.L_overlay_start_0:
0x88: {  	s2 =	sld [smem:$0x3FD9]  }
0x89: {  	s3 =	sld [smem:$0x3FFE];
	_ =	sdelay $0x1  }
0x8a: {  	s1 =	srdreg.scid  }
0x8b: {  	s0 =	sand.u32 $0x1, s1  }
0x8c: {  	s16 =	sshll.u32 s0, $0xA;
	s2 =	sadd.s32 s3, s2  }
0x8d: {  	s2 =	sadd.s32 s2, s16  }
0x8e: {  	[smem:$0x3FA5] =	sst s2  }
0x8f: {  	_ = 	snop  }
0x90: {  	(tm) =	ssettm $0x1  }
0x91: {  	s17 =	sld [smem:$0x3FFB];
	_ =	sdelay $0x3  }
0x92: {  	_ =	strace s17  }
0x93: {  	s2 =	sld [smem:$0x3FFC];
	_ =	sdelay $0x3  }
0x94: {  	_ =	strace s2  }
0x95: {  	s2 =	sld [smem:$0x3FFD];
	_ =	sdelay $0x3  }
0x96: {  	_ =	strace s2  }
0x97: {  	_ =	strace $0x8FFFFFFF  }
0x98: {  	s18 =	sld [smem:$0x3FDB];
	_ =	sdelay $0x1  }
0x99: {  	s19 =	simm.s32 $_scs_section_size  }
0x9a: {  	s4 =	simm.s32 $_size__tile_overlayer_lowered;
	s5 =	simm.s32 $_tile_overlayer_lowered  }
0x9b: {  	s22 =	simm.s32 $0x1BFF;
	s21 =	sshll.u32 s5, $0x1;
	s2 =	sadd.s32 s19, s18  }
0x9c: {  	s6 =	simm.s32 $0x0;
	s20 =	sshll.u32 s4, $0x1;
	s4 =	sadd.s32 s21, s2  }
0x9d: {  	[timem:s6], [sflag:s22] =	dma.local [hbm:s4], s20  }
0x9e: {  	_ =	swait.ge [sflag:s22], s20  }
0x9f: {  	s3 =	ssub.s32 $0x0, s20;
	[sflag:s22] =	ssyncset.done $0x0  }
0xa0: {  	[sflag:s22] =	ssyncadd.s32 s3;
	_ =	sdelay $0x1  }
0xa1: {  	s23 =	simm.s32 $0x1B8B  }
0xa2: {  	_ =	swait.ge [sflag:s23], $0x1  }
0xa3: {  	[sflag:s23] =	ssyncset.done $0x0  }
0xa4: {  	s25 =	simm.s32 $0x1B8E;
	s24 =	sld [smem:$0x3FFE];
	[sflag:s23] =	ssyncadd.s32 $0xFFFFFFFF  }
0xa5: {  	s26 =	simm.s32 $execute0_lowered;
	[smem:$0x3FD2] =	sst s25  }
0xa6: {  	s4 =	sshll.u32 s26, $0x1;
	_ =	strace $0x80000049;
	[dreg:$0x1] =	wrdreg $0xFFFFFFFF  }
0xa7: {  	s28 =	simm.s32 $_size_execute0_lowered;
	s2 =	sadd.s32 s2, s4;
	[dreg:$0x0] =	wrdreg $0x0  }
0xa8: {  	s4 =	sshll.u32 s28, $0x1;
	[dreg:$0x2] =	wrdreg s2  }
0xa9: {  	[dreg:$0x3] =	wrdreg s4  }
0xaa: {  	[dreg:$0x4] =	wrdreg $0xC0  }
0xab: {  	_ =	task [dreg:s6], $0x5FFFF  }
0xac: {  	[dreg:$0x1] =	wrdreg $0xFFFFFFFF  }
0xad: {  	[dreg:$0x0] =	wrdreg $0x60  }
0xae: {  	[dreg:$0x2] =	wrdreg s24  }
0xaf: {  	[dreg:$0x3] =	wrdreg $0x62000  }
0xb0: {  	[dreg:$0x4] =	wrdreg $0x9  }
0xb1: {  	_ =	task.clear_ibuf [dreg:s6], $0x5FFFF;
	_ =	strace $0x90000049  }
0xb2: {  	s29 =	simm.s32 $0x9;
	_ =	strace $0x8000004B  }
0xb3: {  	_ =	swait.ge [sflag:s29], $0x1  }
0xb4: {  	[sflag:s29] =	ssyncadd.s32 $0xFFFFFFFF  }
0xb5: {  	_ =	strace $0x9000004B  }
0xb6: {  	_ =	sfence  }
0xb7: {  	s30 =	sld [smem:$0x0];
	_ =	sdelay $0x2  }
0xb8: {  	s31 =	sshll.u32 s1, $0xD;
	s1 =	sshrl.u32 s1, $0x2  }
0xb9: {  	s3 =	sand.u32 $0x4000, s31;
	s1 =	sadd.s32 s1, s30  }
0xba: {  	s0 =	sor.u32 s3, s0;
	s1 =	sshll.u32 s1, $0x11  }
0xbb: {  	s0 =	sor.u32 s1, s0  }
0xbc: {  	s0 =	sadd.s32 $0x8F2B, s0  }
0xbd: {  	[sflag:s0] =	ssyncadd.remote.s32 $0x1  }
0xbe: {  	_ =	sfence.sel $0xFFFF  }
0xbf: {  	[dreg:$0x0] =	wrdreg $0xFFFFFFFF;
	(pc) =	sbr.abs _section_cstart, $3  }
0xc0: {  	[dreg:$0x1] =	wrdreg $0xFFFFFFFF  }
0xc1: {  	_ =	task.clear_ibuf [dreg:s6], $0x2FFFF;
	_ =	strace $0x9FFFFFFF  }
0xc2: {  	(tm) =	ssettm $0x7FFFFFFF  }
0xc3: {  	_ =	shalt  }
tec
execute0_lowered:
.L_overlay_start_1:
0x0: {  	(tag) =	ssettag $0x1  }
0x1: {  	s2 =	srdreg.scid;
	s14 =	stileid.u32  }
0x2: {  	s2 =	sand.u32 $0x1, s2;
	s8 =	smul.u32 $0x18700, s14  }
0x3: {  	s0 =	rddreg [dreg:$0x0];
	s7 =	smul.u32 $0x187000, s2  }
0x4: {  	s1 =	rddreg [dreg:$0x1];
	s3 =	simm.s32 $0x0;
	s10 =	smul.u32 $0x190, s14  }
0x5: {  	s4 =	sadd.s32 $0x12D600, s0;
	s9 =	smul.u32 $0x1900, s2;
	s7 =	sadd.s32 s8, s7  }
0x6: {  	s5 =	sadd.s32 $0xF0C200, s0;
	s6 =	sadd.s32 $0x6000, s0;
	s7 =	sshrl.u32 s7, $0x3  }
0x7: {  	s12 =	smul.u32 $0x61C00, s14;
	s0 =	sadd.s32 s7, s0;
	s7 =	sadd.s32 s10, s9  }
0x8: {  	[smem:$0x7FF] =	sst s3;
	s20 =	smul.u32 $0x64000, s14;
	s9 =	sshll.u32 s7, $0x5  }
0x9: {  	_ =	strace $0x8000004A;
	s12 =	sshrl.u32 s12, $0x2;
	s9 =	sadd.s32 s6, s9  }
0xa: {  	s10 =	sadd.s32 s5, s20;
	[dreg:$0x3] =	wrdreg s9;
	s9 =	sadd.s32 s12, s1  }
0xb: {  	[dreg:$0x4] =	wrdreg s10;
	s21 =	sadd.s32 $0x1000, s9  }
0xc: {  	s22 =	sadd.s32 $0x2000, s9;
	[dreg:$0x5] =	wrdreg s21  }
0xd: {  	s23 =	sadd.s32 $0x3000, s9;
	[dreg:$0x6] =	wrdreg s22  }
0xe: {  	s24 =	sadd.s32 $0x4000, s9;
	[dreg:$0x7] =	wrdreg s23  }
0xf: {  	s25 =	sadd.s32 $0x5000, s9;
	[dreg:$0x8] =	wrdreg s24  }
0x10: {  	s26 =	sadd.s32 $0x6000, s9;
	[dreg:$0x9] =	wrdreg s25  }
0x11: {  	s11 =	ssub.s32 $0x2, s2;
	s30 =	sadd.s32 $0x7000, s9;
	[dreg:$0xa] =	wrdreg s26  }
0x12: {  	s13 =	sshrl.u32 s11, $0x1;
	s31 =	sadd.s32 $0x8000, s9;
	[dreg:$0xb] =	wrdreg s30  }
0x13: {  	s13 =	ssub.s32 s11, s13;
	s11 =	sadd.s32 $0x9000, s9;
	[dreg:$0xc] =	wrdreg s31  }
0x14: {  	s12 =	sadd.s32 $0xA000, s9;
	[dreg:$0xd] =	wrdreg s11  }
0x15: {  	s15 =	sadd.s32 $0xB000, s9;
	[dreg:$0xe] =	wrdreg s12  }
0x16: {  	s16 =	sadd.s32 $0xC000, s9;
	[dreg:$0xf] =	wrdreg s15  }
0x17: {  	s17 =	sadd.s32 $0xD000, s9;
	[dreg:$0x10] =	wrdreg s16  }
0x18: {  	s18 =	sadd.s32 $0xE000, s9;
	[dreg:$0x11] =	wrdreg s17  }
0x19: {  	s28 =	simm.s32 $0x0;
	s19 =	sadd.s32 $0xF000, s9;
	[dreg:$0x12] =	wrdreg s18  }
0x1a: {  	s29 =	simm.s32 $0x0;
	s20 =	sadd.s32 $0x10000, s9;
	[dreg:$0x13] =	wrdreg s19  }
0x1b: {  	p0 =	sne.s32 s2, $0x0;
	s10 =	sadd.s32 s8, s1;
	[dreg:$0x14] =	wrdreg s20  }
0x1c: {  	s21 =	sadd.s32 $0x11000, s9;
	s22 =	sadd.s32 $0x12000, s9;
	s23 =	sadd.s32 $0x13000, s9  }
0x1d: {  	s24 =	sadd.s32 $0x14000, s9;
	s25 =	sadd.s32 $0x15000, s9;
	[dreg:$0x15] =	wrdreg s21  }
0x1e: {  	s26 =	sadd.s32 $0x16000, s9;
	s30 =	sadd.s32 $0x17000, s9;
	[dreg:$0x16] =	wrdreg s22  }
0x1f: {  	s31 =	sadd.s32 $0x18000, s9;
	s11 =	sadd.s32 $0x18F200, s0;
	[dreg:$0x17] =	wrdreg s23  }
0x20: {  	s12 =	smax.u32 s13, $0x1;
	s13 =	smul.u32 $0x320000, s14;
	[dreg:$0x18] =	wrdreg s24  }
0x21: {  	s14 =	simm.s32 $0x7;
	s15 =	simm.s32 $0x80;
	[dreg:$0x19] =	wrdreg s25  }
.Ltmp0:
0x22: {  	s16 =	simm.s32 $0x200;
	[dreg:$0x1a] =	wrdreg s26;
	(pc) =	sbr.rel .LBB2_1-.Ltmp0, $4  }
0x23: {  	s17 =	simm.s32 $0x1200;
	s18 =	simm.s32 $0x100;
	[dreg:$0x1b] =	wrdreg s30  }
0x24: {  	s19 =	simm.s32 $0x4200;
	s20 =	simm.s32 $0x3;
	[dreg:$0x1c] =	wrdreg s31  }
0x25: {  	s21 =	simm.s32 $0x1;
	s22 =	simm.s32 $0x5;
	s23 =	simm.s32 $0x4  }
0x26: {  	v0 =	vimm.f32 $0.0e+00;
	s24 =	simm.s32 $0x2;
	s25 =	simm.s32 $0x180;
	s26 =	simm.s32 $0x6  }
.LBB2_19:
0x27: {  	_ =	swait.ge [sflag:s26], $0x1000;
	s0 =	stileid.u32  }
0x28: {  	s2 =	sshrl.u32 s10, $0x3;
	s28 =	sadd.s32 $0x1, s28;
	[sflag:s26] =	ssyncset.done $0x0  }
0x29: {  	s0 =	sshll.u32 s0, $0x6;
	p1 =	sne.s32 s28, s12;
	[sflag:s26] =	ssyncadd.s32 $0xFFFFF000  }
.Ltmp1:
0x2a: {  	s0 =	sor.u32 $0x1C07, s0;
	[bflag:$0x0] =	sbarrier.arrive $0xFFFF;
	(pc) =	sbr.rel @!p1 .LBB2_20-.Ltmp1, $4  }
0x2b: {  	[hbm:s11], [sflag:s0] =	dma.local [spmem:s2], $0x30E0  }
0x2c: {  	_ =	swait.ge [sflag:s14], $0x30E0  }
0x2d: {  	[sflag:s14] =	ssyncset.done $0x0  }
0x2e: {  	[sflag:s14] =	ssyncadd.s32 $0xFFFFCF20  }
.LBB2_1:
0x2f: {  	s0 =	rddreg [dreg:$0x3]  }
0x30: {  	[tilespmem:s3], [sflag:$0x7] =	stream.linear.gather [hbm4b:s0+s3], $0x100, $0x38;
	[tilespmem:$0x1E900] =	vst v63  }
0x31: {  	_ =	swait.ge [sflag:s14], $0x100  }
0x32: {  	[sflag:s14] =	ssyncset.done $0x0  }
0x33: {  	s2 =	simm.s32 $0x2200;
	s31 =	rddreg [dreg:$0x4];
	[sflag:s14] =	ssyncadd.s32 $0xFFFFFF00  }
0x34: {  	[tilespmem:s2], [sflag:$0x3] =	stream.linear.gather [hbm4b:s31+s3], $0x2000, $0x38;
	[tilespmem:$0x1E900] =	vst v63  }
0x35: {  	s0 =	simm.s32 $0x80;
	s2 =	simm.s32 $0x0  }
0x36: {  	[tilespmem:s16], [sflag:$0x1] =	stream.indirect.gather [hbm4b:s4+s15], $0x20, s3, s15, $0xb8;
	[tilespmem:$0x1E900] =	vst v63  }
.LBB2_2:
0x37: {  	p1 =	sne.s32 s0, $0x3F80;
	[tilespmem:s2+$0x1200] =	vst v0;
	s8 =	smov.u32 s0;
	s0 =	sadd.s32 $0x80, s0  }
.Ltmp2:
0x38: {  	[tilespmem:s2+$0x1210] =	vst v0;
	(pc) =	sbr.rel @p1 .LBB2_2-.Ltmp2, $2  }
0x39: {  	_ =	sdelay $0x2  }
0x3a: {  	s2 =	sshra.s32 s8, $0x2  }
0x3b: {  	[tilespmem:s2+$0x1200] =	vst v0  }
0x3c: {  	[tilespmem:s2+$0x1210] =	vst v0  }
0x3d: {  	[spmem:s10] =	stream.linear.scatter [tilespmem:s17], [sflag:$0x7], $0x1000, $0x38;
	[tilespmem:$0x1E900] =	vst v63  }
0x3e: {  	_ =	swait.ge [sflag:s14], $0x1000  }
0x3f: {  	[sflag:s14] =	ssyncset.done $0x0  }
0x40: {  	s0 =	rddreg [dreg:$0x5];
	[sflag:s14] =	ssyncadd.s32 $0xFFFFF000  }
0x41: {  	[spmem:s0] =	stream.linear.scatter [tilespmem:s17], [sflag:$0x7], $0x1000, $0x38;
	[tilespmem:$0x1E900] =	vst v63  }
0x42: {  	_ =	swait.ge [sflag:s14], $0x1000  }
0x43: {  	[sflag:s14] =	ssyncset.done $0x0  }
0x44: {  	s8 =	rddreg [dreg:$0x6];
	[sflag:s14] =	ssyncadd.s32 $0xFFFFF000  }
0x45: {  	[spmem:s8] =	stream.linear.scatter [tilespmem:s17], [sflag:$0x7], $0x1000, $0x38;
	[tilespmem:$0x1E900] =	vst v63  }
0x46: {  	_ =	swait.ge [sflag:s14], $0x1000  }
0x47: {  	[sflag:s14] =	ssyncset.done $0x0  }
0x48: {  	s9 =	rddreg [dreg:$0x7];
	[sflag:s14] =	ssyncadd.s32 $0xFFFFF000  }
0x49: {  	[spmem:s9] =	stream.linear.scatter [tilespmem:s17], [sflag:$0x7], $0x1000, $0x38;
	[tilespmem:$0x1E900] =	vst v63  }
0x4a: {  	_ =	swait.ge [sflag:s14], $0x1000  }
0x4b: {  	[sflag:s14] =	ssyncset.done $0x0  }
0x4c: {  	s31 =	rddreg [dreg:$0x8];
	[sflag:s14] =	ssyncadd.s32 $0xFFFFF000  }
0x4d: {  	[spmem:s31] =	stream.linear.scatter [tilespmem:s17], [sflag:$0x7], $0x1000, $0x38;
	[tilespmem:$0x1E900] =	vst v63  }
0x4e: {  	_ =	swait.ge [sflag:s14], $0x1000  }
0x4f: {  	[sflag:s14] =	ssyncset.done $0x0  }
0x50: {  	s2 =	rddreg [dreg:$0x9];
	[sflag:s14] =	ssyncadd.s32 $0xFFFFF000  }
0x51: {  	[spmem:s2] =	stream.linear.scatter [tilespmem:s17], [sflag:$0x7], $0x1000, $0x38;
	[tilespmem:$0x1E900] =	vst v63  }
0x52: {  	_ =	swait.ge [sflag:s14], $0x1000  }
0x53: {  	[sflag:s14] =	ssyncset.done $0x0  }
0x54: {  	s8 =	rddreg [dreg:$0xa];
	[sflag:s14] =	ssyncadd.s32 $0xFFFFF000  }
0x55: {  	[spmem:s8] =	stream.linear.scatter [tilespmem:s17], [sflag:$0x7], $0x1000, $0x38;
	[tilespmem:$0x1E900] =	vst v63  }
0x56: {  	_ =	swait.ge [sflag:s14], $0x1000  }
0x57: {  	[sflag:s14] =	ssyncset.done $0x0  }
0x58: {  	s9 =	rddreg [dreg:$0xb];
	[sflag:s14] =	ssyncadd.s32 $0xFFFFF000  }
0x59: {  	[spmem:s9] =	stream.linear.scatter [tilespmem:s17], [sflag:$0x7], $0x1000, $0x38;
	[tilespmem:$0x1E900] =	vst v63  }
0x5a: {  	_ =	swait.ge [sflag:s14], $0x1000  }
0x5b: {  	[sflag:s14] =	ssyncset.done $0x0  }
0x5c: {  	s31 =	rddreg [dreg:$0xc];
	[sflag:s14] =	ssyncadd.s32 $0xFFFFF000  }
0x5d: {  	[spmem:s31] =	stream.linear.scatter [tilespmem:s17], [sflag:$0x7], $0x1000, $0x38;
	[tilespmem:$0x1E900] =	vst v63  }
0x5e: {  	_ =	swait.ge [sflag:s14], $0x1000  }
0x5f: {  	[sflag:s14] =	ssyncset.done $0x0  }
0x60: {  	s2 =	rddreg [dreg:$0xd];
	[sflag:s14] =	ssyncadd.s32 $0xFFFFF000  }
0x61: {  	[spmem:s2] =	stream.linear.scatter [tilespmem:s17], [sflag:$0x7], $0x1000, $0x38;
	[tilespmem:$0x1E900] =	vst v63  }
0x62: {  	_ =	swait.ge [sflag:s14], $0x1000  }
0x63: {  	[sflag:s14] =	ssyncset.done $0x0  }
0x64: {  	s8 =	rddreg [dreg:$0xe];
	[sflag:s14] =	ssyncadd.s32 $0xFFFFF000  }
0x65: {  	[spmem:s8] =	stream.linear.scatter [tilespmem:s17], [sflag:$0x7], $0x1000, $0x38;
	[tilespmem:$0x1E900] =	vst v63  }
0x66: {  	_ =	swait.ge [sflag:s14], $0x1000  }
0x67: {  	[sflag:s14] =	ssyncset.done $0x0  }
0x68: {  	s9 =	rddreg [dreg:$0xf];
	[sflag:s14] =	ssyncadd.s32 $0xFFFFF000  }
0x69: {  	[spmem:s9] =	stream.linear.scatter [tilespmem:s17], [sflag:$0x7], $0x1000, $0x38;
	[tilespmem:$0x1E900] =	vst v63  }
0x6a: {  	_ =	swait.ge [sflag:s14], $0x1000  }
0x6b: {  	[sflag:s14] =	ssyncset.done $0x0  }
0x6c: {  	s31 =	rddreg [dreg:$0x10];
	[sflag:s14] =	ssyncadd.s32 $0xFFFFF000  }
0x6d: {  	[spmem:s31] =	stream.linear.scatter [tilespmem:s17], [sflag:$0x7], $0x1000, $0x38;
	[tilespmem:$0x1E900] =	vst v63  }
0x6e: {  	_ =	swait.ge [sflag:s14], $0x1000  }
0x6f: {  	[sflag:s14] =	ssyncset.done $0x0  }
0x70: {  	s2 =	rddreg [dreg:$0x11];
	[sflag:s14] =	ssyncadd.s32 $0xFFFFF000  }
0x71: {  	[spmem:s2] =	stream.linear.scatter [tilespmem:s17], [sflag:$0x7], $0x1000, $0x38;
	[tilespmem:$0x1E900] =	vst v63  }
0x72: {  	_ =	swait.ge [sflag:s14], $0x1000  }
0x73: {  	[sflag:s14] =	ssyncset.done $0x0  }
0x74: {  	s8 =	rddreg [dreg:$0x12];
	[sflag:s14] =	ssyncadd.s32 $0xFFFFF000  }
0x75: {  	[spmem:s8] =	stream.linear.scatter [tilespmem:s17], [sflag:$0x7], $0x1000, $0x38;
	[tilespmem:$0x1E900] =	vst v63  }
0x76: {  	_ =	swait.ge [sflag:s14], $0x1000  }
0x77: {  	[sflag:s14] =	ssyncset.done $0x0  }
0x78: {  	s9 =	rddreg [dreg:$0x13];
	[sflag:s14] =	ssyncadd.s32 $0xFFFFF000  }
0x79: {  	[spmem:s9] =	stream.linear.scatter [tilespmem:s17], [sflag:$0x7], $0x1000, $0x38;
	[tilespmem:$0x1E900] =	vst v63  }
0x7a: {  	_ =	swait.ge [sflag:s14], $0x1000  }
0x7b: {  	[sflag:s14] =	ssyncset.done $0x0  }
0x7c: {  	s31 =	rddreg [dreg:$0x14];
	[sflag:s14] =	ssyncadd.s32 $0xFFFFF000  }
0x7d: {  	[spmem:s31] =	stream.linear.scatter [tilespmem:s17], [sflag:$0x7], $0x1000, $0x38;
	[tilespmem:$0x1E900] =	vst v63  }
0x7e: {  	_ =	swait.ge [sflag:s14], $0x1000  }
0x7f: {  	[sflag:s14] =	ssyncset.done $0x0  }
0x80: {  	s2 =	rddreg [dreg:$0x15];
	[sflag:s14] =	ssyncadd.s32 $0xFFFFF000  }
0x81: {  	[spmem:s2] =	stream.linear.scatter [tilespmem:s17], [sflag:$0x7], $0x1000, $0x38;
	[tilespmem:$0x1E900] =	vst v63  }
0x82: {  	_ =	swait.ge [sflag:s14], $0x1000  }
0x83: {  	[sflag:s14] =	ssyncset.done $0x0  }
0x84: {  	s8 =	rddreg [dreg:$0x16];
	[sflag:s14] =	ssyncadd.s32 $0xFFFFF000  }
0x85: {  	[spmem:s8] =	stream.linear.scatter [tilespmem:s17], [sflag:$0x7], $0x1000, $0x38;
	[tilespmem:$0x1E900] =	vst v63  }
0x86: {  	_ =	swait.ge [sflag:s14], $0x1000  }
0x87: {  	[sflag:s14] =	ssyncset.done $0x0  }
0x88: {  	s9 =	rddreg [dreg:$0x17];
	[sflag:s14] =	ssyncadd.s32 $0xFFFFF000  }
0x89: {  	[spmem:s9] =	stream.linear.scatter [tilespmem:s17], [sflag:$0x7], $0x1000, $0x38;
	[tilespmem:$0x1E900] =	vst v63  }
0x8a: {  	_ =	swait.ge [sflag:s14], $0x1000  }
0x8b: {  	[sflag:s14] =	ssyncset.done $0x0  }
0x8c: {  	s31 =	rddreg [dreg:$0x18];
	[sflag:s14] =	ssyncadd.s32 $0xFFFFF000  }
0x8d: {  	[spmem:s31] =	stream.linear.scatter [tilespmem:s17], [sflag:$0x7], $0x1000, $0x38;
	[tilespmem:$0x1E900] =	vst v63  }
0x8e: {  	_ =	swait.ge [sflag:s14], $0x1000  }
0x8f: {  	[sflag:s14] =	ssyncset.done $0x0  }
0x90: {  	s2 =	rddreg [dreg:$0x19];
	[sflag:s14] =	ssyncadd.s32 $0xFFFFF000  }
0x91: {  	[spmem:s2] =	stream.linear.scatter [tilespmem:s17], [sflag:$0x7], $0x1000, $0x38;
	[tilespmem:$0x1E900] =	vst v63  }
0x92: {  	_ =	swait.ge [sflag:s14], $0x1000  }
0x93: {  	[sflag:s14] =	ssyncset.done $0x0  }
0x94: {  	s8 =	rddreg [dreg:$0x1a];
	[sflag:s14] =	ssyncadd.s32 $0xFFFFF000  }
0x95: {  	[spmem:s8] =	stream.linear.scatter [tilespmem:s17], [sflag:$0x7], $0x1000, $0x38;
	[tilespmem:$0x1E900] =	vst v63  }
0x96: {  	_ =	swait.ge [sflag:s14], $0x1000  }
0x97: {  	[sflag:s14] =	ssyncset.done $0x0  }
0x98: {  	s9 =	rddreg [dreg:$0x1b];
	[sflag:s14] =	ssyncadd.s32 $0xFFFFF000  }
0x99: {  	[spmem:s9] =	stream.linear.scatter [tilespmem:s17], [sflag:$0x7], $0x1000, $0x38;
	[tilespmem:$0x1E900] =	vst v63  }
0x9a: {  	_ =	swait.ge [sflag:s14], $0x1000  }
0x9b: {  	[sflag:s14] =	ssyncset.done $0x0  }
0x9c: {  	s31 =	rddreg [dreg:$0x1c];
	[sflag:s14] =	ssyncadd.s32 $0xFFFFF000  }
0x9d: {  	[spmem:s31] =	stream.linear.scatter [tilespmem:s17], [sflag:$0x7], $0x700, $0x38;
	[tilespmem:$0x1E900] =	vst v63  }
.Ltmp3:
0x9e: {  	_ =	swait.ge [sflag:s14], $0x700;
	(pc) =	sbr.rel .LBB2_4-.Ltmp3, $4  }
0x9f: {  	[sflag:s14] =	ssyncset.done $0x0  }
0xa0: {  	[sflag:s14] =	ssyncadd.s32 $0xFFFFF900  }
0xa1: {  	[bflag:$0x0] =	sbarrier.arrive $0xFFFF  }
0xa2: {  	s30 =	simm.s32 $0x0  }
.LBB2_17:
0xa3: {  	v2 =	vld [tilespmem:s8+$0x4220];
	_ =	sdelay $0x4  }
0xa4: {  	v1 =	vmul.f32 v2, v1;
	_ =	sdelay $0x1  }
0xa5: {  	[tilespmem:s0+$0xFFFFFFE0] =	vst v1;
	v1 =	vld [tilespmem:s0+$0xFFFFFFF0]  }
0xa6: {  	v2 =	vld [tilespmem:s8+$0x4230];
	_ =	sdelay $0x4  }
0xa7: {  	v1 =	vmul.f32 v2, v1;
	_ =	sdelay $0x1  }
0xa8: {  	[tilespmem:s0+$0xFFFFFFF0] =	vst v1;
	v1 =	vld [tilespmem:s0+$0x0]  }
0xa9: {  	v2 =	vld [tilespmem:s8+$0x4260];
	_ =	sdelay $0x4  }
0xaa: {  	v1 =	vmul.f32 v2, v1;
	_ =	sdelay $0x1  }
0xab: {  	[tilespmem:s0+$0x0] =	vst v1;
	v1 =	vld [tilespmem:s0+$0x10]  }
0xac: {  	v2 =	vld [tilespmem:s8+$0x4270];
	_ =	sdelay $0x4  }
0xad: {  	v1 =	vmul.f32 v2, v1;
	_ =	sdelay $0x1  }
0xae: {  	[tilespmem:s2+$0x10] =	vst v1  }
.LBB2_18:
0xaf: {  	s30 =	sadd.s32 $0x1, s30  }
0xb0: {  	p1 =	sne.s32 s30, $0xC8  }
.Ltmp4:
0xb1: {  	_ = 	snop;
	(pc) =	sbr.rel @!p1 .LBB2_19-.Ltmp4, $2  }
0xb2: {  	_ =	sdelay $0x2  }
0xb3: {  	[spmem:s1] =	stream.indirect.scatter.add.f32 [tilespmem:s17], [sflag:$0x6], $0x20, s25, s15, $0xb8;
	[tilespmem:$0x1E900] =	vst v63  }
.LBB2_4:
0xb4: {  	s31 =	sshll.u32 s30, $0x1;
	p1 =	seq.s32 s30, $0x0  }
0xb5: {  	s0 =	simm.s32 @!p1 $0x6;
	s2 =	sor.u32 $0x1, s31  }
0xb6: {  	_ =	swait.ge @!p1 [sflag:s0], $0x1000;
	s8 =	sadd.s32 s7, s2  }
0xb7: {  	[sflag:s0] =	ssyncset.done @!p1 $0x0;
	s8 =	sshll.u32 s8, $0x5  }
0xb8: {  	s9 =	sshll.u32 s2, $0xD;
	[sflag:s0] =	ssyncadd.s32 @!p1 $0xFFFFF000;
	s8 =	sadd.s32 s6, s8  }
0xb9: {  	[tilespmem:s18], [sflag:$0x7] =	stream.linear.gather [hbm4b:s8+s29], $0x100, $0x38;
	[tilespmem:$0x1E900] =	vst v63  }
0xba: {  	s0 =	sadd.s32 s13, s9;
	_ =	swait.ge [sflag:s14], $0x100  }
0xbb: {  	s0 =	sshrl.u32 s0, $0x3;
	[sflag:s14] =	ssyncset.done $0x0  }
0xbc: {  	s0 =	sadd.s32 s5, s0;
	[sflag:s14] =	ssyncadd.s32 $0xFFFFFF00  }
0xbd: {  	[tilespmem:s19], [sflag:$0x4] =	stream.linear.gather [hbm4b:s0+s29], $0x2000, $0x38;
	[tilespmem:$0x1E900] =	vst v63  }
0xbe: {  	_ = 	snop  }
0xbf: {  	[tilespmem:s17], [sflag:$0x2] =	stream.indirect.gather [hbm4b:s4+s15], $0x20, s18, s15, $0xb8;
	[tilespmem:$0x1E900] =	vst v63  }
0xc0: {  	_ =	swait.ge [sflag:s20], $0x2000  }
.Ltmp5:
0xc1: {  	[sflag:s20] =	ssyncset.done $0x0;
	(pc) =	sbr.rel @p0 .LBB2_8-.Ltmp5, $4  }
0xc2: {  	[sflag:s20] =	ssyncadd.s32 $0xFFFFE000  }
0xc3: {  	_ =	swait.ge [sflag:s21], $0x1000  }
0xc4: {  	[sflag:s21] =	ssyncset.done $0x0  }
0xc5: {  	s0 =	simm.s32 $0x220;
	[sflag:s21] =	ssyncadd.s32 $0xFFFFF000  }
0xc6: {  	v1 =	vld [tilespmem:s0+$0xFFFFFFE0];
	s8 =	simm.s32 $0x0;
	s9 =	simm.s32 $0x200;
	s2 =	simm.s32 $0x220  }
.LBB2_6:
0xc7: {  	p1 =	seq.s32 s9, $0x7E00;
	v2 =	vld [tilespmem:s8+$0x2200];
	_ =	sdelay $0x4  }
0xc8: {  	v1 =	vmul.f32 v2, v1;
	_ =	sdelay $0x1  }
0xc9: {  	[tilespmem:s0+$0xFFFFFFE0] =	vst v1;
	v1 =	vld [tilespmem:s0+$0xFFFFFFF0]  }
0xca: {  	v2 =	vld [tilespmem:s8+$0x2210];
	_ =	sdelay $0x4  }
0xcb: {  	v1 =	vmul.f32 v2, v1;
	_ =	sdelay $0x1  }
0xcc: {  	[tilespmem:s0+$0xFFFFFFF0] =	vst v1;
	v1 =	vld [tilespmem:s0+$0x0]  }
0xcd: {  	v2 =	vld [tilespmem:s8+$0x2240];
	_ =	sdelay $0x4  }
0xce: {  	v1 =	vmul.f32 v2, v1;
	_ =	sdelay $0x1  }
0xcf: {  	[tilespmem:s0+$0x0] =	vst v1;
	v1 =	vld [tilespmem:s0+$0x10]  }
0xd0: {  	v2 =	vld [tilespmem:s8+$0x2250];
	_ =	sdelay $0x2  }
.Ltmp6:
0xd1: {  	(pc) =	sbr.rel @!p1 .LBB2_6-.Ltmp6, $4  }
0xd2: {  	_ = 	snop  }
0xd3: {  	v2 =	vmul.f32 v2, v1  }
0xd4: {  	s0 =	sadd.s32 $0x40, s0  }
0xd5: {  	s8 =	sshra.s32 s9, $0x2;
	s9 =	sadd.s32 $0x200, s9;
	v1 =	vld [tilespmem:s0+$0xFFFFFFE0];
	[tilespmem:s2+$0x10] =	vst v2;
	s2 =	smov.u32 s0  }
0xd6: {  	v2 =	vld [tilespmem:s8+$0x2200];
	_ =	sdelay $0x4  }
0xd7: {  	v1 =	vmul.f32 v2, v1;
	_ =	sdelay $0x1  }
0xd8: {  	[tilespmem:s0+$0xFFFFFFE0] =	vst v1;
	v1 =	vld [tilespmem:s0+$0xFFFFFFF0]  }
0xd9: {  	v2 =	vld [tilespmem:s8+$0x2210];
	_ =	sdelay $0x4  }
0xda: {  	v1 =	vmul.f32 v2, v1;
	_ =	sdelay $0x1  }
0xdb: {  	[tilespmem:s0+$0xFFFFFFF0] =	vst v1;
	v1 =	vld [tilespmem:s0+$0x0]  }
0xdc: {  	v2 =	vld [tilespmem:s8+$0x2240];
	_ =	sdelay $0x4  }
0xdd: {  	v1 =	vmul.f32 v2, v1;
	_ =	sdelay $0x1  }
0xde: {  	[tilespmem:s0+$0x0] =	vst v1;
	v1 =	vld [tilespmem:s0+$0x10]  }
0xdf: {  	v2 =	vld [tilespmem:s8+$0x2250];
	_ =	sdelay $0x2  }
.Ltmp7:
0xe0: {  	_ = 	snop;
	(pc) =	sbr.rel .LBB2_11-.Ltmp7, $3  }
0xe1: {  	_ = 	snop  }
0xe2: {  	v1 =	vmul.f32 v2, v1;
	_ =	sdelay $0x1  }
0xe3: {  	[tilespmem:s2+$0x10] =	vst v1  }
.LBB2_8:
0xe4: {  	v1 =	vld [tilespmem:s0+$0xFFFFFFE0];
	s8 =	simm.s32 $0x0;
	s9 =	simm.s32 $0x200;
	s2 =	simm.s32 $0x220  }
.LBB2_9:
0xe5: {  	p1 =	sne.s32 s9, $0x7E00;
	v2 =	vld [tilespmem:s8+$0x2220];
	_ =	sdelay $0x4  }
0xe6: {  	v1 =	vmul.f32 v2, v1;
	_ =	sdelay $0x1  }
0xe7: {  	[tilespmem:s0+$0xFFFFFFE0] =	vst v1;
	v1 =	vld [tilespmem:s0+$0xFFFFFFF0]  }
0xe8: {  	v2 =	vld [tilespmem:s8+$0x2230];
	_ =	sdelay $0x4  }
0xe9: {  	v1 =	vmul.f32 v2, v1;
	_ =	sdelay $0x1  }
0xea: {  	[tilespmem:s0+$0xFFFFFFF0] =	vst v1;
	v1 =	vld [tilespmem:s0+$0x0]  }
0xeb: {  	v2 =	vld [tilespmem:s8+$0x2260];
	_ =	sdelay $0x4  }
0xec: {  	v1 =	vmul.f32 v2, v1;
	_ =	sdelay $0x1  }
0xed: {  	[tilespmem:s0+$0x0] =	vst v1;
	v1 =	vld [tilespmem:s0+$0x10]  }
0xee: {  	v2 =	vld [tilespmem:s8+$0x2270];
	_ =	sdelay $0x2  }
.Ltmp8:
0xef: {  	(pc) =	sbr.rel @p1 .LBB2_9-.Ltmp8, $4  }
0xf0: {  	_ = 	snop  }
0xf1: {  	v2 =	vmul.f32 v2, v1  }
0xf2: {  	s0 =	sadd.s32 $0x40, s0  }
0xf3: {  	s8 =	sshra.s32 s9, $0x2;
	s9 =	sadd.s32 $0x200, s9;
	v1 =	vld [tilespmem:s0+$0xFFFFFFE0];
	[tilespmem:s2+$0x10] =	vst v2;
	s2 =	smov.u32 s0  }
0xf4: {  	v2 =	vld [tilespmem:s8+$0x2220];
	_ =	sdelay $0x4  }
0xf5: {  	v1 =	vmul.f32 v2, v1;
	_ =	sdelay $0x1  }
0xf6: {  	[tilespmem:s0+$0xFFFFFFE0] =	vst v1;
	v1 =	vld [tilespmem:s0+$0xFFFFFFF0]  }
0xf7: {  	v2 =	vld [tilespmem:s8+$0x2230];
	_ =	sdelay $0x4  }
0xf8: {  	v1 =	vmul.f32 v2, v1;
	_ =	sdelay $0x1  }
0xf9: {  	[tilespmem:s0+$0xFFFFFFF0] =	vst v1;
	v1 =	vld [tilespmem:s0+$0x0]  }
0xfa: {  	v2 =	vld [tilespmem:s8+$0x2260];
	_ =	sdelay $0x4  }
0xfb: {  	v1 =	vmul.f32 v2, v1;
	_ =	sdelay $0x1  }
0xfc: {  	[tilespmem:s0+$0x0] =	vst v1;
	v1 =	vld [tilespmem:s0+$0x10]  }
0xfd: {  	v2 =	vld [tilespmem:s8+$0x2270];
	_ =	sdelay $0x4  }
0xfe: {  	v1 =	vmul.f32 v2, v1;
	_ =	sdelay $0x1  }
0xff: {  	[tilespmem:s2+$0x10] =	vst v1  }
.LBB2_11:
0x100: {  	[spmem:s1] =	stream.indirect.scatter.add.f32 [tilespmem:s16], [sflag:$0x5], $0x20, s15, s15, $0xb8;
	[tilespmem:$0x1E900] =	vst v63  }
0x101: {  	p1 =	seq.s32 s30, $0xC7  }
0x102: {  	s0 =	sadd.s32 @!p1 $0x2, s31  }
0x103: {  	_ =	swait.ge [sflag:s22], $0x1000;
	s2 =	sadd.s32 @!p1 s7, s0  }
0x104: {  	[sflag:s22] =	ssyncset.done $0x0;
	s2 =	sshll.u32 @!p1 s2, $0x5  }
0x105: {  	s8 =	simm.s32 @!p1 $0x0;
	[sflag:s22] =	ssyncadd.s32 $0xFFFFF000;
	s2 =	sadd.s32 @!p1 s6, s2  }
0x106: {  	[tilespmem:s8], [sflag:$0x7] =	stream.linear.gather @!p1 [hbm4b:s2+s8], $0x100, $0x38;
	[tilespmem:$0x1E900] =	vst v63  }
0x107: {  	s0 =	sshll.u32 @!p1 s0, $0xD;
	s2 =	simm.s32 @!p1 $0x7  }
0x108: {  	s0 =	sadd.s32 @!p1 s13, s0;
	_ =	swait.ge @!p1 [sflag:s2], $0x100  }
0x109: {  	s0 =	sshrl.u32 @!p1 s0, $0x3;
	[sflag:s2] =	ssyncset.done @!p1 $0x0  }
0x10a: {  	s0 =	sadd.s32 @!p1 s5, s0;
	[sflag:s2] =	ssyncadd.s32 @!p1 $0xFFFFFF00;
	s2 =	simm.s32 @!p1 $0x2200  }
0x10b: {  	[tilespmem:s2], [sflag:$0x3] =	stream.linear.gather @!p1 [hbm4b:s0+s8], $0x2000, $0x38;
	[tilespmem:$0x1E900] =	vst v63  }
0x10c: {  	s0 =	simm.s32 @!p1 $0x80;
	s2 =	simm.s32 @!p1 $0x200  }
0x10d: {  	[tilespmem:s2], [sflag:$0x1] =	stream.indirect.gather @!p1 [hbm4b:s4+s0], $0x20, s8, s0, $0xb8;
	[tilespmem:$0x1E900] =	vst v63  }
0x10e: {  	_ =	swait.ge [sflag:s23], $0x2000  }
.Ltmp9:
0x10f: {  	[sflag:s23] =	ssyncset.done $0x0;
	(pc) =	sbr.rel @p0 .LBB2_15-.Ltmp9, $4  }
0x110: {  	[sflag:s23] =	ssyncadd.s32 $0xFFFFE000  }
0x111: {  	_ =	swait.ge [sflag:s24], $0x1000  }
0x112: {  	[sflag:s24] =	ssyncset.done $0x0  }
0x113: {  	s0 =	simm.s32 $0x1220;
	[sflag:s24] =	ssyncadd.s32 $0xFFFFF000  }
0x114: {  	v1 =	vld [tilespmem:s0+$0xFFFFFFE0];
	s8 =	simm.s32 $0x0;
	s9 =	simm.s32 $0x200;
	s2 =	simm.s32 $0x1220  }
.LBB2_13:
0x115: {  	p1 =	seq.s32 s9, $0x7E00;
	v2 =	vld [tilespmem:s8+$0x4200];
	_ =	sdelay $0x4  }
0x116: {  	v1 =	vmul.f32 v2, v1;
	_ =	sdelay $0x1  }
0x117: {  	[tilespmem:s0+$0xFFFFFFE0] =	vst v1;
	v1 =	vld [tilespmem:s0+$0xFFFFFFF0]  }
0x118: {  	v2 =	vld [tilespmem:s8+$0x4210];
	_ =	sdelay $0x4  }
0x119: {  	v1 =	vmul.f32 v2, v1;
	_ =	sdelay $0x1  }
0x11a: {  	[tilespmem:s0+$0xFFFFFFF0] =	vst v1;
	v1 =	vld [tilespmem:s0+$0x0]  }
0x11b: {  	v2 =	vld [tilespmem:s8+$0x4240];
	_ =	sdelay $0x4  }
0x11c: {  	v1 =	vmul.f32 v2, v1;
	_ =	sdelay $0x1  }
0x11d: {  	[tilespmem:s0+$0x0] =	vst v1;
	v1 =	vld [tilespmem:s0+$0x10]  }
0x11e: {  	v2 =	vld [tilespmem:s8+$0x4250];
	_ =	sdelay $0x2  }
.Ltmp10:
0x11f: {  	(pc) =	sbr.rel @!p1 .LBB2_13-.Ltmp10, $4  }
0x120: {  	_ = 	snop  }
0x121: {  	v2 =	vmul.f32 v2, v1  }
0x122: {  	s0 =	sadd.s32 $0x40, s0  }
0x123: {  	s8 =	sshra.s32 s9, $0x2;
	s9 =	sadd.s32 $0x200, s9;
	v1 =	vld [tilespmem:s0+$0xFFFFFFE0];
	[tilespmem:s2+$0x10] =	vst v2;
	s2 =	smov.u32 s0  }
0x124: {  	v2 =	vld [tilespmem:s8+$0x4200];
	_ =	sdelay $0x4  }
0x125: {  	v1 =	vmul.f32 v2, v1;
	_ =	sdelay $0x1  }
0x126: {  	[tilespmem:s0+$0xFFFFFFE0] =	vst v1;
	v1 =	vld [tilespmem:s0+$0xFFFFFFF0]  }
0x127: {  	v2 =	vld [tilespmem:s8+$0x4210];
	_ =	sdelay $0x4  }
0x128: {  	v1 =	vmul.f32 v2, v1;
	_ =	sdelay $0x1  }
0x129: {  	[tilespmem:s0+$0xFFFFFFF0] =	vst v1;
	v1 =	vld [tilespmem:s0+$0x0]  }
0x12a: {  	v2 =	vld [tilespmem:s8+$0x4240];
	_ =	sdelay $0x4  }
0x12b: {  	v1 =	vmul.f32 v2, v1;
	_ =	sdelay $0x1  }
0x12c: {  	[tilespmem:s0+$0x0] =	vst v1;
	v1 =	vld [tilespmem:s0+$0x10]  }
0x12d: {  	v2 =	vld [tilespmem:s8+$0x4250];
	_ =	sdelay $0x2  }
.Ltmp11:
0x12e: {  	_ = 	snop;
	(pc) =	sbr.rel .LBB2_18-.Ltmp11, $3  }
0x12f: {  	_ = 	snop  }
0x130: {  	v1 =	vmul.f32 v2, v1;
	_ =	sdelay $0x1  }
0x131: {  	[tilespmem:s2+$0x10] =	vst v1  }
.LBB2_15:
0x132: {  	v1 =	vld [tilespmem:s0+$0xFFFFFFE0];
	s8 =	simm.s32 $0x0;
	s9 =	simm.s32 $0x200;
	s2 =	simm.s32 $0x1220  }
.LBB2_16:
0x133: {  	p1 =	sne.s32 s9, $0x7E00;
	v2 =	vld [tilespmem:s8+$0x4220];
	_ =	sdelay $0x4  }
0x134: {  	v1 =	vmul.f32 v2, v1;
	_ =	sdelay $0x1  }
0x135: {  	[tilespmem:s0+$0xFFFFFFE0] =	vst v1;
	v1 =	vld [tilespmem:s0+$0xFFFFFFF0]  }
0x136: {  	v2 =	vld [tilespmem:s8+$0x4230];
	_ =	sdelay $0x4  }
0x137: {  	v1 =	vmul.f32 v2, v1;
	_ =	sdelay $0x1  }
0x138: {  	[tilespmem:s0+$0xFFFFFFF0] =	vst v1;
	v1 =	vld [tilespmem:s0+$0x0]  }
0x139: {  	v2 =	vld [tilespmem:s8+$0x4260];
	_ =	sdelay $0x4  }
0x13a: {  	v1 =	vmul.f32 v2, v1;
	_ =	sdelay $0x1  }
0x13b: {  	[tilespmem:s0+$0x0] =	vst v1;
	v1 =	vld [tilespmem:s0+$0x10]  }
0x13c: {  	v2 =	vld [tilespmem:s8+$0x4270];
	_ =	sdelay $0x2  }
.Ltmp12:
0x13d: {  	(pc) =	sbr.rel @p1 .LBB2_16-.Ltmp12, $4  }
0x13e: {  	_ = 	snop  }
0x13f: {  	v2 =	vmul.f32 v2, v1  }
0x140: {  	s0 =	sadd.s32 $0x40, s0  }
0x141: {  	s8 =	sshra.s32 s9, $0x2;
	s9 =	sadd.s32 $0x200, s9;
	v1 =	vld [tilespmem:s0+$0xFFFFFFE0];
	[tilespmem:s2+$0x10] =	vst v2;
	s2 =	smov.u32 s0  }
.Ltmp13:
0x142: {  	_ = 	snop;
	(pc) =	sbr.rel .LBB2_17-.Ltmp13, $1  }
0x143: {  	_ =	sdelay $0x3  }
.LBB2_20:
0x144: {  	_ =	sfence.sel $0x180000  }
0x145: {  	[bflag:$0x0] =	sbarrier.arrive $0xFFFF  }
0x146: {  	_ =	strace $0x9000004A  }
0x147: {  	s0 =	stileid.u32;
	[bflag:$0x2] =	sbarrier.arrive $0xFFFF  }
0x148: {  	p0 =	sne.s32 s0, $0x0;
	s0 =	rddreg [dreg:$0x2]  }
0x149: {  	s0 =	sadd.s32 @!p0 $0x100000, s0  }
0x14a: {  	[sflag:s0] =	ssyncadd.tile.s32 @!p0 $0x1;
	_ =	shalt  }
.Lfunc_end2:
_tile_overlayer_lowered:
.L_overlay_start_2:
0x14b: {  	(tag) =	ssettag $0x2  }
0x14c: {  	s0 =	rddreg [dreg:$0x0];
	s2 =	stileid.u32  }
0x14d: {  	s1 =	rddreg [dreg:$0x1];
	p0 =	sne.s32 s2, $0x0  }
0x14e: {  	s3 =	rddreg [dreg:$0x2];
	[bflag:$0x3] =	sbarrier.arrive $0xFFFF;
	s2 =	simm.s32 @!p0 $0x1C07  }
0x14f: {  	[timem:s3], [sflag:s2] =	dma.local @!p0 [hbm:s0], s1  }
0x150: {  	s0 =	simm.s32 @!p0 $0x7  }
0x151: {  	_ =	swait.ge @!p0 [sflag:s0], s1  }
0x152: {  	s1 =	ssub.s32 @!p0 $0x0, s1;
	[sflag:s0] =	ssyncset.done @!p0 $0x0  }
0x153: {  	[sflag:s0] =	ssyncadd.s32 @!p0 s1  }
0x154: {  	[bflag:$0x3] =	sbarrier.arrive $0xFFFF  }
0x155: {  	_ =	shalt  }

// kernel: kernel.18.cloned.1.call-start
scs
__scs_entry_jumppad:
0x0: {  	(pc) =	sbr.rel $0x88, $3  }
0x1: {  	(tag) =	ssettag $0x0;
	lr =	simm.s32 $0x1  }
0x2: {  	[smem:$0x3F7E] =	sst lr;
	_ =	strace $0xD0000000  }
0x3: {  	_ = 	snop  }
0x4: {  	_ = 	snop  }
0x5: {  	_ = 	snop  }
0x6: {  	_ = 	snop  }
0x7: {  	_ = 	snop  }
__scs_overlays_trampoline_lowered:
0x8: {  	[smem:$0x3F8D] =	sst s0  }
0x9: {  	[smem:$0x3F8E] =	sst s1  }
0xa: {  	[smem:$0x3F8F] =	sst s2  }
0xb: {  	[smem:$0x3F90] =	sst s3  }
0xc: {  	[smem:$0x3F91] =	sst s4  }
0xd: {  	[smem:$0x3F92] =	sst s5  }
0xe: {  	[smem:$0x3F93] =	sst s6  }
0xf: {  	[smem:$0x3F94] =	sst s7  }
0x10: {  	[smem:$0x3F95] =	sst s8  }
0x11: {  	[smem:$0x3F96] =	sst s9;
	s0 =	simm.s32 @!p0 $0x0  }
0x12: {  	s1 =	sld [smem:$0x3F7C];
	s0 =	simm.s32 @p0 $0x1  }
0x13: {  	[smem:$0x3F97] =	sst s0;
	s0 =	simm.s32 @!p1 $0x0  }
0x14: {  	s2 =	sld [smem:$0x3F7B];
	s0 =	simm.s32 @p1 $0x1  }
0x15: {  	[smem:$0x3F98] =	sst s0;
	s0 =	simm.s32 @!p2 $0x0  }
0x16: {  	s3 =	sld [smem:$0x3FDB];
	s0 =	simm.s32 @p2 $0x1  }
0x17: {  	s4 =	simm.s32 $0x1BF5;
	[smem:$0x3F9A] =	sst s0  }
0x18: {  	s0 =	sld [smem:$0x3F7D];
	_ =	swait.ge [sflag:s4], $0x0  }
0x19: {  	s7 =	sld [smem:$0x3F7E]  }
0x1a: {  	s8 =	sadd.s32 $0xFFFFE003, lr  }
0x1b: {  	s9 =	sadd.s32 $0xFFFFFEF7, lr;
	s5 =	simm.s32 $0xFFFFFFFF;
	p2 =	slt.u32 s8, $0xFFFFF086  }
0x1c: {  	p1 =	slt.u32 s9, $0xF7A;
	s5 =	simm.s32 @!p2 $0x0  }
0x1d: {  	s5 =	simm.s32 @p1 $0x1;
	p0 =	seq.s32 s7, s2  }
0x1e: {  	s7 =	smul.u32 @!p0 $0xF7A, s2;
	p2 =	seq.s32 @!p0 s5, $0x0  }
0x1f: {  	s9 =	smul.u32 $0xF7A, s1;
	s8 =	simm.s32 @!p0 $0x1BF5;
	p2 =	por !p2, p0  }
0x20: {  	[sflag:s8] =	ssyncset.s32 @!p0 $0xFFFFF086;
	s6 =	sadd.s32 @!p0 s3, s7;
	s7 =	simm.s32 @!p0 $0x108  }
0x21: {  	s3 =	sadd.s32 s3, s9;
	s6 =	sadd.s32 @!p0 $0x88, s6;
	s7 =	simm.s32 @p2 $0x1082  }
0x22: {  	[simem:s7], [sflag:s8] =	dma.local @!p0 [hbm:s6], $0xF7A  }
0x23: {  	s9 =	sor.u32 $0xD0000000, s2;
	s6 =	simm.s32 $0x108;
	_ =	swait.ge @!p0 [sflag:s8], $0x0  }
0x24: {  	s3 =	sadd.s32 $0x88, s3;
	s6 =	simm.s32 @!p1 $0x1082;
	[sflag:s4] =	ssyncset.s32 $0xFFFFF086  }
0x25: {  	[simem:s6], [sflag:s4] =	dma.local [hbm:s3], $0xF7A  }
0x26: {  	[smem:$0x3F7E] =	sst s1;
	(tag) =	ssettag s2;
	_ =	strace s9  }
0x27: {  	s1 =	sld [smem:$0x3F8E]  }
0x28: {  	s2 =	sld [smem:$0x3F8F]  }
0x29: {  	s4 =	sld [smem:$0x3F91]  }
0x2a: {  	p0 =	seq.s32 s5, $0x0;
	s5 =	sld [smem:$0x3F92]  }
0x2b: {  	s6 =	sld [smem:$0x3F93]  }
0x2c: {  	s7 =	sld [smem:$0x3F94]  }
0x2d: {  	s3 =	simm.s32 $0x108;
	s8 =	sld [smem:$0x3F95]  }
0x2e: {  	s3 =	simm.s32 @!p0 $0x1082;
	s9 =	sld [smem:$0x3F96]  }
0x2f: {  	lr =	sadd.s32 s0, s3;
	s0 =	sld [smem:$0x3F8D]  }
0x30: {  	s3 =	sld [smem:$0x3F90]  }
0x31: {  	[smem:$0x3F99] =	sst s10  }
0x32: {  	s10 =	sld [smem:$0x3F97];
	_ =	sdelay $0x3  }
0x33: {  	p0 =	seq.s32 s10, $0x1;
	s10 =	sld [smem:$0x3F99];
	_ =	sdelay $0x3  }
0x34: {  	[smem:$0x3F99] =	sst s10  }
0x35: {  	s10 =	sld [smem:$0x3F98];
	_ =	sdelay $0x3  }
0x36: {  	p1 =	seq.s32 s10, $0x1;
	s10 =	sld [smem:$0x3F99];
	_ =	sdelay $0x3  }
0x37: {  	[smem:$0x3F99] =	sst s10  }
0x38: {  	s10 =	sld [smem:$0x3F9A]  }
0x39: {  	_ = 	snop;
	(pc) =	sbr.ind lr, $3  }
0x3a: {  	_ = 	snop  }
0x3b: {  	_ = 	snop  }
0x3c: {  	p2 =	seq.s32 s10, $0x1;
	s10 =	sld [smem:$0x3F99]  }
0x3d: {  	_ =	shalt  }
0x3e: {  	_ =	shalt  }
0x3f: {  	_ =	shalt  }
0x40: {  	_ =	shalt  }
0x41: {  	_ =	shalt  }
0x42: {  	_ =	shalt  }
0x43: {  	_ =	shalt  }
0x44: {  	_ =	shalt  }
0x45: {  	_ =	shalt  }
0x46: {  	_ =	shalt  }
0x47: {  	_ =	shalt  }
0x48: {  	_ =	shalt  }
0x49: {  	_ =	shalt  }
0x4a: {  	_ =	shalt  }
0x4b: {  	_ =	shalt  }
0x4c: {  	_ =	shalt  }
0x4d: {  	_ =	shalt  }
0x4e: {  	_ =	shalt  }
0x4f: {  	_ =	shalt  }
0x50: {  	_ =	shalt  }
0x51: {  	_ =	shalt  }
0x52: {  	_ =	shalt  }
0x53: {  	_ =	shalt  }
0x54: {  	_ =	shalt  }
0x55: {  	_ =	shalt  }
0x56: {  	_ =	shalt  }
0x57: {  	_ =	shalt  }
0x58: {  	_ =	shalt  }
0x59: {  	_ =	shalt  }
0x5a: {  	_ =	shalt  }
0x5b: {  	_ =	shalt  }
0x5c: {  	_ =	shalt  }
0x5d: {  	_ =	shalt  }
0x5e: {  	_ =	shalt  }
0x5f: {  	_ =	shalt  }
0x60: {  	_ =	shalt  }
0x61: {  	_ =	shalt  }
0x62: {  	_ =	shalt  }
0x63: {  	_ =	shalt  }
0x64: {  	_ =	shalt  }
0x65: {  	_ =	shalt  }
0x66: {  	_ =	shalt  }
0x67: {  	_ =	shalt  }
0x68: {  	_ =	shalt  }
0x69: {  	_ =	shalt  }
0x6a: {  	_ =	shalt  }
0x6b: {  	_ =	shalt  }
0x6c: {  	_ =	shalt  }
0x6d: {  	_ =	shalt  }
0x6e: {  	_ =	shalt  }
0x6f: {  	_ =	shalt  }
0x70: {  	_ =	shalt  }
0x71: {  	_ =	shalt  }
0x72: {  	_ =	shalt  }
0x73: {  	_ =	shalt  }
0x74: {  	_ =	shalt  }
0x75: {  	_ =	shalt  }
0x76: {  	_ =	shalt  }
0x77: {  	_ =	shalt  }
0x78: {  	_ =	shalt  }
0x79: {  	_ =	shalt  }
0x7a: {  	_ =	shalt  }
0x7b: {  	_ =	shalt  }
0x7c: {  	_ =	shalt  }
0x7d: {  	_ =	shalt  }
0x7e: {  	_ =	shalt  }
0x7f: {  	_ =	shalt  }
0x80: {  	_ =	shalt  }
0x81: {  	_ =	shalt  }
0x82: {  	_ =	shalt  }
0x83: {  	_ =	shalt  }
0x84: {  	_ =	shalt  }
0x85: {  	_ =	shalt  }
0x86: {  	_ =	shalt  }
0x87: {  	_ =	shalt  }
.Lfunc_end0:
.L_simem_size_0:
called_computation.2_lowered:
.L_overlay_start_0:
0x88: {  	s2 =	sld [smem:$0x3FD9]  }
0x89: {  	s3 =	sld [smem:$0x3FFE];
	_ =	sdelay $0x1  }
0x8a: {  	s1 =	srdreg.scid  }
0x8b: {  	s0 =	sand.u32 $0x1, s1  }
0x8c: {  	s16 =	sshll.u32 s0, $0xA;
	s2 =	sadd.s32 s3, s2  }
0x8d: {  	s2 =	sadd.s32 s2, s16  }
0x8e: {  	[smem:$0x3FA5] =	sst s2  }
0x8f: {  	_ = 	snop  }
0x90: {  	(tm) =	ssettm $0x1  }
0x91: {  	s17 =	sld [smem:$0x3FFB];
	_ =	sdelay $0x3  }
0x92: {  	_ =	strace s17  }
0x93: {  	s2 =	sld [smem:$0x3FFC];
	_ =	sdelay $0x3  }
0x94: {  	_ =	strace s2  }
0x95: {  	s2 =	sld [smem:$0x3FFD];
	_ =	sdelay $0x3  }
0x96: {  	_ =	strace s2  }
0x97: {  	_ =	strace $0x8FFFFFFF  }
0x98: {  	s18 =	sld [smem:$0x3FDB];
	_ =	sdelay $0x1  }
0x99: {  	s19 =	simm.s32 $_scs_section_size  }
0x9a: {  	s4 =	simm.s32 $_size__tile_overlayer_lowered;
	s5 =	simm.s32 $_tile_overlayer_lowered  }
0x9b: {  	s22 =	simm.s32 $0x1BFF;
	s21 =	sshll.u32 s5, $0x1;
	s2 =	sadd.s32 s19, s18  }
0x9c: {  	s6 =	simm.s32 $0x0;
	s20 =	sshll.u32 s4, $0x1;
	s4 =	sadd.s32 s21, s2  }
0x9d: {  	[timem:s6], [sflag:s22] =	dma.local [hbm:s4], s20  }
0x9e: {  	_ =	swait.ge [sflag:s22], s20  }
0x9f: {  	s3 =	ssub.s32 $0x0, s20;
	[sflag:s22] =	ssyncset.done $0x0  }
0xa0: {  	[sflag:s22] =	ssyncadd.s32 s3;
	_ =	sdelay $0x1  }
0xa1: {  	s23 =	simm.s32 $0x1B8B  }
0xa2: {  	_ =	swait.ge [sflag:s23], $0x1  }
0xa3: {  	[sflag:s23] =	ssyncset.done $0x0  }
0xa4: {  	s25 =	simm.s32 $0x1B8E;
	s24 =	sld [smem:$0x3FFE];
	[sflag:s23] =	ssyncadd.s32 $0xFFFFFFFF  }
0xa5: {  	s26 =	simm.s32 $execute0_lowered;
	[smem:$0x3FD2] =	sst s25  }
0xa6: {  	s4 =	sshll.u32 s26, $0x1;
	_ =	strace $0x8000004C;
	[dreg:$0x1] =	wrdreg $0xFFFFFFFF  }
0xa7: {  	s28 =	simm.s32 $_size_execute0_lowered;
	s2 =	sadd.s32 s2, s4;
	[dreg:$0x0] =	wrdreg $0x0  }
0xa8: {  	s4 =	sshll.u32 s28, $0x1;
	[dreg:$0x2] =	wrdreg s2  }
0xa9: {  	[dreg:$0x3] =	wrdreg s4  }
0xaa: {  	[dreg:$0x4] =	wrdreg $0xC0  }
0xab: {  	_ =	task [dreg:s6], $0x5FFFF  }
0xac: {  	[dreg:$0x1] =	wrdreg $0xFFFFFFFF  }
0xad: {  	[dreg:$0x0] =	wrdreg $0x60  }
0xae: {  	[dreg:$0x2] =	wrdreg s24  }
0xaf: {  	[dreg:$0x3] =	wrdreg $0x62000  }
0xb0: {  	[dreg:$0x4] =	wrdreg $0x9  }
0xb1: {  	_ =	task.clear_ibuf [dreg:s6], $0x5FFFF;
	_ =	strace $0x9000004C  }
0xb2: {  	s29 =	simm.s32 $0x9;
	_ =	strace $0x8000004E  }
0xb3: {  	_ =	swait.ge [sflag:s29], $0x1  }
0xb4: {  	[sflag:s29] =	ssyncadd.s32 $0xFFFFFFFF  }
0xb5: {  	_ =	strace $0x9000004E  }
0xb6: {  	_ =	sfence  }
0xb7: {  	s30 =	sld [smem:$0x0];
	_ =	sdelay $0x2  }
0xb8: {  	s31 =	sshll.u32 s1, $0xD;
	s1 =	sshrl.u32 s1, $0x2  }
0xb9: {  	s3 =	sand.u32 $0x4000, s31;
	s1 =	sadd.s32 s1, s30  }
0xba: {  	s0 =	sor.u32 s3, s0;
	s1 =	sshll.u32 s1, $0x11  }
0xbb: {  	s0 =	sor.u32 s1, s0  }
0xbc: {  	s0 =	sadd.s32 $0x8F2B, s0  }
0xbd: {  	[sflag:s0] =	ssyncadd.remote.s32 $0x1  }
0xbe: {  	_ =	sfence.sel $0xFFFF  }
0xbf: {  	[dreg:$0x0] =	wrdreg $0xFFFFFFFF;
	(pc) =	sbr.abs _section_cstart, $3  }
0xc0: {  	[dreg:$0x1] =	wrdreg $0xFFFFFFFF  }
0xc1: {  	_ =	task.clear_ibuf [dreg:s6], $0x2FFFF;
	_ =	strace $0x9FFFFFFF  }
0xc2: {  	(tm) =	ssettm $0x7FFFFFFF  }
0xc3: {  	_ =	shalt  }
tec
execute0_lowered:
.L_overlay_start_1:
0x0: {  	(tag) =	ssettag $0x1  }
0x1: {  	s1 =	srdreg.scid;
	s14 =	stileid.u32  }
0x2: {  	s1 =	sand.u32 $0x1, s1;
	s8 =	smul.u32 $0x18700, s14  }
0x3: {  	s0 =	rddreg [dreg:$0x0];
	s7 =	smul.u32 $0x187000, s1  }
0x4: {  	s2 =	rddreg [dreg:$0x1];
	s3 =	simm.s32 $0x0;
	s10 =	smul.u32 $0x190, s14  }
0x5: {  	s4 =	sadd.s32 $0x6A000, s0;
	s9 =	smul.u32 $0x1900, s1;
	s7 =	sadd.s32 s8, s7  }
0x6: {  	s5 =	sadd.s32 $0x8CC200, s0;
	s6 =	sadd.s32 $0x6000, s0;
	s7 =	sshrl.u32 s7, $0x3  }
0x7: {  	s12 =	smul.u32 $0x61C00, s14;
	s0 =	sadd.s32 s7, s0;
	s7 =	sadd.s32 s10, s9  }
0x8: {  	[smem:$0x7FF] =	sst s3;
	s20 =	smul.u32 $0x64000, s14;
	s9 =	sshll.u32 s7, $0x5  }
0x9: {  	_ =	strace $0x8000004D;
	s12 =	sshrl.u32 s12, $0x2;
	s9 =	sadd.s32 s6, s9  }
0xa: {  	s10 =	sadd.s32 s5, s20;
	[dreg:$0x3] =	wrdreg s9;
	s9 =	sadd.s32 s12, s2  }
0xb: {  	[dreg:$0x4] =	wrdreg s10;
	s21 =	sadd.s32 $0x1000, s9  }
0xc: {  	s22 =	sadd.s32 $0x2000, s9;
	[dreg:$0x5] =	wrdreg s21  }
0xd: {  	s23 =	sadd.s32 $0x3000, s9;
	[dreg:$0x6] =	wrdreg s22  }
0xe: {  	s24 =	sadd.s32 $0x4000, s9;
	[dreg:$0x7] =	wrdreg s23  }
0xf: {  	s25 =	sadd.s32 $0x5000, s9;
	[dreg:$0x8] =	wrdreg s24  }
0x10: {  	s26 =	sadd.s32 $0x6000, s9;
	[dreg:$0x9] =	wrdreg s25  }
0x11: {  	s11 =	ssub.s32 $0x2, s1;
	s30 =	sadd.s32 $0x7000, s9;
	[dreg:$0xa] =	wrdreg s26  }
0x12: {  	s13 =	sshrl.u32 s11, $0x1;
	s31 =	sadd.s32 $0x8000, s9;
	[dreg:$0xb] =	wrdreg s30  }
0x13: {  	s13 =	ssub.s32 s11, s13;
	s11 =	sadd.s32 $0x9000, s9;
	[dreg:$0xc] =	wrdreg s31  }
0x14: {  	s12 =	sadd.s32 $0xA000, s9;
	[dreg:$0xd] =	wrdreg s11  }
0x15: {  	s15 =	sadd.s32 $0xB000, s9;
	[dreg:$0xe] =	wrdreg s12  }
0x16: {  	s16 =	sadd.s32 $0xC000, s9;
	[dreg:$0xf] =	wrdreg s15  }
0x17: {  	s17 =	sadd.s32 $0xD000, s9;
	[dreg:$0x10] =	wrdreg s16  }
0x18: {  	s18 =	sadd.s32 $0xE000, s9;
	[dreg:$0x11] =	wrdreg s17  }
0x19: {  	s28 =	simm.s32 $0x0;
	s19 =	sadd.s32 $0xF000, s9;
	[dreg:$0x12] =	wrdreg s18  }
0x1a: {  	s29 =	simm.s32 $0x0;
	s20 =	sadd.s32 $0x10000, s9;
	[dreg:$0x13] =	wrdreg s19  }
0x1b: {  	p0 =	sne.s32 s1, $0x0;
	s10 =	sadd.s32 s8, s2;
	[dreg:$0x14] =	wrdreg s20  }
0x1c: {  	s21 =	sadd.s32 $0x11000, s9;
	s22 =	sadd.s32 $0x12000, s9;
	s23 =	sadd.s32 $0x13000, s9  }
0x1d: {  	s24 =	sadd.s32 $0x14000, s9;
	s25 =	sadd.s32 $0x15000, s9;
	[dreg:$0x15] =	wrdreg s21  }
0x1e: {  	s26 =	sadd.s32 $0x16000, s9;
	s30 =	sadd.s32 $0x17000, s9;
	[dreg:$0x16] =	wrdreg s22  }
0x1f: {  	s31 =	sadd.s32 $0x18000, s9;
	s11 =	sadd.s32 $0x1F0C00, s0;
	[dreg:$0x17] =	wrdreg s23  }
0x20: {  	s12 =	smax.u32 s13, $0x1;
	s13 =	smul.u32 $0x320000, s14;
	[dreg:$0x18] =	wrdreg s24  }
0x21: {  	s14 =	simm.s32 $0x7;
	s15 =	simm.s32 $0x80;
	[dreg:$0x19] =	wrdreg s25  }
.Ltmp0:
0x22: {  	s16 =	simm.s32 $0x200;
	[dreg:$0x1a] =	wrdreg s26;
	(pc) =	sbr.rel .LBB2_1-.Ltmp0, $4  }
0x23: {  	s17 =	simm.s32 $0x1200;
	s18 =	simm.s32 $0x100;
	[dreg:$0x1b] =	wrdreg s30  }
0x24: {  	s19 =	simm.s32 $0x4200;
	s20 =	simm.s32 $0x3;
	[dreg:$0x1c] =	wrdreg s31  }
0x25: {  	s21 =	simm.s32 $0x1;
	s22 =	simm.s32 $0x5;
	s23 =	simm.s32 $0x4  }
0x26: {  	v0 =	vimm.f32 $0.0e+00;
	s24 =	simm.s32 $0x2;
	s25 =	simm.s32 $0x180;
	s26 =	simm.s32 $0x6  }
.LBB2_19:
0x27: {  	_ =	swait.ge [sflag:s26], $0x1000;
	s0 =	stileid.u32  }
0x28: {  	s1 =	sshrl.u32 s10, $0x3;
	s28 =	sadd.s32 $0x1, s28;
	[sflag:s26] =	ssyncset.done $0x0  }
0x29: {  	s0 =	sshll.u32 s0, $0x6;
	p1 =	sne.s32 s28, s12;
	[sflag:s26] =	ssyncadd.s32 $0xFFFFF000  }
.Ltmp1:
0x2a: {  	s0 =	sor.u32 $0x1C07, s0;
	[bflag:$0x0] =	sbarrier.arrive $0xFFFF;
	(pc) =	sbr.rel @!p1 .LBB2_20-.Ltmp1, $4  }
0x2b: {  	[hbm:s11], [sflag:s0] =	dma.local [spmem:s1], $0x30E0  }
0x2c: {  	_ =	swait.ge [sflag:s14], $0x30E0  }
0x2d: {  	[sflag:s14] =	ssyncset.done $0x0  }
0x2e: {  	[sflag:s14] =	ssyncadd.s32 $0xFFFFCF20  }
.LBB2_1:
0x2f: {  	s0 =	rddreg [dreg:$0x3]  }
0x30: {  	[tilespmem:s3], [sflag:$0x7] =	stream.linear.gather [hbm4b:s0+s3], $0x100, $0x38;
	[tilespmem:$0x1E900] =	vst v63  }
0x31: {  	_ =	swait.ge [sflag:s14], $0x100  }
0x32: {  	[sflag:s14] =	ssyncset.done $0x0  }
0x33: {  	s1 =	simm.s32 $0x2200;
	s31 =	rddreg [dreg:$0x4];
	[sflag:s14] =	ssyncadd.s32 $0xFFFFFF00  }
0x34: {  	[tilespmem:s1], [sflag:$0x3] =	stream.linear.gather [hbm4b:s31+s3], $0x2000, $0x38;
	[tilespmem:$0x1E900] =	vst v63  }
0x35: {  	s0 =	simm.s32 $0x80;
	s1 =	simm.s32 $0x0  }
0x36: {  	[tilespmem:s16], [sflag:$0x1] =	stream.indirect.gather [hbm4b:s4+s15], $0x20, s3, s15, $0xb8;
	[tilespmem:$0x1E900] =	vst v63  }
.LBB2_2:
0x37: {  	p1 =	sne.s32 s0, $0x3F80;
	[tilespmem:s1+$0x1200] =	vst v0;
	s8 =	smov.u32 s0;
	s0 =	sadd.s32 $0x80, s0  }
.Ltmp2:
0x38: {  	[tilespmem:s1+$0x1210] =	vst v0;
	(pc) =	sbr.rel @p1 .LBB2_2-.Ltmp2, $2  }
0x39: {  	_ =	sdelay $0x2  }
0x3a: {  	s1 =	sshra.s32 s8, $0x2  }
0x3b: {  	[tilespmem:s1+$0x1200] =	vst v0  }
0x3c: {  	[tilespmem:s1+$0x1210] =	vst v0  }
0x3d: {  	[spmem:s10] =	stream.linear.scatter [tilespmem:s17], [sflag:$0x7], $0x1000, $0x38;
	[tilespmem:$0x1E900] =	vst v63  }
0x3e: {  	_ =	swait.ge [sflag:s14], $0x1000  }
0x3f: {  	[sflag:s14] =	ssyncset.done $0x0  }
0x40: {  	s0 =	rddreg [dreg:$0x5];
	[sflag:s14] =	ssyncadd.s32 $0xFFFFF000  }
0x41: {  	[spmem:s0] =	stream.linear.scatter [tilespmem:s17], [sflag:$0x7], $0x1000, $0x38;
	[tilespmem:$0x1E900] =	vst v63  }
0x42: {  	_ =	swait.ge [sflag:s14], $0x1000  }
0x43: {  	[sflag:s14] =	ssyncset.done $0x0  }
0x44: {  	s8 =	rddreg [dreg:$0x6];
	[sflag:s14] =	ssyncadd.s32 $0xFFFFF000  }
0x45: {  	[spmem:s8] =	stream.linear.scatter [tilespmem:s17], [sflag:$0x7], $0x1000, $0x38;
	[tilespmem:$0x1E900] =	vst v63  }
0x46: {  	_ =	swait.ge [sflag:s14], $0x1000  }
0x47: {  	[sflag:s14] =	ssyncset.done $0x0  }
0x48: {  	s9 =	rddreg [dreg:$0x7];
	[sflag:s14] =	ssyncadd.s32 $0xFFFFF000  }
0x49: {  	[spmem:s9] =	stream.linear.scatter [tilespmem:s17], [sflag:$0x7], $0x1000, $0x38;
	[tilespmem:$0x1E900] =	vst v63  }
0x4a: {  	_ =	swait.ge [sflag:s14], $0x1000  }
0x4b: {  	[sflag:s14] =	ssyncset.done $0x0  }
0x4c: {  	s31 =	rddreg [dreg:$0x8];
	[sflag:s14] =	ssyncadd.s32 $0xFFFFF000  }
0x4d: {  	[spmem:s31] =	stream.linear.scatter [tilespmem:s17], [sflag:$0x7], $0x1000, $0x38;
	[tilespmem:$0x1E900] =	vst v63  }
0x4e: {  	_ =	swait.ge [sflag:s14], $0x1000  }
0x4f: {  	[sflag:s14] =	ssyncset.done $0x0  }
0x50: {  	s1 =	rddreg [dreg:$0x9];
	[sflag:s14] =	ssyncadd.s32 $0xFFFFF000  }
0x51: {  	[spmem:s1] =	stream.linear.scatter [tilespmem:s17], [sflag:$0x7], $0x1000, $0x38;
	[tilespmem:$0x1E900] =	vst v63  }
0x52: {  	_ =	swait.ge [sflag:s14], $0x1000  }
0x53: {  	[sflag:s14] =	ssyncset.done $0x0  }
0x54: {  	s8 =	rddreg [dreg:$0xa];
	[sflag:s14] =	ssyncadd.s32 $0xFFFFF000  }
0x55: {  	[spmem:s8] =	stream.linear.scatter [tilespmem:s17], [sflag:$0x7], $0x1000, $0x38;
	[tilespmem:$0x1E900] =	vst v63  }
0x56: {  	_ =	swait.ge [sflag:s14], $0x1000  }
0x57: {  	[sflag:s14] =	ssyncset.done $0x0  }
0x58: {  	s9 =	rddreg [dreg:$0xb];
	[sflag:s14] =	ssyncadd.s32 $0xFFFFF000  }
0x59: {  	[spmem:s9] =	stream.linear.scatter [tilespmem:s17], [sflag:$0x7], $0x1000, $0x38;
	[tilespmem:$0x1E900] =	vst v63  }
0x5a: {  	_ =	swait.ge [sflag:s14], $0x1000  }
0x5b: {  	[sflag:s14] =	ssyncset.done $0x0  }
0x5c: {  	s31 =	rddreg [dreg:$0xc];
	[sflag:s14] =	ssyncadd.s32 $0xFFFFF000  }
0x5d: {  	[spmem:s31] =	stream.linear.scatter [tilespmem:s17], [sflag:$0x7], $0x1000, $0x38;
	[tilespmem:$0x1E900] =	vst v63  }
0x5e: {  	_ =	swait.ge [sflag:s14], $0x1000  }
0x5f: {  	[sflag:s14] =	ssyncset.done $0x0  }
0x60: {  	s1 =	rddreg [dreg:$0xd];
	[sflag:s14] =	ssyncadd.s32 $0xFFFFF000  }
0x61: {  	[spmem:s1] =	stream.linear.scatter [tilespmem:s17], [sflag:$0x7], $0x1000, $0x38;
	[tilespmem:$0x1E900] =	vst v63  }
0x62: {  	_ =	swait.ge [sflag:s14], $0x1000  }
0x63: {  	[sflag:s14] =	ssyncset.done $0x0  }
0x64: {  	s8 =	rddreg [dreg:$0xe];
	[sflag:s14] =	ssyncadd.s32 $0xFFFFF000  }
0x65: {  	[spmem:s8] =	stream.linear.scatter [tilespmem:s17], [sflag:$0x7], $0x1000, $0x38;
	[tilespmem:$0x1E900] =	vst v63  }
0x66: {  	_ =	swait.ge [sflag:s14], $0x1000  }
0x67: {  	[sflag:s14] =	ssyncset.done $0x0  }
0x68: {  	s9 =	rddreg [dreg:$0xf];
	[sflag:s14] =	ssyncadd.s32 $0xFFFFF000  }
0x69: {  	[spmem:s9] =	stream.linear.scatter [tilespmem:s17], [sflag:$0x7], $0x1000, $0x38;
	[tilespmem:$0x1E900] =	vst v63  }
0x6a: {  	_ =	swait.ge [sflag:s14], $0x1000  }
0x6b: {  	[sflag:s14] =	ssyncset.done $0x0  }
0x6c: {  	s31 =	rddreg [dreg:$0x10];
	[sflag:s14] =	ssyncadd.s32 $0xFFFFF000  }
0x6d: {  	[spmem:s31] =	stream.linear.scatter [tilespmem:s17], [sflag:$0x7], $0x1000, $0x38;
	[tilespmem:$0x1E900] =	vst v63  }
0x6e: {  	_ =	swait.ge [sflag:s14], $0x1000  }
0x6f: {  	[sflag:s14] =	ssyncset.done $0x0  }
0x70: {  	s1 =	rddreg [dreg:$0x11];
	[sflag:s14] =	ssyncadd.s32 $0xFFFFF000  }
0x71: {  	[spmem:s1] =	stream.linear.scatter [tilespmem:s17], [sflag:$0x7], $0x1000, $0x38;
	[tilespmem:$0x1E900] =	vst v63  }
0x72: {  	_ =	swait.ge [sflag:s14], $0x1000  }
0x73: {  	[sflag:s14] =	ssyncset.done $0x0  }
0x74: {  	s8 =	rddreg [dreg:$0x12];
	[sflag:s14] =	ssyncadd.s32 $0xFFFFF000  }
0x75: {  	[spmem:s8] =	stream.linear.scatter [tilespmem:s17], [sflag:$0x7], $0x1000, $0x38;
	[tilespmem:$0x1E900] =	vst v63  }
0x76: {  	_ =	swait.ge [sflag:s14], $0x1000  }
0x77: {  	[sflag:s14] =	ssyncset.done $0x0  }
0x78: {  	s9 =	rddreg [dreg:$0x13];
	[sflag:s14] =	ssyncadd.s32 $0xFFFFF000  }
0x79: {  	[spmem:s9] =	stream.linear.scatter [tilespmem:s17], [sflag:$0x7], $0x1000, $0x38;
	[tilespmem:$0x1E900] =	vst v63  }
0x7a: {  	_ =	swait.ge [sflag:s14], $0x1000  }
0x7b: {  	[sflag:s14] =	ssyncset.done $0x0  }
0x7c: {  	s31 =	rddreg [dreg:$0x14];
	[sflag:s14] =	ssyncadd.s32 $0xFFFFF000  }
0x7d: {  	[spmem:s31] =	stream.linear.scatter [tilespmem:s17], [sflag:$0x7], $0x1000, $0x38;
	[tilespmem:$0x1E900] =	vst v63  }
0x7e: {  	_ =	swait.ge [sflag:s14], $0x1000  }
0x7f: {  	[sflag:s14] =	ssyncset.done $0x0  }
0x80: {  	s1 =	rddreg [dreg:$0x15];
	[sflag:s14] =	ssyncadd.s32 $0xFFFFF000  }
0x81: {  	[spmem:s1] =	stream.linear.scatter [tilespmem:s17], [sflag:$0x7], $0x1000, $0x38;
	[tilespmem:$0x1E900] =	vst v63  }
0x82: {  	_ =	swait.ge [sflag:s14], $0x1000  }
0x83: {  	[sflag:s14] =	ssyncset.done $0x0  }
0x84: {  	s8 =	rddreg [dreg:$0x16];
	[sflag:s14] =	ssyncadd.s32 $0xFFFFF000  }
0x85: {  	[spmem:s8] =	stream.linear.scatter [tilespmem:s17], [sflag:$0x7], $0x1000, $0x38;
	[tilespmem:$0x1E900] =	vst v63  }
0x86: {  	_ =	swait.ge [sflag:s14], $0x1000  }
0x87: {  	[sflag:s14] =	ssyncset.done $0x0  }
0x88: {  	s9 =	rddreg [dreg:$0x17];
	[sflag:s14] =	ssyncadd.s32 $0xFFFFF000  }
0x89: {  	[spmem:s9] =	stream.linear.scatter [tilespmem:s17], [sflag:$0x7], $0x1000, $0x38;
	[tilespmem:$0x1E900] =	vst v63  }
0x8a: {  	_ =	swait.ge [sflag:s14], $0x1000  }
0x8b: {  	[sflag:s14] =	ssyncset.done $0x0  }
0x8c: {  	s31 =	rddreg [dreg:$0x18];
	[sflag:s14] =	ssyncadd.s32 $0xFFFFF000  }
0x8d: {  	[spmem:s31] =	stream.linear.scatter [tilespmem:s17], [sflag:$0x7], $0x1000, $0x38;
	[tilespmem:$0x1E900] =	vst v63  }
0x8e: {  	_ =	swait.ge [sflag:s14], $0x1000  }
0x8f: {  	[sflag:s14] =	ssyncset.done $0x0  }
0x90: {  	s1 =	rddreg [dreg:$0x19];
	[sflag:s14] =	ssyncadd.s32 $0xFFFFF000  }
0x91: {  	[spmem:s1] =	stream.linear.scatter [tilespmem:s17], [sflag:$0x7], $0x1000, $0x38;
	[tilespmem:$0x1E900] =	vst v63  }
0x92: {  	_ =	swait.ge [sflag:s14], $0x1000  }
0x93: {  	[sflag:s14] =	ssyncset.done $0x0  }
0x94: {  	s8 =	rddreg [dreg:$0x1a];
	[sflag:s14] =	ssyncadd.s32 $0xFFFFF000  }
0x95: {  	[spmem:s8] =	stream.linear.scatter [tilespmem:s17], [sflag:$0x7], $0x1000, $0x38;
	[tilespmem:$0x1E900] =	vst v63  }
0x96: {  	_ =	swait.ge [sflag:s14], $0x1000  }
0x97: {  	[sflag:s14] =	ssyncset.done $0x0  }
0x98: {  	s9 =	rddreg [dreg:$0x1b];
	[sflag:s14] =	ssyncadd.s32 $0xFFFFF000  }
0x99: {  	[spmem:s9] =	stream.linear.scatter [tilespmem:s17], [sflag:$0x7], $0x1000, $0x38;
	[tilespmem:$0x1E900] =	vst v63  }
0x9a: {  	_ =	swait.ge [sflag:s14], $0x1000  }
0x9b: {  	[sflag:s14] =	ssyncset.done $0x0  }
0x9c: {  	s31 =	rddreg [dreg:$0x1c];
	[sflag:s14] =	ssyncadd.s32 $0xFFFFF000  }
0x9d: {  	[spmem:s31] =	stream.linear.scatter [tilespmem:s17], [sflag:$0x7], $0x700, $0x38;
	[tilespmem:$0x1E900] =	vst v63  }
.Ltmp3:
0x9e: {  	_ =	swait.ge [sflag:s14], $0x700;
	(pc) =	sbr.rel .LBB2_4-.Ltmp3, $4  }
0x9f: {  	[sflag:s14] =	ssyncset.done $0x0  }
0xa0: {  	[sflag:s14] =	ssyncadd.s32 $0xFFFFF900  }
0xa1: {  	[bflag:$0x0] =	sbarrier.arrive $0xFFFF  }
0xa2: {  	s30 =	simm.s32 $0x0  }
.LBB2_17:
0xa3: {  	v2 =	vld [tilespmem:s8+$0x4220];
	_ =	sdelay $0x4  }
0xa4: {  	v1 =	vmul.f32 v2, v1;
	_ =	sdelay $0x1  }
0xa5: {  	[tilespmem:s0+$0xFFFFFFE0] =	vst v1;
	v1 =	vld [tilespmem:s0+$0xFFFFFFF0]  }
0xa6: {  	v2 =	vld [tilespmem:s8+$0x4230];
	_ =	sdelay $0x4  }
0xa7: {  	v1 =	vmul.f32 v2, v1;
	_ =	sdelay $0x1  }
0xa8: {  	[tilespmem:s0+$0xFFFFFFF0] =	vst v1;
	v1 =	vld [tilespmem:s0+$0x0]  }
0xa9: {  	v2 =	vld [tilespmem:s8+$0x4260];
	_ =	sdelay $0x4  }
0xaa: {  	v1 =	vmul.f32 v2, v1;
	_ =	sdelay $0x1  }
0xab: {  	[tilespmem:s0+$0x0] =	vst v1;
	v1 =	vld [tilespmem:s0+$0x10]  }
0xac: {  	v2 =	vld [tilespmem:s8+$0x4270];
	_ =	sdelay $0x4  }
0xad: {  	v1 =	vmul.f32 v2, v1;
	_ =	sdelay $0x1  }
0xae: {  	[tilespmem:s1+$0x10] =	vst v1  }
.LBB2_18:
0xaf: {  	s30 =	sadd.s32 $0x1, s30  }
0xb0: {  	p1 =	sne.s32 s30, $0xC8  }
.Ltmp4:
0xb1: {  	_ = 	snop;
	(pc) =	sbr.rel @!p1 .LBB2_19-.Ltmp4, $2  }
0xb2: {  	_ =	sdelay $0x2  }
0xb3: {  	[spmem:s2] =	stream.indirect.scatter.add.f32 [tilespmem:s17], [sflag:$0x6], $0x20, s25, s15, $0xb8;
	[tilespmem:$0x1E900] =	vst v63  }
.LBB2_4:
0xb4: {  	s31 =	sshll.u32 s30, $0x1;
	p1 =	seq.s32 s30, $0x0  }
0xb5: {  	s0 =	simm.s32 @!p1 $0x6;
	s1 =	sor.u32 $0x1, s31  }
0xb6: {  	_ =	swait.ge @!p1 [sflag:s0], $0x1000;
	s8 =	sadd.s32 s7, s1  }
0xb7: {  	[sflag:s0] =	ssyncset.done @!p1 $0x0;
	s8 =	sshll.u32 s8, $0x5  }
0xb8: {  	s9 =	sshll.u32 s1, $0xD;
	[sflag:s0] =	ssyncadd.s32 @!p1 $0xFFFFF000;
	s8 =	sadd.s32 s6, s8  }
0xb9: {  	[tilespmem:s18], [sflag:$0x7] =	stream.linear.gather [hbm4b:s8+s29], $0x100, $0x38;
	[tilespmem:$0x1E900] =	vst v63  }
0xba: {  	s0 =	sadd.s32 s13, s9;
	_ =	swait.ge [sflag:s14], $0x100  }
0xbb: {  	s0 =	sshrl.u32 s0, $0x3;
	[sflag:s14] =	ssyncset.done $0x0  }
0xbc: {  	s0 =	sadd.s32 s5, s0;
	[sflag:s14] =	ssyncadd.s32 $0xFFFFFF00  }
0xbd: {  	[tilespmem:s19], [sflag:$0x4] =	stream.linear.gather [hbm4b:s0+s29], $0x2000, $0x38;
	[tilespmem:$0x1E900] =	vst v63  }
0xbe: {  	_ = 	snop  }
0xbf: {  	[tilespmem:s17], [sflag:$0x2] =	stream.indirect.gather [hbm4b:s4+s15], $0x20, s18, s15, $0xb8;
	[tilespmem:$0x1E900] =	vst v63  }
0xc0: {  	_ =	swait.ge [sflag:s20], $0x2000  }
.Ltmp5:
0xc1: {  	[sflag:s20] =	ssyncset.done $0x0;
	(pc) =	sbr.rel @p0 .LBB2_8-.Ltmp5, $4  }
0xc2: {  	[sflag:s20] =	ssyncadd.s32 $0xFFFFE000  }
0xc3: {  	_ =	swait.ge [sflag:s21], $0x1000  }
0xc4: {  	[sflag:s21] =	ssyncset.done $0x0  }
0xc5: {  	s0 =	simm.s32 $0x220;
	[sflag:s21] =	ssyncadd.s32 $0xFFFFF000  }
0xc6: {  	v1 =	vld [tilespmem:s0+$0xFFFFFFE0];
	s8 =	simm.s32 $0x0;
	s9 =	simm.s32 $0x200;
	s1 =	simm.s32 $0x220  }
.LBB2_6:
0xc7: {  	p1 =	seq.s32 s9, $0x7E00;
	v2 =	vld [tilespmem:s8+$0x2200];
	_ =	sdelay $0x4  }
0xc8: {  	v1 =	vmul.f32 v2, v1;
	_ =	sdelay $0x1  }
0xc9: {  	[tilespmem:s0+$0xFFFFFFE0] =	vst v1;
	v1 =	vld [tilespmem:s0+$0xFFFFFFF0]  }
0xca: {  	v2 =	vld [tilespmem:s8+$0x2210];
	_ =	sdelay $0x4  }
0xcb: {  	v1 =	vmul.f32 v2, v1;
	_ =	sdelay $0x1  }
0xcc: {  	[tilespmem:s0+$0xFFFFFFF0] =	vst v1;
	v1 =	vld [tilespmem:s0+$0x0]  }
0xcd: {  	v2 =	vld [tilespmem:s8+$0x2240];
	_ =	sdelay $0x4  }
0xce: {  	v1 =	vmul.f32 v2, v1;
	_ =	sdelay $0x1  }
0xcf: {  	[tilespmem:s0+$0x0] =	vst v1;
	v1 =	vld [tilespmem:s0+$0x10]  }
0xd0: {  	v2 =	vld [tilespmem:s8+$0x2250];
	_ =	sdelay $0x2  }
.Ltmp6:
0xd1: {  	(pc) =	sbr.rel @!p1 .LBB2_6-.Ltmp6, $4  }
0xd2: {  	_ = 	snop  }
0xd3: {  	v2 =	vmul.f32 v2, v1  }
0xd4: {  	s0 =	sadd.s32 $0x40, s0  }
0xd5: {  	s8 =	sshra.s32 s9, $0x2;
	s9 =	sadd.s32 $0x200, s9;
	v1 =	vld [tilespmem:s0+$0xFFFFFFE0];
	[tilespmem:s1+$0x10] =	vst v2;
	s1 =	smov.u32 s0  }
0xd6: {  	v2 =	vld [tilespmem:s8+$0x2200];
	_ =	sdelay $0x4  }
0xd7: {  	v1 =	vmul.f32 v2, v1;
	_ =	sdelay $0x1  }
0xd8: {  	[tilespmem:s0+$0xFFFFFFE0] =	vst v1;
	v1 =	vld [tilespmem:s0+$0xFFFFFFF0]  }
0xd9: {  	v2 =	vld [tilespmem:s8+$0x2210];
	_ =	sdelay $0x4  }
0xda: {  	v1 =	vmul.f32 v2, v1;
	_ =	sdelay $0x1  }
0xdb: {  	[tilespmem:s0+$0xFFFFFFF0] =	vst v1;
	v1 =	vld [tilespmem:s0+$0x0]  }
0xdc: {  	v2 =	vld [tilespmem:s8+$0x2240];
	_ =	sdelay $0x4  }
0xdd: {  	v1 =	vmul.f32 v2, v1;
	_ =	sdelay $0x1  }
0xde: {  	[tilespmem:s0+$0x0] =	vst v1;
	v1 =	vld [tilespmem:s0+$0x10]  }
0xdf: {  	v2 =	vld [tilespmem:s8+$0x2250];
	_ =	sdelay $0x2  }
.Ltmp7:
0xe0: {  	_ = 	snop;
	(pc) =	sbr.rel .LBB2_11-.Ltmp7, $3  }
0xe1: {  	_ = 	snop  }
0xe2: {  	v1 =	vmul.f32 v2, v1;
	_ =	sdelay $0x1  }
0xe3: {  	[tilespmem:s1+$0x10] =	vst v1  }
.LBB2_8:
0xe4: {  	v1 =	vld [tilespmem:s0+$0xFFFFFFE0];
	s8 =	simm.s32 $0x0;
	s9 =	simm.s32 $0x200;
	s1 =	simm.s32 $0x220  }
.LBB2_9:
0xe5: {  	p1 =	sne.s32 s9, $0x7E00;
	v2 =	vld [tilespmem:s8+$0x2220];
	_ =	sdelay $0x4  }
0xe6: {  	v1 =	vmul.f32 v2, v1;
	_ =	sdelay $0x1  }
0xe7: {  	[tilespmem:s0+$0xFFFFFFE0] =	vst v1;
	v1 =	vld [tilespmem:s0+$0xFFFFFFF0]  }
0xe8: {  	v2 =	vld [tilespmem:s8+$0x2230];
	_ =	sdelay $0x4  }
0xe9: {  	v1 =	vmul.f32 v2, v1;
	_ =	sdelay $0x1  }
0xea: {  	[tilespmem:s0+$0xFFFFFFF0] =	vst v1;
	v1 =	vld [tilespmem:s0+$0x0]  }
0xeb: {  	v2 =	vld [tilespmem:s8+$0x2260];
	_ =	sdelay $0x4  }
0xec: {  	v1 =	vmul.f32 v2, v1;
	_ =	sdelay $0x1  }
0xed: {  	[tilespmem:s0+$0x0] =	vst v1;
	v1 =	vld [tilespmem:s0+$0x10]  }
0xee: {  	v2 =	vld [tilespmem:s8+$0x2270];
	_ =	sdelay $0x2  }
.Ltmp8:
0xef: {  	(pc) =	sbr.rel @p1 .LBB2_9-.Ltmp8, $4  }
0xf0: {  	_ = 	snop  }
0xf1: {  	v2 =	vmul.f32 v2, v1  }
0xf2: {  	s0 =	sadd.s32 $0x40, s0  }
0xf3: {  	s8 =	sshra.s32 s9, $0x2;
	s9 =	sadd.s32 $0x200, s9;
	v1 =	vld [tilespmem:s0+$0xFFFFFFE0];
	[tilespmem:s1+$0x10] =	vst v2;
	s1 =	smov.u32 s0  }
0xf4: {  	v2 =	vld [tilespmem:s8+$0x2220];
	_ =	sdelay $0x4  }
0xf5: {  	v1 =	vmul.f32 v2, v1;
	_ =	sdelay $0x1  }
0xf6: {  	[tilespmem:s0+$0xFFFFFFE0] =	vst v1;
	v1 =	vld [tilespmem:s0+$0xFFFFFFF0]  }
0xf7: {  	v2 =	vld [tilespmem:s8+$0x2230];
	_ =	sdelay $0x4  }
0xf8: {  	v1 =	vmul.f32 v2, v1;
	_ =	sdelay $0x1  }
0xf9: {  	[tilespmem:s0+$0xFFFFFFF0] =	vst v1;
	v1 =	vld [tilespmem:s0+$0x0]  }
0xfa: {  	v2 =	vld [tilespmem:s8+$0x2260];
	_ =	sdelay $0x4  }
0xfb: {  	v1 =	vmul.f32 v2, v1;
	_ =	sdelay $0x1  }
0xfc: {  	[tilespmem:s0+$0x0] =	vst v1;
	v1 =	vld [tilespmem:s0+$0x10]  }
0xfd: {  	v2 =	vld [tilespmem:s8+$0x2270];
	_ =	sdelay $0x4  }
0xfe: {  	v1 =	vmul.f32 v2, v1;
	_ =	sdelay $0x1  }
0xff: {  	[tilespmem:s1+$0x10] =	vst v1  }
.LBB2_11:
0x100: {  	[spmem:s2] =	stream.indirect.scatter.add.f32 [tilespmem:s16], [sflag:$0x5], $0x20, s15, s15, $0xb8;
	[tilespmem:$0x1E900] =	vst v63  }
0x101: {  	p1 =	seq.s32 s30, $0xC7  }
0x102: {  	s0 =	sadd.s32 @!p1 $0x2, s31  }
0x103: {  	_ =	swait.ge [sflag:s22], $0x1000;
	s1 =	sadd.s32 @!p1 s7, s0  }
0x104: {  	[sflag:s22] =	ssyncset.done $0x0;
	s1 =	sshll.u32 @!p1 s1, $0x5  }
0x105: {  	s8 =	simm.s32 @!p1 $0x0;
	[sflag:s22] =	ssyncadd.s32 $0xFFFFF000;
	s1 =	sadd.s32 @!p1 s6, s1  }
0x106: {  	[tilespmem:s8], [sflag:$0x7] =	stream.linear.gather @!p1 [hbm4b:s1+s8], $0x100, $0x38;
	[tilespmem:$0x1E900] =	vst v63  }
0x107: {  	s0 =	sshll.u32 @!p1 s0, $0xD;
	s1 =	simm.s32 @!p1 $0x7  }
0x108: {  	s0 =	sadd.s32 @!p1 s13, s0;
	_ =	swait.ge @!p1 [sflag:s1], $0x100  }
0x109: {  	s0 =	sshrl.u32 @!p1 s0, $0x3;
	[sflag:s1] =	ssyncset.done @!p1 $0x0  }
0x10a: {  	s0 =	sadd.s32 @!p1 s5, s0;
	[sflag:s1] =	ssyncadd.s32 @!p1 $0xFFFFFF00;
	s1 =	simm.s32 @!p1 $0x2200  }
0x10b: {  	[tilespmem:s1], [sflag:$0x3] =	stream.linear.gather @!p1 [hbm4b:s0+s8], $0x2000, $0x38;
	[tilespmem:$0x1E900] =	vst v63  }
0x10c: {  	s0 =	simm.s32 @!p1 $0x80;
	s1 =	simm.s32 @!p1 $0x200  }
0x10d: {  	[tilespmem:s1], [sflag:$0x1] =	stream.indirect.gather @!p1 [hbm4b:s4+s0], $0x20, s8, s0, $0xb8;
	[tilespmem:$0x1E900] =	vst v63  }
0x10e: {  	_ =	swait.ge [sflag:s23], $0x2000  }
.Ltmp9:
0x10f: {  	[sflag:s23] =	ssyncset.done $0x0;
	(pc) =	sbr.rel @p0 .LBB2_15-.Ltmp9, $4  }
0x110: {  	[sflag:s23] =	ssyncadd.s32 $0xFFFFE000  }
0x111: {  	_ =	swait.ge [sflag:s24], $0x1000  }
0x112: {  	[sflag:s24] =	ssyncset.done $0x0  }
0x113: {  	s0 =	simm.s32 $0x1220;
	[sflag:s24] =	ssyncadd.s32 $0xFFFFF000  }
0x114: {  	v1 =	vld [tilespmem:s0+$0xFFFFFFE0];
	s8 =	simm.s32 $0x0;
	s9 =	simm.s32 $0x200;
	s1 =	simm.s32 $0x1220  }
.LBB2_13:
0x115: {  	p1 =	seq.s32 s9, $0x7E00;
	v2 =	vld [tilespmem:s8+$0x4200];
	_ =	sdelay $0x4  }
0x116: {  	v1 =	vmul.f32 v2, v1;
	_ =	sdelay $0x1  }
0x117: {  	[tilespmem:s0+$0xFFFFFFE0] =	vst v1;
	v1 =	vld [tilespmem:s0+$0xFFFFFFF0]  }
0x118: {  	v2 =	vld [tilespmem:s8+$0x4210];
	_ =	sdelay $0x4  }
0x119: {  	v1 =	vmul.f32 v2, v1;
	_ =	sdelay $0x1  }
0x11a: {  	[tilespmem:s0+$0xFFFFFFF0] =	vst v1;
	v1 =	vld [tilespmem:s0+$0x0]  }
0x11b: {  	v2 =	vld [tilespmem:s8+$0x4240];
	_ =	sdelay $0x4  }
0x11c: {  	v1 =	vmul.f32 v2, v1;
	_ =	sdelay $0x1  }
0x11d: {  	[tilespmem:s0+$0x0] =	vst v1;
	v1 =	vld [tilespmem:s0+$0x10]  }
0x11e: {  	v2 =	vld [tilespmem:s8+$0x4250];
	_ =	sdelay $0x2  }
.Ltmp10:
0x11f: {  	(pc) =	sbr.rel @!p1 .LBB2_13-.Ltmp10, $4  }
0x120: {  	_ = 	snop  }
0x121: {  	v2 =	vmul.f32 v2, v1  }
0x122: {  	s0 =	sadd.s32 $0x40, s0  }
0x123: {  	s8 =	sshra.s32 s9, $0x2;
	s9 =	sadd.s32 $0x200, s9;
	v1 =	vld [tilespmem:s0+$0xFFFFFFE0];
	[tilespmem:s1+$0x10] =	vst v2;
	s1 =	smov.u32 s0  }
0x124: {  	v2 =	vld [tilespmem:s8+$0x4200];
	_ =	sdelay $0x4  }
0x125: {  	v1 =	vmul.f32 v2, v1;
	_ =	sdelay $0x1  }
0x126: {  	[tilespmem:s0+$0xFFFFFFE0] =	vst v1;
	v1 =	vld [tilespmem:s0+$0xFFFFFFF0]  }
0x127: {  	v2 =	vld [tilespmem:s8+$0x4210];
	_ =	sdelay $0x4  }
0x128: {  	v1 =	vmul.f32 v2, v1;
	_ =	sdelay $0x1  }
0x129: {  	[tilespmem:s0+$0xFFFFFFF0] =	vst v1;
	v1 =	vld [tilespmem:s0+$0x0]  }
0x12a: {  	v2 =	vld [tilespmem:s8+$0x4240];
	_ =	sdelay $0x4  }
0x12b: {  	v1 =	vmul.f32 v2, v1;
	_ =	sdelay $0x1  }
0x12c: {  	[tilespmem:s0+$0x0] =	vst v1;
	v1 =	vld [tilespmem:s0+$0x10]  }
0x12d: {  	v2 =	vld [tilespmem:s8+$0x4250];
	_ =	sdelay $0x2  }
.Ltmp11:
0x12e: {  	_ = 	snop;
	(pc) =	sbr.rel .LBB2_18-.Ltmp11, $3  }
0x12f: {  	_ = 	snop  }
0x130: {  	v1 =	vmul.f32 v2, v1;
	_ =	sdelay $0x1  }
0x131: {  	[tilespmem:s1+$0x10] =	vst v1  }
.LBB2_15:
0x132: {  	v1 =	vld [tilespmem:s0+$0xFFFFFFE0];
	s8 =	simm.s32 $0x0;
	s9 =	simm.s32 $0x200;
	s1 =	simm.s32 $0x1220  }
.LBB2_16:
0x133: {  	p1 =	sne.s32 s9, $0x7E00;
	v2 =	vld [tilespmem:s8+$0x4220];
	_ =	sdelay $0x4  }
0x134: {  	v1 =	vmul.f32 v2, v1;
	_ =	sdelay $0x1  }
0x135: {  	[tilespmem:s0+$0xFFFFFFE0] =	vst v1;
	v1 =	vld [tilespmem:s0+$0xFFFFFFF0]  }
0x136: {  	v2 =	vld [tilespmem:s8+$0x4230];
	_ =	sdelay $0x4  }
0x137: {  	v1 =	vmul.f32 v2, v1;
	_ =	sdelay $0x1  }
0x138: {  	[tilespmem:s0+$0xFFFFFFF0] =	vst v1;
	v1 =	vld [tilespmem:s0+$0x0]  }
0x139: {  	v2 =	vld [tilespmem:s8+$0x4260];
	_ =	sdelay $0x4  }
0x13a: {  	v1 =	vmul.f32 v2, v1;
	_ =	sdelay $0x1  }
0x13b: {  	[tilespmem:s0+$0x0] =	vst v1;
	v1 =	vld [tilespmem:s0+$0x10]  }
0x13c: {  	v2 =	vld [tilespmem:s8+$0x4270];
	_ =	sdelay $0x2  }
.Ltmp12:
0x13d: {  	(pc) =	sbr.rel @p1 .LBB2_16-.Ltmp12, $4  }
0x13e: {  	_ = 	snop  }
0x13f: {  	v2 =	vmul.f32 v2, v1  }
0x140: {  	s0 =	sadd.s32 $0x40, s0  }
0x141: {  	s8 =	sshra.s32 s9, $0x2;
	s9 =	sadd.s32 $0x200, s9;
	v1 =	vld [tilespmem:s0+$0xFFFFFFE0];
	[tilespmem:s1+$0x10] =	vst v2;
	s1 =	smov.u32 s0  }
.Ltmp13:
0x142: {  	_ = 	snop;
	(pc) =	sbr.rel .LBB2_17-.Ltmp13, $1  }
0x143: {  	_ =	sdelay $0x3  }
.LBB2_20:
0x144: {  	_ =	sfence.sel $0x180000  }
0x145: {  	[bflag:$0x0] =	sbarrier.arrive $0xFFFF  }
0x146: {  	_ =	strace $0x9000004D  }
0x147: {  	s0 =	stileid.u32;
	[bflag:$0x2] =	sbarrier.arrive $0xFFFF  }
0x148: {  	p0 =	sne.s32 s0, $0x0;
	s0 =	rddreg [dreg:$0x2]  }
0x149: {  	s0 =	sadd.s32 @!p0 $0x100000, s0  }
0x14a: {  	[sflag:s0] =	ssyncadd.tile.s32 @!p0 $0x1;
	_ =	shalt  }
.Lfunc_end2:
_tile_overlayer_lowered:
.L_overlay_start_2:
0x14b: {  	(tag) =	ssettag $0x2  }
0x14c: {  	s0 =	rddreg [dreg:$0x0];
	s2 =	stileid.u32  }
0x14d: {  	s1 =	rddreg [dreg:$0x1];
	p0 =	sne.s32 s2, $0x0  }
0x14e: {  	s3 =	rddreg [dreg:$0x2];
	[bflag:$0x3] =	sbarrier.arrive $0xFFFF;
	s2 =	simm.s32 @!p0 $0x1C07  }
0x14f: {  	[timem:s3], [sflag:s2] =	dma.local @!p0 [hbm:s0], s1  }
0x150: {  	s0 =	simm.s32 @!p0 $0x7  }
0x151: {  	_ =	swait.ge @!p0 [sflag:s0], s1  }
0x152: {  	s1 =	ssub.s32 @!p0 $0x0, s1;
	[sflag:s0] =	ssyncset.done @!p0 $0x0  }
0x153: {  	[sflag:s0] =	ssyncadd.s32 @!p0 s1  }
0x154: {  	[bflag:$0x3] =	sbarrier.arrive $0xFFFF  }
0x155: {  	_ =	shalt  }

</sc_bundles>
